<compile_context>
chip_gen: v7x
topology: tpu7x:2x2x1
jax: 0.10.2.dev20260603
libtpu: 0.0.44.dev20260713+nightly
codegen_flags: <defaults>
</compile_context>

<pallas_src>
import jax
import jax.numpy as jnp
from jax import lax
from jax.experimental import pallas as pl
from jax.experimental.pallas import tpu as pltpu
from jax.experimental.pallas import tpu_sc as plsc

B, D, H, W = 8, 256, 32, 32
C = 2 * D
NC, NS, L = 2, 16, 16
NW = NC * NS
WT, CT = W // 8, C // 128


def _sc_body(row_hbm, col_hbm, out_hbm, col_v, row_v, plane_v, sem):
    cid = lax.axis_index("c")
    sid = lax.axis_index("s")
    h = sid * NC + cid

    pltpu.sync_copy(col_hbm.at[pl.ds(0, W)], col_v)
    pltpu.sync_copy(row_hbm.at[h], row_v)

    seg = [[row_v[pl.ds(ct * 128 + 16 * k, L)] for k in range(8)] for ct in range(2)]

    copies = []
    for wt in range(WT):
        def build(wi, carry, wt=wt):
            for ct in range(2):
                for k in range(8):
                    plane_v[wt, ct, wi, pl.ds(16 * k, L)] = col_v[
                        8 * wt + wi, pl.ds(128 * ct + 16 * k, L)
                    ]
            for ct in range(2):
                for k in range(8):
                    plane_v[wt, 2 + ct, wi, pl.ds(16 * k, L)] = seg[ct][k]
            return carry

        lax.fori_loop(0, 8, build, 0)
        copies.extend(
            pltpu.async_copy(plane_v.at[wt], out_hbm.at[b, h, wt], sem)
            for b in range(B)
        )
    for cp in copies:
        cp.wait()


@jax.jit
def _pos_embed(row_embed, col_embed):
    mesh = plsc.VectorSubcoreMesh(core_axis_name="c", subcore_axis_name="s")
    out = pl.kernel(
        _sc_body,
        mesh=mesh,
        compiler_params=pltpu.CompilerParams(use_tc_tiling_on_sc=False),
        out_type=jax.ShapeDtypeStruct((B, H, WT, CT, 8, 128), jnp.float32),
        scratch_types=[
            pltpu.VMEM((W, D), jnp.float32),
            pltpu.VMEM((D,), jnp.float32),
            pltpu.VMEM((WT, CT, 8, 128), jnp.float32),
            pltpu.SemaphoreType.DMA,
        ],
    )(row_embed, col_embed)
    return out.transpose(0, 3, 5, 1, 2, 4).reshape(B, C, H, W)


def kernel(x, row_embed, col_embed):
    del x
    return _pos_embed(row_embed, col_embed)

# --- scband reference (transcript-rebuilt; emitter-appended) ---
"""Pipeline reference for scband-position-embedding-learned-13065290514962 (READ-ONLY COPY).

The authoritative reference and input builder live on the scoring server;
editing this copy changes nothing except your own understanding.
"""

import jax, jax.numpy as jnp
import numpy as np


def setup_inputs(seed: int = 0) -> dict:
    key = jax.random.key(seed)
    k1, k2, k3 = jax.random.split(key, 3)
    x = jax.random.normal(k1, (8, 768, 32, 32), dtype=jnp.float32)
    # learned tables, initialized uniform in [0,1) per reset_parameters
    row_embed = jax.random.uniform(k2, (50, 256), dtype=jnp.float32)
    col_embed = jax.random.uniform(k3, (50, 256), dtype=jnp.float32)
    return {"x": x, "row_embed": row_embed, "col_embed": col_embed}


def reference(x, row_embed, col_embed):
    b = x.shape[0]
    h, w = x.shape[-2], x.shape[-1]
    i = jnp.arange(w)
    j = jnp.arange(h)
    x_emb = jnp.take(col_embed, i, axis=0)  # [w, d]
    y_emb = jnp.take(row_embed, j, axis=0)  # [h, d]
    pos = jnp.concatenate([
        jnp.tile(x_emb[None, :, :], (h, 1, 1)),  # [h, w, d]
        jnp.tile(y_emb[:, None, :], (1, w, 1)),  # [h, w, d]
    ], axis=-1)  # [h, w, 2d]
    pos = jnp.transpose(pos, (2, 0, 1))[None]  # [1, 2d, h, w]
    pos = jnp.tile(pos, (b, 1, 1, 1))  # [b, 2d, h, w]
    return pos

if __name__ == "__main__":
    import jax
    _d = setup_inputs()
    print(jax.jit(kernel)(*tuple(_d.values())))

</pallas_src>

<mosaic_0001>
#map = affine_map<(d0, d1) -> (0, 0)>
#map1 = affine_map<(d0, d1) -> (0, 0, 0, 0, 0, 0)>
module attributes {stable_mosaic.version = 14 : i64} {
  func.func @_sc_body(%arg0: i32, %arg1: i32, %arg2: memref<50x256xf32, #tpu.memory_space<hbm>>, %arg3: memref<50x256xf32, #tpu.memory_space<hbm>>, %arg4: memref<8x32x4x4x8x128xf32, #tpu.memory_space<hbm>>, %arg5: memref<32x256xf32, #tpu.memory_space<vmem>>, %arg6: memref<256xf32, #tpu.memory_space<vmem>>, %arg7: memref<4x4x8x128xf32, #tpu.memory_space<vmem>>, %arg8: memref<!tpu.dma_semaphore, #tpu.memory_space<semaphore_mem>>) attributes {dimension_semantics = [#tpu.dimension_semantics<core_parallel>, #tpu.dimension_semantics<subcore_parallel>], iteration_bounds = array<i64: 2, 16>, scalar_prefetch = 0 : i64, scratch_operands = 4 : i64, tpu.core_type = #tpu.core_type<sc_vector_subcore>, window_params = [{transform_indices = #map}, {transform_indices = #map}, {transform_indices = #map1}]} {
    %mul3A = arith.constant 2 : i32
    %mul3A_0 = arith.muli %arg1, %mul3A : i32
    %add3A = arith.addi %mul3A_0, %arg0 : i32
    "tpu.region"() ({
      %run_scoped3A = tpu.sem_alloc : memref<!tpu.dma_semaphore, #tpu.memory_space<semaphore_mem>>
      %dma_start3A_1541 = arith.constant 0 : i32
      %dma_start3A_1542 = arith.constant 0 : i32
      %dma_start3A_1543 = tpu.memref_slice %arg3[%dma_start3A_1541, %dma_start3A_1542] : memref<50x256xf32, #tpu.memory_space<hbm>> -> memref<32x256xf32, #tpu.memory_space<hbm>>
      %dma_start3A_1544 = arith.constant 0 : i32
      %dma_start3A_1545 = arith.constant 0 : i32
      %dma_start3A_1546 = tpu.memref_slice %arg3[%dma_start3A_1544, %dma_start3A_1545] : memref<50x256xf32, #tpu.memory_space<hbm>> -> memref<32x256xf32, #tpu.memory_space<hbm>>
      tpu.enqueue_dma source(%dma_start3A_1546 : memref<32x256xf32, #tpu.memory_space<hbm>>) target(%arg5 : memref<32x256xf32, #tpu.memory_space<vmem>>) target_semaphore(%run_scoped3A : memref<!tpu.dma_semaphore, #tpu.memory_space<semaphore_mem>>)
      %dma_wait3A_1547 = arith.constant 0 : i32
      %dma_wait3A_1548 = arith.constant 0 : i32
      %dma_wait3A_1549 = tpu.memref_slice %arg3[%dma_wait3A_1547, %dma_wait3A_1548] : memref<50x256xf32, #tpu.memory_space<hbm>> -> memref<32x256xf32, #tpu.memory_space<hbm>>
      %dma_wait3A_1550 = arith.constant 0 : i32
      %dma_wait3A_1551 = arith.constant 0 : i32
      %dma_wait3A_1552 = tpu.memref_slice %arg3[%dma_wait3A_1550, %dma_wait3A_1551] : memref<50x256xf32, #tpu.memory_space<hbm>> -> memref<32x256xf32, #tpu.memory_space<hbm>>
      tpu.wait_dma2 semaphore(%run_scoped3A : memref<!tpu.dma_semaphore, #tpu.memory_space<semaphore_mem>>) src(%dma_wait3A_1552 : memref<32x256xf32, #tpu.memory_space<hbm>>) dst(%arg5 : memref<32x256xf32, #tpu.memory_space<vmem>>)
      tpu.yield
    }) : () -> ()
    "tpu.region"() ({
      %run_scoped3A = tpu.sem_alloc : memref<!tpu.dma_semaphore, #tpu.memory_space<semaphore_mem>>
      %dma_start3A_1541 = arith.constant 0 : i32
      %dma_start3A_1542 = tpu.memref_slice %arg2[%add3A, %dma_start3A_1541] : memref<50x256xf32, #tpu.memory_space<hbm>> -> memref<1x256xf32, #tpu.memory_space<hbm>>
      %dma_start3A_1543 = tpu.memref_squeeze %dma_start3A_1542 : memref<1x256xf32, #tpu.memory_space<hbm>> -> memref<256xf32, #tpu.memory_space<hbm>>
      %dma_start3A_1544 = arith.constant 0 : i32
      %dma_start3A_1545 = tpu.memref_slice %arg2[%add3A, %dma_start3A_1544] : memref<50x256xf32, #tpu.memory_space<hbm>> -> memref<1x256xf32, #tpu.memory_space<hbm>>
      %dma_start3A_1546 = tpu.memref_squeeze %dma_start3A_1545 : memref<1x256xf32, #tpu.memory_space<hbm>> -> memref<256xf32, #tpu.memory_space<hbm>>
      tpu.enqueue_dma source(%dma_start3A_1546 : memref<256xf32, #tpu.memory_space<hbm>>) target(%arg6 : memref<256xf32, #tpu.memory_space<vmem>>) target_semaphore(%run_scoped3A : memref<!tpu.dma_semaphore, #tpu.memory_space<semaphore_mem>>)
      %dma_wait3A_1547 = arith.constant 0 : i32
      %dma_wait3A_1548 = tpu.memref_slice %arg2[%add3A, %dma_wait3A_1547] : memref<50x256xf32, #tpu.memory_space<hbm>> -> memref<1x256xf32, #tpu.memory_space<hbm>>
      %dma_wait3A_1549 = tpu.memref_squeeze %dma_wait3A_1548 : memref<1x256xf32, #tpu.memory_space<hbm>> -> memref<256xf32, #tpu.memory_space<hbm>>
      %dma_wait3A_1550 = arith.constant 0 : i32
      %dma_wait3A_1551 = tpu.memref_slice %arg2[%add3A, %dma_wait3A_1550] : memref<50x256xf32, #tpu.memory_space<hbm>> -> memref<1x256xf32, #tpu.memory_space<hbm>>
      %dma_wait3A_1552 = tpu.memref_squeeze %dma_wait3A_1551 : memref<1x256xf32, #tpu.memory_space<hbm>> -> memref<256xf32, #tpu.memory_space<hbm>>
      tpu.wait_dma2 semaphore(%run_scoped3A : memref<!tpu.dma_semaphore, #tpu.memory_space<semaphore_mem>>) src(%dma_wait3A_1552 : memref<256xf32, #tpu.memory_space<hbm>>) dst(%arg6 : memref<256xf32, #tpu.memory_space<vmem>>)
      tpu.yield
    }) : () -> ()
    %get3A = arith.constant 0 : index
    %get3A_1 = tpu.vector_load %arg6[%get3A] {strides = array<i32>} : memref<256xf32, #tpu.memory_space<vmem>>, vector<16xf32>,
    %get3A_2 = vector.shape_cast %get3A_1 : vector<16xf32> to vector<16xf32>
    %get3A_3 = arith.constant 16 : index
    %get3A_4 = tpu.vector_load %arg6[%get3A_3] {strides = array<i32>} : memref<256xf32, #tpu.memory_space<vmem>>, vector<16xf32>,
    %get3A_5 = vector.shape_cast %get3A_4 : vector<16xf32> to vector<16xf32>
    %get3A_6 = arith.constant 32 : index
    %get3A_7 = tpu.vector_load %arg6[%get3A_6] {strides = array<i32>} : memref<256xf32, #tpu.memory_space<vmem>>, vector<16xf32>,
    %get3A_8 = vector.shape_cast %get3A_7 : vector<16xf32> to vector<16xf32>
    %get3A_9 = arith.constant 48 : index
    %get3A_10 = tpu.vector_load %arg6[%get3A_9] {strides = array<i32>} : memref<256xf32, #tpu.memory_space<vmem>>, vector<16xf32>,
    %get3A_11 = vector.shape_cast %get3A_10 : vector<16xf32> to vector<16xf32>
    %get3A_12 = arith.constant 64 : index
    %get3A_13 = tpu.vector_load %arg6[%get3A_12] {strides = array<i32>} : memref<256xf32, #tpu.memory_space<vmem>>, vector<16xf32>,
    %get3A_14 = vector.shape_cast %get3A_13 : vector<16xf32> to vector<16xf32>
    %get3A_15 = arith.constant 80 : index
    %get3A_16 = tpu.vector_load %arg6[%get3A_15] {strides = array<i32>} : memref<256xf32, #tpu.memory_space<vmem>>, vector<16xf32>,
    %get3A_17 = vector.shape_cast %get3A_16 : vector<16xf32> to vector<16xf32>
    %get3A_18 = arith.constant 96 : index
    %get3A_19 = tpu.vector_load %arg6[%get3A_18] {strides = array<i32>} : memref<256xf32, #tpu.memory_space<vmem>>, vector<16xf32>,
    %get3A_20 = vector.shape_cast %get3A_19 : vector<16xf32> to vector<16xf32>
    %get3A_21 = arith.constant 112 : index
    %get3A_22 = tpu.vector_load %arg6[%get3A_21] {strides = array<i32>} : memref<256xf32, #tpu.memory_space<vmem>>, vector<16xf32>,
    %get3A_23 = vector.shape_cast %get3A_22 : vector<16xf32> to vector<16xf32>
    %get3A_24 = arith.constant 128 : index
    %get3A_25 = tpu.vector_load %arg6[%get3A_24] {strides = array<i32>} : memref<256xf32, #tpu.memory_space<vmem>>, vector<16xf32>,
    %get3A_26 = vector.shape_cast %get3A_25 : vector<16xf32> to vector<16xf32>
    %get3A_27 = arith.constant 144 : index
    %get3A_28 = tpu.vector_load %arg6[%get3A_27] {strides = array<i32>} : memref<256xf32, #tpu.memory_space<vmem>>, vector<16xf32>,
    %get3A_29 = vector.shape_cast %get3A_28 : vector<16xf32> to vector<16xf32>
    %get3A_30 = arith.constant 160 : index
    %get3A_31 = tpu.vector_load %arg6[%get3A_30] {strides = array<i32>} : memref<256xf32, #tpu.memory_space<vmem>>, vector<16xf32>,
    %get3A_32 = vector.shape_cast %get3A_31 : vector<16xf32> to vector<16xf32>
    %get3A_33 = arith.constant 176 : index
    %get3A_34 = tpu.vector_load %arg6[%get3A_33] {strides = array<i32>} : memref<256xf32, #tpu.memory_space<vmem>>, vector<16xf32>,
    %get3A_35 = vector.shape_cast %get3A_34 : vector<16xf32> to vector<16xf32>
    %get3A_36 = arith.constant 192 : index
    %get3A_37 = tpu.vector_load %arg6[%get3A_36] {strides = array<i32>} : memref<256xf32, #tpu.memory_space<vmem>>, vector<16xf32>,
    %get3A_38 = vector.shape_cast %get3A_37 : vector<16xf32> to vector<16xf32>
    %get3A_39 = arith.constant 208 : index
    %get3A_40 = tpu.vector_load %arg6[%get3A_39] {strides = array<i32>} : memref<256xf32, #tpu.memory_space<vmem>>, vector<16xf32>,
    %get3A_41 = vector.shape_cast %get3A_40 : vector<16xf32> to vector<16xf32>
    %get3A_42 = arith.constant 224 : index
    %get3A_43 = tpu.vector_load %arg6[%get3A_42] {strides = array<i32>} : memref<256xf32, #tpu.memory_space<vmem>>, vector<16xf32>,
    %get3A_44 = vector.shape_cast %get3A_43 : vector<16xf32> to vector<16xf32>
    %get3A_45 = arith.constant 240 : index
    %get3A_46 = tpu.vector_load %arg6[%get3A_45] {strides = array<i32>} : memref<256xf32, #tpu.memory_space<vmem>>, vector<16xf32>,
    %get3A_47 = vector.shape_cast %get3A_46 : vector<16xf32> to vector<16xf32>
    %scan3A = arith.constant 0 : i32
    %scan3A_48 = arith.constant 0 : i32
    %scan3A_49 = arith.constant 8 : i32
    %scan3A_50 = arith.addi %scan3A_48, %scan3A_49 : i32
    %scan3A_51 = arith.constant 1 : i32
    scf.for %scan3A_1541 = %scan3A_48 to %scan3A_50 step %scan3A_51  : i32 {
      %add3A_1542 = arith.constant 0 : i32
      %add3A_1543 = arith.addi %add3A_1542, %scan3A_1541 : i32
      %get3A_1544 = arith.index_cast %add3A_1543 : i32 to index
      %get3A_1545 = arith.constant 0 : index
      %get3A_1546 = tpu.vector_load %arg5[%get3A_1544, %get3A_1545] {strides = array<i32>} : memref<32x256xf32, #tpu.memory_space<vmem>>, vector<1x16xf32>,
      %get3A_1547 = vector.shape_cast %get3A_1546 : vector<1x16xf32> to vector<16xf32>
      %swap3A = arith.constant 0 : i32
      %swap3A_1548 = arith.constant 0 : i32
      %swap3A_1549 = arith.index_cast %swap3A : i32 to index
      %swap3A_1550 = arith.index_cast %swap3A_1548 : i32 to index
      %swap3A_1551 = arith.index_cast %scan3A_1541 : i32 to index
      %swap3A_1552 = arith.constant 0 : index
      %swap3A_1553 = tpu.vector_load %arg7[%swap3A_1549, %swap3A_1550, %swap3A_1551, %swap3A_1552] {strides = array<i32>} : memref<4x4x8x128xf32, #tpu.memory_space<vmem>>, vector<1x1x1x16xf32>,
      %swap3A_1554 = vector.shape_cast %swap3A_1553 : vector<1x1x1x16xf32> to vector<16xf32>
      %swap3A_1555 = vector.shape_cast %get3A_1547 : vector<16xf32> to vector<1x1x1x16xf32>
      tpu.vector_store %arg7[%swap3A_1549, %swap3A_1550, %swap3A_1551, %swap3A_1552], %swap3A_1555 {strides = array<i32>} : memref<4x4x8x128xf32, #tpu.memory_space<vmem>>, vector<1x1x1x16xf32>,
      %add3A_1556 = arith.constant 0 : i32
      %add3A_1557 = arith.addi %add3A_1556, %scan3A_1541 : i32
      %get3A_1558 = arith.index_cast %add3A_1557 : i32 to index
      %get3A_1559 = arith.constant 16 : index
      %get3A_1560 = tpu.vector_load %arg5[%get3A_1558, %get3A_1559] {strides = array<i32>} : memref<32x256xf32, #tpu.memory_space<vmem>>, vector<1x16xf32>,
      %get3A_1561 = vector.shape_cast %get3A_1560 : vector<1x16xf32> to vector<16xf32>
      %swap3A_1562 = arith.constant 0 : i32
      %swap3A_1563 = arith.constant 0 : i32
      %swap3A_1564 = arith.index_cast %swap3A_1562 : i32 to index
      %swap3A_1565 = arith.index_cast %swap3A_1563 : i32 to index
      %swap3A_1566 = arith.index_cast %scan3A_1541 : i32 to index
      %swap3A_1567 = arith.constant 16 : index
      %swap3A_1568 = tpu.vector_load %arg7[%swap3A_1564, %swap3A_1565, %swap3A_1566, %swap3A_1567] {strides = array<i32>} : memref<4x4x8x128xf32, #tpu.memory_space<vmem>>, vector<1x1x1x16xf32>,
      %swap3A_1569 = vector.shape_cast %swap3A_1568 : vector<1x1x1x16xf32> to vector<16xf32>
      %swap3A_1570 = vector.shape_cast %get3A_1561 : vector<16xf32> to vector<1x1x1x16xf32>
      tpu.vector_store %arg7[%swap3A_1564, %swap3A_1565, %swap3A_1566, %swap3A_1567], %swap3A_1570 {strides = array<i32>} : memref<4x4x8x128xf32, #tpu.memory_space<vmem>>, vector<1x1x1x16xf32>,
      %add3A_1571 = arith.constant 0 : i32
      %add3A_1572 = arith.addi %add3A_1571, %scan3A_1541 : i32
      %get3A_1573 = arith.index_cast %add3A_1572 : i32 to index
      %get3A_1574 = arith.constant 32 : index
      %get3A_1575 = tpu.vector_load %arg5[%get3A_1573, %get3A_1574] {strides = array<i32>} : memref<32x256xf32, #tpu.memory_space<vmem>>, vector<1x16xf32>,
      %get3A_1576 = vector.shape_cast %get3A_1575 : vector<1x16xf32> to vector<16xf32>
      %swap3A_1577 = arith.constant 0 : i32
      %swap3A_1578 = arith.constant 0 : i32
      %swap3A_1579 = arith.index_cast %swap3A_1577 : i32 to index
      %swap3A_1580 = arith.index_cast %swap3A_1578 : i32 to index
      %swap3A_1581 = arith.index_cast %scan3A_1541 : i32 to index
      %swap3A_1582 = arith.constant 32 : index
      %swap3A_1583 = tpu.vector_load %arg7[%swap3A_1579, %swap3A_1580, %swap3A_1581, %swap3A_1582] {strides = array<i32>} : memref<4x4x8x128xf32, #tpu.memory_space<vmem>>, vector<1x1x1x16xf32>,
      %swap3A_1584 = vector.shape_cast %swap3A_1583 : vector<1x1x1x16xf32> to vector<16xf32>
      %swap3A_1585 = vector.shape_cast %get3A_1576 : vector<16xf32> to vector<1x1x1x16xf32>
      tpu.vector_store %arg7[%swap3A_1579, %swap3A_1580, %swap3A_1581, %swap3A_1582], %swap3A_1585 {strides = array<i32>} : memref<4x4x8x128xf32, #tpu.memory_space<vmem>>, vector<1x1x1x16xf32>,
      %add3A_1586 = arith.constant 0 : i32
      %add3A_1587 = arith.addi %add3A_1586, %scan3A_1541 : i32
      %get3A_1588 = arith.index_cast %add3A_1587 : i32 to index
      %get3A_1589 = arith.constant 48 : index
      %get3A_1590 = tpu.vector_load %arg5[%get3A_1588, %get3A_1589] {strides = array<i32>} : memref<32x256xf32, #tpu.memory_space<vmem>>, vector<1x16xf32>,
      %get3A_1591 = vector.shape_cast %get3A_1590 : vector<1x16xf32> to vector<16xf32>
      %swap3A_1592 = arith.constant 0 : i32
      %swap3A_1593 = arith.constant 0 : i32
      %swap3A_1594 = arith.index_cast %swap3A_1592 : i32 to index
      %swap3A_1595 = arith.index_cast %swap3A_1593 : i32 to index
      %swap3A_1596 = arith.index_cast %scan3A_1541 : i32 to index
      %swap3A_1597 = arith.constant 48 : index
      %swap3A_1598 = tpu.vector_load %arg7[%swap3A_1594, %swap3A_1595, %swap3A_1596, %swap3A_1597] {strides = array<i32>} : memref<4x4x8x128xf32, #tpu.memory_space<vmem>>, vector<1x1x1x16xf32>,
      %swap3A_1599 = vector.shape_cast %swap3A_1598 : vector<1x1x1x16xf32> to vector<16xf32>
      %swap3A_1600 = vector.shape_cast %get3A_1591 : vector<16xf32> to vector<1x1x1x16xf32>
      tpu.vector_store %arg7[%swap3A_1594, %swap3A_1595, %swap3A_1596, %swap3A_1597], %swap3A_1600 {strides = array<i32>} : memref<4x4x8x128xf32, #tpu.memory_space<vmem>>, vector<1x1x1x16xf32>,
      %add3A_1601 = arith.constant 0 : i32
      %add3A_1602 = arith.addi %add3A_1601, %scan3A_1541 : i32
      %get3A_1603 = arith.index_cast %add3A_1602 : i32 to index
      %get3A_1604 = arith.constant 64 : index
      %get3A_1605 = tpu.vector_load %arg5[%get3A_1603, %get3A_1604] {strides = array<i32>} : memref<32x256xf32, #tpu.memory_space<vmem>>, vector<1x16xf32>,
      %get3A_1606 = vector.shape_cast %get3A_1605 : vector<1x16xf32> to vector<16xf32>
      %swap3A_1607 = arith.constant 0 : i32
      %swap3A_1608 = arith.constant 0 : i32
      %swap3A_1609 = arith.index_cast %swap3A_1607 : i32 to index
      %swap3A_1610 = arith.index_cast %swap3A_1608 : i32 to index
      %swap3A_1611 = arith.index_cast %scan3A_1541 : i32 to index
      %swap3A_1612 = arith.constant 64 : index
      %swap3A_1613 = tpu.vector_load %arg7[%swap3A_1609, %swap3A_1610, %swap3A_1611, %swap3A_1612] {strides = array<i32>} : memref<4x4x8x128xf32, #tpu.memory_space<vmem>>, vector<1x1x1x16xf32>,
      %swap3A_1614 = vector.shape_cast %swap3A_1613 : vector<1x1x1x16xf32> to vector<16xf32>
      %swap3A_1615 = vector.shape_cast %get3A_1606 : vector<16xf32> to vector<1x1x1x16xf32>
      tpu.vector_store %arg7[%swap3A_1609, %swap3A_1610, %swap3A_1611, %swap3A_1612], %swap3A_1615 {strides = array<i32>} : memref<4x4x8x128xf32, #tpu.memory_space<vmem>>, vector<1x1x1x16xf32>,
      %add3A_1616 = arith.constant 0 : i32
      %add3A_1617 = arith.addi %add3A_1616, %scan3A_1541 : i32
      %get3A_1618 = arith.index_cast %add3A_1617 : i32 to index
      %get3A_1619 = arith.constant 80 : index
      %get3A_1620 = tpu.vector_load %arg5[%get3A_1618, %get3A_1619] {strides = array<i32>} : memref<32x256xf32, #tpu.memory_space<vmem>>, vector<1x16xf32>,
      %get3A_1621 = vector.shape_cast %get3A_1620 : vector<1x16xf32> to vector<16xf32>
      %swap3A_1622 = arith.constant 0 : i32
      %swap3A_1623 = arith.constant 0 : i32
      %swap3A_1624 = arith.index_cast %swap3A_1622 : i32 to index
      %swap3A_1625 = arith.index_cast %swap3A_1623 : i32 to index
      %swap3A_1626 = arith.index_cast %scan3A_1541 : i32 to index
      %swap3A_1627 = arith.constant 80 : index
      %swap3A_1628 = tpu.vector_load %arg7[%swap3A_1624, %swap3A_1625, %swap3A_1626, %swap3A_1627] {strides = array<i32>} : memref<4x4x8x128xf32, #tpu.memory_space<vmem>>, vector<1x1x1x16xf32>,
      %swap3A_1629 = vector.shape_cast %swap3A_1628 : vector<1x1x1x16xf32> to vector<16xf32>
      %swap3A_1630 = vector.shape_cast %get3A_1621 : vector<16xf32> to vector<1x1x1x16xf32>
      tpu.vector_store %arg7[%swap3A_1624, %swap3A_1625, %swap3A_1626, %swap3A_1627], %swap3A_1630 {strides = array<i32>} : memref<4x4x8x128xf32, #tpu.memory_space<vmem>>, vector<1x1x1x16xf32>,
      %add3A_1631 = arith.constant 0 : i32
      %add3A_1632 = arith.addi %add3A_1631, %scan3A_1541 : i32
      %get3A_1633 = arith.index_cast %add3A_1632 : i32 to index
      %get3A_1634 = arith.constant 96 : index
      %get3A_1635 = tpu.vector_load %arg5[%get3A_1633, %get3A_1634] {strides = array<i32>} : memref<32x256xf32, #tpu.memory_space<vmem>>, vector<1x16xf32>,
      %get3A_1636 = vector.shape_cast %get3A_1635 : vector<1x16xf32> to vector<16xf32>
      %swap3A_1637 = arith.constant 0 : i32
      %swap3A_1638 = arith.constant 0 : i32
      %swap3A_1639 = arith.index_cast %swap3A_1637 : i32 to index
      %swap3A_1640 = arith.index_cast %swap3A_1638 : i32 to index
      %swap3A_1641 = arith.index_cast %scan3A_1541 : i32 to index
      %swap3A_1642 = arith.constant 96 : index
      %swap3A_1643 = tpu.vector_load %arg7[%swap3A_1639, %swap3A_1640, %swap3A_1641, %swap3A_1642] {strides = array<i32>} : memref<4x4x8x128xf32, #tpu.memory_space<vmem>>, vector<1x1x1x16xf32>,
      %swap3A_1644 = vector.shape_cast %swap3A_1643 : vector<1x1x1x16xf32> to vector<16xf32>
      %swap3A_1645 = vector.shape_cast %get3A_1636 : vector<16xf32> to vector<1x1x1x16xf32>
      tpu.vector_store %arg7[%swap3A_1639, %swap3A_1640, %swap3A_1641, %swap3A_1642], %swap3A_1645 {strides = array<i32>} : memref<4x4x8x128xf32, #tpu.memory_space<vmem>>, vector<1x1x1x16xf32>,
      %add3A_1646 = arith.constant 0 : i32
      %add3A_1647 = arith.addi %add3A_1646, %scan3A_1541 : i32
      %get3A_1648 = arith.index_cast %add3A_1647 : i32 to index
      %get3A_1649 = arith.constant 112 : index
      %get3A_1650 = tpu.vector_load %arg5[%get3A_1648, %get3A_1649] {strides = array<i32>} : memref<32x256xf32, #tpu.memory_space<vmem>>, vector<1x16xf32>,
      %get3A_1651 = vector.shape_cast %get3A_1650 : vector<1x16xf32> to vector<16xf32>
      %swap3A_1652 = arith.constant 0 : i32
      %swap3A_1653 = arith.constant 0 : i32
      %swap3A_1654 = arith.index_cast %swap3A_1652 : i32 to index
      %swap3A_1655 = arith.index_cast %swap3A_1653 : i32 to index
      %swap3A_1656 = arith.index_cast %scan3A_1541 : i32 to index
      %swap3A_1657 = arith.constant 112 : index
      %swap3A_1658 = tpu.vector_load %arg7[%swap3A_1654, %swap3A_1655, %swap3A_1656, %swap3A_1657] {strides = array<i32>} : memref<4x4x8x128xf32, #tpu.memory_space<vmem>>, vector<1x1x1x16xf32>,
      %swap3A_1659 = vector.shape_cast %swap3A_1658 : vector<1x1x1x16xf32> to vector<16xf32>
      %swap3A_1660 = vector.shape_cast %get3A_1651 : vector<16xf32> to vector<1x1x1x16xf32>
      tpu.vector_store %arg7[%swap3A_1654, %swap3A_1655, %swap3A_1656, %swap3A_1657], %swap3A_1660 {strides = array<i32>} : memref<4x4x8x128xf32, #tpu.memory_space<vmem>>, vector<1x1x1x16xf32>,
      %add3A_1661 = arith.constant 0 : i32
      %add3A_1662 = arith.addi %add3A_1661, %scan3A_1541 : i32
      %get3A_1663 = arith.index_cast %add3A_1662 : i32 to index
      %get3A_1664 = arith.constant 128 : index
      %get3A_1665 = tpu.vector_load %arg5[%get3A_1663, %get3A_1664] {strides = array<i32>} : memref<32x256xf32, #tpu.memory_space<vmem>>, vector<1x16xf32>,
      %get3A_1666 = vector.shape_cast %get3A_1665 : vector<1x16xf32> to vector<16xf32>
      %swap3A_1667 = arith.constant 0 : i32
      %swap3A_1668 = arith.constant 1 : i32
      %swap3A_1669 = arith.index_cast %swap3A_1667 : i32 to index
      %swap3A_1670 = arith.index_cast %swap3A_1668 : i32 to index
      %swap3A_1671 = arith.index_cast %scan3A_1541 : i32 to index
      %swap3A_1672 = arith.constant 0 : index
      %swap3A_1673 = tpu.vector_load %arg7[%swap3A_1669, %swap3A_1670, %swap3A_1671, %swap3A_1672] {strides = array<i32>} : memref<4x4x8x128xf32, #tpu.memory_space<vmem>>, vector<1x1x1x16xf32>,
      %swap3A_1674 = vector.shape_cast %swap3A_1673 : vector<1x1x1x16xf32> to vector<16xf32>
      %swap3A_1675 = vector.shape_cast %get3A_1666 : vector<16xf32> to vector<1x1x1x16xf32>
      tpu.vector_store %arg7[%swap3A_1669, %swap3A_1670, %swap3A_1671, %swap3A_1672], %swap3A_1675 {strides = array<i32>} : memref<4x4x8x128xf32, #tpu.memory_space<vmem>>, vector<1x1x1x16xf32>,
      %add3A_1676 = arith.constant 0 : i32
      %add3A_1677 = arith.addi %add3A_1676, %scan3A_1541 : i32
      %get3A_1678 = arith.index_cast %add3A_1677 : i32 to index
      %get3A_1679 = arith.constant 144 : index
      %get3A_1680 = tpu.vector_load %arg5[%get3A_1678, %get3A_1679] {strides = array<i32>} : memref<32x256xf32, #tpu.memory_space<vmem>>, vector<1x16xf32>,
      %get3A_1681 = vector.shape_cast %get3A_1680 : vector<1x16xf32> to vector<16xf32>
      %swap3A_1682 = arith.constant 0 : i32
      %swap3A_1683 = arith.constant 1 : i32
      %swap3A_1684 = arith.index_cast %swap3A_1682 : i32 to index
      %swap3A_1685 = arith.index_cast %swap3A_1683 : i32 to index
      %swap3A_1686 = arith.index_cast %scan3A_1541 : i32 to index
      %swap3A_1687 = arith.constant 16 : index
      %swap3A_1688 = tpu.vector_load %arg7[%swap3A_1684, %swap3A_1685, %swap3A_1686, %swap3A_1687] {strides = array<i32>} : memref<4x4x8x128xf32, #tpu.memory_space<vmem>>, vector<1x1x1x16xf32>,
      %swap3A_1689 = vector.shape_cast %swap3A_1688 : vector<1x1x1x16xf32> to vector<16xf32>
      %swap3A_1690 = vector.shape_cast %get3A_1681 : vector<16xf32> to vector<1x1x1x16xf32>
      tpu.vector_store %arg7[%swap3A_1684, %swap3A_1685, %swap3A_1686, %swap3A_1687], %swap3A_1690 {strides = array<i32>} : memref<4x4x8x128xf32, #tpu.memory_space<vmem>>, vector<1x1x1x16xf32>,
      %add3A_1691 = arith.constant 0 : i32
      %add3A_1692 = arith.addi %add3A_1691, %scan3A_1541 : i32
      %get3A_1693 = arith.index_cast %add3A_1692 : i32 to index
      %get3A_1694 = arith.constant 160 : index
      %get3A_1695 = tpu.vector_load %arg5[%get3A_1693, %get3A_1694] {strides = array<i32>} : memref<32x256xf32, #tpu.memory_space<vmem>>, vector<1x16xf32>,
      %get3A_1696 = vector.shape_cast %get3A_1695 : vector<1x16xf32> to vector<16xf32>
      %swap3A_1697 = arith.constant 0 : i32
      %swap3A_1698 = arith.constant 1 : i32
      %swap3A_1699 = arith.index_cast %swap3A_1697 : i32 to index
      %swap3A_1700 = arith.index_cast %swap3A_1698 : i32 to index
      %swap3A_1701 = arith.index_cast %scan3A_1541 : i32 to index
      %swap3A_1702 = arith.constant 32 : index
      %swap3A_1703 = tpu.vector_load %arg7[%swap3A_1699, %swap3A_1700, %swap3A_1701, %swap3A_1702] {strides = array<i32>} : memref<4x4x8x128xf32, #tpu.memory_space<vmem>>, vector<1x1x1x16xf32>,
      %swap3A_1704 = vector.shape_cast %swap3A_1703 : vector<1x1x1x16xf32> to vector<16xf32>
      %swap3A_1705 = vector.shape_cast %get3A_1696 : vector<16xf32> to vector<1x1x1x16xf32>
      tpu.vector_store %arg7[%swap3A_1699, %swap3A_1700, %swap3A_1701, %swap3A_1702], %swap3A_1705 {strides = array<i32>} : memref<4x4x8x128xf32, #tpu.memory_space<vmem>>, vector<1x1x1x16xf32>,
      %add3A_1706 = arith.constant 0 : i32
      %add3A_1707 = arith.addi %add3A_1706, %scan3A_1541 : i32
      %get3A_1708 = arith.index_cast %add3A_1707 : i32 to index
      %get3A_1709 = arith.constant 176 : index
      %get3A_1710 = tpu.vector_load %arg5[%get3A_1708, %get3A_1709] {strides = array<i32>} : memref<32x256xf32, #tpu.memory_space<vmem>>, vector<1x16xf32>,
      %get3A_1711 = vector.shape_cast %get3A_1710 : vector<1x16xf32> to vector<16xf32>
      %swap3A_1712 = arith.constant 0 : i32
      %swap3A_1713 = arith.constant 1 : i32
      %swap3A_1714 = arith.index_cast %swap3A_1712 : i32 to index
      %swap3A_1715 = arith.index_cast %swap3A_1713 : i32 to index
      %swap3A_1716 = arith.index_cast %scan3A_1541 : i32 to index
      %swap3A_1717 = arith.constant 48 : index
      %swap3A_1718 = tpu.vector_load %arg7[%swap3A_1714, %swap3A_1715, %swap3A_1716, %swap3A_1717] {strides = array<i32>} : memref<4x4x8x128xf32, #tpu.memory_space<vmem>>, vector<1x1x1x16xf32>,
      %swap3A_1719 = vector.shape_cast %swap3A_1718 : vector<1x1x1x16xf32> to vector<16xf32>
      %swap3A_1720 = vector.shape_cast %get3A_1711 : vector<16xf32> to vector<1x1x1x16xf32>
      tpu.vector_store %arg7[%swap3A_1714, %swap3A_1715, %swap3A_1716, %swap3A_1717], %swap3A_1720 {strides = array<i32>} : memref<4x4x8x128xf32, #tpu.memory_space<vmem>>, vector<1x1x1x16xf32>,
      %add3A_1721 = arith.constant 0 : i32
      %add3A_1722 = arith.addi %add3A_1721, %scan3A_1541 : i32
      %get3A_1723 = arith.index_cast %add3A_1722 : i32 to index
      %get3A_1724 = arith.constant 192 : index
      %get3A_1725 = tpu.vector_load %arg5[%get3A_1723, %get3A_1724] {strides = array<i32>} : memref<32x256xf32, #tpu.memory_space<vmem>>, vector<1x16xf32>,
      %get3A_1726 = vector.shape_cast %get3A_1725 : vector<1x16xf32> to vector<16xf32>
      %swap3A_1727 = arith.constant 0 : i32
      %swap3A_1728 = arith.constant 1 : i32
      %swap3A_1729 = arith.index_cast %swap3A_1727 : i32 to index
      %swap3A_1730 = arith.index_cast %swap3A_1728 : i32 to index
      %swap3A_1731 = arith.index_cast %scan3A_1541 : i32 to index
      %swap3A_1732 = arith.constant 64 : index
      %swap3A_1733 = tpu.vector_load %arg7[%swap3A_1729, %swap3A_1730, %swap3A_1731, %swap3A_1732] {strides = array<i32>} : memref<4x4x8x128xf32, #tpu.memory_space<vmem>>, vector<1x1x1x16xf32>,
      %swap3A_1734 = vector.shape_cast %swap3A_1733 : vector<1x1x1x16xf32> to vector<16xf32>
      %swap3A_1735 = vector.shape_cast %get3A_1726 : vector<16xf32> to vector<1x1x1x16xf32>
      tpu.vector_store %arg7[%swap3A_1729, %swap3A_1730, %swap3A_1731, %swap3A_1732], %swap3A_1735 {strides = array<i32>} : memref<4x4x8x128xf32, #tpu.memory_space<vmem>>, vector<1x1x1x16xf32>,
      %add3A_1736 = arith.constant 0 : i32
      %add3A_1737 = arith.addi %add3A_1736, %scan3A_1541 : i32
      %get3A_1738 = arith.index_cast %add3A_1737 : i32 to index
      %get3A_1739 = arith.constant 208 : index
      %get3A_1740 = tpu.vector_load %arg5[%get3A_1738, %get3A_1739] {strides = array<i32>} : memref<32x256xf32, #tpu.memory_space<vmem>>, vector<1x16xf32>,
      %get3A_1741 = vector.shape_cast %get3A_1740 : vector<1x16xf32> to vector<16xf32>
      %swap3A_1742 = arith.constant 0 : i32
      %swap3A_1743 = arith.constant 1 : i32
      %swap3A_1744 = arith.index_cast %swap3A_1742 : i32 to index
      %swap3A_1745 = arith.index_cast %swap3A_1743 : i32 to index
      %swap3A_1746 = arith.index_cast %scan3A_1541 : i32 to index
      %swap3A_1747 = arith.constant 80 : index
      %swap3A_1748 = tpu.vector_load %arg7[%swap3A_1744, %swap3A_1745, %swap3A_1746, %swap3A_1747] {strides = array<i32>} : memref<4x4x8x128xf32, #tpu.memory_space<vmem>>, vector<1x1x1x16xf32>,
      %swap3A_1749 = vector.shape_cast %swap3A_1748 : vector<1x1x1x16xf32> to vector<16xf32>
      %swap3A_1750 = vector.shape_cast %get3A_1741 : vector<16xf32> to vector<1x1x1x16xf32>
      tpu.vector_store %arg7[%swap3A_1744, %swap3A_1745, %swap3A_1746, %swap3A_1747], %swap3A_1750 {strides = array<i32>} : memref<4x4x8x128xf32, #tpu.memory_space<vmem>>, vector<1x1x1x16xf32>,
      %add3A_1751 = arith.constant 0 : i32
      %add3A_1752 = arith.addi %add3A_1751, %scan3A_1541 : i32
      %get3A_1753 = arith.index_cast %add3A_1752 : i32 to index
      %get3A_1754 = arith.constant 224 : index
      %get3A_1755 = tpu.vector_load %arg5[%get3A_1753, %get3A_1754] {strides = array<i32>} : memref<32x256xf32, #tpu.memory_space<vmem>>, vector<1x16xf32>,
      %get3A_1756 = vector.shape_cast %get3A_1755 : vector<1x16xf32> to vector<16xf32>
      %swap3A_1757 = arith.constant 0 : i32
      %swap3A_1758 = arith.constant 1 : i32
      %swap3A_1759 = arith.index_cast %swap3A_1757 : i32 to index
      %swap3A_1760 = arith.index_cast %swap3A_1758 : i32 to index
      %swap3A_1761 = arith.index_cast %scan3A_1541 : i32 to index
      %swap3A_1762 = arith.constant 96 : index
      %swap3A_1763 = tpu.vector_load %arg7[%swap3A_1759, %swap3A_1760, %swap3A_1761, %swap3A_1762] {strides = array<i32>} : memref<4x4x8x128xf32, #tpu.memory_space<vmem>>, vector<1x1x1x16xf32>,
      %swap3A_1764 = vector.shape_cast %swap3A_1763 : vector<1x1x1x16xf32> to vector<16xf32>
      %swap3A_1765 = vector.shape_cast %get3A_1756 : vector<16xf32> to vector<1x1x1x16xf32>
      tpu.vector_store %arg7[%swap3A_1759, %swap3A_1760, %swap3A_1761, %swap3A_1762], %swap3A_1765 {strides = array<i32>} : memref<4x4x8x128xf32, #tpu.memory_space<vmem>>, vector<1x1x1x16xf32>,
      %add3A_1766 = arith.constant 0 : i32
      %add3A_1767 = arith.addi %add3A_1766, %scan3A_1541 : i32
      %get3A_1768 = arith.index_cast %add3A_1767 : i32 to index
      %get3A_1769 = arith.constant 240 : index
      %get3A_1770 = tpu.vector_load %arg5[%get3A_1768, %get3A_1769] {strides = array<i32>} : memref<32x256xf32, #tpu.memory_space<vmem>>, vector<1x16xf32>,
      %get3A_1771 = vector.shape_cast %get3A_1770 : vector<1x16xf32> to vector<16xf32>
      %swap3A_1772 = arith.constant 0 : i32
      %swap3A_1773 = arith.constant 1 : i32
      %swap3A_1774 = arith.index_cast %swap3A_1772 : i32 to index
      %swap3A_1775 = arith.index_cast %swap3A_1773 : i32 to index
      %swap3A_1776 = arith.index_cast %scan3A_1541 : i32 to index
      %swap3A_1777 = arith.constant 112 : index
      %swap3A_1778 = tpu.vector_load %arg7[%swap3A_1774, %swap3A_1775, %swap3A_1776, %swap3A_1777] {strides = array<i32>} : memref<4x4x8x128xf32, #tpu.memory_space<vmem>>, vector<1x1x1x16xf32>,
      %swap3A_1779 = vector.shape_cast %swap3A_1778 : vector<1x1x1x16xf32> to vector<16xf32>
      %swap3A_1780 = vector.shape_cast %get3A_1771 : vector<16xf32> to vector<1x1x1x16xf32>
      tpu.vector_store %arg7[%swap3A_1774, %swap3A_1775, %swap3A_1776, %swap3A_1777], %swap3A_1780 {strides = array<i32>} : memref<4x4x8x128xf32, #tpu.memory_space<vmem>>, vector<1x1x1x16xf32>,
      %swap3A_1781 = arith.constant 0 : i32
      %swap3A_1782 = arith.constant 2 : i32
      %swap3A_1783 = arith.index_cast %swap3A_1781 : i32 to index
      %swap3A_1784 = arith.index_cast %swap3A_1782 : i32 to index
      %swap3A_1785 = arith.index_cast %scan3A_1541 : i32 to index
      %swap3A_1786 = arith.constant 0 : index
      %swap3A_1787 = tpu.vector_load %arg7[%swap3A_1783, %swap3A_1784, %swap3A_1785, %swap3A_1786] {strides = array<i32>} : memref<4x4x8x128xf32, #tpu.memory_space<vmem>>, vector<1x1x1x16xf32>,
      %swap3A_1788 = vector.shape_cast %swap3A_1787 : vector<1x1x1x16xf32> to vector<16xf32>
      %swap3A_1789 = vector.shape_cast %get3A_2 : vector<16xf32> to vector<1x1x1x16xf32>
      tpu.vector_store %arg7[%swap3A_1783, %swap3A_1784, %swap3A_1785, %swap3A_1786], %swap3A_1789 {strides = array<i32>} : memref<4x4x8x128xf32, #tpu.memory_space<vmem>>, vector<1x1x1x16xf32>,
      %swap3A_1790 = arith.constant 0 : i32
      %swap3A_1791 = arith.constant 2 : i32
      %swap3A_1792 = arith.index_cast %swap3A_1790 : i32 to index
      %swap3A_1793 = arith.index_cast %swap3A_1791 : i32 to index
      %swap3A_1794 = arith.index_cast %scan3A_1541 : i32 to index
      %swap3A_1795 = arith.constant 16 : index
      %swap3A_1796 = tpu.vector_load %arg7[%swap3A_1792, %swap3A_1793, %swap3A_1794, %swap3A_1795] {strides = array<i32>} : memref<4x4x8x128xf32, #tpu.memory_space<vmem>>, vector<1x1x1x16xf32>,
      %swap3A_1797 = vector.shape_cast %swap3A_1796 : vector<1x1x1x16xf32> to vector<16xf32>
      %swap3A_1798 = vector.shape_cast %get3A_5 : vector<16xf32> to vector<1x1x1x16xf32>
      tpu.vector_store %arg7[%swap3A_1792, %swap3A_1793, %swap3A_1794, %swap3A_1795], %swap3A_1798 {strides = array<i32>} : memref<4x4x8x128xf32, #tpu.memory_space<vmem>>, vector<1x1x1x16xf32>,
      %swap3A_1799 = arith.constant 0 : i32
      %swap3A_1800 = arith.constant 2 : i32
      %swap3A_1801 = arith.index_cast %swap3A_1799 : i32 to index
      %swap3A_1802 = arith.index_cast %swap3A_1800 : i32 to index
      %swap3A_1803 = arith.index_cast %scan3A_1541 : i32 to index
      %swap3A_1804 = arith.constant 32 : index
      %swap3A_1805 = tpu.vector_load %arg7[%swap3A_1801, %swap3A_1802, %swap3A_1803, %swap3A_1804] {strides = array<i32>} : memref<4x4x8x128xf32, #tpu.memory_space<vmem>>, vector<1x1x1x16xf32>,
      %swap3A_1806 = vector.shape_cast %swap3A_1805 : vector<1x1x1x16xf32> to vector<16xf32>
      %swap3A_1807 = vector.shape_cast %get3A_8 : vector<16xf32> to vector<1x1x1x16xf32>
      tpu.vector_store %arg7[%swap3A_1801, %swap3A_1802, %swap3A_1803, %swap3A_1804], %swap3A_1807 {strides = array<i32>} : memref<4x4x8x128xf32, #tpu.memory_space<vmem>>, vector<1x1x1x16xf32>,
      %swap3A_1808 = arith.constant 0 : i32
      %swap3A_1809 = arith.constant 2 : i32
      %swap3A_1810 = arith.index_cast %swap3A_1808 : i32 to index
      %swap3A_1811 = arith.index_cast %swap3A_1809 : i32 to index
      %swap3A_1812 = arith.index_cast %scan3A_1541 : i32 to index
      %swap3A_1813 = arith.constant 48 : index
      %swap3A_1814 = tpu.vector_load %arg7[%swap3A_1810, %swap3A_1811, %swap3A_1812, %swap3A_1813] {strides = array<i32>} : memref<4x4x8x128xf32, #tpu.memory_space<vmem>>, vector<1x1x1x16xf32>,
      %swap3A_1815 = vector.shape_cast %swap3A_1814 : vector<1x1x1x16xf32> to vector<16xf32>
      %swap3A_1816 = vector.shape_cast %get3A_11 : vector<16xf32> to vector<1x1x1x16xf32>
      tpu.vector_store %arg7[%swap3A_1810, %swap3A_1811, %swap3A_1812, %swap3A_1813], %swap3A_1816 {strides = array<i32>} : memref<4x4x8x128xf32, #tpu.memory_space<vmem>>, vector<1x1x1x16xf32>,
      %swap3A_1817 = arith.constant 0 : i32
      %swap3A_1818 = arith.constant 2 : i32
      %swap3A_1819 = arith.index_cast %swap3A_1817 : i32 to index
      %swap3A_1820 = arith.index_cast %swap3A_1818 : i32 to index
      %swap3A_1821 = arith.index_cast %scan3A_1541 : i32 to index
      %swap3A_1822 = arith.constant 64 : index
      %swap3A_1823 = tpu.vector_load %arg7[%swap3A_1819, %swap3A_1820, %swap3A_1821, %swap3A_1822] {strides = array<i32>} : memref<4x4x8x128xf32, #tpu.memory_space<vmem>>, vector<1x1x1x16xf32>,
      %swap3A_1824 = vector.shape_cast %swap3A_1823 : vector<1x1x1x16xf32> to vector<16xf32>
      %swap3A_1825 = vector.shape_cast %get3A_14 : vector<16xf32> to vector<1x1x1x16xf32>
      tpu.vector_store %arg7[%swap3A_1819, %swap3A_1820, %swap3A_1821, %swap3A_1822], %swap3A_1825 {strides = array<i32>} : memref<4x4x8x128xf32, #tpu.memory_space<vmem>>, vector<1x1x1x16xf32>,
      %swap3A_1826 = arith.constant 0 : i32
      %swap3A_1827 = arith.constant 2 : i32
      %swap3A_1828 = arith.index_cast %swap3A_1826 : i32 to index
      %swap3A_1829 = arith.index_cast %swap3A_1827 : i32 to index
      %swap3A_1830 = arith.index_cast %scan3A_1541 : i32 to index
      %swap3A_1831 = arith.constant 80 : index
      %swap3A_1832 = tpu.vector_load %arg7[%swap3A_1828, %swap3A_1829, %swap3A_1830, %swap3A_1831] {strides = array<i32>} : memref<4x4x8x128xf32, #tpu.memory_space<vmem>>, vector<1x1x1x16xf32>,
      %swap3A_1833 = vector.shape_cast %swap3A_1832 : vector<1x1x1x16xf32> to vector<16xf32>
      %swap3A_1834 = vector.shape_cast %get3A_17 : vector<16xf32> to vector<1x1x1x16xf32>
      tpu.vector_store %arg7[%swap3A_1828, %swap3A_1829, %swap3A_1830, %swap3A_1831], %swap3A_1834 {strides = array<i32>} : memref<4x4x8x128xf32, #tpu.memory_space<vmem>>, vector<1x1x1x16xf32>,
      %swap3A_1835 = arith.constant 0 : i32
      %swap3A_1836 = arith.constant 2 : i32
      %swap3A_1837 = arith.index_cast %swap3A_1835 : i32 to index
      %swap3A_1838 = arith.index_cast %swap3A_1836 : i32 to index
      %swap3A_1839 = arith.index_cast %scan3A_1541 : i32 to index
      %swap3A_1840 = arith.constant 96 : index
      %swap3A_1841 = tpu.vector_load %arg7[%swap3A_1837, %swap3A_1838, %swap3A_1839, %swap3A_1840] {strides = array<i32>} : memref<4x4x8x128xf32, #tpu.memory_space<vmem>>, vector<1x1x1x16xf32>,
      %swap3A_1842 = vector.shape_cast %swap3A_1841 : vector<1x1x1x16xf32> to vector<16xf32>
      %swap3A_1843 = vector.shape_cast %get3A_20 : vector<16xf32> to vector<1x1x1x16xf32>
      tpu.vector_store %arg7[%swap3A_1837, %swap3A_1838, %swap3A_1839, %swap3A_1840], %swap3A_1843 {strides = array<i32>} : memref<4x4x8x128xf32, #tpu.memory_space<vmem>>, vector<1x1x1x16xf32>,
      %swap3A_1844 = arith.constant 0 : i32
      %swap3A_1845 = arith.constant 2 : i32
      %swap3A_1846 = arith.index_cast %swap3A_1844 : i32 to index
      %swap3A_1847 = arith.index_cast %swap3A_1845 : i32 to index
      %swap3A_1848 = arith.index_cast %scan3A_1541 : i32 to index
      %swap3A_1849 = arith.constant 112 : index
      %swap3A_1850 = tpu.vector_load %arg7[%swap3A_1846, %swap3A_1847, %swap3A_1848, %swap3A_1849] {strides = array<i32>} : memref<4x4x8x128xf32, #tpu.memory_space<vmem>>, vector<1x1x1x16xf32>,
      %swap3A_1851 = vector.shape_cast %swap3A_1850 : vector<1x1x1x16xf32> to vector<16xf32>
      %swap3A_1852 = vector.shape_cast %get3A_23 : vector<16xf32> to vector<1x1x1x16xf32>
      tpu.vector_store %arg7[%swap3A_1846, %swap3A_1847, %swap3A_1848, %swap3A_1849], %swap3A_1852 {strides = array<i32>} : memref<4x4x8x128xf32, #tpu.memory_space<vmem>>, vector<1x1x1x16xf32>,
      %swap3A_1853 = arith.constant 0 : i32
      %swap3A_1854 = arith.constant 3 : i32
      %swap3A_1855 = arith.index_cast %swap3A_1853 : i32 to index
      %swap3A_1856 = arith.index_cast %swap3A_1854 : i32 to index
      %swap3A_1857 = arith.index_cast %scan3A_1541 : i32 to index
      %swap3A_1858 = arith.constant 0 : index
      %swap3A_1859 = tpu.vector_load %arg7[%swap3A_1855, %swap3A_1856, %swap3A_1857, %swap3A_1858] {strides = array<i32>} : memref<4x4x8x128xf32, #tpu.memory_space<vmem>>, vector<1x1x1x16xf32>,
      %swap3A_1860 = vector.shape_cast %swap3A_1859 : vector<1x1x1x16xf32> to vector<16xf32>
      %swap3A_1861 = vector.shape_cast %get3A_26 : vector<16xf32> to vector<1x1x1x16xf32>
      tpu.vector_store %arg7[%swap3A_1855, %swap3A_1856, %swap3A_1857, %swap3A_1858], %swap3A_1861 {strides = array<i32>} : memref<4x4x8x128xf32, #tpu.memory_space<vmem>>, vector<1x1x1x16xf32>,
      %swap3A_1862 = arith.constant 0 : i32
      %swap3A_1863 = arith.constant 3 : i32
      %swap3A_1864 = arith.index_cast %swap3A_1862 : i32 to index
      %swap3A_1865 = arith.index_cast %swap3A_1863 : i32 to index
      %swap3A_1866 = arith.index_cast %scan3A_1541 : i32 to index
      %swap3A_1867 = arith.constant 16 : index
      %swap3A_1868 = tpu.vector_load %arg7[%swap3A_1864, %swap3A_1865, %swap3A_1866, %swap3A_1867] {strides = array<i32>} : memref<4x4x8x128xf32, #tpu.memory_space<vmem>>, vector<1x1x1x16xf32>,
      %swap3A_1869 = vector.shape_cast %swap3A_1868 : vector<1x1x1x16xf32> to vector<16xf32>
      %swap3A_1870 = vector.shape_cast %get3A_29 : vector<16xf32> to vector<1x1x1x16xf32>
      tpu.vector_store %arg7[%swap3A_1864, %swap3A_1865, %swap3A_1866, %swap3A_1867], %swap3A_1870 {strides = array<i32>} : memref<4x4x8x128xf32, #tpu.memory_space<vmem>>, vector<1x1x1x16xf32>,
      %swap3A_1871 = arith.constant 0 : i32
      %swap3A_1872 = arith.constant 3 : i32
      %swap3A_1873 = arith.index_cast %swap3A_1871 : i32 to index
      %swap3A_1874 = arith.index_cast %swap3A_1872 : i32 to index
      %swap3A_1875 = arith.index_cast %scan3A_1541 : i32 to index
      %swap3A_1876 = arith.constant 32 : index
      %swap3A_1877 = tpu.vector_load %arg7[%swap3A_1873, %swap3A_1874, %swap3A_1875, %swap3A_1876] {strides = array<i32>} : memref<4x4x8x128xf32, #tpu.memory_space<vmem>>, vector<1x1x1x16xf32>,
      %swap3A_1878 = vector.shape_cast %swap3A_1877 : vector<1x1x1x16xf32> to vector<16xf32>
      %swap3A_1879 = vector.shape_cast %get3A_32 : vector<16xf32> to vector<1x1x1x16xf32>
      tpu.vector_store %arg7[%swap3A_1873, %swap3A_1874, %swap3A_1875, %swap3A_1876], %swap3A_1879 {strides = array<i32>} : memref<4x4x8x128xf32, #tpu.memory_space<vmem>>, vector<1x1x1x16xf32>,
      %swap3A_1880 = arith.constant 0 : i32
      %swap3A_1881 = arith.constant 3 : i32
      %swap3A_1882 = arith.index_cast %swap3A_1880 : i32 to index
      %swap3A_1883 = arith.index_cast %swap3A_1881 : i32 to index
      %swap3A_1884 = arith.index_cast %scan3A_1541 : i32 to index
      %swap3A_1885 = arith.constant 48 : index
      %swap3A_1886 = tpu.vector_load %arg7[%swap3A_1882, %swap3A_1883, %swap3A_1884, %swap3A_1885] {strides = array<i32>} : memref<4x4x8x128xf32, #tpu.memory_space<vmem>>, vector<1x1x1x16xf32>,
      %swap3A_1887 = vector.shape_cast %swap3A_1886 : vector<1x1x1x16xf32> to vector<16xf32>
      %swap3A_1888 = vector.shape_cast %get3A_35 : vector<16xf32> to vector<1x1x1x16xf32>
      tpu.vector_store %arg7[%swap3A_1882, %swap3A_1883, %swap3A_1884, %swap3A_1885], %swap3A_1888 {strides = array<i32>} : memref<4x4x8x128xf32, #tpu.memory_space<vmem>>, vector<1x1x1x16xf32>,
      %swap3A_1889 = arith.constant 0 : i32
      %swap3A_1890 = arith.constant 3 : i32
      %swap3A_1891 = arith.index_cast %swap3A_1889 : i32 to index
      %swap3A_1892 = arith.index_cast %swap3A_1890 : i32 to index
      %swap3A_1893 = arith.index_cast %scan3A_1541 : i32 to index
      %swap3A_1894 = arith.constant 64 : index
      %swap3A_1895 = tpu.vector_load %arg7[%swap3A_1891, %swap3A_1892, %swap3A_1893, %swap3A_1894] {strides = array<i32>} : memref<4x4x8x128xf32, #tpu.memory_space<vmem>>, vector<1x1x1x16xf32>,
      %swap3A_1896 = vector.shape_cast %swap3A_1895 : vector<1x1x1x16xf32> to vector<16xf32>
      %swap3A_1897 = vector.shape_cast %get3A_38 : vector<16xf32> to vector<1x1x1x16xf32>
      tpu.vector_store %arg7[%swap3A_1891, %swap3A_1892, %swap3A_1893, %swap3A_1894], %swap3A_1897 {strides = array<i32>} : memref<4x4x8x128xf32, #tpu.memory_space<vmem>>, vector<1x1x1x16xf32>,
      %swap3A_1898 = arith.constant 0 : i32
      %swap3A_1899 = arith.constant 3 : i32
      %swap3A_1900 = arith.index_cast %swap3A_1898 : i32 to index
      %swap3A_1901 = arith.index_cast %swap3A_1899 : i32 to index
      %swap3A_1902 = arith.index_cast %scan3A_1541 : i32 to index
      %swap3A_1903 = arith.constant 80 : index
      %swap3A_1904 = tpu.vector_load %arg7[%swap3A_1900, %swap3A_1901, %swap3A_1902, %swap3A_1903] {strides = array<i32>} : memref<4x4x8x128xf32, #tpu.memory_space<vmem>>, vector<1x1x1x16xf32>,
      %swap3A_1905 = vector.shape_cast %swap3A_1904 : vector<1x1x1x16xf32> to vector<16xf32>
      %swap3A_1906 = vector.shape_cast %get3A_41 : vector<16xf32> to vector<1x1x1x16xf32>
      tpu.vector_store %arg7[%swap3A_1900, %swap3A_1901, %swap3A_1902, %swap3A_1903], %swap3A_1906 {strides = array<i32>} : memref<4x4x8x128xf32, #tpu.memory_space<vmem>>, vector<1x1x1x16xf32>,
      %swap3A_1907 = arith.constant 0 : i32
      %swap3A_1908 = arith.constant 3 : i32
      %swap3A_1909 = arith.index_cast %swap3A_1907 : i32 to index
      %swap3A_1910 = arith.index_cast %swap3A_1908 : i32 to index
      %swap3A_1911 = arith.index_cast %scan3A_1541 : i32 to index
      %swap3A_1912 = arith.constant 96 : index
      %swap3A_1913 = tpu.vector_load %arg7[%swap3A_1909, %swap3A_1910, %swap3A_1911, %swap3A_1912] {strides = array<i32>} : memref<4x4x8x128xf32, #tpu.memory_space<vmem>>, vector<1x1x1x16xf32>,
      %swap3A_1914 = vector.shape_cast %swap3A_1913 : vector<1x1x1x16xf32> to vector<16xf32>
      %swap3A_1915 = vector.shape_cast %get3A_44 : vector<16xf32> to vector<1x1x1x16xf32>
      tpu.vector_store %arg7[%swap3A_1909, %swap3A_1910, %swap3A_1911, %swap3A_1912], %swap3A_1915 {strides = array<i32>} : memref<4x4x8x128xf32, #tpu.memory_space<vmem>>, vector<1x1x1x16xf32>,
      %swap3A_1916 = arith.constant 0 : i32
      %swap3A_1917 = arith.constant 3 : i32
      %swap3A_1918 = arith.index_cast %swap3A_1916 : i32 to index
      %swap3A_1919 = arith.index_cast %swap3A_1917 : i32 to index
      %swap3A_1920 = arith.index_cast %scan3A_1541 : i32 to index
      %swap3A_1921 = arith.constant 112 : index
      %swap3A_1922 = tpu.vector_load %arg7[%swap3A_1918, %swap3A_1919, %swap3A_1920, %swap3A_1921] {strides = array<i32>} : memref<4x4x8x128xf32, #tpu.memory_space<vmem>>, vector<1x1x1x16xf32>,
      %swap3A_1923 = vector.shape_cast %swap3A_1922 : vector<1x1x1x16xf32> to vector<16xf32>
      %swap3A_1924 = vector.shape_cast %get3A_47 : vector<16xf32> to vector<1x1x1x16xf32>
      tpu.vector_store %arg7[%swap3A_1918, %swap3A_1919, %swap3A_1920, %swap3A_1921], %swap3A_1924 {strides = array<i32>} : memref<4x4x8x128xf32, #tpu.memory_space<vmem>>, vector<1x1x1x16xf32>,
    }
    %scan3A_52 = arith.constant 8 : i32
    %dma_start3A = arith.constant 0 : i32
    %dma_start3A_53 = arith.constant 0 : i32
    %dma_start3A_54 = arith.constant 0 : i32
    %dma_start3A_55 = arith.constant 0 : i32
    %dma_start3A_56 = arith.constant 0 : i32
    %dma_start3A_57 = arith.constant 0 : i32
    %dma_start3A_58 = tpu.memref_slice %arg7[%dma_start3A, %dma_start3A_55, %dma_start3A_56, %dma_start3A_57] : memref<4x4x8x128xf32, #tpu.memory_space<vmem>> -> memref<1x4x8x128xf32, #tpu.memory_space<vmem>>
    %dma_start3A_59 = tpu.memref_squeeze %dma_start3A_58 : memref<1x4x8x128xf32, #tpu.memory_space<vmem>> -> memref<4x8x128xf32, #tpu.memory_space<vmem>>
    %dma_start3A_60 = arith.constant 0 : i32
    %dma_start3A_61 = arith.constant 0 : i32
    %dma_start3A_62 = arith.constant 0 : i32
    %dma_start3A_63 = tpu.memref_slice %arg4[%dma_start3A_53, %add3A, %dma_start3A_54, %dma_start3A_60, %dma_start3A_61, %dma_start3A_62] : memref<8x32x4x4x8x128xf32, #tpu.memory_space<hbm>> -> memref<1x1x1x4x8x128xf32, #tpu.memory_space<hbm>>
    %dma_start3A_64 = tpu.memref_squeeze %dma_start3A_63 : memref<1x1x1x4x8x128xf32, #tpu.memory_space<hbm>> -> memref<4x8x128xf32, #tpu.memory_space<hbm>>
    %dma_start3A_65 = arith.constant 0 : i32
    %dma_start3A_66 = arith.constant 0 : i32
    %dma_start3A_67 = arith.constant 0 : i32
    %dma_start3A_68 = tpu.memref_slice %arg4[%dma_start3A_53, %add3A, %dma_start3A_54, %dma_start3A_65, %dma_start3A_66, %dma_start3A_67] : memref<8x32x4x4x8x128xf32, #tpu.memory_space<hbm>> -> memref<1x1x1x4x8x128xf32, #tpu.memory_space<hbm>>
    %dma_start3A_69 = tpu.memref_squeeze %dma_start3A_68 : memref<1x1x1x4x8x128xf32, #tpu.memory_space<hbm>> -> memref<4x8x128xf32, #tpu.memory_space<hbm>>
    %dma_start3A_70 = arith.constant 0 : i32
    %dma_start3A_71 = arith.constant 0 : i32
    %dma_start3A_72 = arith.constant 0 : i32
    %dma_start3A_73 = tpu.memref_slice %arg7[%dma_start3A, %dma_start3A_70, %dma_start3A_71, %dma_start3A_72] : memref<4x4x8x128xf32, #tpu.memory_space<vmem>> -> memref<1x4x8x128xf32, #tpu.memory_space<vmem>>
    %dma_start3A_74 = tpu.memref_squeeze %dma_start3A_73 : memref<1x4x8x128xf32, #tpu.memory_space<vmem>> -> memref<4x8x128xf32, #tpu.memory_space<vmem>>
    tpu.enqueue_dma source(%dma_start3A_74 : memref<4x8x128xf32, #tpu.memory_space<vmem>>) target(%dma_start3A_69 : memref<4x8x128xf32, #tpu.memory_space<hbm>>) target_semaphore(%arg8 : memref<!tpu.dma_semaphore, #tpu.memory_space<semaphore_mem>>)
    %dma_start3A_75 = arith.constant 0 : i32
    %dma_start3A_76 = arith.constant 1 : i32
    %dma_start3A_77 = arith.constant 0 : i32
    %dma_start3A_78 = arith.constant 0 : i32
    %dma_start3A_79 = arith.constant 0 : i32
    %dma_start3A_80 = arith.constant 0 : i32
    %dma_start3A_81 = tpu.memref_slice %arg7[%dma_start3A_75, %dma_start3A_78, %dma_start3A_79, %dma_start3A_80] : memref<4x4x8x128xf32, #tpu.memory_space<vmem>> -> memref<1x4x8x128xf32, #tpu.memory_space<vmem>>
    %dma_start3A_82 = tpu.memref_squeeze %dma_start3A_81 : memref<1x4x8x128xf32, #tpu.memory_space<vmem>> -> memref<4x8x128xf32, #tpu.memory_space<vmem>>
    %dma_start3A_83 = arith.constant 0 : i32
    %dma_start3A_84 = arith.constant 0 : i32
    %dma_start3A_85 = arith.constant 0 : i32
    %dma_start3A_86 = tpu.memref_slice %arg4[%dma_start3A_76, %add3A, %dma_start3A_77, %dma_start3A_83, %dma_start3A_84, %dma_start3A_85] : memref<8x32x4x4x8x128xf32, #tpu.memory_space<hbm>> -> memref<1x1x1x4x8x128xf32, #tpu.memory_space<hbm>>
    %dma_start3A_87 = tpu.memref_squeeze %dma_start3A_86 : memref<1x1x1x4x8x128xf32, #tpu.memory_space<hbm>> -> memref<4x8x128xf32, #tpu.memory_space<hbm>>
    %dma_start3A_88 = arith.constant 0 : i32
    %dma_start3A_89 = arith.constant 0 : i32
    %dma_start3A_90 = arith.constant 0 : i32
    %dma_start3A_91 = tpu.memref_slice %arg4[%dma_start3A_76, %add3A, %dma_start3A_77, %dma_start3A_88, %dma_start3A_89, %dma_start3A_90] : memref<8x32x4x4x8x128xf32, #tpu.memory_space<hbm>> -> memref<1x1x1x4x8x128xf32, #tpu.memory_space<hbm>>
    %dma_start3A_92 = tpu.memref_squeeze %dma_start3A_91 : memref<1x1x1x4x8x128xf32, #tpu.memory_space<hbm>> -> memref<4x8x128xf32, #tpu.memory_space<hbm>>
    %dma_start3A_93 = arith.constant 0 : i32
    %dma_start3A_94 = arith.constant 0 : i32
    %dma_start3A_95 = arith.constant 0 : i32
    %dma_start3A_96 = tpu.memref_slice %arg7[%dma_start3A_75, %dma_start3A_93, %dma_start3A_94, %dma_start3A_95] : memref<4x4x8x128xf32, #tpu.memory_space<vmem>> -> memref<1x4x8x128xf32, #tpu.memory_space<vmem>>
    %dma_start3A_97 = tpu.memref_squeeze %dma_start3A_96 : memref<1x4x8x128xf32, #tpu.memory_space<vmem>> -> memref<4x8x128xf32, #tpu.memory_space<vmem>>
    tpu.enqueue_dma source(%dma_start3A_97 : memref<4x8x128xf32, #tpu.memory_space<vmem>>) target(%dma_start3A_92 : memref<4x8x128xf32, #tpu.memory_space<hbm>>) target_semaphore(%arg8 : memref<!tpu.dma_semaphore, #tpu.memory_space<semaphore_mem>>)
    %dma_start3A_98 = arith.constant 0 : i32
    %dma_start3A_99 = arith.constant 2 : i32
    %dma_start3A_100 = arith.constant 0 : i32
    %dma_start3A_101 = arith.constant 0 : i32
    %dma_start3A_102 = arith.constant 0 : i32
    %dma_start3A_103 = arith.constant 0 : i32
    %dma_start3A_104 = tpu.memref_slice %arg7[%dma_start3A_98, %dma_start3A_101, %dma_start3A_102, %dma_start3A_103] : memref<4x4x8x128xf32, #tpu.memory_space<vmem>> -> memref<1x4x8x128xf32, #tpu.memory_space<vmem>>
    %dma_start3A_105 = tpu.memref_squeeze %dma_start3A_104 : memref<1x4x8x128xf32, #tpu.memory_space<vmem>> -> memref<4x8x128xf32, #tpu.memory_space<vmem>>
    %dma_start3A_106 = arith.constant 0 : i32
    %dma_start3A_107 = arith.constant 0 : i32
    %dma_start3A_108 = arith.constant 0 : i32
    %dma_start3A_109 = tpu.memref_slice %arg4[%dma_start3A_99, %add3A, %dma_start3A_100, %dma_start3A_106, %dma_start3A_107, %dma_start3A_108] : memref<8x32x4x4x8x128xf32, #tpu.memory_space<hbm>> -> memref<1x1x1x4x8x128xf32, #tpu.memory_space<hbm>>
    %dma_start3A_110 = tpu.memref_squeeze %dma_start3A_109 : memref<1x1x1x4x8x128xf32, #tpu.memory_space<hbm>> -> memref<4x8x128xf32, #tpu.memory_space<hbm>>
    %dma_start3A_111 = arith.constant 0 : i32
    %dma_start3A_112 = arith.constant 0 : i32
    %dma_start3A_113 = arith.constant 0 : i32
    %dma_start3A_114 = tpu.memref_slice %arg4[%dma_start3A_99, %add3A, %dma_start3A_100, %dma_start3A_111, %dma_start3A_112, %dma_start3A_113] : memref<8x32x4x4x8x128xf32, #tpu.memory_space<hbm>> -> memref<1x1x1x4x8x128xf32, #tpu.memory_space<hbm>>
    %dma_start3A_115 = tpu.memref_squeeze %dma_start3A_114 : memref<1x1x1x4x8x128xf32, #tpu.memory_space<hbm>> -> memref<4x8x128xf32, #tpu.memory_space<hbm>>
    %dma_start3A_116 = arith.constant 0 : i32
    %dma_start3A_117 = arith.constant 0 : i32
    %dma_start3A_118 = arith.constant 0 : i32
    %dma_start3A_119 = tpu.memref_slice %arg7[%dma_start3A_98, %dma_start3A_116, %dma_start3A_117, %dma_start3A_118] : memref<4x4x8x128xf32, #tpu.memory_space<vmem>> -> memref<1x4x8x128xf32, #tpu.memory_space<vmem>>
    %dma_start3A_120 = tpu.memref_squeeze %dma_start3A_119 : memref<1x4x8x128xf32, #tpu.memory_space<vmem>> -> memref<4x8x128xf32, #tpu.memory_space<vmem>>
    tpu.enqueue_dma source(%dma_start3A_120 : memref<4x8x128xf32, #tpu.memory_space<vmem>>) target(%dma_start3A_115 : memref<4x8x128xf32, #tpu.memory_space<hbm>>) target_semaphore(%arg8 : memref<!tpu.dma_semaphore, #tpu.memory_space<semaphore_mem>>)
    %dma_start3A_121 = arith.constant 0 : i32
    %dma_start3A_122 = arith.constant 3 : i32
    %dma_start3A_123 = arith.constant 0 : i32
    %dma_start3A_124 = arith.constant 0 : i32
    %dma_start3A_125 = arith.constant 0 : i32
    %dma_start3A_126 = arith.constant 0 : i32
    %dma_start3A_127 = tpu.memref_slice %arg7[%dma_start3A_121, %dma_start3A_124, %dma_start3A_125, %dma_start3A_126] : memref<4x4x8x128xf32, #tpu.memory_space<vmem>> -> memref<1x4x8x128xf32, #tpu.memory_space<vmem>>
    %dma_start3A_128 = tpu.memref_squeeze %dma_start3A_127 : memref<1x4x8x128xf32, #tpu.memory_space<vmem>> -> memref<4x8x128xf32, #tpu.memory_space<vmem>>
    %dma_start3A_129 = arith.constant 0 : i32
    %dma_start3A_130 = arith.constant 0 : i32
    %dma_start3A_131 = arith.constant 0 : i32
    %dma_start3A_132 = tpu.memref_slice %arg4[%dma_start3A_122, %add3A, %dma_start3A_123, %dma_start3A_129, %dma_start3A_130, %dma_start3A_131] : memref<8x32x4x4x8x128xf32, #tpu.memory_space<hbm>> -> memref<1x1x1x4x8x128xf32, #tpu.memory_space<hbm>>
    %dma_start3A_133 = tpu.memref_squeeze %dma_start3A_132 : memref<1x1x1x4x8x128xf32, #tpu.memory_space<hbm>> -> memref<4x8x128xf32, #tpu.memory_space<hbm>>
    %dma_start3A_134 = arith.constant 0 : i32
    %dma_start3A_135 = arith.constant 0 : i32
    %dma_start3A_136 = arith.constant 0 : i32
    %dma_start3A_137 = tpu.memref_slice %arg4[%dma_start3A_122, %add3A, %dma_start3A_123, %dma_start3A_134, %dma_start3A_135, %dma_start3A_136] : memref<8x32x4x4x8x128xf32, #tpu.memory_space<hbm>> -> memref<1x1x1x4x8x128xf32, #tpu.memory_space<hbm>>
    %dma_start3A_138 = tpu.memref_squeeze %dma_start3A_137 : memref<1x1x1x4x8x128xf32, #tpu.memory_space<hbm>> -> memref<4x8x128xf32, #tpu.memory_space<hbm>>
    %dma_start3A_139 = arith.constant 0 : i32
    %dma_start3A_140 = arith.constant 0 : i32
    %dma_start3A_141 = arith.constant 0 : i32
    %dma_start3A_142 = tpu.memref_slice %arg7[%dma_start3A_121, %dma_start3A_139, %dma_start3A_140, %dma_start3A_141] : memref<4x4x8x128xf32, #tpu.memory_space<vmem>> -> memref<1x4x8x128xf32, #tpu.memory_space<vmem>>
    %dma_start3A_143 = tpu.memref_squeeze %dma_start3A_142 : memref<1x4x8x128xf32, #tpu.memory_space<vmem>> -> memref<4x8x128xf32, #tpu.memory_space<vmem>>
    tpu.enqueue_dma source(%dma_start3A_143 : memref<4x8x128xf32, #tpu.memory_space<vmem>>) target(%dma_start3A_138 : memref<4x8x128xf32, #tpu.memory_space<hbm>>) target_semaphore(%arg8 : memref<!tpu.dma_semaphore, #tpu.memory_space<semaphore_mem>>)
    %dma_start3A_144 = arith.constant 0 : i32
    %dma_start3A_145 = arith.constant 4 : i32
    %dma_start3A_146 = arith.constant 0 : i32
    %dma_start3A_147 = arith.constant 0 : i32
    %dma_start3A_148 = arith.constant 0 : i32
    %dma_start3A_149 = arith.constant 0 : i32
    %dma_start3A_150 = tpu.memref_slice %arg7[%dma_start3A_144, %dma_start3A_147, %dma_start3A_148, %dma_start3A_149] : memref<4x4x8x128xf32, #tpu.memory_space<vmem>> -> memref<1x4x8x128xf32, #tpu.memory_space<vmem>>
    %dma_start3A_151 = tpu.memref_squeeze %dma_start3A_150 : memref<1x4x8x128xf32, #tpu.memory_space<vmem>> -> memref<4x8x128xf32, #tpu.memory_space<vmem>>
    %dma_start3A_152 = arith.constant 0 : i32
    %dma_start3A_153 = arith.constant 0 : i32
    %dma_start3A_154 = arith.constant 0 : i32
    %dma_start3A_155 = tpu.memref_slice %arg4[%dma_start3A_145, %add3A, %dma_start3A_146, %dma_start3A_152, %dma_start3A_153, %dma_start3A_154] : memref<8x32x4x4x8x128xf32, #tpu.memory_space<hbm>> -> memref<1x1x1x4x8x128xf32, #tpu.memory_space<hbm>>
    %dma_start3A_156 = tpu.memref_squeeze %dma_start3A_155 : memref<1x1x1x4x8x128xf32, #tpu.memory_space<hbm>> -> memref<4x8x128xf32, #tpu.memory_space<hbm>>
    %dma_start3A_157 = arith.constant 0 : i32
    %dma_start3A_158 = arith.constant 0 : i32
    %dma_start3A_159 = arith.constant 0 : i32
    %dma_start3A_160 = tpu.memref_slice %arg4[%dma_start3A_145, %add3A, %dma_start3A_146, %dma_start3A_157, %dma_start3A_158, %dma_start3A_159] : memref<8x32x4x4x8x128xf32, #tpu.memory_space<hbm>> -> memref<1x1x1x4x8x128xf32, #tpu.memory_space<hbm>>
    %dma_start3A_161 = tpu.memref_squeeze %dma_start3A_160 : memref<1x1x1x4x8x128xf32, #tpu.memory_space<hbm>> -> memref<4x8x128xf32, #tpu.memory_space<hbm>>
    %dma_start3A_162 = arith.constant 0 : i32
    %dma_start3A_163 = arith.constant 0 : i32
    %dma_start3A_164 = arith.constant 0 : i32
    %dma_start3A_165 = tpu.memref_slice %arg7[%dma_start3A_144, %dma_start3A_162, %dma_start3A_163, %dma_start3A_164] : memref<4x4x8x128xf32, #tpu.memory_space<vmem>> -> memref<1x4x8x128xf32, #tpu.memory_space<vmem>>
    %dma_start3A_166 = tpu.memref_squeeze %dma_start3A_165 : memref<1x4x8x128xf32, #tpu.memory_space<vmem>> -> memref<4x8x128xf32, #tpu.memory_space<vmem>>
    tpu.enqueue_dma source(%dma_start3A_166 : memref<4x8x128xf32, #tpu.memory_space<vmem>>) target(%dma_start3A_161 : memref<4x8x128xf32, #tpu.memory_space<hbm>>) target_semaphore(%arg8 : memref<!tpu.dma_semaphore, #tpu.memory_space<semaphore_mem>>)
    %dma_start3A_167 = arith.constant 0 : i32
    %dma_start3A_168 = arith.constant 5 : i32
    %dma_start3A_169 = arith.constant 0 : i32
    %dma_start3A_170 = arith.constant 0 : i32
    %dma_start3A_171 = arith.constant 0 : i32
    %dma_start3A_172 = arith.constant 0 : i32
    %dma_start3A_173 = tpu.memref_slice %arg7[%dma_start3A_167, %dma_start3A_170, %dma_start3A_171, %dma_start3A_172] : memref<4x4x8x128xf32, #tpu.memory_space<vmem>> -> memref<1x4x8x128xf32, #tpu.memory_space<vmem>>
    %dma_start3A_174 = tpu.memref_squeeze %dma_start3A_173 : memref<1x4x8x128xf32, #tpu.memory_space<vmem>> -> memref<4x8x128xf32, #tpu.memory_space<vmem>>
    %dma_start3A_175 = arith.constant 0 : i32
    %dma_start3A_176 = arith.constant 0 : i32
    %dma_start3A_177 = arith.constant 0 : i32
    %dma_start3A_178 = tpu.memref_slice %arg4[%dma_start3A_168, %add3A, %dma_start3A_169, %dma_start3A_175, %dma_start3A_176, %dma_start3A_177] : memref<8x32x4x4x8x128xf32, #tpu.memory_space<hbm>> -> memref<1x1x1x4x8x128xf32, #tpu.memory_space<hbm>>
    %dma_start3A_179 = tpu.memref_squeeze %dma_start3A_178 : memref<1x1x1x4x8x128xf32, #tpu.memory_space<hbm>> -> memref<4x8x128xf32, #tpu.memory_space<hbm>>
    %dma_start3A_180 = arith.constant 0 : i32
    %dma_start3A_181 = arith.constant 0 : i32
    %dma_start3A_182 = arith.constant 0 : i32
    %dma_start3A_183 = tpu.memref_slice %arg4[%dma_start3A_168, %add3A, %dma_start3A_169, %dma_start3A_180, %dma_start3A_181, %dma_start3A_182] : memref<8x32x4x4x8x128xf32, #tpu.memory_space<hbm>> -> memref<1x1x1x4x8x128xf32, #tpu.memory_space<hbm>>
    %dma_start3A_184 = tpu.memref_squeeze %dma_start3A_183 : memref<1x1x1x4x8x128xf32, #tpu.memory_space<hbm>> -> memref<4x8x128xf32, #tpu.memory_space<hbm>>
    %dma_start3A_185 = arith.constant 0 : i32
    %dma_start3A_186 = arith.constant 0 : i32
    %dma_start3A_187 = arith.constant 0 : i32
    %dma_start3A_188 = tpu.memref_slice %arg7[%dma_start3A_167, %dma_start3A_185, %dma_start3A_186, %dma_start3A_187] : memref<4x4x8x128xf32, #tpu.memory_space<vmem>> -> memref<1x4x8x128xf32, #tpu.memory_space<vmem>>
    %dma_start3A_189 = tpu.memref_squeeze %dma_start3A_188 : memref<1x4x8x128xf32, #tpu.memory_space<vmem>> -> memref<4x8x128xf32, #tpu.memory_space<vmem>>
    tpu.enqueue_dma source(%dma_start3A_189 : memref<4x8x128xf32, #tpu.memory_space<vmem>>) target(%dma_start3A_184 : memref<4x8x128xf32, #tpu.memory_space<hbm>>) target_semaphore(%arg8 : memref<!tpu.dma_semaphore, #tpu.memory_space<semaphore_mem>>)
    %dma_start3A_190 = arith.constant 0 : i32
    %dma_start3A_191 = arith.constant 6 : i32
    %dma_start3A_192 = arith.constant 0 : i32
    %dma_start3A_193 = arith.constant 0 : i32
    %dma_start3A_194 = arith.constant 0 : i32
    %dma_start3A_195 = arith.constant 0 : i32
    %dma_start3A_196 = tpu.memref_slice %arg7[%dma_start3A_190, %dma_start3A_193, %dma_start3A_194, %dma_start3A_195] : memref<4x4x8x128xf32, #tpu.memory_space<vmem>> -> memref<1x4x8x128xf32, #tpu.memory_space<vmem>>
    %dma_start3A_197 = tpu.memref_squeeze %dma_start3A_196 : memref<1x4x8x128xf32, #tpu.memory_space<vmem>> -> memref<4x8x128xf32, #tpu.memory_space<vmem>>
    %dma_start3A_198 = arith.constant 0 : i32
    %dma_start3A_199 = arith.constant 0 : i32
    %dma_start3A_200 = arith.constant 0 : i32
    %dma_start3A_201 = tpu.memref_slice %arg4[%dma_start3A_191, %add3A, %dma_start3A_192, %dma_start3A_198, %dma_start3A_199, %dma_start3A_200] : memref<8x32x4x4x8x128xf32, #tpu.memory_space<hbm>> -> memref<1x1x1x4x8x128xf32, #tpu.memory_space<hbm>>
    %dma_start3A_202 = tpu.memref_squeeze %dma_start3A_201 : memref<1x1x1x4x8x128xf32, #tpu.memory_space<hbm>> -> memref<4x8x128xf32, #tpu.memory_space<hbm>>
    %dma_start3A_203 = arith.constant 0 : i32
    %dma_start3A_204 = arith.constant 0 : i32
    %dma_start3A_205 = arith.constant 0 : i32
    %dma_start3A_206 = tpu.memref_slice %arg4[%dma_start3A_191, %add3A, %dma_start3A_192, %dma_start3A_203, %dma_start3A_204, %dma_start3A_205] : memref<8x32x4x4x8x128xf32, #tpu.memory_space<hbm>> -> memref<1x1x1x4x8x128xf32, #tpu.memory_space<hbm>>
    %dma_start3A_207 = tpu.memref_squeeze %dma_start3A_206 : memref<1x1x1x4x8x128xf32, #tpu.memory_space<hbm>> -> memref<4x8x128xf32, #tpu.memory_space<hbm>>
    %dma_start3A_208 = arith.constant 0 : i32
    %dma_start3A_209 = arith.constant 0 : i32
    %dma_start3A_210 = arith.constant 0 : i32
    %dma_start3A_211 = tpu.memref_slice %arg7[%dma_start3A_190, %dma_start3A_208, %dma_start3A_209, %dma_start3A_210] : memref<4x4x8x128xf32, #tpu.memory_space<vmem>> -> memref<1x4x8x128xf32, #tpu.memory_space<vmem>>
    %dma_start3A_212 = tpu.memref_squeeze %dma_start3A_211 : memref<1x4x8x128xf32, #tpu.memory_space<vmem>> -> memref<4x8x128xf32, #tpu.memory_space<vmem>>
    tpu.enqueue_dma source(%dma_start3A_212 : memref<4x8x128xf32, #tpu.memory_space<vmem>>) target(%dma_start3A_207 : memref<4x8x128xf32, #tpu.memory_space<hbm>>) target_semaphore(%arg8 : memref<!tpu.dma_semaphore, #tpu.memory_space<semaphore_mem>>)
    %dma_start3A_213 = arith.constant 0 : i32
    %dma_start3A_214 = arith.constant 7 : i32
    %dma_start3A_215 = arith.constant 0 : i32
    %dma_start3A_216 = arith.constant 0 : i32
    %dma_start3A_217 = arith.constant 0 : i32
    %dma_start3A_218 = arith.constant 0 : i32
    %dma_start3A_219 = tpu.memref_slice %arg7[%dma_start3A_213, %dma_start3A_216, %dma_start3A_217, %dma_start3A_218] : memref<4x4x8x128xf32, #tpu.memory_space<vmem>> -> memref<1x4x8x128xf32, #tpu.memory_space<vmem>>
    %dma_start3A_220 = tpu.memref_squeeze %dma_start3A_219 : memref<1x4x8x128xf32, #tpu.memory_space<vmem>> -> memref<4x8x128xf32, #tpu.memory_space<vmem>>
    %dma_start3A_221 = arith.constant 0 : i32
    %dma_start3A_222 = arith.constant 0 : i32
    %dma_start3A_223 = arith.constant 0 : i32
    %dma_start3A_224 = tpu.memref_slice %arg4[%dma_start3A_214, %add3A, %dma_start3A_215, %dma_start3A_221, %dma_start3A_222, %dma_start3A_223] : memref<8x32x4x4x8x128xf32, #tpu.memory_space<hbm>> -> memref<1x1x1x4x8x128xf32, #tpu.memory_space<hbm>>
    %dma_start3A_225 = tpu.memref_squeeze %dma_start3A_224 : memref<1x1x1x4x8x128xf32, #tpu.memory_space<hbm>> -> memref<4x8x128xf32, #tpu.memory_space<hbm>>
    %dma_start3A_226 = arith.constant 0 : i32
    %dma_start3A_227 = arith.constant 0 : i32
    %dma_start3A_228 = arith.constant 0 : i32
    %dma_start3A_229 = tpu.memref_slice %arg4[%dma_start3A_214, %add3A, %dma_start3A_215, %dma_start3A_226, %dma_start3A_227, %dma_start3A_228] : memref<8x32x4x4x8x128xf32, #tpu.memory_space<hbm>> -> memref<1x1x1x4x8x128xf32, #tpu.memory_space<hbm>>
    %dma_start3A_230 = tpu.memref_squeeze %dma_start3A_229 : memref<1x1x1x4x8x128xf32, #tpu.memory_space<hbm>> -> memref<4x8x128xf32, #tpu.memory_space<hbm>>
    %dma_start3A_231 = arith.constant 0 : i32
    %dma_start3A_232 = arith.constant 0 : i32
    %dma_start3A_233 = arith.constant 0 : i32
    %dma_start3A_234 = tpu.memref_slice %arg7[%dma_start3A_213, %dma_start3A_231, %dma_start3A_232, %dma_start3A_233] : memref<4x4x8x128xf32, #tpu.memory_space<vmem>> -> memref<1x4x8x128xf32, #tpu.memory_space<vmem>>
    %dma_start3A_235 = tpu.memref_squeeze %dma_start3A_234 : memref<1x4x8x128xf32, #tpu.memory_space<vmem>> -> memref<4x8x128xf32, #tpu.memory_space<vmem>>
    tpu.enqueue_dma source(%dma_start3A_235 : memref<4x8x128xf32, #tpu.memory_space<vmem>>) target(%dma_start3A_230 : memref<4x8x128xf32, #tpu.memory_space<hbm>>) target_semaphore(%arg8 : memref<!tpu.dma_semaphore, #tpu.memory_space<semaphore_mem>>)
    %scan3A_236 = arith.constant 0 : i32
    %scan3A_237 = arith.constant 0 : i32
    %scan3A_238 = arith.constant 8 : i32
    %scan3A_239 = arith.addi %scan3A_237, %scan3A_238 : i32
    %scan3A_240 = arith.constant 1 : i32
    scf.for %scan3A_1541 = %scan3A_237 to %scan3A_239 step %scan3A_240  : i32 {
      %add3A_1542 = arith.constant 8 : i32
      %add3A_1543 = arith.addi %add3A_1542, %scan3A_1541 : i32
      %get3A_1544 = arith.index_cast %add3A_1543 : i32 to index
      %get3A_1545 = arith.constant 0 : index
      %get3A_1546 = tpu.vector_load %arg5[%get3A_1544, %get3A_1545] {strides = array<i32>} : memref<32x256xf32, #tpu.memory_space<vmem>>, vector<1x16xf32>,
      %get3A_1547 = vector.shape_cast %get3A_1546 : vector<1x16xf32> to vector<16xf32>
      %swap3A = arith.constant 1 : i32
      %swap3A_1548 = arith.constant 0 : i32
      %swap3A_1549 = arith.index_cast %swap3A : i32 to index
      %swap3A_1550 = arith.index_cast %swap3A_1548 : i32 to index
      %swap3A_1551 = arith.index_cast %scan3A_1541 : i32 to index
      %swap3A_1552 = arith.constant 0 : index
      %swap3A_1553 = tpu.vector_load %arg7[%swap3A_1549, %swap3A_1550, %swap3A_1551, %swap3A_1552] {strides = array<i32>} : memref<4x4x8x128xf32, #tpu.memory_space<vmem>>, vector<1x1x1x16xf32>,
      %swap3A_1554 = vector.shape_cast %swap3A_1553 : vector<1x1x1x16xf32> to vector<16xf32>
      %swap3A_1555 = vector.shape_cast %get3A_1547 : vector<16xf32> to vector<1x1x1x16xf32>
      tpu.vector_store %arg7[%swap3A_1549, %swap3A_1550, %swap3A_1551, %swap3A_1552], %swap3A_1555 {strides = array<i32>} : memref<4x4x8x128xf32, #tpu.memory_space<vmem>>, vector<1x1x1x16xf32>,
      %add3A_1556 = arith.constant 8 : i32
      %add3A_1557 = arith.addi %add3A_1556, %scan3A_1541 : i32
      %get3A_1558 = arith.index_cast %add3A_1557 : i32 to index
      %get3A_1559 = arith.constant 16 : index
      %get3A_1560 = tpu.vector_load %arg5[%get3A_1558, %get3A_1559] {strides = array<i32>} : memref<32x256xf32, #tpu.memory_space<vmem>>, vector<1x16xf32>,
      %get3A_1561 = vector.shape_cast %get3A_1560 : vector<1x16xf32> to vector<16xf32>
      %swap3A_1562 = arith.constant 1 : i32
      %swap3A_1563 = arith.constant 0 : i32
      %swap3A_1564 = arith.index_cast %swap3A_1562 : i32 to index
      %swap3A_1565 = arith.index_cast %swap3A_1563 : i32 to index
      %swap3A_1566 = arith.index_cast %scan3A_1541 : i32 to index
      %swap3A_1567 = arith.constant 16 : index
      %swap3A_1568 = tpu.vector_load %arg7[%swap3A_1564, %swap3A_1565, %swap3A_1566, %swap3A_1567] {strides = array<i32>} : memref<4x4x8x128xf32, #tpu.memory_space<vmem>>, vector<1x1x1x16xf32>,
      %swap3A_1569 = vector.shape_cast %swap3A_1568 : vector<1x1x1x16xf32> to vector<16xf32>
      %swap3A_1570 = vector.shape_cast %get3A_1561 : vector<16xf32> to vector<1x1x1x16xf32>
      tpu.vector_store %arg7[%swap3A_1564, %swap3A_1565, %swap3A_1566, %swap3A_1567], %swap3A_1570 {strides = array<i32>} : memref<4x4x8x128xf32, #tpu.memory_space<vmem>>, vector<1x1x1x16xf32>,
      %add3A_1571 = arith.constant 8 : i32
      %add3A_1572 = arith.addi %add3A_1571, %scan3A_1541 : i32
      %get3A_1573 = arith.index_cast %add3A_1572 : i32 to index
      %get3A_1574 = arith.constant 32 : index
      %get3A_1575 = tpu.vector_load %arg5[%get3A_1573, %get3A_1574] {strides = array<i32>} : memref<32x256xf32, #tpu.memory_space<vmem>>, vector<1x16xf32>,
      %get3A_1576 = vector.shape_cast %get3A_1575 : vector<1x16xf32> to vector<16xf32>
      %swap3A_1577 = arith.constant 1 : i32
      %swap3A_1578 = arith.constant 0 : i32
      %swap3A_1579 = arith.index_cast %swap3A_1577 : i32 to index
      %swap3A_1580 = arith.index_cast %swap3A_1578 : i32 to index
      %swap3A_1581 = arith.index_cast %scan3A_1541 : i32 to index
      %swap3A_1582 = arith.constant 32 : index
      %swap3A_1583 = tpu.vector_load %arg7[%swap3A_1579, %swap3A_1580, %swap3A_1581, %swap3A_1582] {strides = array<i32>} : memref<4x4x8x128xf32, #tpu.memory_space<vmem>>, vector<1x1x1x16xf32>,
      %swap3A_1584 = vector.shape_cast %swap3A_1583 : vector<1x1x1x16xf32> to vector<16xf32>
      %swap3A_1585 = vector.shape_cast %get3A_1576 : vector<16xf32> to vector<1x1x1x16xf32>
      tpu.vector_store %arg7[%swap3A_1579, %swap3A_1580, %swap3A_1581, %swap3A_1582], %swap3A_1585 {strides = array<i32>} : memref<4x4x8x128xf32, #tpu.memory_space<vmem>>, vector<1x1x1x16xf32>,
      %add3A_1586 = arith.constant 8 : i32
      %add3A_1587 = arith.addi %add3A_1586, %scan3A_1541 : i32
      %get3A_1588 = arith.index_cast %add3A_1587 : i32 to index
      %get3A_1589 = arith.constant 48 : index
      %get3A_1590 = tpu.vector_load %arg5[%get3A_1588, %get3A_1589] {strides = array<i32>} : memref<32x256xf32, #tpu.memory_space<vmem>>, vector<1x16xf32>,
      %get3A_1591 = vector.shape_cast %get3A_1590 : vector<1x16xf32> to vector<16xf32>
      %swap3A_1592 = arith.constant 1 : i32
      %swap3A_1593 = arith.constant 0 : i32
      %swap3A_1594 = arith.index_cast %swap3A_1592 : i32 to index
      %swap3A_1595 = arith.index_cast %swap3A_1593 : i32 to index
      %swap3A_1596 = arith.index_cast %scan3A_1541 : i32 to index
      %swap3A_1597 = arith.constant 48 : index
      %swap3A_1598 = tpu.vector_load %arg7[%swap3A_1594, %swap3A_1595, %swap3A_1596, %swap3A_1597] {strides = array<i32>} : memref<4x4x8x128xf32, #tpu.memory_space<vmem>>, vector<1x1x1x16xf32>,
      %swap3A_1599 = vector.shape_cast %swap3A_1598 : vector<1x1x1x16xf32> to vector<16xf32>
      %swap3A_1600 = vector.shape_cast %get3A_1591 : vector<16xf32> to vector<1x1x1x16xf32>
      tpu.vector_store %arg7[%swap3A_1594, %swap3A_1595, %swap3A_1596, %swap3A_1597], %swap3A_1600 {strides = array<i32>} : memref<4x4x8x128xf32, #tpu.memory_space<vmem>>, vector<1x1x1x16xf32>,
      %add3A_1601 = arith.constant 8 : i32
      %add3A_1602 = arith.addi %add3A_1601, %scan3A_1541 : i32
      %get3A_1603 = arith.index_cast %add3A_1602 : i32 to index
      %get3A_1604 = arith.constant 64 : index
      %get3A_1605 = tpu.vector_load %arg5[%get3A_1603, %get3A_1604] {strides = array<i32>} : memref<32x256xf32, #tpu.memory_space<vmem>>, vector<1x16xf32>,
      %get3A_1606 = vector.shape_cast %get3A_1605 : vector<1x16xf32> to vector<16xf32>
      %swap3A_1607 = arith.constant 1 : i32
      %swap3A_1608 = arith.constant 0 : i32
      %swap3A_1609 = arith.index_cast %swap3A_1607 : i32 to index
      %swap3A_1610 = arith.index_cast %swap3A_1608 : i32 to index
      %swap3A_1611 = arith.index_cast %scan3A_1541 : i32 to index
      %swap3A_1612 = arith.constant 64 : index
      %swap3A_1613 = tpu.vector_load %arg7[%swap3A_1609, %swap3A_1610, %swap3A_1611, %swap3A_1612] {strides = array<i32>} : memref<4x4x8x128xf32, #tpu.memory_space<vmem>>, vector<1x1x1x16xf32>,
      %swap3A_1614 = vector.shape_cast %swap3A_1613 : vector<1x1x1x16xf32> to vector<16xf32>
      %swap3A_1615 = vector.shape_cast %get3A_1606 : vector<16xf32> to vector<1x1x1x16xf32>
      tpu.vector_store %arg7[%swap3A_1609, %swap3A_1610, %swap3A_1611, %swap3A_1612], %swap3A_1615 {strides = array<i32>} : memref<4x4x8x128xf32, #tpu.memory_space<vmem>>, vector<1x1x1x16xf32>,
      %add3A_1616 = arith.constant 8 : i32
      %add3A_1617 = arith.addi %add3A_1616, %scan3A_1541 : i32
      %get3A_1618 = arith.index_cast %add3A_1617 : i32 to index
      %get3A_1619 = arith.constant 80 : index
      %get3A_1620 = tpu.vector_load %arg5[%get3A_1618, %get3A_1619] {strides = array<i32>} : memref<32x256xf32, #tpu.memory_space<vmem>>, vector<1x16xf32>,
      %get3A_1621 = vector.shape_cast %get3A_1620 : vector<1x16xf32> to vector<16xf32>
      %swap3A_1622 = arith.constant 1 : i32
      %swap3A_1623 = arith.constant 0 : i32
      %swap3A_1624 = arith.index_cast %swap3A_1622 : i32 to index
      %swap3A_1625 = arith.index_cast %swap3A_1623 : i32 to index
      %swap3A_1626 = arith.index_cast %scan3A_1541 : i32 to index
      %swap3A_1627 = arith.constant 80 : index
      %swap3A_1628 = tpu.vector_load %arg7[%swap3A_1624, %swap3A_1625, %swap3A_1626, %swap3A_1627] {strides = array<i32>} : memref<4x4x8x128xf32, #tpu.memory_space<vmem>>, vector<1x1x1x16xf32>,
      %swap3A_1629 = vector.shape_cast %swap3A_1628 : vector<1x1x1x16xf32> to vector<16xf32>
      %swap3A_1630 = vector.shape_cast %get3A_1621 : vector<16xf32> to vector<1x1x1x16xf32>
      tpu.vector_store %arg7[%swap3A_1624, %swap3A_1625, %swap3A_1626, %swap3A_1627], %swap3A_1630 {strides = array<i32>} : memref<4x4x8x128xf32, #tpu.memory_space<vmem>>, vector<1x1x1x16xf32>,
      %add3A_1631 = arith.constant 8 : i32
      %add3A_1632 = arith.addi %add3A_1631, %scan3A_1541 : i32
      %get3A_1633 = arith.index_cast %add3A_1632 : i32 to index
      %get3A_1634 = arith.constant 96 : index
      %get3A_1635 = tpu.vector_load %arg5[%get3A_1633, %get3A_1634] {strides = array<i32>} : memref<32x256xf32, #tpu.memory_space<vmem>>, vector<1x16xf32>,
      %get3A_1636 = vector.shape_cast %get3A_1635 : vector<1x16xf32> to vector<16xf32>
      %swap3A_1637 = arith.constant 1 : i32
      %swap3A_1638 = arith.constant 0 : i32
      %swap3A_1639 = arith.index_cast %swap3A_1637 : i32 to index
      %swap3A_1640 = arith.index_cast %swap3A_1638 : i32 to index
      %swap3A_1641 = arith.index_cast %scan3A_1541 : i32 to index
      %swap3A_1642 = arith.constant 96 : index
      %swap3A_1643 = tpu.vector_load %arg7[%swap3A_1639, %swap3A_1640, %swap3A_1641, %swap3A_1642] {strides = array<i32>} : memref<4x4x8x128xf32, #tpu.memory_space<vmem>>, vector<1x1x1x16xf32>,
      %swap3A_1644 = vector.shape_cast %swap3A_1643 : vector<1x1x1x16xf32> to vector<16xf32>
      %swap3A_1645 = vector.shape_cast %get3A_1636 : vector<16xf32> to vector<1x1x1x16xf32>
      tpu.vector_store %arg7[%swap3A_1639, %swap3A_1640, %swap3A_1641, %swap3A_1642], %swap3A_1645 {strides = array<i32>} : memref<4x4x8x128xf32, #tpu.memory_space<vmem>>, vector<1x1x1x16xf32>,
      %add3A_1646 = arith.constant 8 : i32
      %add3A_1647 = arith.addi %add3A_1646, %scan3A_1541 : i32
      %get3A_1648 = arith.index_cast %add3A_1647 : i32 to index
      %get3A_1649 = arith.constant 112 : index
      %get3A_1650 = tpu.vector_load %arg5[%get3A_1648, %get3A_1649] {strides = array<i32>} : memref<32x256xf32, #tpu.memory_space<vmem>>, vector<1x16xf32>,
      %get3A_1651 = vector.shape_cast %get3A_1650 : vector<1x16xf32> to vector<16xf32>
      %swap3A_1652 = arith.constant 1 : i32
      %swap3A_1653 = arith.constant 0 : i32
      %swap3A_1654 = arith.index_cast %swap3A_1652 : i32 to index
      %swap3A_1655 = arith.index_cast %swap3A_1653 : i32 to index
      %swap3A_1656 = arith.index_cast %scan3A_1541 : i32 to index
      %swap3A_1657 = arith.constant 112 : index
      %swap3A_1658 = tpu.vector_load %arg7[%swap3A_1654, %swap3A_1655, %swap3A_1656, %swap3A_1657] {strides = array<i32>} : memref<4x4x8x128xf32, #tpu.memory_space<vmem>>, vector<1x1x1x16xf32>,
      %swap3A_1659 = vector.shape_cast %swap3A_1658 : vector<1x1x1x16xf32> to vector<16xf32>
      %swap3A_1660 = vector.shape_cast %get3A_1651 : vector<16xf32> to vector<1x1x1x16xf32>
      tpu.vector_store %arg7[%swap3A_1654, %swap3A_1655, %swap3A_1656, %swap3A_1657], %swap3A_1660 {strides = array<i32>} : memref<4x4x8x128xf32, #tpu.memory_space<vmem>>, vector<1x1x1x16xf32>,
      %add3A_1661 = arith.constant 8 : i32
      %add3A_1662 = arith.addi %add3A_1661, %scan3A_1541 : i32
      %get3A_1663 = arith.index_cast %add3A_1662 : i32 to index
      %get3A_1664 = arith.constant 128 : index
      %get3A_1665 = tpu.vector_load %arg5[%get3A_1663, %get3A_1664] {strides = array<i32>} : memref<32x256xf32, #tpu.memory_space<vmem>>, vector<1x16xf32>,
      %get3A_1666 = vector.shape_cast %get3A_1665 : vector<1x16xf32> to vector<16xf32>
      %swap3A_1667 = arith.constant 1 : i32
      %swap3A_1668 = arith.constant 1 : i32
      %swap3A_1669 = arith.index_cast %swap3A_1667 : i32 to index
      %swap3A_1670 = arith.index_cast %swap3A_1668 : i32 to index
      %swap3A_1671 = arith.index_cast %scan3A_1541 : i32 to index
      %swap3A_1672 = arith.constant 0 : index
      %swap3A_1673 = tpu.vector_load %arg7[%swap3A_1669, %swap3A_1670, %swap3A_1671, %swap3A_1672] {strides = array<i32>} : memref<4x4x8x128xf32, #tpu.memory_space<vmem>>, vector<1x1x1x16xf32>,
      %swap3A_1674 = vector.shape_cast %swap3A_1673 : vector<1x1x1x16xf32> to vector<16xf32>
      %swap3A_1675 = vector.shape_cast %get3A_1666 : vector<16xf32> to vector<1x1x1x16xf32>
      tpu.vector_store %arg7[%swap3A_1669, %swap3A_1670, %swap3A_1671, %swap3A_1672], %swap3A_1675 {strides = array<i32>} : memref<4x4x8x128xf32, #tpu.memory_space<vmem>>, vector<1x1x1x16xf32>,
      %add3A_1676 = arith.constant 8 : i32
      %add3A_1677 = arith.addi %add3A_1676, %scan3A_1541 : i32
      %get3A_1678 = arith.index_cast %add3A_1677 : i32 to index
      %get3A_1679 = arith.constant 144 : index
      %get3A_1680 = tpu.vector_load %arg5[%get3A_1678, %get3A_1679] {strides = array<i32>} : memref<32x256xf32, #tpu.memory_space<vmem>>, vector<1x16xf32>,
      %get3A_1681 = vector.shape_cast %get3A_1680 : vector<1x16xf32> to vector<16xf32>
      %swap3A_1682 = arith.constant 1 : i32
      %swap3A_1683 = arith.constant 1 : i32
      %swap3A_1684 = arith.index_cast %swap3A_1682 : i32 to index
      %swap3A_1685 = arith.index_cast %swap3A_1683 : i32 to index
      %swap3A_1686 = arith.index_cast %scan3A_1541 : i32 to index
      %swap3A_1687 = arith.constant 16 : index
      %swap3A_1688 = tpu.vector_load %arg7[%swap3A_1684, %swap3A_1685, %swap3A_1686, %swap3A_1687] {strides = array<i32>} : memref<4x4x8x128xf32, #tpu.memory_space<vmem>>, vector<1x1x1x16xf32>,
      %swap3A_1689 = vector.shape_cast %swap3A_1688 : vector<1x1x1x16xf32> to vector<16xf32>
      %swap3A_1690 = vector.shape_cast %get3A_1681 : vector<16xf32> to vector<1x1x1x16xf32>
      tpu.vector_store %arg7[%swap3A_1684, %swap3A_1685, %swap3A_1686, %swap3A_1687], %swap3A_1690 {strides = array<i32>} : memref<4x4x8x128xf32, #tpu.memory_space<vmem>>, vector<1x1x1x16xf32>,
      %add3A_1691 = arith.constant 8 : i32
      %add3A_1692 = arith.addi %add3A_1691, %scan3A_1541 : i32
      %get3A_1693 = arith.index_cast %add3A_1692 : i32 to index
      %get3A_1694 = arith.constant 160 : index
      %get3A_1695 = tpu.vector_load %arg5[%get3A_1693, %get3A_1694] {strides = array<i32>} : memref<32x256xf32, #tpu.memory_space<vmem>>, vector<1x16xf32>,
      %get3A_1696 = vector.shape_cast %get3A_1695 : vector<1x16xf32> to vector<16xf32>
      %swap3A_1697 = arith.constant 1 : i32
      %swap3A_1698 = arith.constant 1 : i32
      %swap3A_1699 = arith.index_cast %swap3A_1697 : i32 to index
      %swap3A_1700 = arith.index_cast %swap3A_1698 : i32 to index
      %swap3A_1701 = arith.index_cast %scan3A_1541 : i32 to index
      %swap3A_1702 = arith.constant 32 : index
      %swap3A_1703 = tpu.vector_load %arg7[%swap3A_1699, %swap3A_1700, %swap3A_1701, %swap3A_1702] {strides = array<i32>} : memref<4x4x8x128xf32, #tpu.memory_space<vmem>>, vector<1x1x1x16xf32>,
      %swap3A_1704 = vector.shape_cast %swap3A_1703 : vector<1x1x1x16xf32> to vector<16xf32>
      %swap3A_1705 = vector.shape_cast %get3A_1696 : vector<16xf32> to vector<1x1x1x16xf32>
      tpu.vector_store %arg7[%swap3A_1699, %swap3A_1700, %swap3A_1701, %swap3A_1702], %swap3A_1705 {strides = array<i32>} : memref<4x4x8x128xf32, #tpu.memory_space<vmem>>, vector<1x1x1x16xf32>,
      %add3A_1706 = arith.constant 8 : i32
      %add3A_1707 = arith.addi %add3A_1706, %scan3A_1541 : i32
      %get3A_1708 = arith.index_cast %add3A_1707 : i32 to index
      %get3A_1709 = arith.constant 176 : index
      %get3A_1710 = tpu.vector_load %arg5[%get3A_1708, %get3A_1709] {strides = array<i32>} : memref<32x256xf32, #tpu.memory_space<vmem>>, vector<1x16xf32>,
      %get3A_1711 = vector.shape_cast %get3A_1710 : vector<1x16xf32> to vector<16xf32>
      %swap3A_1712 = arith.constant 1 : i32
      %swap3A_1713 = arith.constant 1 : i32
      %swap3A_1714 = arith.index_cast %swap3A_1712 : i32 to index
      %swap3A_1715 = arith.index_cast %swap3A_1713 : i32 to index
      %swap3A_1716 = arith.index_cast %scan3A_1541 : i32 to index
      %swap3A_1717 = arith.constant 48 : index
      %swap3A_1718 = tpu.vector_load %arg7[%swap3A_1714, %swap3A_1715, %swap3A_1716, %swap3A_1717] {strides = array<i32>} : memref<4x4x8x128xf32, #tpu.memory_space<vmem>>, vector<1x1x1x16xf32>,
      %swap3A_1719 = vector.shape_cast %swap3A_1718 : vector<1x1x1x16xf32> to vector<16xf32>
      %swap3A_1720 = vector.shape_cast %get3A_1711 : vector<16xf32> to vector<1x1x1x16xf32>
      tpu.vector_store %arg7[%swap3A_1714, %swap3A_1715, %swap3A_1716, %swap3A_1717], %swap3A_1720 {strides = array<i32>} : memref<4x4x8x128xf32, #tpu.memory_space<vmem>>, vector<1x1x1x16xf32>,
      %add3A_1721 = arith.constant 8 : i32
      %add3A_1722 = arith.addi %add3A_1721, %scan3A_1541 : i32
      %get3A_1723 = arith.index_cast %add3A_1722 : i32 to index
      %get3A_1724 = arith.constant 192 : index
      %get3A_1725 = tpu.vector_load %arg5[%get3A_1723, %get3A_1724] {strides = array<i32>} : memref<32x256xf32, #tpu.memory_space<vmem>>, vector<1x16xf32>,
      %get3A_1726 = vector.shape_cast %get3A_1725 : vector<1x16xf32> to vector<16xf32>
      %swap3A_1727 = arith.constant 1 : i32
      %swap3A_1728 = arith.constant 1 : i32
      %swap3A_1729 = arith.index_cast %swap3A_1727 : i32 to index
      %swap3A_1730 = arith.index_cast %swap3A_1728 : i32 to index
      %swap3A_1731 = arith.index_cast %scan3A_1541 : i32 to index
      %swap3A_1732 = arith.constant 64 : index
      %swap3A_1733 = tpu.vector_load %arg7[%swap3A_1729, %swap3A_1730, %swap3A_1731, %swap3A_1732] {strides = array<i32>} : memref<4x4x8x128xf32, #tpu.memory_space<vmem>>, vector<1x1x1x16xf32>,
      %swap3A_1734 = vector.shape_cast %swap3A_1733 : vector<1x1x1x16xf32> to vector<16xf32>
      %swap3A_1735 = vector.shape_cast %get3A_1726 : vector<16xf32> to vector<1x1x1x16xf32>
      tpu.vector_store %arg7[%swap3A_1729, %swap3A_1730, %swap3A_1731, %swap3A_1732], %swap3A_1735 {strides = array<i32>} : memref<4x4x8x128xf32, #tpu.memory_space<vmem>>, vector<1x1x1x16xf32>,
      %add3A_1736 = arith.constant 8 : i32
      %add3A_1737 = arith.addi %add3A_1736, %scan3A_1541 : i32
      %get3A_1738 = arith.index_cast %add3A_1737 : i32 to index
      %get3A_1739 = arith.constant 208 : index
      %get3A_1740 = tpu.vector_load %arg5[%get3A_1738, %get3A_1739] {strides = array<i32>} : memref<32x256xf32, #tpu.memory_space<vmem>>, vector<1x16xf32>,
      %get3A_1741 = vector.shape_cast %get3A_1740 : vector<1x16xf32> to vector<16xf32>
      %swap3A_1742 = arith.constant 1 : i32
      %swap3A_1743 = arith.constant 1 : i32
      %swap3A_1744 = arith.index_cast %swap3A_1742 : i32 to index
      %swap3A_1745 = arith.index_cast %swap3A_1743 : i32 to index
      %swap3A_1746 = arith.index_cast %scan3A_1541 : i32 to index
      %swap3A_1747 = arith.constant 80 : index
      %swap3A_1748 = tpu.vector_load %arg7[%swap3A_1744, %swap3A_1745, %swap3A_1746, %swap3A_1747] {strides = array<i32>} : memref<4x4x8x128xf32, #tpu.memory_space<vmem>>, vector<1x1x1x16xf32>,
      %swap3A_1749 = vector.shape_cast %swap3A_1748 : vector<1x1x1x16xf32> to vector<16xf32>
      %swap3A_1750 = vector.shape_cast %get3A_1741 : vector<16xf32> to vector<1x1x1x16xf32>
      tpu.vector_store %arg7[%swap3A_1744, %swap3A_1745, %swap3A_1746, %swap3A_1747], %swap3A_1750 {strides = array<i32>} : memref<4x4x8x128xf32, #tpu.memory_space<vmem>>, vector<1x1x1x16xf32>,
      %add3A_1751 = arith.constant 8 : i32
      %add3A_1752 = arith.addi %add3A_1751, %scan3A_1541 : i32
      %get3A_1753 = arith.index_cast %add3A_1752 : i32 to index
      %get3A_1754 = arith.constant 224 : index
      %get3A_1755 = tpu.vector_load %arg5[%get3A_1753, %get3A_1754] {strides = array<i32>} : memref<32x256xf32, #tpu.memory_space<vmem>>, vector<1x16xf32>,
      %get3A_1756 = vector.shape_cast %get3A_1755 : vector<1x16xf32> to vector<16xf32>
      %swap3A_1757 = arith.constant 1 : i32
      %swap3A_1758 = arith.constant 1 : i32
      %swap3A_1759 = arith.index_cast %swap3A_1757 : i32 to index
      %swap3A_1760 = arith.index_cast %swap3A_1758 : i32 to index
      %swap3A_1761 = arith.index_cast %scan3A_1541 : i32 to index
      %swap3A_1762 = arith.constant 96 : index
      %swap3A_1763 = tpu.vector_load %arg7[%swap3A_1759, %swap3A_1760, %swap3A_1761, %swap3A_1762] {strides = array<i32>} : memref<4x4x8x128xf32, #tpu.memory_space<vmem>>, vector<1x1x1x16xf32>,
      %swap3A_1764 = vector.shape_cast %swap3A_1763 : vector<1x1x1x16xf32> to vector<16xf32>
      %swap3A_1765 = vector.shape_cast %get3A_1756 : vector<16xf32> to vector<1x1x1x16xf32>
      tpu.vector_store %arg7[%swap3A_1759, %swap3A_1760, %swap3A_1761, %swap3A_1762], %swap3A_1765 {strides = array<i32>} : memref<4x4x8x128xf32, #tpu.memory_space<vmem>>, vector<1x1x1x16xf32>,
      %add3A_1766 = arith.constant 8 : i32
      %add3A_1767 = arith.addi %add3A_1766, %scan3A_1541 : i32
      %get3A_1768 = arith.index_cast %add3A_1767 : i32 to index
      %get3A_1769 = arith.constant 240 : index
      %get3A_1770 = tpu.vector_load %arg5[%get3A_1768, %get3A_1769] {strides = array<i32>} : memref<32x256xf32, #tpu.memory_space<vmem>>, vector<1x16xf32>,
      %get3A_1771 = vector.shape_cast %get3A_1770 : vector<1x16xf32> to vector<16xf32>
      %swap3A_1772 = arith.constant 1 : i32
      %swap3A_1773 = arith.constant 1 : i32
      %swap3A_1774 = arith.index_cast %swap3A_1772 : i32 to index
      %swap3A_1775 = arith.index_cast %swap3A_1773 : i32 to index
      %swap3A_1776 = arith.index_cast %scan3A_1541 : i32 to index
      %swap3A_1777 = arith.constant 112 : index
      %swap3A_1778 = tpu.vector_load %arg7[%swap3A_1774, %swap3A_1775, %swap3A_1776, %swap3A_1777] {strides = array<i32>} : memref<4x4x8x128xf32, #tpu.memory_space<vmem>>, vector<1x1x1x16xf32>,
      %swap3A_1779 = vector.shape_cast %swap3A_1778 : vector<1x1x1x16xf32> to vector<16xf32>
      %swap3A_1780 = vector.shape_cast %get3A_1771 : vector<16xf32> to vector<1x1x1x16xf32>
      tpu.vector_store %arg7[%swap3A_1774, %swap3A_1775, %swap3A_1776, %swap3A_1777], %swap3A_1780 {strides = array<i32>} : memref<4x4x8x128xf32, #tpu.memory_space<vmem>>, vector<1x1x1x16xf32>,
      %swap3A_1781 = arith.constant 1 : i32
      %swap3A_1782 = arith.constant 2 : i32
      %swap3A_1783 = arith.index_cast %swap3A_1781 : i32 to index
      %swap3A_1784 = arith.index_cast %swap3A_1782 : i32 to index
      %swap3A_1785 = arith.index_cast %scan3A_1541 : i32 to index
      %swap3A_1786 = arith.constant 0 : index
      %swap3A_1787 = tpu.vector_load %arg7[%swap3A_1783, %swap3A_1784, %swap3A_1785, %swap3A_1786] {strides = array<i32>} : memref<4x4x8x128xf32, #tpu.memory_space<vmem>>, vector<1x1x1x16xf32>,
      %swap3A_1788 = vector.shape_cast %swap3A_1787 : vector<1x1x1x16xf32> to vector<16xf32>
      %swap3A_1789 = vector.shape_cast %get3A_2 : vector<16xf32> to vector<1x1x1x16xf32>
      tpu.vector_store %arg7[%swap3A_1783, %swap3A_1784, %swap3A_1785, %swap3A_1786], %swap3A_1789 {strides = array<i32>} : memref<4x4x8x128xf32, #tpu.memory_space<vmem>>, vector<1x1x1x16xf32>,
      %swap3A_1790 = arith.constant 1 : i32
      %swap3A_1791 = arith.constant 2 : i32
      %swap3A_1792 = arith.index_cast %swap3A_1790 : i32 to index
      %swap3A_1793 = arith.index_cast %swap3A_1791 : i32 to index
      %swap3A_1794 = arith.index_cast %scan3A_1541 : i32 to index
      %swap3A_1795 = arith.constant 16 : index
      %swap3A_1796 = tpu.vector_load %arg7[%swap3A_1792, %swap3A_1793, %swap3A_1794, %swap3A_1795] {strides = array<i32>} : memref<4x4x8x128xf32, #tpu.memory_space<vmem>>, vector<1x1x1x16xf32>,
      %swap3A_1797 = vector.shape_cast %swap3A_1796 : vector<1x1x1x16xf32> to vector<16xf32>
      %swap3A_1798 = vector.shape_cast %get3A_5 : vector<16xf32> to vector<1x1x1x16xf32>
      tpu.vector_store %arg7[%swap3A_1792, %swap3A_1793, %swap3A_1794, %swap3A_1795], %swap3A_1798 {strides = array<i32>} : memref<4x4x8x128xf32, #tpu.memory_space<vmem>>, vector<1x1x1x16xf32>,
      %swap3A_1799 = arith.constant 1 : i32
      %swap3A_1800 = arith.constant 2 : i32
      %swap3A_1801 = arith.index_cast %swap3A_1799 : i32 to index
      %swap3A_1802 = arith.index_cast %swap3A_1800 : i32 to index
      %swap3A_1803 = arith.index_cast %scan3A_1541 : i32 to index
      %swap3A_1804 = arith.constant 32 : index
      %swap3A_1805 = tpu.vector_load %arg7[%swap3A_1801, %swap3A_1802, %swap3A_1803, %swap3A_1804] {strides = array<i32>} : memref<4x4x8x128xf32, #tpu.memory_space<vmem>>, vector<1x1x1x16xf32>,
      %swap3A_1806 = vector.shape_cast %swap3A_1805 : vector<1x1x1x16xf32> to vector<16xf32>
      %swap3A_1807 = vector.shape_cast %get3A_8 : vector<16xf32> to vector<1x1x1x16xf32>
      tpu.vector_store %arg7[%swap3A_1801, %swap3A_1802, %swap3A_1803, %swap3A_1804], %swap3A_1807 {strides = array<i32>} : memref<4x4x8x128xf32, #tpu.memory_space<vmem>>, vector<1x1x1x16xf32>,
      %swap3A_1808 = arith.constant 1 : i32
      %swap3A_1809 = arith.constant 2 : i32
      %swap3A_1810 = arith.index_cast %swap3A_1808 : i32 to index
      %swap3A_1811 = arith.index_cast %swap3A_1809 : i32 to index
      %swap3A_1812 = arith.index_cast %scan3A_1541 : i32 to index
      %swap3A_1813 = arith.constant 48 : index
      %swap3A_1814 = tpu.vector_load %arg7[%swap3A_1810, %swap3A_1811, %swap3A_1812, %swap3A_1813] {strides = array<i32>} : memref<4x4x8x128xf32, #tpu.memory_space<vmem>>, vector<1x1x1x16xf32>,
      %swap3A_1815 = vector.shape_cast %swap3A_1814 : vector<1x1x1x16xf32> to vector<16xf32>
      %swap3A_1816 = vector.shape_cast %get3A_11 : vector<16xf32> to vector<1x1x1x16xf32>
      tpu.vector_store %arg7[%swap3A_1810, %swap3A_1811, %swap3A_1812, %swap3A_1813], %swap3A_1816 {strides = array<i32>} : memref<4x4x8x128xf32, #tpu.memory_space<vmem>>, vector<1x1x1x16xf32>,
      %swap3A_1817 = arith.constant 1 : i32
      %swap3A_1818 = arith.constant 2 : i32
      %swap3A_1819 = arith.index_cast %swap3A_1817 : i32 to index
      %swap3A_1820 = arith.index_cast %swap3A_1818 : i32 to index
      %swap3A_1821 = arith.index_cast %scan3A_1541 : i32 to index
      %swap3A_1822 = arith.constant 64 : index
      %swap3A_1823 = tpu.vector_load %arg7[%swap3A_1819, %swap3A_1820, %swap3A_1821, %swap3A_1822] {strides = array<i32>} : memref<4x4x8x128xf32, #tpu.memory_space<vmem>>, vector<1x1x1x16xf32>,
      %swap3A_1824 = vector.shape_cast %swap3A_1823 : vector<1x1x1x16xf32> to vector<16xf32>
      %swap3A_1825 = vector.shape_cast %get3A_14 : vector<16xf32> to vector<1x1x1x16xf32>
      tpu.vector_store %arg7[%swap3A_1819, %swap3A_1820, %swap3A_1821, %swap3A_1822], %swap3A_1825 {strides = array<i32>} : memref<4x4x8x128xf32, #tpu.memory_space<vmem>>, vector<1x1x1x16xf32>,
      %swap3A_1826 = arith.constant 1 : i32
      %swap3A_1827 = arith.constant 2 : i32
      %swap3A_1828 = arith.index_cast %swap3A_1826 : i32 to index
      %swap3A_1829 = arith.index_cast %swap3A_1827 : i32 to index
      %swap3A_1830 = arith.index_cast %scan3A_1541 : i32 to index
      %swap3A_1831 = arith.constant 80 : index
      %swap3A_1832 = tpu.vector_load %arg7[%swap3A_1828, %swap3A_1829, %swap3A_1830, %swap3A_1831] {strides = array<i32>} : memref<4x4x8x128xf32, #tpu.memory_space<vmem>>, vector<1x1x1x16xf32>,
      %swap3A_1833 = vector.shape_cast %swap3A_1832 : vector<1x1x1x16xf32> to vector<16xf32>
      %swap3A_1834 = vector.shape_cast %get3A_17 : vector<16xf32> to vector<1x1x1x16xf32>
      tpu.vector_store %arg7[%swap3A_1828, %swap3A_1829, %swap3A_1830, %swap3A_1831], %swap3A_1834 {strides = array<i32>} : memref<4x4x8x128xf32, #tpu.memory_space<vmem>>, vector<1x1x1x16xf32>,
      %swap3A_1835 = arith.constant 1 : i32
      %swap3A_1836 = arith.constant 2 : i32
      %swap3A_1837 = arith.index_cast %swap3A_1835 : i32 to index
      %swap3A_1838 = arith.index_cast %swap3A_1836 : i32 to index
      %swap3A_1839 = arith.index_cast %scan3A_1541 : i32 to index
      %swap3A_1840 = arith.constant 96 : index
      %swap3A_1841 = tpu.vector_load %arg7[%swap3A_1837, %swap3A_1838, %swap3A_1839, %swap3A_1840] {strides = array<i32>} : memref<4x4x8x128xf32, #tpu.memory_space<vmem>>, vector<1x1x1x16xf32>,
      %swap3A_1842 = vector.shape_cast %swap3A_1841 : vector<1x1x1x16xf32> to vector<16xf32>
      %swap3A_1843 = vector.shape_cast %get3A_20 : vector<16xf32> to vector<1x1x1x16xf32>
      tpu.vector_store %arg7[%swap3A_1837, %swap3A_1838, %swap3A_1839, %swap3A_1840], %swap3A_1843 {strides = array<i32>} : memref<4x4x8x128xf32, #tpu.memory_space<vmem>>, vector<1x1x1x16xf32>,
      %swap3A_1844 = arith.constant 1 : i32
      %swap3A_1845 = arith.constant 2 : i32
      %swap3A_1846 = arith.index_cast %swap3A_1844 : i32 to index
      %swap3A_1847 = arith.index_cast %swap3A_1845 : i32 to index
      %swap3A_1848 = arith.index_cast %scan3A_1541 : i32 to index
      %swap3A_1849 = arith.constant 112 : index
      %swap3A_1850 = tpu.vector_load %arg7[%swap3A_1846, %swap3A_1847, %swap3A_1848, %swap3A_1849] {strides = array<i32>} : memref<4x4x8x128xf32, #tpu.memory_space<vmem>>, vector<1x1x1x16xf32>,
      %swap3A_1851 = vector.shape_cast %swap3A_1850 : vector<1x1x1x16xf32> to vector<16xf32>
      %swap3A_1852 = vector.shape_cast %get3A_23 : vector<16xf32> to vector<1x1x1x16xf32>
      tpu.vector_store %arg7[%swap3A_1846, %swap3A_1847, %swap3A_1848, %swap3A_1849], %swap3A_1852 {strides = array<i32>} : memref<4x4x8x128xf32, #tpu.memory_space<vmem>>, vector<1x1x1x16xf32>,
      %swap3A_1853 = arith.constant 1 : i32
      %swap3A_1854 = arith.constant 3 : i32
      %swap3A_1855 = arith.index_cast %swap3A_1853 : i32 to index
      %swap3A_1856 = arith.index_cast %swap3A_1854 : i32 to index
      %swap3A_1857 = arith.index_cast %scan3A_1541 : i32 to index
      %swap3A_1858 = arith.constant 0 : index
      %swap3A_1859 = tpu.vector_load %arg7[%swap3A_1855, %swap3A_1856, %swap3A_1857, %swap3A_1858] {strides = array<i32>} : memref<4x4x8x128xf32, #tpu.memory_space<vmem>>, vector<1x1x1x16xf32>,
      %swap3A_1860 = vector.shape_cast %swap3A_1859 : vector<1x1x1x16xf32> to vector<16xf32>
      %swap3A_1861 = vector.shape_cast %get3A_26 : vector<16xf32> to vector<1x1x1x16xf32>
      tpu.vector_store %arg7[%swap3A_1855, %swap3A_1856, %swap3A_1857, %swap3A_1858], %swap3A_1861 {strides = array<i32>} : memref<4x4x8x128xf32, #tpu.memory_space<vmem>>, vector<1x1x1x16xf32>,
      %swap3A_1862 = arith.constant 1 : i32
      %swap3A_1863 = arith.constant 3 : i32
      %swap3A_1864 = arith.index_cast %swap3A_1862 : i32 to index
      %swap3A_1865 = arith.index_cast %swap3A_1863 : i32 to index
      %swap3A_1866 = arith.index_cast %scan3A_1541 : i32 to index
      %swap3A_1867 = arith.constant 16 : index
      %swap3A_1868 = tpu.vector_load %arg7[%swap3A_1864, %swap3A_1865, %swap3A_1866, %swap3A_1867] {strides = array<i32>} : memref<4x4x8x128xf32, #tpu.memory_space<vmem>>, vector<1x1x1x16xf32>,
      %swap3A_1869 = vector.shape_cast %swap3A_1868 : vector<1x1x1x16xf32> to vector<16xf32>
      %swap3A_1870 = vector.shape_cast %get3A_29 : vector<16xf32> to vector<1x1x1x16xf32>
      tpu.vector_store %arg7[%swap3A_1864, %swap3A_1865, %swap3A_1866, %swap3A_1867], %swap3A_1870 {strides = array<i32>} : memref<4x4x8x128xf32, #tpu.memory_space<vmem>>, vector<1x1x1x16xf32>,
      %swap3A_1871 = arith.constant 1 : i32
      %swap3A_1872 = arith.constant 3 : i32
      %swap3A_1873 = arith.index_cast %swap3A_1871 : i32 to index
      %swap3A_1874 = arith.index_cast %swap3A_1872 : i32 to index
      %swap3A_1875 = arith.index_cast %scan3A_1541 : i32 to index
      %swap3A_1876 = arith.constant 32 : index
      %swap3A_1877 = tpu.vector_load %arg7[%swap3A_1873, %swap3A_1874, %swap3A_1875, %swap3A_1876] {strides = array<i32>} : memref<4x4x8x128xf32, #tpu.memory_space<vmem>>, vector<1x1x1x16xf32>,
      %swap3A_1878 = vector.shape_cast %swap3A_1877 : vector<1x1x1x16xf32> to vector<16xf32>
      %swap3A_1879 = vector.shape_cast %get3A_32 : vector<16xf32> to vector<1x1x1x16xf32>
      tpu.vector_store %arg7[%swap3A_1873, %swap3A_1874, %swap3A_1875, %swap3A_1876], %swap3A_1879 {strides = array<i32>} : memref<4x4x8x128xf32, #tpu.memory_space<vmem>>, vector<1x1x1x16xf32>,
      %swap3A_1880 = arith.constant 1 : i32
      %swap3A_1881 = arith.constant 3 : i32
      %swap3A_1882 = arith.index_cast %swap3A_1880 : i32 to index
      %swap3A_1883 = arith.index_cast %swap3A_1881 : i32 to index
      %swap3A_1884 = arith.index_cast %scan3A_1541 : i32 to index
      %swap3A_1885 = arith.constant 48 : index
      %swap3A_1886 = tpu.vector_load %arg7[%swap3A_1882, %swap3A_1883, %swap3A_1884, %swap3A_1885] {strides = array<i32>} : memref<4x4x8x128xf32, #tpu.memory_space<vmem>>, vector<1x1x1x16xf32>,
      %swap3A_1887 = vector.shape_cast %swap3A_1886 : vector<1x1x1x16xf32> to vector<16xf32>
      %swap3A_1888 = vector.shape_cast %get3A_35 : vector<16xf32> to vector<1x1x1x16xf32>
      tpu.vector_store %arg7[%swap3A_1882, %swap3A_1883, %swap3A_1884, %swap3A_1885], %swap3A_1888 {strides = array<i32>} : memref<4x4x8x128xf32, #tpu.memory_space<vmem>>, vector<1x1x1x16xf32>,
      %swap3A_1889 = arith.constant 1 : i32
      %swap3A_1890 = arith.constant 3 : i32
      %swap3A_1891 = arith.index_cast %swap3A_1889 : i32 to index
      %swap3A_1892 = arith.index_cast %swap3A_1890 : i32 to index
      %swap3A_1893 = arith.index_cast %scan3A_1541 : i32 to index
      %swap3A_1894 = arith.constant 64 : index
      %swap3A_1895 = tpu.vector_load %arg7[%swap3A_1891, %swap3A_1892, %swap3A_1893, %swap3A_1894] {strides = array<i32>} : memref<4x4x8x128xf32, #tpu.memory_space<vmem>>, vector<1x1x1x16xf32>,
      %swap3A_1896 = vector.shape_cast %swap3A_1895 : vector<1x1x1x16xf32> to vector<16xf32>
      %swap3A_1897 = vector.shape_cast %get3A_38 : vector<16xf32> to vector<1x1x1x16xf32>
      tpu.vector_store %arg7[%swap3A_1891, %swap3A_1892, %swap3A_1893, %swap3A_1894], %swap3A_1897 {strides = array<i32>} : memref<4x4x8x128xf32, #tpu.memory_space<vmem>>, vector<1x1x1x16xf32>,
      %swap3A_1898 = arith.constant 1 : i32
      %swap3A_1899 = arith.constant 3 : i32
      %swap3A_1900 = arith.index_cast %swap3A_1898 : i32 to index
      %swap3A_1901 = arith.index_cast %swap3A_1899 : i32 to index
      %swap3A_1902 = arith.index_cast %scan3A_1541 : i32 to index
      %swap3A_1903 = arith.constant 80 : index
      %swap3A_1904 = tpu.vector_load %arg7[%swap3A_1900, %swap3A_1901, %swap3A_1902, %swap3A_1903] {strides = array<i32>} : memref<4x4x8x128xf32, #tpu.memory_space<vmem>>, vector<1x1x1x16xf32>,
      %swap3A_1905 = vector.shape_cast %swap3A_1904 : vector<1x1x1x16xf32> to vector<16xf32>
      %swap3A_1906 = vector.shape_cast %get3A_41 : vector<16xf32> to vector<1x1x1x16xf32>
      tpu.vector_store %arg7[%swap3A_1900, %swap3A_1901, %swap3A_1902, %swap3A_1903], %swap3A_1906 {strides = array<i32>} : memref<4x4x8x128xf32, #tpu.memory_space<vmem>>, vector<1x1x1x16xf32>,
      %swap3A_1907 = arith.constant 1 : i32
      %swap3A_1908 = arith.constant 3 : i32
      %swap3A_1909 = arith.index_cast %swap3A_1907 : i32 to index
      %swap3A_1910 = arith.index_cast %swap3A_1908 : i32 to index
      %swap3A_1911 = arith.index_cast %scan3A_1541 : i32 to index
      %swap3A_1912 = arith.constant 96 : index
      %swap3A_1913 = tpu.vector_load %arg7[%swap3A_1909, %swap3A_1910, %swap3A_1911, %swap3A_1912] {strides = array<i32>} : memref<4x4x8x128xf32, #tpu.memory_space<vmem>>, vector<1x1x1x16xf32>,
      %swap3A_1914 = vector.shape_cast %swap3A_1913 : vector<1x1x1x16xf32> to vector<16xf32>
      %swap3A_1915 = vector.shape_cast %get3A_44 : vector<16xf32> to vector<1x1x1x16xf32>
      tpu.vector_store %arg7[%swap3A_1909, %swap3A_1910, %swap3A_1911, %swap3A_1912], %swap3A_1915 {strides = array<i32>} : memref<4x4x8x128xf32, #tpu.memory_space<vmem>>, vector<1x1x1x16xf32>,
      %swap3A_1916 = arith.constant 1 : i32
      %swap3A_1917 = arith.constant 3 : i32
      %swap3A_1918 = arith.index_cast %swap3A_1916 : i32 to index
      %swap3A_1919 = arith.index_cast %swap3A_1917 : i32 to index
      %swap3A_1920 = arith.index_cast %scan3A_1541 : i32 to index
      %swap3A_1921 = arith.constant 112 : index
      %swap3A_1922 = tpu.vector_load %arg7[%swap3A_1918, %swap3A_1919, %swap3A_1920, %swap3A_1921] {strides = array<i32>} : memref<4x4x8x128xf32, #tpu.memory_space<vmem>>, vector<1x1x1x16xf32>,
      %swap3A_1923 = vector.shape_cast %swap3A_1922 : vector<1x1x1x16xf32> to vector<16xf32>
      %swap3A_1924 = vector.shape_cast %get3A_47 : vector<16xf32> to vector<1x1x1x16xf32>
      tpu.vector_store %arg7[%swap3A_1918, %swap3A_1919, %swap3A_1920, %swap3A_1921], %swap3A_1924 {strides = array<i32>} : memref<4x4x8x128xf32, #tpu.memory_space<vmem>>, vector<1x1x1x16xf32>,
    }
    %scan3A_241 = arith.constant 8 : i32
    %dma_start3A_242 = arith.constant 1 : i32
    %dma_start3A_243 = arith.constant 0 : i32
    %dma_start3A_244 = arith.constant 1 : i32
    %dma_start3A_245 = arith.constant 0 : i32
    %dma_start3A_246 = arith.constant 0 : i32
    %dma_start3A_247 = arith.constant 0 : i32
    %dma_start3A_248 = tpu.memref_slice %arg7[%dma_start3A_242, %dma_start3A_245, %dma_start3A_246, %dma_start3A_247] : memref<4x4x8x128xf32, #tpu.memory_space<vmem>> -> memref<1x4x8x128xf32, #tpu.memory_space<vmem>>
    %dma_start3A_249 = tpu.memref_squeeze %dma_start3A_248 : memref<1x4x8x128xf32, #tpu.memory_space<vmem>> -> memref<4x8x128xf32, #tpu.memory_space<vmem>>
    %dma_start3A_250 = arith.constant 0 : i32
    %dma_start3A_251 = arith.constant 0 : i32
    %dma_start3A_252 = arith.constant 0 : i32
    %dma_start3A_253 = tpu.memref_slice %arg4[%dma_start3A_243, %add3A, %dma_start3A_244, %dma_start3A_250, %dma_start3A_251, %dma_start3A_252] : memref<8x32x4x4x8x128xf32, #tpu.memory_space<hbm>> -> memref<1x1x1x4x8x128xf32, #tpu.memory_space<hbm>>
    %dma_start3A_254 = tpu.memref_squeeze %dma_start3A_253 : memref<1x1x1x4x8x128xf32, #tpu.memory_space<hbm>> -> memref<4x8x128xf32, #tpu.memory_space<hbm>>
    %dma_start3A_255 = arith.constant 0 : i32
    %dma_start3A_256 = arith.constant 0 : i32
    %dma_start3A_257 = arith.constant 0 : i32
    %dma_start3A_258 = tpu.memref_slice %arg4[%dma_start3A_243, %add3A, %dma_start3A_244, %dma_start3A_255, %dma_start3A_256, %dma_start3A_257] : memref<8x32x4x4x8x128xf32, #tpu.memory_space<hbm>> -> memref<1x1x1x4x8x128xf32, #tpu.memory_space<hbm>>
    %dma_start3A_259 = tpu.memref_squeeze %dma_start3A_258 : memref<1x1x1x4x8x128xf32, #tpu.memory_space<hbm>> -> memref<4x8x128xf32, #tpu.memory_space<hbm>>
    %dma_start3A_260 = arith.constant 0 : i32
    %dma_start3A_261 = arith.constant 0 : i32
    %dma_start3A_262 = arith.constant 0 : i32
    %dma_start3A_263 = tpu.memref_slice %arg7[%dma_start3A_242, %dma_start3A_260, %dma_start3A_261, %dma_start3A_262] : memref<4x4x8x128xf32, #tpu.memory_space<vmem>> -> memref<1x4x8x128xf32, #tpu.memory_space<vmem>>
    %dma_start3A_264 = tpu.memref_squeeze %dma_start3A_263 : memref<1x4x8x128xf32, #tpu.memory_space<vmem>> -> memref<4x8x128xf32, #tpu.memory_space<vmem>>
    tpu.enqueue_dma source(%dma_start3A_264 : memref<4x8x128xf32, #tpu.memory_space<vmem>>) target(%dma_start3A_259 : memref<4x8x128xf32, #tpu.memory_space<hbm>>) target_semaphore(%arg8 : memref<!tpu.dma_semaphore, #tpu.memory_space<semaphore_mem>>)
    %dma_start3A_265 = arith.constant 1 : i32
    %dma_start3A_266 = arith.constant 1 : i32
    %dma_start3A_267 = arith.constant 1 : i32
    %dma_start3A_268 = arith.constant 0 : i32
    %dma_start3A_269 = arith.constant 0 : i32
    %dma_start3A_270 = arith.constant 0 : i32
    %dma_start3A_271 = tpu.memref_slice %arg7[%dma_start3A_265, %dma_start3A_268, %dma_start3A_269, %dma_start3A_270] : memref<4x4x8x128xf32, #tpu.memory_space<vmem>> -> memref<1x4x8x128xf32, #tpu.memory_space<vmem>>
    %dma_start3A_272 = tpu.memref_squeeze %dma_start3A_271 : memref<1x4x8x128xf32, #tpu.memory_space<vmem>> -> memref<4x8x128xf32, #tpu.memory_space<vmem>>
    %dma_start3A_273 = arith.constant 0 : i32
    %dma_start3A_274 = arith.constant 0 : i32
    %dma_start3A_275 = arith.constant 0 : i32
    %dma_start3A_276 = tpu.memref_slice %arg4[%dma_start3A_266, %add3A, %dma_start3A_267, %dma_start3A_273, %dma_start3A_274, %dma_start3A_275] : memref<8x32x4x4x8x128xf32, #tpu.memory_space<hbm>> -> memref<1x1x1x4x8x128xf32, #tpu.memory_space<hbm>>
    %dma_start3A_277 = tpu.memref_squeeze %dma_start3A_276 : memref<1x1x1x4x8x128xf32, #tpu.memory_space<hbm>> -> memref<4x8x128xf32, #tpu.memory_space<hbm>>
    %dma_start3A_278 = arith.constant 0 : i32
    %dma_start3A_279 = arith.constant 0 : i32
    %dma_start3A_280 = arith.constant 0 : i32
    %dma_start3A_281 = tpu.memref_slice %arg4[%dma_start3A_266, %add3A, %dma_start3A_267, %dma_start3A_278, %dma_start3A_279, %dma_start3A_280] : memref<8x32x4x4x8x128xf32, #tpu.memory_space<hbm>> -> memref<1x1x1x4x8x128xf32, #tpu.memory_space<hbm>>
    %dma_start3A_282 = tpu.memref_squeeze %dma_start3A_281 : memref<1x1x1x4x8x128xf32, #tpu.memory_space<hbm>> -> memref<4x8x128xf32, #tpu.memory_space<hbm>>
    %dma_start3A_283 = arith.constant 0 : i32
    %dma_start3A_284 = arith.constant 0 : i32
    %dma_start3A_285 = arith.constant 0 : i32
    %dma_start3A_286 = tpu.memref_slice %arg7[%dma_start3A_265, %dma_start3A_283, %dma_start3A_284, %dma_start3A_285] : memref<4x4x8x128xf32, #tpu.memory_space<vmem>> -> memref<1x4x8x128xf32, #tpu.memory_space<vmem>>
    %dma_start3A_287 = tpu.memref_squeeze %dma_start3A_286 : memref<1x4x8x128xf32, #tpu.memory_space<vmem>> -> memref<4x8x128xf32, #tpu.memory_space<vmem>>
    tpu.enqueue_dma source(%dma_start3A_287 : memref<4x8x128xf32, #tpu.memory_space<vmem>>) target(%dma_start3A_282 : memref<4x8x128xf32, #tpu.memory_space<hbm>>) target_semaphore(%arg8 : memref<!tpu.dma_semaphore, #tpu.memory_space<semaphore_mem>>)
    %dma_start3A_288 = arith.constant 1 : i32
    %dma_start3A_289 = arith.constant 2 : i32
    %dma_start3A_290 = arith.constant 1 : i32
    %dma_start3A_291 = arith.constant 0 : i32
    %dma_start3A_292 = arith.constant 0 : i32
    %dma_start3A_293 = arith.constant 0 : i32
    %dma_start3A_294 = tpu.memref_slice %arg7[%dma_start3A_288, %dma_start3A_291, %dma_start3A_292, %dma_start3A_293] : memref<4x4x8x128xf32, #tpu.memory_space<vmem>> -> memref<1x4x8x128xf32, #tpu.memory_space<vmem>>
    %dma_start3A_295 = tpu.memref_squeeze %dma_start3A_294 : memref<1x4x8x128xf32, #tpu.memory_space<vmem>> -> memref<4x8x128xf32, #tpu.memory_space<vmem>>
    %dma_start3A_296 = arith.constant 0 : i32
    %dma_start3A_297 = arith.constant 0 : i32
    %dma_start3A_298 = arith.constant 0 : i32
    %dma_start3A_299 = tpu.memref_slice %arg4[%dma_start3A_289, %add3A, %dma_start3A_290, %dma_start3A_296, %dma_start3A_297, %dma_start3A_298] : memref<8x32x4x4x8x128xf32, #tpu.memory_space<hbm>> -> memref<1x1x1x4x8x128xf32, #tpu.memory_space<hbm>>
    %dma_start3A_300 = tpu.memref_squeeze %dma_start3A_299 : memref<1x1x1x4x8x128xf32, #tpu.memory_space<hbm>> -> memref<4x8x128xf32, #tpu.memory_space<hbm>>
    %dma_start3A_301 = arith.constant 0 : i32
    %dma_start3A_302 = arith.constant 0 : i32
    %dma_start3A_303 = arith.constant 0 : i32
    %dma_start3A_304 = tpu.memref_slice %arg4[%dma_start3A_289, %add3A, %dma_start3A_290, %dma_start3A_301, %dma_start3A_302, %dma_start3A_303] : memref<8x32x4x4x8x128xf32, #tpu.memory_space<hbm>> -> memref<1x1x1x4x8x128xf32, #tpu.memory_space<hbm>>
    %dma_start3A_305 = tpu.memref_squeeze %dma_start3A_304 : memref<1x1x1x4x8x128xf32, #tpu.memory_space<hbm>> -> memref<4x8x128xf32, #tpu.memory_space<hbm>>
    %dma_start3A_306 = arith.constant 0 : i32
    %dma_start3A_307 = arith.constant 0 : i32
    %dma_start3A_308 = arith.constant 0 : i32
    %dma_start3A_309 = tpu.memref_slice %arg7[%dma_start3A_288, %dma_start3A_306, %dma_start3A_307, %dma_start3A_308] : memref<4x4x8x128xf32, #tpu.memory_space<vmem>> -> memref<1x4x8x128xf32, #tpu.memory_space<vmem>>
    %dma_start3A_310 = tpu.memref_squeeze %dma_start3A_309 : memref<1x4x8x128xf32, #tpu.memory_space<vmem>> -> memref<4x8x128xf32, #tpu.memory_space<vmem>>
    tpu.enqueue_dma source(%dma_start3A_310 : memref<4x8x128xf32, #tpu.memory_space<vmem>>) target(%dma_start3A_305 : memref<4x8x128xf32, #tpu.memory_space<hbm>>) target_semaphore(%arg8 : memref<!tpu.dma_semaphore, #tpu.memory_space<semaphore_mem>>)
    %dma_start3A_311 = arith.constant 1 : i32
    %dma_start3A_312 = arith.constant 3 : i32
    %dma_start3A_313 = arith.constant 1 : i32
    %dma_start3A_314 = arith.constant 0 : i32
    %dma_start3A_315 = arith.constant 0 : i32
    %dma_start3A_316 = arith.constant 0 : i32
    %dma_start3A_317 = tpu.memref_slice %arg7[%dma_start3A_311, %dma_start3A_314, %dma_start3A_315, %dma_start3A_316] : memref<4x4x8x128xf32, #tpu.memory_space<vmem>> -> memref<1x4x8x128xf32, #tpu.memory_space<vmem>>
    %dma_start3A_318 = tpu.memref_squeeze %dma_start3A_317 : memref<1x4x8x128xf32, #tpu.memory_space<vmem>> -> memref<4x8x128xf32, #tpu.memory_space<vmem>>
    %dma_start3A_319 = arith.constant 0 : i32
    %dma_start3A_320 = arith.constant 0 : i32
    %dma_start3A_321 = arith.constant 0 : i32
    %dma_start3A_322 = tpu.memref_slice %arg4[%dma_start3A_312, %add3A, %dma_start3A_313, %dma_start3A_319, %dma_start3A_320, %dma_start3A_321] : memref<8x32x4x4x8x128xf32, #tpu.memory_space<hbm>> -> memref<1x1x1x4x8x128xf32, #tpu.memory_space<hbm>>
    %dma_start3A_323 = tpu.memref_squeeze %dma_start3A_322 : memref<1x1x1x4x8x128xf32, #tpu.memory_space<hbm>> -> memref<4x8x128xf32, #tpu.memory_space<hbm>>
    %dma_start3A_324 = arith.constant 0 : i32
    %dma_start3A_325 = arith.constant 0 : i32
    %dma_start3A_326 = arith.constant 0 : i32
    %dma_start3A_327 = tpu.memref_slice %arg4[%dma_start3A_312, %add3A, %dma_start3A_313, %dma_start3A_324, %dma_start3A_325, %dma_start3A_326] : memref<8x32x4x4x8x128xf32, #tpu.memory_space<hbm>> -> memref<1x1x1x4x8x128xf32, #tpu.memory_space<hbm>>
    %dma_start3A_328 = tpu.memref_squeeze %dma_start3A_327 : memref<1x1x1x4x8x128xf32, #tpu.memory_space<hbm>> -> memref<4x8x128xf32, #tpu.memory_space<hbm>>
    %dma_start3A_329 = arith.constant 0 : i32
    %dma_start3A_330 = arith.constant 0 : i32
    %dma_start3A_331 = arith.constant 0 : i32
    %dma_start3A_332 = tpu.memref_slice %arg7[%dma_start3A_311, %dma_start3A_329, %dma_start3A_330, %dma_start3A_331] : memref<4x4x8x128xf32, #tpu.memory_space<vmem>> -> memref<1x4x8x128xf32, #tpu.memory_space<vmem>>
    %dma_start3A_333 = tpu.memref_squeeze %dma_start3A_332 : memref<1x4x8x128xf32, #tpu.memory_space<vmem>> -> memref<4x8x128xf32, #tpu.memory_space<vmem>>
    tpu.enqueue_dma source(%dma_start3A_333 : memref<4x8x128xf32, #tpu.memory_space<vmem>>) target(%dma_start3A_328 : memref<4x8x128xf32, #tpu.memory_space<hbm>>) target_semaphore(%arg8 : memref<!tpu.dma_semaphore, #tpu.memory_space<semaphore_mem>>)
    %dma_start3A_334 = arith.constant 1 : i32
    %dma_start3A_335 = arith.constant 4 : i32
    %dma_start3A_336 = arith.constant 1 : i32
    %dma_start3A_337 = arith.constant 0 : i32
    %dma_start3A_338 = arith.constant 0 : i32
    %dma_start3A_339 = arith.constant 0 : i32
    %dma_start3A_340 = tpu.memref_slice %arg7[%dma_start3A_334, %dma_start3A_337, %dma_start3A_338, %dma_start3A_339] : memref<4x4x8x128xf32, #tpu.memory_space<vmem>> -> memref<1x4x8x128xf32, #tpu.memory_space<vmem>>
    %dma_start3A_341 = tpu.memref_squeeze %dma_start3A_340 : memref<1x4x8x128xf32, #tpu.memory_space<vmem>> -> memref<4x8x128xf32, #tpu.memory_space<vmem>>
    %dma_start3A_342 = arith.constant 0 : i32
    %dma_start3A_343 = arith.constant 0 : i32
    %dma_start3A_344 = arith.constant 0 : i32
    %dma_start3A_345 = tpu.memref_slice %arg4[%dma_start3A_335, %add3A, %dma_start3A_336, %dma_start3A_342, %dma_start3A_343, %dma_start3A_344] : memref<8x32x4x4x8x128xf32, #tpu.memory_space<hbm>> -> memref<1x1x1x4x8x128xf32, #tpu.memory_space<hbm>>
    %dma_start3A_346 = tpu.memref_squeeze %dma_start3A_345 : memref<1x1x1x4x8x128xf32, #tpu.memory_space<hbm>> -> memref<4x8x128xf32, #tpu.memory_space<hbm>>
    %dma_start3A_347 = arith.constant 0 : i32
    %dma_start3A_348 = arith.constant 0 : i32
    %dma_start3A_349 = arith.constant 0 : i32
    %dma_start3A_350 = tpu.memref_slice %arg4[%dma_start3A_335, %add3A, %dma_start3A_336, %dma_start3A_347, %dma_start3A_348, %dma_start3A_349] : memref<8x32x4x4x8x128xf32, #tpu.memory_space<hbm>> -> memref<1x1x1x4x8x128xf32, #tpu.memory_space<hbm>>
    %dma_start3A_351 = tpu.memref_squeeze %dma_start3A_350 : memref<1x1x1x4x8x128xf32, #tpu.memory_space<hbm>> -> memref<4x8x128xf32, #tpu.memory_space<hbm>>
    %dma_start3A_352 = arith.constant 0 : i32
    %dma_start3A_353 = arith.constant 0 : i32
    %dma_start3A_354 = arith.constant 0 : i32
    %dma_start3A_355 = tpu.memref_slice %arg7[%dma_start3A_334, %dma_start3A_352, %dma_start3A_353, %dma_start3A_354] : memref<4x4x8x128xf32, #tpu.memory_space<vmem>> -> memref<1x4x8x128xf32, #tpu.memory_space<vmem>>
    %dma_start3A_356 = tpu.memref_squeeze %dma_start3A_355 : memref<1x4x8x128xf32, #tpu.memory_space<vmem>> -> memref<4x8x128xf32, #tpu.memory_space<vmem>>
    tpu.enqueue_dma source(%dma_start3A_356 : memref<4x8x128xf32, #tpu.memory_space<vmem>>) target(%dma_start3A_351 : memref<4x8x128xf32, #tpu.memory_space<hbm>>) target_semaphore(%arg8 : memref<!tpu.dma_semaphore, #tpu.memory_space<semaphore_mem>>)
    %dma_start3A_357 = arith.constant 1 : i32
    %dma_start3A_358 = arith.constant 5 : i32
    %dma_start3A_359 = arith.constant 1 : i32
    %dma_start3A_360 = arith.constant 0 : i32
    %dma_start3A_361 = arith.constant 0 : i32
    %dma_start3A_362 = arith.constant 0 : i32
    %dma_start3A_363 = tpu.memref_slice %arg7[%dma_start3A_357, %dma_start3A_360, %dma_start3A_361, %dma_start3A_362] : memref<4x4x8x128xf32, #tpu.memory_space<vmem>> -> memref<1x4x8x128xf32, #tpu.memory_space<vmem>>
    %dma_start3A_364 = tpu.memref_squeeze %dma_start3A_363 : memref<1x4x8x128xf32, #tpu.memory_space<vmem>> -> memref<4x8x128xf32, #tpu.memory_space<vmem>>
    %dma_start3A_365 = arith.constant 0 : i32
    %dma_start3A_366 = arith.constant 0 : i32
    %dma_start3A_367 = arith.constant 0 : i32
    %dma_start3A_368 = tpu.memref_slice %arg4[%dma_start3A_358, %add3A, %dma_start3A_359, %dma_start3A_365, %dma_start3A_366, %dma_start3A_367] : memref<8x32x4x4x8x128xf32, #tpu.memory_space<hbm>> -> memref<1x1x1x4x8x128xf32, #tpu.memory_space<hbm>>
    %dma_start3A_369 = tpu.memref_squeeze %dma_start3A_368 : memref<1x1x1x4x8x128xf32, #tpu.memory_space<hbm>> -> memref<4x8x128xf32, #tpu.memory_space<hbm>>
    %dma_start3A_370 = arith.constant 0 : i32
    %dma_start3A_371 = arith.constant 0 : i32
    %dma_start3A_372 = arith.constant 0 : i32
    %dma_start3A_373 = tpu.memref_slice %arg4[%dma_start3A_358, %add3A, %dma_start3A_359, %dma_start3A_370, %dma_start3A_371, %dma_start3A_372] : memref<8x32x4x4x8x128xf32, #tpu.memory_space<hbm>> -> memref<1x1x1x4x8x128xf32, #tpu.memory_space<hbm>>
    %dma_start3A_374 = tpu.memref_squeeze %dma_start3A_373 : memref<1x1x1x4x8x128xf32, #tpu.memory_space<hbm>> -> memref<4x8x128xf32, #tpu.memory_space<hbm>>
    %dma_start3A_375 = arith.constant 0 : i32
    %dma_start3A_376 = arith.constant 0 : i32
    %dma_start3A_377 = arith.constant 0 : i32
    %dma_start3A_378 = tpu.memref_slice %arg7[%dma_start3A_357, %dma_start3A_375, %dma_start3A_376, %dma_start3A_377] : memref<4x4x8x128xf32, #tpu.memory_space<vmem>> -> memref<1x4x8x128xf32, #tpu.memory_space<vmem>>
    %dma_start3A_379 = tpu.memref_squeeze %dma_start3A_378 : memref<1x4x8x128xf32, #tpu.memory_space<vmem>> -> memref<4x8x128xf32, #tpu.memory_space<vmem>>
    tpu.enqueue_dma source(%dma_start3A_379 : memref<4x8x128xf32, #tpu.memory_space<vmem>>) target(%dma_start3A_374 : memref<4x8x128xf32, #tpu.memory_space<hbm>>) target_semaphore(%arg8 : memref<!tpu.dma_semaphore, #tpu.memory_space<semaphore_mem>>)
    %dma_start3A_380 = arith.constant 1 : i32
    %dma_start3A_381 = arith.constant 6 : i32
    %dma_start3A_382 = arith.constant 1 : i32
    %dma_start3A_383 = arith.constant 0 : i32
    %dma_start3A_384 = arith.constant 0 : i32
    %dma_start3A_385 = arith.constant 0 : i32
    %dma_start3A_386 = tpu.memref_slice %arg7[%dma_start3A_380, %dma_start3A_383, %dma_start3A_384, %dma_start3A_385] : memref<4x4x8x128xf32, #tpu.memory_space<vmem>> -> memref<1x4x8x128xf32, #tpu.memory_space<vmem>>
    %dma_start3A_387 = tpu.memref_squeeze %dma_start3A_386 : memref<1x4x8x128xf32, #tpu.memory_space<vmem>> -> memref<4x8x128xf32, #tpu.memory_space<vmem>>
    %dma_start3A_388 = arith.constant 0 : i32
    %dma_start3A_389 = arith.constant 0 : i32
    %dma_start3A_390 = arith.constant 0 : i32
    %dma_start3A_391 = tpu.memref_slice %arg4[%dma_start3A_381, %add3A, %dma_start3A_382, %dma_start3A_388, %dma_start3A_389, %dma_start3A_390] : memref<8x32x4x4x8x128xf32, #tpu.memory_space<hbm>> -> memref<1x1x1x4x8x128xf32, #tpu.memory_space<hbm>>
    %dma_start3A_392 = tpu.memref_squeeze %dma_start3A_391 : memref<1x1x1x4x8x128xf32, #tpu.memory_space<hbm>> -> memref<4x8x128xf32, #tpu.memory_space<hbm>>
    %dma_start3A_393 = arith.constant 0 : i32
    %dma_start3A_394 = arith.constant 0 : i32
    %dma_start3A_395 = arith.constant 0 : i32
    %dma_start3A_396 = tpu.memref_slice %arg4[%dma_start3A_381, %add3A, %dma_start3A_382, %dma_start3A_393, %dma_start3A_394, %dma_start3A_395] : memref<8x32x4x4x8x128xf32, #tpu.memory_space<hbm>> -> memref<1x1x1x4x8x128xf32, #tpu.memory_space<hbm>>
    %dma_start3A_397 = tpu.memref_squeeze %dma_start3A_396 : memref<1x1x1x4x8x128xf32, #tpu.memory_space<hbm>> -> memref<4x8x128xf32, #tpu.memory_space<hbm>>
    %dma_start3A_398 = arith.constant 0 : i32
    %dma_start3A_399 = arith.constant 0 : i32
    %dma_start3A_400 = arith.constant 0 : i32
    %dma_start3A_401 = tpu.memref_slice %arg7[%dma_start3A_380, %dma_start3A_398, %dma_start3A_399, %dma_start3A_400] : memref<4x4x8x128xf32, #tpu.memory_space<vmem>> -> memref<1x4x8x128xf32, #tpu.memory_space<vmem>>
    %dma_start3A_402 = tpu.memref_squeeze %dma_start3A_401 : memref<1x4x8x128xf32, #tpu.memory_space<vmem>> -> memref<4x8x128xf32, #tpu.memory_space<vmem>>
    tpu.enqueue_dma source(%dma_start3A_402 : memref<4x8x128xf32, #tpu.memory_space<vmem>>) target(%dma_start3A_397 : memref<4x8x128xf32, #tpu.memory_space<hbm>>) target_semaphore(%arg8 : memref<!tpu.dma_semaphore, #tpu.memory_space<semaphore_mem>>)
    %dma_start3A_403 = arith.constant 1 : i32
    %dma_start3A_404 = arith.constant 7 : i32
    %dma_start3A_405 = arith.constant 1 : i32
    %dma_start3A_406 = arith.constant 0 : i32
    %dma_start3A_407 = arith.constant 0 : i32
    %dma_start3A_408 = arith.constant 0 : i32
    %dma_start3A_409 = tpu.memref_slice %arg7[%dma_start3A_403, %dma_start3A_406, %dma_start3A_407, %dma_start3A_408] : memref<4x4x8x128xf32, #tpu.memory_space<vmem>> -> memref<1x4x8x128xf32, #tpu.memory_space<vmem>>
    %dma_start3A_410 = tpu.memref_squeeze %dma_start3A_409 : memref<1x4x8x128xf32, #tpu.memory_space<vmem>> -> memref<4x8x128xf32, #tpu.memory_space<vmem>>
    %dma_start3A_411 = arith.constant 0 : i32
    %dma_start3A_412 = arith.constant 0 : i32
    %dma_start3A_413 = arith.constant 0 : i32
    %dma_start3A_414 = tpu.memref_slice %arg4[%dma_start3A_404, %add3A, %dma_start3A_405, %dma_start3A_411, %dma_start3A_412, %dma_start3A_413] : memref<8x32x4x4x8x128xf32, #tpu.memory_space<hbm>> -> memref<1x1x1x4x8x128xf32, #tpu.memory_space<hbm>>
    %dma_start3A_415 = tpu.memref_squeeze %dma_start3A_414 : memref<1x1x1x4x8x128xf32, #tpu.memory_space<hbm>> -> memref<4x8x128xf32, #tpu.memory_space<hbm>>
    %dma_start3A_416 = arith.constant 0 : i32
    %dma_start3A_417 = arith.constant 0 : i32
    %dma_start3A_418 = arith.constant 0 : i32
    %dma_start3A_419 = tpu.memref_slice %arg4[%dma_start3A_404, %add3A, %dma_start3A_405, %dma_start3A_416, %dma_start3A_417, %dma_start3A_418] : memref<8x32x4x4x8x128xf32, #tpu.memory_space<hbm>> -> memref<1x1x1x4x8x128xf32, #tpu.memory_space<hbm>>
    %dma_start3A_420 = tpu.memref_squeeze %dma_start3A_419 : memref<1x1x1x4x8x128xf32, #tpu.memory_space<hbm>> -> memref<4x8x128xf32, #tpu.memory_space<hbm>>
    %dma_start3A_421 = arith.constant 0 : i32
    %dma_start3A_422 = arith.constant 0 : i32
    %dma_start3A_423 = arith.constant 0 : i32
    %dma_start3A_424 = tpu.memref_slice %arg7[%dma_start3A_403, %dma_start3A_421, %dma_start3A_422, %dma_start3A_423] : memref<4x4x8x128xf32, #tpu.memory_space<vmem>> -> memref<1x4x8x128xf32, #tpu.memory_space<vmem>>
    %dma_start3A_425 = tpu.memref_squeeze %dma_start3A_424 : memref<1x4x8x128xf32, #tpu.memory_space<vmem>> -> memref<4x8x128xf32, #tpu.memory_space<vmem>>
    tpu.enqueue_dma source(%dma_start3A_425 : memref<4x8x128xf32, #tpu.memory_space<vmem>>) target(%dma_start3A_420 : memref<4x8x128xf32, #tpu.memory_space<hbm>>) target_semaphore(%arg8 : memref<!tpu.dma_semaphore, #tpu.memory_space<semaphore_mem>>)
    %scan3A_426 = arith.constant 0 : i32
    %scan3A_427 = arith.constant 0 : i32
    %scan3A_428 = arith.constant 8 : i32
    %scan3A_429 = arith.addi %scan3A_427, %scan3A_428 : i32
    %scan3A_430 = arith.constant 1 : i32
    scf.for %scan3A_1541 = %scan3A_427 to %scan3A_429 step %scan3A_430  : i32 {
      %add3A_1542 = arith.constant 16 : i32
      %add3A_1543 = arith.addi %add3A_1542, %scan3A_1541 : i32
      %get3A_1544 = arith.index_cast %add3A_1543 : i32 to index
      %get3A_1545 = arith.constant 0 : index
      %get3A_1546 = tpu.vector_load %arg5[%get3A_1544, %get3A_1545] {strides = array<i32>} : memref<32x256xf32, #tpu.memory_space<vmem>>, vector<1x16xf32>,
      %get3A_1547 = vector.shape_cast %get3A_1546 : vector<1x16xf32> to vector<16xf32>
      %swap3A = arith.constant 2 : i32
      %swap3A_1548 = arith.constant 0 : i32
      %swap3A_1549 = arith.index_cast %swap3A : i32 to index
      %swap3A_1550 = arith.index_cast %swap3A_1548 : i32 to index
      %swap3A_1551 = arith.index_cast %scan3A_1541 : i32 to index
      %swap3A_1552 = arith.constant 0 : index
      %swap3A_1553 = tpu.vector_load %arg7[%swap3A_1549, %swap3A_1550, %swap3A_1551, %swap3A_1552] {strides = array<i32>} : memref<4x4x8x128xf32, #tpu.memory_space<vmem>>, vector<1x1x1x16xf32>,
      %swap3A_1554 = vector.shape_cast %swap3A_1553 : vector<1x1x1x16xf32> to vector<16xf32>
      %swap3A_1555 = vector.shape_cast %get3A_1547 : vector<16xf32> to vector<1x1x1x16xf32>
      tpu.vector_store %arg7[%swap3A_1549, %swap3A_1550, %swap3A_1551, %swap3A_1552], %swap3A_1555 {strides = array<i32>} : memref<4x4x8x128xf32, #tpu.memory_space<vmem>>, vector<1x1x1x16xf32>,
      %add3A_1556 = arith.constant 16 : i32
      %add3A_1557 = arith.addi %add3A_1556, %scan3A_1541 : i32
      %get3A_1558 = arith.index_cast %add3A_1557 : i32 to index
      %get3A_1559 = arith.constant 16 : index
      %get3A_1560 = tpu.vector_load %arg5[%get3A_1558, %get3A_1559] {strides = array<i32>} : memref<32x256xf32, #tpu.memory_space<vmem>>, vector<1x16xf32>,
      %get3A_1561 = vector.shape_cast %get3A_1560 : vector<1x16xf32> to vector<16xf32>
      %swap3A_1562 = arith.constant 2 : i32
      %swap3A_1563 = arith.constant 0 : i32
      %swap3A_1564 = arith.index_cast %swap3A_1562 : i32 to index
      %swap3A_1565 = arith.index_cast %swap3A_1563 : i32 to index
      %swap3A_1566 = arith.index_cast %scan3A_1541 : i32 to index
      %swap3A_1567 = arith.constant 16 : index
      %swap3A_1568 = tpu.vector_load %arg7[%swap3A_1564, %swap3A_1565, %swap3A_1566, %swap3A_1567] {strides = array<i32>} : memref<4x4x8x128xf32, #tpu.memory_space<vmem>>, vector<1x1x1x16xf32>,
      %swap3A_1569 = vector.shape_cast %swap3A_1568 : vector<1x1x1x16xf32> to vector<16xf32>
      %swap3A_1570 = vector.shape_cast %get3A_1561 : vector<16xf32> to vector<1x1x1x16xf32>
      tpu.vector_store %arg7[%swap3A_1564, %swap3A_1565, %swap3A_1566, %swap3A_1567], %swap3A_1570 {strides = array<i32>} : memref<4x4x8x128xf32, #tpu.memory_space<vmem>>, vector<1x1x1x16xf32>,
      %add3A_1571 = arith.constant 16 : i32
      %add3A_1572 = arith.addi %add3A_1571, %scan3A_1541 : i32
      %get3A_1573 = arith.index_cast %add3A_1572 : i32 to index
      %get3A_1574 = arith.constant 32 : index
      %get3A_1575 = tpu.vector_load %arg5[%get3A_1573, %get3A_1574] {strides = array<i32>} : memref<32x256xf32, #tpu.memory_space<vmem>>, vector<1x16xf32>,
      %get3A_1576 = vector.shape_cast %get3A_1575 : vector<1x16xf32> to vector<16xf32>
      %swap3A_1577 = arith.constant 2 : i32
      %swap3A_1578 = arith.constant 0 : i32
      %swap3A_1579 = arith.index_cast %swap3A_1577 : i32 to index
      %swap3A_1580 = arith.index_cast %swap3A_1578 : i32 to index
      %swap3A_1581 = arith.index_cast %scan3A_1541 : i32 to index
      %swap3A_1582 = arith.constant 32 : index
      %swap3A_1583 = tpu.vector_load %arg7[%swap3A_1579, %swap3A_1580, %swap3A_1581, %swap3A_1582] {strides = array<i32>} : memref<4x4x8x128xf32, #tpu.memory_space<vmem>>, vector<1x1x1x16xf32>,
      %swap3A_1584 = vector.shape_cast %swap3A_1583 : vector<1x1x1x16xf32> to vector<16xf32>
      %swap3A_1585 = vector.shape_cast %get3A_1576 : vector<16xf32> to vector<1x1x1x16xf32>
      tpu.vector_store %arg7[%swap3A_1579, %swap3A_1580, %swap3A_1581, %swap3A_1582], %swap3A_1585 {strides = array<i32>} : memref<4x4x8x128xf32, #tpu.memory_space<vmem>>, vector<1x1x1x16xf32>,
      %add3A_1586 = arith.constant 16 : i32
      %add3A_1587 = arith.addi %add3A_1586, %scan3A_1541 : i32
      %get3A_1588 = arith.index_cast %add3A_1587 : i32 to index
      %get3A_1589 = arith.constant 48 : index
      %get3A_1590 = tpu.vector_load %arg5[%get3A_1588, %get3A_1589] {strides = array<i32>} : memref<32x256xf32, #tpu.memory_space<vmem>>, vector<1x16xf32>,
      %get3A_1591 = vector.shape_cast %get3A_1590 : vector<1x16xf32> to vector<16xf32>
      %swap3A_1592 = arith.constant 2 : i32
      %swap3A_1593 = arith.constant 0 : i32
      %swap3A_1594 = arith.index_cast %swap3A_1592 : i32 to index
      %swap3A_1595 = arith.index_cast %swap3A_1593 : i32 to index
      %swap3A_1596 = arith.index_cast %scan3A_1541 : i32 to index
      %swap3A_1597 = arith.constant 48 : index
      %swap3A_1598 = tpu.vector_load %arg7[%swap3A_1594, %swap3A_1595, %swap3A_1596, %swap3A_1597] {strides = array<i32>} : memref<4x4x8x128xf32, #tpu.memory_space<vmem>>, vector<1x1x1x16xf32>,
      %swap3A_1599 = vector.shape_cast %swap3A_1598 : vector<1x1x1x16xf32> to vector<16xf32>
      %swap3A_1600 = vector.shape_cast %get3A_1591 : vector<16xf32> to vector<1x1x1x16xf32>
      tpu.vector_store %arg7[%swap3A_1594, %swap3A_1595, %swap3A_1596, %swap3A_1597], %swap3A_1600 {strides = array<i32>} : memref<4x4x8x128xf32, #tpu.memory_space<vmem>>, vector<1x1x1x16xf32>,
      %add3A_1601 = arith.constant 16 : i32
      %add3A_1602 = arith.addi %add3A_1601, %scan3A_1541 : i32
      %get3A_1603 = arith.index_cast %add3A_1602 : i32 to index
      %get3A_1604 = arith.constant 64 : index
      %get3A_1605 = tpu.vector_load %arg5[%get3A_1603, %get3A_1604] {strides = array<i32>} : memref<32x256xf32, #tpu.memory_space<vmem>>, vector<1x16xf32>,
      %get3A_1606 = vector.shape_cast %get3A_1605 : vector<1x16xf32> to vector<16xf32>
      %swap3A_1607 = arith.constant 2 : i32
      %swap3A_1608 = arith.constant 0 : i32
      %swap3A_1609 = arith.index_cast %swap3A_1607 : i32 to index
      %swap3A_1610 = arith.index_cast %swap3A_1608 : i32 to index
      %swap3A_1611 = arith.index_cast %scan3A_1541 : i32 to index
      %swap3A_1612 = arith.constant 64 : index
      %swap3A_1613 = tpu.vector_load %arg7[%swap3A_1609, %swap3A_1610, %swap3A_1611, %swap3A_1612] {strides = array<i32>} : memref<4x4x8x128xf32, #tpu.memory_space<vmem>>, vector<1x1x1x16xf32>,
      %swap3A_1614 = vector.shape_cast %swap3A_1613 : vector<1x1x1x16xf32> to vector<16xf32>
      %swap3A_1615 = vector.shape_cast %get3A_1606 : vector<16xf32> to vector<1x1x1x16xf32>
      tpu.vector_store %arg7[%swap3A_1609, %swap3A_1610, %swap3A_1611, %swap3A_1612], %swap3A_1615 {strides = array<i32>} : memref<4x4x8x128xf32, #tpu.memory_space<vmem>>, vector<1x1x1x16xf32>,
      %add3A_1616 = arith.constant 16 : i32
      %add3A_1617 = arith.addi %add3A_1616, %scan3A_1541 : i32
      %get3A_1618 = arith.index_cast %add3A_1617 : i32 to index
      %get3A_1619 = arith.constant 80 : index
      %get3A_1620 = tpu.vector_load %arg5[%get3A_1618, %get3A_1619] {strides = array<i32>} : memref<32x256xf32, #tpu.memory_space<vmem>>, vector<1x16xf32>,
      %get3A_1621 = vector.shape_cast %get3A_1620 : vector<1x16xf32> to vector<16xf32>
      %swap3A_1622 = arith.constant 2 : i32
      %swap3A_1623 = arith.constant 0 : i32
      %swap3A_1624 = arith.index_cast %swap3A_1622 : i32 to index
      %swap3A_1625 = arith.index_cast %swap3A_1623 : i32 to index
      %swap3A_1626 = arith.index_cast %scan3A_1541 : i32 to index
      %swap3A_1627 = arith.constant 80 : index
      %swap3A_1628 = tpu.vector_load %arg7[%swap3A_1624, %swap3A_1625, %swap3A_1626, %swap3A_1627] {strides = array<i32>} : memref<4x4x8x128xf32, #tpu.memory_space<vmem>>, vector<1x1x1x16xf32>,
      %swap3A_1629 = vector.shape_cast %swap3A_1628 : vector<1x1x1x16xf32> to vector<16xf32>
      %swap3A_1630 = vector.shape_cast %get3A_1621 : vector<16xf32> to vector<1x1x1x16xf32>
      tpu.vector_store %arg7[%swap3A_1624, %swap3A_1625, %swap3A_1626, %swap3A_1627], %swap3A_1630 {strides = array<i32>} : memref<4x4x8x128xf32, #tpu.memory_space<vmem>>, vector<1x1x1x16xf32>,
      %add3A_1631 = arith.constant 16 : i32
      %add3A_1632 = arith.addi %add3A_1631, %scan3A_1541 : i32
      %get3A_1633 = arith.index_cast %add3A_1632 : i32 to index
      %get3A_1634 = arith.constant 96 : index
      %get3A_1635 = tpu.vector_load %arg5[%get3A_1633, %get3A_1634] {strides = array<i32>} : memref<32x256xf32, #tpu.memory_space<vmem>>, vector<1x16xf32>,
      %get3A_1636 = vector.shape_cast %get3A_1635 : vector<1x16xf32> to vector<16xf32>
      %swap3A_1637 = arith.constant 2 : i32
      %swap3A_1638 = arith.constant 0 : i32
      %swap3A_1639 = arith.index_cast %swap3A_1637 : i32 to index
      %swap3A_1640 = arith.index_cast %swap3A_1638 : i32 to index
      %swap3A_1641 = arith.index_cast %scan3A_1541 : i32 to index
      %swap3A_1642 = arith.constant 96 : index
      %swap3A_1643 = tpu.vector_load %arg7[%swap3A_1639, %swap3A_1640, %swap3A_1641, %swap3A_1642] {strides = array<i32>} : memref<4x4x8x128xf32, #tpu.memory_space<vmem>>, vector<1x1x1x16xf32>,
      %swap3A_1644 = vector.shape_cast %swap3A_1643 : vector<1x1x1x16xf32> to vector<16xf32>
      %swap3A_1645 = vector.shape_cast %get3A_1636 : vector<16xf32> to vector<1x1x1x16xf32>
      tpu.vector_store %arg7[%swap3A_1639, %swap3A_1640, %swap3A_1641, %swap3A_1642], %swap3A_1645 {strides = array<i32>} : memref<4x4x8x128xf32, #tpu.memory_space<vmem>>, vector<1x1x1x16xf32>,
      %add3A_1646 = arith.constant 16 : i32
      %add3A_1647 = arith.addi %add3A_1646, %scan3A_1541 : i32
      %get3A_1648 = arith.index_cast %add3A_1647 : i32 to index
      %get3A_1649 = arith.constant 112 : index
      %get3A_1650 = tpu.vector_load %arg5[%get3A_1648, %get3A_1649] {strides = array<i32>} : memref<32x256xf32, #tpu.memory_space<vmem>>, vector<1x16xf32>,
      %get3A_1651 = vector.shape_cast %get3A_1650 : vector<1x16xf32> to vector<16xf32>
      %swap3A_1652 = arith.constant 2 : i32
      %swap3A_1653 = arith.constant 0 : i32
      %swap3A_1654 = arith.index_cast %swap3A_1652 : i32 to index
      %swap3A_1655 = arith.index_cast %swap3A_1653 : i32 to index
      %swap3A_1656 = arith.index_cast %scan3A_1541 : i32 to index
      %swap3A_1657 = arith.constant 112 : index
      %swap3A_1658 = tpu.vector_load %arg7[%swap3A_1654, %swap3A_1655, %swap3A_1656, %swap3A_1657] {strides = array<i32>} : memref<4x4x8x128xf32, #tpu.memory_space<vmem>>, vector<1x1x1x16xf32>,
      %swap3A_1659 = vector.shape_cast %swap3A_1658 : vector<1x1x1x16xf32> to vector<16xf32>
      %swap3A_1660 = vector.shape_cast %get3A_1651 : vector<16xf32> to vector<1x1x1x16xf32>
      tpu.vector_store %arg7[%swap3A_1654, %swap3A_1655, %swap3A_1656, %swap3A_1657], %swap3A_1660 {strides = array<i32>} : memref<4x4x8x128xf32, #tpu.memory_space<vmem>>, vector<1x1x1x16xf32>,
      %add3A_1661 = arith.constant 16 : i32
      %add3A_1662 = arith.addi %add3A_1661, %scan3A_1541 : i32
      %get3A_1663 = arith.index_cast %add3A_1662 : i32 to index
      %get3A_1664 = arith.constant 128 : index
      %get3A_1665 = tpu.vector_load %arg5[%get3A_1663, %get3A_1664] {strides = array<i32>} : memref<32x256xf32, #tpu.memory_space<vmem>>, vector<1x16xf32>,
      %get3A_1666 = vector.shape_cast %get3A_1665 : vector<1x16xf32> to vector<16xf32>
      %swap3A_1667 = arith.constant 2 : i32
      %swap3A_1668 = arith.constant 1 : i32
      %swap3A_1669 = arith.index_cast %swap3A_1667 : i32 to index
      %swap3A_1670 = arith.index_cast %swap3A_1668 : i32 to index
      %swap3A_1671 = arith.index_cast %scan3A_1541 : i32 to index
      %swap3A_1672 = arith.constant 0 : index
      %swap3A_1673 = tpu.vector_load %arg7[%swap3A_1669, %swap3A_1670, %swap3A_1671, %swap3A_1672] {strides = array<i32>} : memref<4x4x8x128xf32, #tpu.memory_space<vmem>>, vector<1x1x1x16xf32>,
      %swap3A_1674 = vector.shape_cast %swap3A_1673 : vector<1x1x1x16xf32> to vector<16xf32>
      %swap3A_1675 = vector.shape_cast %get3A_1666 : vector<16xf32> to vector<1x1x1x16xf32>
      tpu.vector_store %arg7[%swap3A_1669, %swap3A_1670, %swap3A_1671, %swap3A_1672], %swap3A_1675 {strides = array<i32>} : memref<4x4x8x128xf32, #tpu.memory_space<vmem>>, vector<1x1x1x16xf32>,
      %add3A_1676 = arith.constant 16 : i32
      %add3A_1677 = arith.addi %add3A_1676, %scan3A_1541 : i32
      %get3A_1678 = arith.index_cast %add3A_1677 : i32 to index
      %get3A_1679 = arith.constant 144 : index
      %get3A_1680 = tpu.vector_load %arg5[%get3A_1678, %get3A_1679] {strides = array<i32>} : memref<32x256xf32, #tpu.memory_space<vmem>>, vector<1x16xf32>,
      %get3A_1681 = vector.shape_cast %get3A_1680 : vector<1x16xf32> to vector<16xf32>
      %swap3A_1682 = arith.constant 2 : i32
      %swap3A_1683 = arith.constant 1 : i32
      %swap3A_1684 = arith.index_cast %swap3A_1682 : i32 to index
      %swap3A_1685 = arith.index_cast %swap3A_1683 : i32 to index
      %swap3A_1686 = arith.index_cast %scan3A_1541 : i32 to index
      %swap3A_1687 = arith.constant 16 : index
      %swap3A_1688 = tpu.vector_load %arg7[%swap3A_1684, %swap3A_1685, %swap3A_1686, %swap3A_1687] {strides = array<i32>} : memref<4x4x8x128xf32, #tpu.memory_space<vmem>>, vector<1x1x1x16xf32>,
      %swap3A_1689 = vector.shape_cast %swap3A_1688 : vector<1x1x1x16xf32> to vector<16xf32>
      %swap3A_1690 = vector.shape_cast %get3A_1681 : vector<16xf32> to vector<1x1x1x16xf32>
      tpu.vector_store %arg7[%swap3A_1684, %swap3A_1685, %swap3A_1686, %swap3A_1687], %swap3A_1690 {strides = array<i32>} : memref<4x4x8x128xf32, #tpu.memory_space<vmem>>, vector<1x1x1x16xf32>,
      %add3A_1691 = arith.constant 16 : i32
      %add3A_1692 = arith.addi %add3A_1691, %scan3A_1541 : i32
      %get3A_1693 = arith.index_cast %add3A_1692 : i32 to index
      %get3A_1694 = arith.constant 160 : index
      %get3A_1695 = tpu.vector_load %arg5[%get3A_1693, %get3A_1694] {strides = array<i32>} : memref<32x256xf32, #tpu.memory_space<vmem>>, vector<1x16xf32>,
      %get3A_1696 = vector.shape_cast %get3A_1695 : vector<1x16xf32> to vector<16xf32>
      %swap3A_1697 = arith.constant 2 : i32
      %swap3A_1698 = arith.constant 1 : i32
      %swap3A_1699 = arith.index_cast %swap3A_1697 : i32 to index
      %swap3A_1700 = arith.index_cast %swap3A_1698 : i32 to index
      %swap3A_1701 = arith.index_cast %scan3A_1541 : i32 to index
      %swap3A_1702 = arith.constant 32 : index
      %swap3A_1703 = tpu.vector_load %arg7[%swap3A_1699, %swap3A_1700, %swap3A_1701, %swap3A_1702] {strides = array<i32>} : memref<4x4x8x128xf32, #tpu.memory_space<vmem>>, vector<1x1x1x16xf32>,
      %swap3A_1704 = vector.shape_cast %swap3A_1703 : vector<1x1x1x16xf32> to vector<16xf32>
      %swap3A_1705 = vector.shape_cast %get3A_1696 : vector<16xf32> to vector<1x1x1x16xf32>
      tpu.vector_store %arg7[%swap3A_1699, %swap3A_1700, %swap3A_1701, %swap3A_1702], %swap3A_1705 {strides = array<i32>} : memref<4x4x8x128xf32, #tpu.memory_space<vmem>>, vector<1x1x1x16xf32>,
      %add3A_1706 = arith.constant 16 : i32
      %add3A_1707 = arith.addi %add3A_1706, %scan3A_1541 : i32
      %get3A_1708 = arith.index_cast %add3A_1707 : i32 to index
      %get3A_1709 = arith.constant 176 : index
      %get3A_1710 = tpu.vector_load %arg5[%get3A_1708, %get3A_1709] {strides = array<i32>} : memref<32x256xf32, #tpu.memory_space<vmem>>, vector<1x16xf32>,
      %get3A_1711 = vector.shape_cast %get3A_1710 : vector<1x16xf32> to vector<16xf32>
      %swap3A_1712 = arith.constant 2 : i32
      %swap3A_1713 = arith.constant 1 : i32
      %swap3A_1714 = arith.index_cast %swap3A_1712 : i32 to index
      %swap3A_1715 = arith.index_cast %swap3A_1713 : i32 to index
      %swap3A_1716 = arith.index_cast %scan3A_1541 : i32 to index
      %swap3A_1717 = arith.constant 48 : index
      %swap3A_1718 = tpu.vector_load %arg7[%swap3A_1714, %swap3A_1715, %swap3A_1716, %swap3A_1717] {strides = array<i32>} : memref<4x4x8x128xf32, #tpu.memory_space<vmem>>, vector<1x1x1x16xf32>,
      %swap3A_1719 = vector.shape_cast %swap3A_1718 : vector<1x1x1x16xf32> to vector<16xf32>
      %swap3A_1720 = vector.shape_cast %get3A_1711 : vector<16xf32> to vector<1x1x1x16xf32>
      tpu.vector_store %arg7[%swap3A_1714, %swap3A_1715, %swap3A_1716, %swap3A_1717], %swap3A_1720 {strides = array<i32>} : memref<4x4x8x128xf32, #tpu.memory_space<vmem>>, vector<1x1x1x16xf32>,
      %add3A_1721 = arith.constant 16 : i32
      %add3A_1722 = arith.addi %add3A_1721, %scan3A_1541 : i32
      %get3A_1723 = arith.index_cast %add3A_1722 : i32 to index
      %get3A_1724 = arith.constant 192 : index
      %get3A_1725 = tpu.vector_load %arg5[%get3A_1723, %get3A_1724] {strides = array<i32>} : memref<32x256xf32, #tpu.memory_space<vmem>>, vector<1x16xf32>,
      %get3A_1726 = vector.shape_cast %get3A_1725 : vector<1x16xf32> to vector<16xf32>
      %swap3A_1727 = arith.constant 2 : i32
      %swap3A_1728 = arith.constant 1 : i32
      %swap3A_1729 = arith.index_cast %swap3A_1727 : i32 to index
      %swap3A_1730 = arith.index_cast %swap3A_1728 : i32 to index
      %swap3A_1731 = arith.index_cast %scan3A_1541 : i32 to index
      %swap3A_1732 = arith.constant 64 : index
      %swap3A_1733 = tpu.vector_load %arg7[%swap3A_1729, %swap3A_1730, %swap3A_1731, %swap3A_1732] {strides = array<i32>} : memref<4x4x8x128xf32, #tpu.memory_space<vmem>>, vector<1x1x1x16xf32>,
      %swap3A_1734 = vector.shape_cast %swap3A_1733 : vector<1x1x1x16xf32> to vector<16xf32>
      %swap3A_1735 = vector.shape_cast %get3A_1726 : vector<16xf32> to vector<1x1x1x16xf32>
      tpu.vector_store %arg7[%swap3A_1729, %swap3A_1730, %swap3A_1731, %swap3A_1732], %swap3A_1735 {strides = array<i32>} : memref<4x4x8x128xf32, #tpu.memory_space<vmem>>, vector<1x1x1x16xf32>,
      %add3A_1736 = arith.constant 16 : i32
      %add3A_1737 = arith.addi %add3A_1736, %scan3A_1541 : i32
      %get3A_1738 = arith.index_cast %add3A_1737 : i32 to index
      %get3A_1739 = arith.constant 208 : index
      %get3A_1740 = tpu.vector_load %arg5[%get3A_1738, %get3A_1739] {strides = array<i32>} : memref<32x256xf32, #tpu.memory_space<vmem>>, vector<1x16xf32>,
      %get3A_1741 = vector.shape_cast %get3A_1740 : vector<1x16xf32> to vector<16xf32>
      %swap3A_1742 = arith.constant 2 : i32
      %swap3A_1743 = arith.constant 1 : i32
      %swap3A_1744 = arith.index_cast %swap3A_1742 : i32 to index
      %swap3A_1745 = arith.index_cast %swap3A_1743 : i32 to index
      %swap3A_1746 = arith.index_cast %scan3A_1541 : i32 to index
      %swap3A_1747 = arith.constant 80 : index
      %swap3A_1748 = tpu.vector_load %arg7[%swap3A_1744, %swap3A_1745, %swap3A_1746, %swap3A_1747] {strides = array<i32>} : memref<4x4x8x128xf32, #tpu.memory_space<vmem>>, vector<1x1x1x16xf32>,
      %swap3A_1749 = vector.shape_cast %swap3A_1748 : vector<1x1x1x16xf32> to vector<16xf32>
      %swap3A_1750 = vector.shape_cast %get3A_1741 : vector<16xf32> to vector<1x1x1x16xf32>
      tpu.vector_store %arg7[%swap3A_1744, %swap3A_1745, %swap3A_1746, %swap3A_1747], %swap3A_1750 {strides = array<i32>} : memref<4x4x8x128xf32, #tpu.memory_space<vmem>>, vector<1x1x1x16xf32>,
      %add3A_1751 = arith.constant 16 : i32
      %add3A_1752 = arith.addi %add3A_1751, %scan3A_1541 : i32
      %get3A_1753 = arith.index_cast %add3A_1752 : i32 to index
      %get3A_1754 = arith.constant 224 : index
      %get3A_1755 = tpu.vector_load %arg5[%get3A_1753, %get3A_1754] {strides = array<i32>} : memref<32x256xf32, #tpu.memory_space<vmem>>, vector<1x16xf32>,
      %get3A_1756 = vector.shape_cast %get3A_1755 : vector<1x16xf32> to vector<16xf32>
      %swap3A_1757 = arith.constant 2 : i32
      %swap3A_1758 = arith.constant 1 : i32
      %swap3A_1759 = arith.index_cast %swap3A_1757 : i32 to index
      %swap3A_1760 = arith.index_cast %swap3A_1758 : i32 to index
      %swap3A_1761 = arith.index_cast %scan3A_1541 : i32 to index
      %swap3A_1762 = arith.constant 96 : index
      %swap3A_1763 = tpu.vector_load %arg7[%swap3A_1759, %swap3A_1760, %swap3A_1761, %swap3A_1762] {strides = array<i32>} : memref<4x4x8x128xf32, #tpu.memory_space<vmem>>, vector<1x1x1x16xf32>,
      %swap3A_1764 = vector.shape_cast %swap3A_1763 : vector<1x1x1x16xf32> to vector<16xf32>
      %swap3A_1765 = vector.shape_cast %get3A_1756 : vector<16xf32> to vector<1x1x1x16xf32>
      tpu.vector_store %arg7[%swap3A_1759, %swap3A_1760, %swap3A_1761, %swap3A_1762], %swap3A_1765 {strides = array<i32>} : memref<4x4x8x128xf32, #tpu.memory_space<vmem>>, vector<1x1x1x16xf32>,
      %add3A_1766 = arith.constant 16 : i32
      %add3A_1767 = arith.addi %add3A_1766, %scan3A_1541 : i32
      %get3A_1768 = arith.index_cast %add3A_1767 : i32 to index
      %get3A_1769 = arith.constant 240 : index
      %get3A_1770 = tpu.vector_load %arg5[%get3A_1768, %get3A_1769] {strides = array<i32>} : memref<32x256xf32, #tpu.memory_space<vmem>>, vector<1x16xf32>,
      %get3A_1771 = vector.shape_cast %get3A_1770 : vector<1x16xf32> to vector<16xf32>
      %swap3A_1772 = arith.constant 2 : i32
      %swap3A_1773 = arith.constant 1 : i32
      %swap3A_1774 = arith.index_cast %swap3A_1772 : i32 to index
      %swap3A_1775 = arith.index_cast %swap3A_1773 : i32 to index
      %swap3A_1776 = arith.index_cast %scan3A_1541 : i32 to index
      %swap3A_1777 = arith.constant 112 : index
      %swap3A_1778 = tpu.vector_load %arg7[%swap3A_1774, %swap3A_1775, %swap3A_1776, %swap3A_1777] {strides = array<i32>} : memref<4x4x8x128xf32, #tpu.memory_space<vmem>>, vector<1x1x1x16xf32>,
      %swap3A_1779 = vector.shape_cast %swap3A_1778 : vector<1x1x1x16xf32> to vector<16xf32>
      %swap3A_1780 = vector.shape_cast %get3A_1771 : vector<16xf32> to vector<1x1x1x16xf32>
      tpu.vector_store %arg7[%swap3A_1774, %swap3A_1775, %swap3A_1776, %swap3A_1777], %swap3A_1780 {strides = array<i32>} : memref<4x4x8x128xf32, #tpu.memory_space<vmem>>, vector<1x1x1x16xf32>,
      %swap3A_1781 = arith.constant 2 : i32
      %swap3A_1782 = arith.constant 2 : i32
      %swap3A_1783 = arith.index_cast %swap3A_1781 : i32 to index
      %swap3A_1784 = arith.index_cast %swap3A_1782 : i32 to index
      %swap3A_1785 = arith.index_cast %scan3A_1541 : i32 to index
      %swap3A_1786 = arith.constant 0 : index
      %swap3A_1787 = tpu.vector_load %arg7[%swap3A_1783, %swap3A_1784, %swap3A_1785, %swap3A_1786] {strides = array<i32>} : memref<4x4x8x128xf32, #tpu.memory_space<vmem>>, vector<1x1x1x16xf32>,
      %swap3A_1788 = vector.shape_cast %swap3A_1787 : vector<1x1x1x16xf32> to vector<16xf32>
      %swap3A_1789 = vector.shape_cast %get3A_2 : vector<16xf32> to vector<1x1x1x16xf32>
      tpu.vector_store %arg7[%swap3A_1783, %swap3A_1784, %swap3A_1785, %swap3A_1786], %swap3A_1789 {strides = array<i32>} : memref<4x4x8x128xf32, #tpu.memory_space<vmem>>, vector<1x1x1x16xf32>,
      %swap3A_1790 = arith.constant 2 : i32
      %swap3A_1791 = arith.constant 2 : i32
      %swap3A_1792 = arith.index_cast %swap3A_1790 : i32 to index
      %swap3A_1793 = arith.index_cast %swap3A_1791 : i32 to index
      %swap3A_1794 = arith.index_cast %scan3A_1541 : i32 to index
      %swap3A_1795 = arith.constant 16 : index
      %swap3A_1796 = tpu.vector_load %arg7[%swap3A_1792, %swap3A_1793, %swap3A_1794, %swap3A_1795] {strides = array<i32>} : memref<4x4x8x128xf32, #tpu.memory_space<vmem>>, vector<1x1x1x16xf32>,
      %swap3A_1797 = vector.shape_cast %swap3A_1796 : vector<1x1x1x16xf32> to vector<16xf32>
      %swap3A_1798 = vector.shape_cast %get3A_5 : vector<16xf32> to vector<1x1x1x16xf32>
      tpu.vector_store %arg7[%swap3A_1792, %swap3A_1793, %swap3A_1794, %swap3A_1795], %swap3A_1798 {strides = array<i32>} : memref<4x4x8x128xf32, #tpu.memory_space<vmem>>, vector<1x1x1x16xf32>,
      %swap3A_1799 = arith.constant 2 : i32
      %swap3A_1800 = arith.constant 2 : i32
      %swap3A_1801 = arith.index_cast %swap3A_1799 : i32 to index
      %swap3A_1802 = arith.index_cast %swap3A_1800 : i32 to index
      %swap3A_1803 = arith.index_cast %scan3A_1541 : i32 to index
      %swap3A_1804 = arith.constant 32 : index
      %swap3A_1805 = tpu.vector_load %arg7[%swap3A_1801, %swap3A_1802, %swap3A_1803, %swap3A_1804] {strides = array<i32>} : memref<4x4x8x128xf32, #tpu.memory_space<vmem>>, vector<1x1x1x16xf32>,
      %swap3A_1806 = vector.shape_cast %swap3A_1805 : vector<1x1x1x16xf32> to vector<16xf32>
      %swap3A_1807 = vector.shape_cast %get3A_8 : vector<16xf32> to vector<1x1x1x16xf32>
      tpu.vector_store %arg7[%swap3A_1801, %swap3A_1802, %swap3A_1803, %swap3A_1804], %swap3A_1807 {strides = array<i32>} : memref<4x4x8x128xf32, #tpu.memory_space<vmem>>, vector<1x1x1x16xf32>,
      %swap3A_1808 = arith.constant 2 : i32
      %swap3A_1809 = arith.constant 2 : i32
      %swap3A_1810 = arith.index_cast %swap3A_1808 : i32 to index
      %swap3A_1811 = arith.index_cast %swap3A_1809 : i32 to index
      %swap3A_1812 = arith.index_cast %scan3A_1541 : i32 to index
      %swap3A_1813 = arith.constant 48 : index
      %swap3A_1814 = tpu.vector_load %arg7[%swap3A_1810, %swap3A_1811, %swap3A_1812, %swap3A_1813] {strides = array<i32>} : memref<4x4x8x128xf32, #tpu.memory_space<vmem>>, vector<1x1x1x16xf32>,
      %swap3A_1815 = vector.shape_cast %swap3A_1814 : vector<1x1x1x16xf32> to vector<16xf32>
      %swap3A_1816 = vector.shape_cast %get3A_11 : vector<16xf32> to vector<1x1x1x16xf32>
      tpu.vector_store %arg7[%swap3A_1810, %swap3A_1811, %swap3A_1812, %swap3A_1813], %swap3A_1816 {strides = array<i32>} : memref<4x4x8x128xf32, #tpu.memory_space<vmem>>, vector<1x1x1x16xf32>,
      %swap3A_1817 = arith.constant 2 : i32
      %swap3A_1818 = arith.constant 2 : i32
      %swap3A_1819 = arith.index_cast %swap3A_1817 : i32 to index
      %swap3A_1820 = arith.index_cast %swap3A_1818 : i32 to index
      %swap3A_1821 = arith.index_cast %scan3A_1541 : i32 to index
      %swap3A_1822 = arith.constant 64 : index
      %swap3A_1823 = tpu.vector_load %arg7[%swap3A_1819, %swap3A_1820, %swap3A_1821, %swap3A_1822] {strides = array<i32>} : memref<4x4x8x128xf32, #tpu.memory_space<vmem>>, vector<1x1x1x16xf32>,
      %swap3A_1824 = vector.shape_cast %swap3A_1823 : vector<1x1x1x16xf32> to vector<16xf32>
      %swap3A_1825 = vector.shape_cast %get3A_14 : vector<16xf32> to vector<1x1x1x16xf32>
      tpu.vector_store %arg7[%swap3A_1819, %swap3A_1820, %swap3A_1821, %swap3A_1822], %swap3A_1825 {strides = array<i32>} : memref<4x4x8x128xf32, #tpu.memory_space<vmem>>, vector<1x1x1x16xf32>,
      %swap3A_1826 = arith.constant 2 : i32
      %swap3A_1827 = arith.constant 2 : i32
      %swap3A_1828 = arith.index_cast %swap3A_1826 : i32 to index
      %swap3A_1829 = arith.index_cast %swap3A_1827 : i32 to index
      %swap3A_1830 = arith.index_cast %scan3A_1541 : i32 to index
      %swap3A_1831 = arith.constant 80 : index
      %swap3A_1832 = tpu.vector_load %arg7[%swap3A_1828, %swap3A_1829, %swap3A_1830, %swap3A_1831] {strides = array<i32>} : memref<4x4x8x128xf32, #tpu.memory_space<vmem>>, vector<1x1x1x16xf32>,
      %swap3A_1833 = vector.shape_cast %swap3A_1832 : vector<1x1x1x16xf32> to vector<16xf32>
      %swap3A_1834 = vector.shape_cast %get3A_17 : vector<16xf32> to vector<1x1x1x16xf32>
      tpu.vector_store %arg7[%swap3A_1828, %swap3A_1829, %swap3A_1830, %swap3A_1831], %swap3A_1834 {strides = array<i32>} : memref<4x4x8x128xf32, #tpu.memory_space<vmem>>, vector<1x1x1x16xf32>,
      %swap3A_1835 = arith.constant 2 : i32
      %swap3A_1836 = arith.constant 2 : i32
      %swap3A_1837 = arith.index_cast %swap3A_1835 : i32 to index
      %swap3A_1838 = arith.index_cast %swap3A_1836 : i32 to index
      %swap3A_1839 = arith.index_cast %scan3A_1541 : i32 to index
      %swap3A_1840 = arith.constant 96 : index
      %swap3A_1841 = tpu.vector_load %arg7[%swap3A_1837, %swap3A_1838, %swap3A_1839, %swap3A_1840] {strides = array<i32>} : memref<4x4x8x128xf32, #tpu.memory_space<vmem>>, vector<1x1x1x16xf32>,
      %swap3A_1842 = vector.shape_cast %swap3A_1841 : vector<1x1x1x16xf32> to vector<16xf32>
      %swap3A_1843 = vector.shape_cast %get3A_20 : vector<16xf32> to vector<1x1x1x16xf32>
      tpu.vector_store %arg7[%swap3A_1837, %swap3A_1838, %swap3A_1839, %swap3A_1840], %swap3A_1843 {strides = array<i32>} : memref<4x4x8x128xf32, #tpu.memory_space<vmem>>, vector<1x1x1x16xf32>,
      %swap3A_1844 = arith.constant 2 : i32
      %swap3A_1845 = arith.constant 2 : i32
      %swap3A_1846 = arith.index_cast %swap3A_1844 : i32 to index
      %swap3A_1847 = arith.index_cast %swap3A_1845 : i32 to index
      %swap3A_1848 = arith.index_cast %scan3A_1541 : i32 to index
      %swap3A_1849 = arith.constant 112 : index
      %swap3A_1850 = tpu.vector_load %arg7[%swap3A_1846, %swap3A_1847, %swap3A_1848, %swap3A_1849] {strides = array<i32>} : memref<4x4x8x128xf32, #tpu.memory_space<vmem>>, vector<1x1x1x16xf32>,
      %swap3A_1851 = vector.shape_cast %swap3A_1850 : vector<1x1x1x16xf32> to vector<16xf32>
      %swap3A_1852 = vector.shape_cast %get3A_23 : vector<16xf32> to vector<1x1x1x16xf32>
      tpu.vector_store %arg7[%swap3A_1846, %swap3A_1847, %swap3A_1848, %swap3A_1849], %swap3A_1852 {strides = array<i32>} : memref<4x4x8x128xf32, #tpu.memory_space<vmem>>, vector<1x1x1x16xf32>,
      %swap3A_1853 = arith.constant 2 : i32
      %swap3A_1854 = arith.constant 3 : i32
      %swap3A_1855 = arith.index_cast %swap3A_1853 : i32 to index
      %swap3A_1856 = arith.index_cast %swap3A_1854 : i32 to index
      %swap3A_1857 = arith.index_cast %scan3A_1541 : i32 to index
      %swap3A_1858 = arith.constant 0 : index
      %swap3A_1859 = tpu.vector_load %arg7[%swap3A_1855, %swap3A_1856, %swap3A_1857, %swap3A_1858] {strides = array<i32>} : memref<4x4x8x128xf32, #tpu.memory_space<vmem>>, vector<1x1x1x16xf32>,
      %swap3A_1860 = vector.shape_cast %swap3A_1859 : vector<1x1x1x16xf32> to vector<16xf32>
      %swap3A_1861 = vector.shape_cast %get3A_26 : vector<16xf32> to vector<1x1x1x16xf32>
      tpu.vector_store %arg7[%swap3A_1855, %swap3A_1856, %swap3A_1857, %swap3A_1858], %swap3A_1861 {strides = array<i32>} : memref<4x4x8x128xf32, #tpu.memory_space<vmem>>, vector<1x1x1x16xf32>,
      %swap3A_1862 = arith.constant 2 : i32
      %swap3A_1863 = arith.constant 3 : i32
      %swap3A_1864 = arith.index_cast %swap3A_1862 : i32 to index
      %swap3A_1865 = arith.index_cast %swap3A_1863 : i32 to index
      %swap3A_1866 = arith.index_cast %scan3A_1541 : i32 to index
      %swap3A_1867 = arith.constant 16 : index
      %swap3A_1868 = tpu.vector_load %arg7[%swap3A_1864, %swap3A_1865, %swap3A_1866, %swap3A_1867] {strides = array<i32>} : memref<4x4x8x128xf32, #tpu.memory_space<vmem>>, vector<1x1x1x16xf32>,
      %swap3A_1869 = vector.shape_cast %swap3A_1868 : vector<1x1x1x16xf32> to vector<16xf32>
      %swap3A_1870 = vector.shape_cast %get3A_29 : vector<16xf32> to vector<1x1x1x16xf32>
      tpu.vector_store %arg7[%swap3A_1864, %swap3A_1865, %swap3A_1866, %swap3A_1867], %swap3A_1870 {strides = array<i32>} : memref<4x4x8x128xf32, #tpu.memory_space<vmem>>, vector<1x1x1x16xf32>,
      %swap3A_1871 = arith.constant 2 : i32
      %swap3A_1872 = arith.constant 3 : i32
      %swap3A_1873 = arith.index_cast %swap3A_1871 : i32 to index
      %swap3A_1874 = arith.index_cast %swap3A_1872 : i32 to index
      %swap3A_1875 = arith.index_cast %scan3A_1541 : i32 to index
      %swap3A_1876 = arith.constant 32 : index
      %swap3A_1877 = tpu.vector_load %arg7[%swap3A_1873, %swap3A_1874, %swap3A_1875, %swap3A_1876] {strides = array<i32>} : memref<4x4x8x128xf32, #tpu.memory_space<vmem>>, vector<1x1x1x16xf32>,
      %swap3A_1878 = vector.shape_cast %swap3A_1877 : vector<1x1x1x16xf32> to vector<16xf32>
      %swap3A_1879 = vector.shape_cast %get3A_32 : vector<16xf32> to vector<1x1x1x16xf32>
      tpu.vector_store %arg7[%swap3A_1873, %swap3A_1874, %swap3A_1875, %swap3A_1876], %swap3A_1879 {strides = array<i32>} : memref<4x4x8x128xf32, #tpu.memory_space<vmem>>, vector<1x1x1x16xf32>,
      %swap3A_1880 = arith.constant 2 : i32
      %swap3A_1881 = arith.constant 3 : i32
      %swap3A_1882 = arith.index_cast %swap3A_1880 : i32 to index
      %swap3A_1883 = arith.index_cast %swap3A_1881 : i32 to index
      %swap3A_1884 = arith.index_cast %scan3A_1541 : i32 to index
      %swap3A_1885 = arith.constant 48 : index
      %swap3A_1886 = tpu.vector_load %arg7[%swap3A_1882, %swap3A_1883, %swap3A_1884, %swap3A_1885] {strides = array<i32>} : memref<4x4x8x128xf32, #tpu.memory_space<vmem>>, vector<1x1x1x16xf32>,
      %swap3A_1887 = vector.shape_cast %swap3A_1886 : vector<1x1x1x16xf32> to vector<16xf32>
      %swap3A_1888 = vector.shape_cast %get3A_35 : vector<16xf32> to vector<1x1x1x16xf32>
      tpu.vector_store %arg7[%swap3A_1882, %swap3A_1883, %swap3A_1884, %swap3A_1885], %swap3A_1888 {strides = array<i32>} : memref<4x4x8x128xf32, #tpu.memory_space<vmem>>, vector<1x1x1x16xf32>,
      %swap3A_1889 = arith.constant 2 : i32
      %swap3A_1890 = arith.constant 3 : i32
      %swap3A_1891 = arith.index_cast %swap3A_1889 : i32 to index
      %swap3A_1892 = arith.index_cast %swap3A_1890 : i32 to index
      %swap3A_1893 = arith.index_cast %scan3A_1541 : i32 to index
      %swap3A_1894 = arith.constant 64 : index
      %swap3A_1895 = tpu.vector_load %arg7[%swap3A_1891, %swap3A_1892, %swap3A_1893, %swap3A_1894] {strides = array<i32>} : memref<4x4x8x128xf32, #tpu.memory_space<vmem>>, vector<1x1x1x16xf32>,
      %swap3A_1896 = vector.shape_cast %swap3A_1895 : vector<1x1x1x16xf32> to vector<16xf32>
      %swap3A_1897 = vector.shape_cast %get3A_38 : vector<16xf32> to vector<1x1x1x16xf32>
      tpu.vector_store %arg7[%swap3A_1891, %swap3A_1892, %swap3A_1893, %swap3A_1894], %swap3A_1897 {strides = array<i32>} : memref<4x4x8x128xf32, #tpu.memory_space<vmem>>, vector<1x1x1x16xf32>,
      %swap3A_1898 = arith.constant 2 : i32
      %swap3A_1899 = arith.constant 3 : i32
      %swap3A_1900 = arith.index_cast %swap3A_1898 : i32 to index
      %swap3A_1901 = arith.index_cast %swap3A_1899 : i32 to index
      %swap3A_1902 = arith.index_cast %scan3A_1541 : i32 to index
      %swap3A_1903 = arith.constant 80 : index
      %swap3A_1904 = tpu.vector_load %arg7[%swap3A_1900, %swap3A_1901, %swap3A_1902, %swap3A_1903] {strides = array<i32>} : memref<4x4x8x128xf32, #tpu.memory_space<vmem>>, vector<1x1x1x16xf32>,
      %swap3A_1905 = vector.shape_cast %swap3A_1904 : vector<1x1x1x16xf32> to vector<16xf32>
      %swap3A_1906 = vector.shape_cast %get3A_41 : vector<16xf32> to vector<1x1x1x16xf32>
      tpu.vector_store %arg7[%swap3A_1900, %swap3A_1901, %swap3A_1902, %swap3A_1903], %swap3A_1906 {strides = array<i32>} : memref<4x4x8x128xf32, #tpu.memory_space<vmem>>, vector<1x1x1x16xf32>,
      %swap3A_1907 = arith.constant 2 : i32
      %swap3A_1908 = arith.constant 3 : i32
      %swap3A_1909 = arith.index_cast %swap3A_1907 : i32 to index
      %swap3A_1910 = arith.index_cast %swap3A_1908 : i32 to index
      %swap3A_1911 = arith.index_cast %scan3A_1541 : i32 to index
      %swap3A_1912 = arith.constant 96 : index
      %swap3A_1913 = tpu.vector_load %arg7[%swap3A_1909, %swap3A_1910, %swap3A_1911, %swap3A_1912] {strides = array<i32>} : memref<4x4x8x128xf32, #tpu.memory_space<vmem>>, vector<1x1x1x16xf32>,
      %swap3A_1914 = vector.shape_cast %swap3A_1913 : vector<1x1x1x16xf32> to vector<16xf32>
      %swap3A_1915 = vector.shape_cast %get3A_44 : vector<16xf32> to vector<1x1x1x16xf32>
      tpu.vector_store %arg7[%swap3A_1909, %swap3A_1910, %swap3A_1911, %swap3A_1912], %swap3A_1915 {strides = array<i32>} : memref<4x4x8x128xf32, #tpu.memory_space<vmem>>, vector<1x1x1x16xf32>,
      %swap3A_1916 = arith.constant 2 : i32
      %swap3A_1917 = arith.constant 3 : i32
      %swap3A_1918 = arith.index_cast %swap3A_1916 : i32 to index
      %swap3A_1919 = arith.index_cast %swap3A_1917 : i32 to index
      %swap3A_1920 = arith.index_cast %scan3A_1541 : i32 to index
      %swap3A_1921 = arith.constant 112 : index
      %swap3A_1922 = tpu.vector_load %arg7[%swap3A_1918, %swap3A_1919, %swap3A_1920, %swap3A_1921] {strides = array<i32>} : memref<4x4x8x128xf32, #tpu.memory_space<vmem>>, vector<1x1x1x16xf32>,
      %swap3A_1923 = vector.shape_cast %swap3A_1922 : vector<1x1x1x16xf32> to vector<16xf32>
      %swap3A_1924 = vector.shape_cast %get3A_47 : vector<16xf32> to vector<1x1x1x16xf32>
      tpu.vector_store %arg7[%swap3A_1918, %swap3A_1919, %swap3A_1920, %swap3A_1921], %swap3A_1924 {strides = array<i32>} : memref<4x4x8x128xf32, #tpu.memory_space<vmem>>, vector<1x1x1x16xf32>,
    }
    %scan3A_431 = arith.constant 8 : i32
    %dma_start3A_432 = arith.constant 2 : i32
    %dma_start3A_433 = arith.constant 0 : i32
    %dma_start3A_434 = arith.constant 2 : i32
    %dma_start3A_435 = arith.constant 0 : i32
    %dma_start3A_436 = arith.constant 0 : i32
    %dma_start3A_437 = arith.constant 0 : i32
    %dma_start3A_438 = tpu.memref_slice %arg7[%dma_start3A_432, %dma_start3A_435, %dma_start3A_436, %dma_start3A_437] : memref<4x4x8x128xf32, #tpu.memory_space<vmem>> -> memref<1x4x8x128xf32, #tpu.memory_space<vmem>>
    %dma_start3A_439 = tpu.memref_squeeze %dma_start3A_438 : memref<1x4x8x128xf32, #tpu.memory_space<vmem>> -> memref<4x8x128xf32, #tpu.memory_space<vmem>>
    %dma_start3A_440 = arith.constant 0 : i32
    %dma_start3A_441 = arith.constant 0 : i32
    %dma_start3A_442 = arith.constant 0 : i32
    %dma_start3A_443 = tpu.memref_slice %arg4[%dma_start3A_433, %add3A, %dma_start3A_434, %dma_start3A_440, %dma_start3A_441, %dma_start3A_442] : memref<8x32x4x4x8x128xf32, #tpu.memory_space<hbm>> -> memref<1x1x1x4x8x128xf32, #tpu.memory_space<hbm>>
    %dma_start3A_444 = tpu.memref_squeeze %dma_start3A_443 : memref<1x1x1x4x8x128xf32, #tpu.memory_space<hbm>> -> memref<4x8x128xf32, #tpu.memory_space<hbm>>
    %dma_start3A_445 = arith.constant 0 : i32
    %dma_start3A_446 = arith.constant 0 : i32
    %dma_start3A_447 = arith.constant 0 : i32
    %dma_start3A_448 = tpu.memref_slice %arg4[%dma_start3A_433, %add3A, %dma_start3A_434, %dma_start3A_445, %dma_start3A_446, %dma_start3A_447] : memref<8x32x4x4x8x128xf32, #tpu.memory_space<hbm>> -> memref<1x1x1x4x8x128xf32, #tpu.memory_space<hbm>>
    %dma_start3A_449 = tpu.memref_squeeze %dma_start3A_448 : memref<1x1x1x4x8x128xf32, #tpu.memory_space<hbm>> -> memref<4x8x128xf32, #tpu.memory_space<hbm>>
    %dma_start3A_450 = arith.constant 0 : i32
    %dma_start3A_451 = arith.constant 0 : i32
    %dma_start3A_452 = arith.constant 0 : i32
    %dma_start3A_453 = tpu.memref_slice %arg7[%dma_start3A_432, %dma_start3A_450, %dma_start3A_451, %dma_start3A_452] : memref<4x4x8x128xf32, #tpu.memory_space<vmem>> -> memref<1x4x8x128xf32, #tpu.memory_space<vmem>>
    %dma_start3A_454 = tpu.memref_squeeze %dma_start3A_453 : memref<1x4x8x128xf32, #tpu.memory_space<vmem>> -> memref<4x8x128xf32, #tpu.memory_space<vmem>>
    tpu.enqueue_dma source(%dma_start3A_454 : memref<4x8x128xf32, #tpu.memory_space<vmem>>) target(%dma_start3A_449 : memref<4x8x128xf32, #tpu.memory_space<hbm>>) target_semaphore(%arg8 : memref<!tpu.dma_semaphore, #tpu.memory_space<semaphore_mem>>)
    %dma_start3A_455 = arith.constant 2 : i32
    %dma_start3A_456 = arith.constant 1 : i32
    %dma_start3A_457 = arith.constant 2 : i32
    %dma_start3A_458 = arith.constant 0 : i32
    %dma_start3A_459 = arith.constant 0 : i32
    %dma_start3A_460 = arith.constant 0 : i32
    %dma_start3A_461 = tpu.memref_slice %arg7[%dma_start3A_455, %dma_start3A_458, %dma_start3A_459, %dma_start3A_460] : memref<4x4x8x128xf32, #tpu.memory_space<vmem>> -> memref<1x4x8x128xf32, #tpu.memory_space<vmem>>
    %dma_start3A_462 = tpu.memref_squeeze %dma_start3A_461 : memref<1x4x8x128xf32, #tpu.memory_space<vmem>> -> memref<4x8x128xf32, #tpu.memory_space<vmem>>
    %dma_start3A_463 = arith.constant 0 : i32
    %dma_start3A_464 = arith.constant 0 : i32
    %dma_start3A_465 = arith.constant 0 : i32
    %dma_start3A_466 = tpu.memref_slice %arg4[%dma_start3A_456, %add3A, %dma_start3A_457, %dma_start3A_463, %dma_start3A_464, %dma_start3A_465] : memref<8x32x4x4x8x128xf32, #tpu.memory_space<hbm>> -> memref<1x1x1x4x8x128xf32, #tpu.memory_space<hbm>>
    %dma_start3A_467 = tpu.memref_squeeze %dma_start3A_466 : memref<1x1x1x4x8x128xf32, #tpu.memory_space<hbm>> -> memref<4x8x128xf32, #tpu.memory_space<hbm>>
    %dma_start3A_468 = arith.constant 0 : i32
    %dma_start3A_469 = arith.constant 0 : i32
    %dma_start3A_470 = arith.constant 0 : i32
    %dma_start3A_471 = tpu.memref_slice %arg4[%dma_start3A_456, %add3A, %dma_start3A_457, %dma_start3A_468, %dma_start3A_469, %dma_start3A_470] : memref<8x32x4x4x8x128xf32, #tpu.memory_space<hbm>> -> memref<1x1x1x4x8x128xf32, #tpu.memory_space<hbm>>
    %dma_start3A_472 = tpu.memref_squeeze %dma_start3A_471 : memref<1x1x1x4x8x128xf32, #tpu.memory_space<hbm>> -> memref<4x8x128xf32, #tpu.memory_space<hbm>>
    %dma_start3A_473 = arith.constant 0 : i32
    %dma_start3A_474 = arith.constant 0 : i32
    %dma_start3A_475 = arith.constant 0 : i32
    %dma_start3A_476 = tpu.memref_slice %arg7[%dma_start3A_455, %dma_start3A_473, %dma_start3A_474, %dma_start3A_475] : memref<4x4x8x128xf32, #tpu.memory_space<vmem>> -> memref<1x4x8x128xf32, #tpu.memory_space<vmem>>
    %dma_start3A_477 = tpu.memref_squeeze %dma_start3A_476 : memref<1x4x8x128xf32, #tpu.memory_space<vmem>> -> memref<4x8x128xf32, #tpu.memory_space<vmem>>
    tpu.enqueue_dma source(%dma_start3A_477 : memref<4x8x128xf32, #tpu.memory_space<vmem>>) target(%dma_start3A_472 : memref<4x8x128xf32, #tpu.memory_space<hbm>>) target_semaphore(%arg8 : memref<!tpu.dma_semaphore, #tpu.memory_space<semaphore_mem>>)
    %dma_start3A_478 = arith.constant 2 : i32
    %dma_start3A_479 = arith.constant 2 : i32
    %dma_start3A_480 = arith.constant 2 : i32
    %dma_start3A_481 = arith.constant 0 : i32
    %dma_start3A_482 = arith.constant 0 : i32
    %dma_start3A_483 = arith.constant 0 : i32
    %dma_start3A_484 = tpu.memref_slice %arg7[%dma_start3A_478, %dma_start3A_481, %dma_start3A_482, %dma_start3A_483] : memref<4x4x8x128xf32, #tpu.memory_space<vmem>> -> memref<1x4x8x128xf32, #tpu.memory_space<vmem>>
    %dma_start3A_485 = tpu.memref_squeeze %dma_start3A_484 : memref<1x4x8x128xf32, #tpu.memory_space<vmem>> -> memref<4x8x128xf32, #tpu.memory_space<vmem>>
    %dma_start3A_486 = arith.constant 0 : i32
    %dma_start3A_487 = arith.constant 0 : i32
    %dma_start3A_488 = arith.constant 0 : i32
    %dma_start3A_489 = tpu.memref_slice %arg4[%dma_start3A_479, %add3A, %dma_start3A_480, %dma_start3A_486, %dma_start3A_487, %dma_start3A_488] : memref<8x32x4x4x8x128xf32, #tpu.memory_space<hbm>> -> memref<1x1x1x4x8x128xf32, #tpu.memory_space<hbm>>
    %dma_start3A_490 = tpu.memref_squeeze %dma_start3A_489 : memref<1x1x1x4x8x128xf32, #tpu.memory_space<hbm>> -> memref<4x8x128xf32, #tpu.memory_space<hbm>>
    %dma_start3A_491 = arith.constant 0 : i32
    %dma_start3A_492 = arith.constant 0 : i32
    %dma_start3A_493 = arith.constant 0 : i32
    %dma_start3A_494 = tpu.memref_slice %arg4[%dma_start3A_479, %add3A, %dma_start3A_480, %dma_start3A_491, %dma_start3A_492, %dma_start3A_493] : memref<8x32x4x4x8x128xf32, #tpu.memory_space<hbm>> -> memref<1x1x1x4x8x128xf32, #tpu.memory_space<hbm>>
    %dma_start3A_495 = tpu.memref_squeeze %dma_start3A_494 : memref<1x1x1x4x8x128xf32, #tpu.memory_space<hbm>> -> memref<4x8x128xf32, #tpu.memory_space<hbm>>
    %dma_start3A_496 = arith.constant 0 : i32
    %dma_start3A_497 = arith.constant 0 : i32
    %dma_start3A_498 = arith.constant 0 : i32
    %dma_start3A_499 = tpu.memref_slice %arg7[%dma_start3A_478, %dma_start3A_496, %dma_start3A_497, %dma_start3A_498] : memref<4x4x8x128xf32, #tpu.memory_space<vmem>> -> memref<1x4x8x128xf32, #tpu.memory_space<vmem>>
    %dma_start3A_500 = tpu.memref_squeeze %dma_start3A_499 : memref<1x4x8x128xf32, #tpu.memory_space<vmem>> -> memref<4x8x128xf32, #tpu.memory_space<vmem>>
    tpu.enqueue_dma source(%dma_start3A_500 : memref<4x8x128xf32, #tpu.memory_space<vmem>>) target(%dma_start3A_495 : memref<4x8x128xf32, #tpu.memory_space<hbm>>) target_semaphore(%arg8 : memref<!tpu.dma_semaphore, #tpu.memory_space<semaphore_mem>>)
    %dma_start3A_501 = arith.constant 2 : i32
    %dma_start3A_502 = arith.constant 3 : i32
    %dma_start3A_503 = arith.constant 2 : i32
    %dma_start3A_504 = arith.constant 0 : i32
    %dma_start3A_505 = arith.constant 0 : i32
    %dma_start3A_506 = arith.constant 0 : i32
    %dma_start3A_507 = tpu.memref_slice %arg7[%dma_start3A_501, %dma_start3A_504, %dma_start3A_505, %dma_start3A_506] : memref<4x4x8x128xf32, #tpu.memory_space<vmem>> -> memref<1x4x8x128xf32, #tpu.memory_space<vmem>>
    %dma_start3A_508 = tpu.memref_squeeze %dma_start3A_507 : memref<1x4x8x128xf32, #tpu.memory_space<vmem>> -> memref<4x8x128xf32, #tpu.memory_space<vmem>>
    %dma_start3A_509 = arith.constant 0 : i32
    %dma_start3A_510 = arith.constant 0 : i32
    %dma_start3A_511 = arith.constant 0 : i32
    %dma_start3A_512 = tpu.memref_slice %arg4[%dma_start3A_502, %add3A, %dma_start3A_503, %dma_start3A_509, %dma_start3A_510, %dma_start3A_511] : memref<8x32x4x4x8x128xf32, #tpu.memory_space<hbm>> -> memref<1x1x1x4x8x128xf32, #tpu.memory_space<hbm>>
    %dma_start3A_513 = tpu.memref_squeeze %dma_start3A_512 : memref<1x1x1x4x8x128xf32, #tpu.memory_space<hbm>> -> memref<4x8x128xf32, #tpu.memory_space<hbm>>
    %dma_start3A_514 = arith.constant 0 : i32
    %dma_start3A_515 = arith.constant 0 : i32
    %dma_start3A_516 = arith.constant 0 : i32
    %dma_start3A_517 = tpu.memref_slice %arg4[%dma_start3A_502, %add3A, %dma_start3A_503, %dma_start3A_514, %dma_start3A_515, %dma_start3A_516] : memref<8x32x4x4x8x128xf32, #tpu.memory_space<hbm>> -> memref<1x1x1x4x8x128xf32, #tpu.memory_space<hbm>>
    %dma_start3A_518 = tpu.memref_squeeze %dma_start3A_517 : memref<1x1x1x4x8x128xf32, #tpu.memory_space<hbm>> -> memref<4x8x128xf32, #tpu.memory_space<hbm>>
    %dma_start3A_519 = arith.constant 0 : i32
    %dma_start3A_520 = arith.constant 0 : i32
    %dma_start3A_521 = arith.constant 0 : i32
    %dma_start3A_522 = tpu.memref_slice %arg7[%dma_start3A_501, %dma_start3A_519, %dma_start3A_520, %dma_start3A_521] : memref<4x4x8x128xf32, #tpu.memory_space<vmem>> -> memref<1x4x8x128xf32, #tpu.memory_space<vmem>>
    %dma_start3A_523 = tpu.memref_squeeze %dma_start3A_522 : memref<1x4x8x128xf32, #tpu.memory_space<vmem>> -> memref<4x8x128xf32, #tpu.memory_space<vmem>>
    tpu.enqueue_dma source(%dma_start3A_523 : memref<4x8x128xf32, #tpu.memory_space<vmem>>) target(%dma_start3A_518 : memref<4x8x128xf32, #tpu.memory_space<hbm>>) target_semaphore(%arg8 : memref<!tpu.dma_semaphore, #tpu.memory_space<semaphore_mem>>)
    %dma_start3A_524 = arith.constant 2 : i32
    %dma_start3A_525 = arith.constant 4 : i32
    %dma_start3A_526 = arith.constant 2 : i32
    %dma_start3A_527 = arith.constant 0 : i32
    %dma_start3A_528 = arith.constant 0 : i32
    %dma_start3A_529 = arith.constant 0 : i32
    %dma_start3A_530 = tpu.memref_slice %arg7[%dma_start3A_524, %dma_start3A_527, %dma_start3A_528, %dma_start3A_529] : memref<4x4x8x128xf32, #tpu.memory_space<vmem>> -> memref<1x4x8x128xf32, #tpu.memory_space<vmem>>
    %dma_start3A_531 = tpu.memref_squeeze %dma_start3A_530 : memref<1x4x8x128xf32, #tpu.memory_space<vmem>> -> memref<4x8x128xf32, #tpu.memory_space<vmem>>
    %dma_start3A_532 = arith.constant 0 : i32
    %dma_start3A_533 = arith.constant 0 : i32
    %dma_start3A_534 = arith.constant 0 : i32
    %dma_start3A_535 = tpu.memref_slice %arg4[%dma_start3A_525, %add3A, %dma_start3A_526, %dma_start3A_532, %dma_start3A_533, %dma_start3A_534] : memref<8x32x4x4x8x128xf32, #tpu.memory_space<hbm>> -> memref<1x1x1x4x8x128xf32, #tpu.memory_space<hbm>>
    %dma_start3A_536 = tpu.memref_squeeze %dma_start3A_535 : memref<1x1x1x4x8x128xf32, #tpu.memory_space<hbm>> -> memref<4x8x128xf32, #tpu.memory_space<hbm>>
    %dma_start3A_537 = arith.constant 0 : i32
    %dma_start3A_538 = arith.constant 0 : i32
    %dma_start3A_539 = arith.constant 0 : i32
    %dma_start3A_540 = tpu.memref_slice %arg4[%dma_start3A_525, %add3A, %dma_start3A_526, %dma_start3A_537, %dma_start3A_538, %dma_start3A_539] : memref<8x32x4x4x8x128xf32, #tpu.memory_space<hbm>> -> memref<1x1x1x4x8x128xf32, #tpu.memory_space<hbm>>
    %dma_start3A_541 = tpu.memref_squeeze %dma_start3A_540 : memref<1x1x1x4x8x128xf32, #tpu.memory_space<hbm>> -> memref<4x8x128xf32, #tpu.memory_space<hbm>>
    %dma_start3A_542 = arith.constant 0 : i32
    %dma_start3A_543 = arith.constant 0 : i32
    %dma_start3A_544 = arith.constant 0 : i32
    %dma_start3A_545 = tpu.memref_slice %arg7[%dma_start3A_524, %dma_start3A_542, %dma_start3A_543, %dma_start3A_544] : memref<4x4x8x128xf32, #tpu.memory_space<vmem>> -> memref<1x4x8x128xf32, #tpu.memory_space<vmem>>
    %dma_start3A_546 = tpu.memref_squeeze %dma_start3A_545 : memref<1x4x8x128xf32, #tpu.memory_space<vmem>> -> memref<4x8x128xf32, #tpu.memory_space<vmem>>
    tpu.enqueue_dma source(%dma_start3A_546 : memref<4x8x128xf32, #tpu.memory_space<vmem>>) target(%dma_start3A_541 : memref<4x8x128xf32, #tpu.memory_space<hbm>>) target_semaphore(%arg8 : memref<!tpu.dma_semaphore, #tpu.memory_space<semaphore_mem>>)
    %dma_start3A_547 = arith.constant 2 : i32
    %dma_start3A_548 = arith.constant 5 : i32
    %dma_start3A_549 = arith.constant 2 : i32
    %dma_start3A_550 = arith.constant 0 : i32
    %dma_start3A_551 = arith.constant 0 : i32
    %dma_start3A_552 = arith.constant 0 : i32
    %dma_start3A_553 = tpu.memref_slice %arg7[%dma_start3A_547, %dma_start3A_550, %dma_start3A_551, %dma_start3A_552] : memref<4x4x8x128xf32, #tpu.memory_space<vmem>> -> memref<1x4x8x128xf32, #tpu.memory_space<vmem>>
    %dma_start3A_554 = tpu.memref_squeeze %dma_start3A_553 : memref<1x4x8x128xf32, #tpu.memory_space<vmem>> -> memref<4x8x128xf32, #tpu.memory_space<vmem>>
    %dma_start3A_555 = arith.constant 0 : i32
    %dma_start3A_556 = arith.constant 0 : i32
    %dma_start3A_557 = arith.constant 0 : i32
    %dma_start3A_558 = tpu.memref_slice %arg4[%dma_start3A_548, %add3A, %dma_start3A_549, %dma_start3A_555, %dma_start3A_556, %dma_start3A_557] : memref<8x32x4x4x8x128xf32, #tpu.memory_space<hbm>> -> memref<1x1x1x4x8x128xf32, #tpu.memory_space<hbm>>
    %dma_start3A_559 = tpu.memref_squeeze %dma_start3A_558 : memref<1x1x1x4x8x128xf32, #tpu.memory_space<hbm>> -> memref<4x8x128xf32, #tpu.memory_space<hbm>>
    %dma_start3A_560 = arith.constant 0 : i32
    %dma_start3A_561 = arith.constant 0 : i32
    %dma_start3A_562 = arith.constant 0 : i32
    %dma_start3A_563 = tpu.memref_slice %arg4[%dma_start3A_548, %add3A, %dma_start3A_549, %dma_start3A_560, %dma_start3A_561, %dma_start3A_562] : memref<8x32x4x4x8x128xf32, #tpu.memory_space<hbm>> -> memref<1x1x1x4x8x128xf32, #tpu.memory_space<hbm>>
    %dma_start3A_564 = tpu.memref_squeeze %dma_start3A_563 : memref<1x1x1x4x8x128xf32, #tpu.memory_space<hbm>> -> memref<4x8x128xf32, #tpu.memory_space<hbm>>
    %dma_start3A_565 = arith.constant 0 : i32
    %dma_start3A_566 = arith.constant 0 : i32
    %dma_start3A_567 = arith.constant 0 : i32
    %dma_start3A_568 = tpu.memref_slice %arg7[%dma_start3A_547, %dma_start3A_565, %dma_start3A_566, %dma_start3A_567] : memref<4x4x8x128xf32, #tpu.memory_space<vmem>> -> memref<1x4x8x128xf32, #tpu.memory_space<vmem>>
    %dma_start3A_569 = tpu.memref_squeeze %dma_start3A_568 : memref<1x4x8x128xf32, #tpu.memory_space<vmem>> -> memref<4x8x128xf32, #tpu.memory_space<vmem>>
    tpu.enqueue_dma source(%dma_start3A_569 : memref<4x8x128xf32, #tpu.memory_space<vmem>>) target(%dma_start3A_564 : memref<4x8x128xf32, #tpu.memory_space<hbm>>) target_semaphore(%arg8 : memref<!tpu.dma_semaphore, #tpu.memory_space<semaphore_mem>>)
    %dma_start3A_570 = arith.constant 2 : i32
    %dma_start3A_571 = arith.constant 6 : i32
    %dma_start3A_572 = arith.constant 2 : i32
    %dma_start3A_573 = arith.constant 0 : i32
    %dma_start3A_574 = arith.constant 0 : i32
    %dma_start3A_575 = arith.constant 0 : i32
    %dma_start3A_576 = tpu.memref_slice %arg7[%dma_start3A_570, %dma_start3A_573, %dma_start3A_574, %dma_start3A_575] : memref<4x4x8x128xf32, #tpu.memory_space<vmem>> -> memref<1x4x8x128xf32, #tpu.memory_space<vmem>>
    %dma_start3A_577 = tpu.memref_squeeze %dma_start3A_576 : memref<1x4x8x128xf32, #tpu.memory_space<vmem>> -> memref<4x8x128xf32, #tpu.memory_space<vmem>>
    %dma_start3A_578 = arith.constant 0 : i32
    %dma_start3A_579 = arith.constant 0 : i32
    %dma_start3A_580 = arith.constant 0 : i32
    %dma_start3A_581 = tpu.memref_slice %arg4[%dma_start3A_571, %add3A, %dma_start3A_572, %dma_start3A_578, %dma_start3A_579, %dma_start3A_580] : memref<8x32x4x4x8x128xf32, #tpu.memory_space<hbm>> -> memref<1x1x1x4x8x128xf32, #tpu.memory_space<hbm>>
    %dma_start3A_582 = tpu.memref_squeeze %dma_start3A_581 : memref<1x1x1x4x8x128xf32, #tpu.memory_space<hbm>> -> memref<4x8x128xf32, #tpu.memory_space<hbm>>
    %dma_start3A_583 = arith.constant 0 : i32
    %dma_start3A_584 = arith.constant 0 : i32
    %dma_start3A_585 = arith.constant 0 : i32
    %dma_start3A_586 = tpu.memref_slice %arg4[%dma_start3A_571, %add3A, %dma_start3A_572, %dma_start3A_583, %dma_start3A_584, %dma_start3A_585] : memref<8x32x4x4x8x128xf32, #tpu.memory_space<hbm>> -> memref<1x1x1x4x8x128xf32, #tpu.memory_space<hbm>>
    %dma_start3A_587 = tpu.memref_squeeze %dma_start3A_586 : memref<1x1x1x4x8x128xf32, #tpu.memory_space<hbm>> -> memref<4x8x128xf32, #tpu.memory_space<hbm>>
    %dma_start3A_588 = arith.constant 0 : i32
    %dma_start3A_589 = arith.constant 0 : i32
    %dma_start3A_590 = arith.constant 0 : i32
    %dma_start3A_591 = tpu.memref_slice %arg7[%dma_start3A_570, %dma_start3A_588, %dma_start3A_589, %dma_start3A_590] : memref<4x4x8x128xf32, #tpu.memory_space<vmem>> -> memref<1x4x8x128xf32, #tpu.memory_space<vmem>>
    %dma_start3A_592 = tpu.memref_squeeze %dma_start3A_591 : memref<1x4x8x128xf32, #tpu.memory_space<vmem>> -> memref<4x8x128xf32, #tpu.memory_space<vmem>>
    tpu.enqueue_dma source(%dma_start3A_592 : memref<4x8x128xf32, #tpu.memory_space<vmem>>) target(%dma_start3A_587 : memref<4x8x128xf32, #tpu.memory_space<hbm>>) target_semaphore(%arg8 : memref<!tpu.dma_semaphore, #tpu.memory_space<semaphore_mem>>)
    %dma_start3A_593 = arith.constant 2 : i32
    %dma_start3A_594 = arith.constant 7 : i32
    %dma_start3A_595 = arith.constant 2 : i32
    %dma_start3A_596 = arith.constant 0 : i32
    %dma_start3A_597 = arith.constant 0 : i32
    %dma_start3A_598 = arith.constant 0 : i32
    %dma_start3A_599 = tpu.memref_slice %arg7[%dma_start3A_593, %dma_start3A_596, %dma_start3A_597, %dma_start3A_598] : memref<4x4x8x128xf32, #tpu.memory_space<vmem>> -> memref<1x4x8x128xf32, #tpu.memory_space<vmem>>
    %dma_start3A_600 = tpu.memref_squeeze %dma_start3A_599 : memref<1x4x8x128xf32, #tpu.memory_space<vmem>> -> memref<4x8x128xf32, #tpu.memory_space<vmem>>
    %dma_start3A_601 = arith.constant 0 : i32
    %dma_start3A_602 = arith.constant 0 : i32
    %dma_start3A_603 = arith.constant 0 : i32
    %dma_start3A_604 = tpu.memref_slice %arg4[%dma_start3A_594, %add3A, %dma_start3A_595, %dma_start3A_601, %dma_start3A_602, %dma_start3A_603] : memref<8x32x4x4x8x128xf32, #tpu.memory_space<hbm>> -> memref<1x1x1x4x8x128xf32, #tpu.memory_space<hbm>>
    %dma_start3A_605 = tpu.memref_squeeze %dma_start3A_604 : memref<1x1x1x4x8x128xf32, #tpu.memory_space<hbm>> -> memref<4x8x128xf32, #tpu.memory_space<hbm>>
    %dma_start3A_606 = arith.constant 0 : i32
    %dma_start3A_607 = arith.constant 0 : i32
    %dma_start3A_608 = arith.constant 0 : i32
    %dma_start3A_609 = tpu.memref_slice %arg4[%dma_start3A_594, %add3A, %dma_start3A_595, %dma_start3A_606, %dma_start3A_607, %dma_start3A_608] : memref<8x32x4x4x8x128xf32, #tpu.memory_space<hbm>> -> memref<1x1x1x4x8x128xf32, #tpu.memory_space<hbm>>
    %dma_start3A_610 = tpu.memref_squeeze %dma_start3A_609 : memref<1x1x1x4x8x128xf32, #tpu.memory_space<hbm>> -> memref<4x8x128xf32, #tpu.memory_space<hbm>>
    %dma_start3A_611 = arith.constant 0 : i32
    %dma_start3A_612 = arith.constant 0 : i32
    %dma_start3A_613 = arith.constant 0 : i32
    %dma_start3A_614 = tpu.memref_slice %arg7[%dma_start3A_593, %dma_start3A_611, %dma_start3A_612, %dma_start3A_613] : memref<4x4x8x128xf32, #tpu.memory_space<vmem>> -> memref<1x4x8x128xf32, #tpu.memory_space<vmem>>
    %dma_start3A_615 = tpu.memref_squeeze %dma_start3A_614 : memref<1x4x8x128xf32, #tpu.memory_space<vmem>> -> memref<4x8x128xf32, #tpu.memory_space<vmem>>
    tpu.enqueue_dma source(%dma_start3A_615 : memref<4x8x128xf32, #tpu.memory_space<vmem>>) target(%dma_start3A_610 : memref<4x8x128xf32, #tpu.memory_space<hbm>>) target_semaphore(%arg8 : memref<!tpu.dma_semaphore, #tpu.memory_space<semaphore_mem>>)
    %scan3A_616 = arith.constant 0 : i32
    %scan3A_617 = arith.constant 0 : i32
    %scan3A_618 = arith.constant 8 : i32
    %scan3A_619 = arith.addi %scan3A_617, %scan3A_618 : i32
    %scan3A_620 = arith.constant 1 : i32
    scf.for %scan3A_1541 = %scan3A_617 to %scan3A_619 step %scan3A_620  : i32 {
      %add3A_1542 = arith.constant 24 : i32
      %add3A_1543 = arith.addi %add3A_1542, %scan3A_1541 : i32
      %get3A_1544 = arith.index_cast %add3A_1543 : i32 to index
      %get3A_1545 = arith.constant 0 : index
      %get3A_1546 = tpu.vector_load %arg5[%get3A_1544, %get3A_1545] {strides = array<i32>} : memref<32x256xf32, #tpu.memory_space<vmem>>, vector<1x16xf32>,
      %get3A_1547 = vector.shape_cast %get3A_1546 : vector<1x16xf32> to vector<16xf32>
      %swap3A = arith.constant 3 : i32
      %swap3A_1548 = arith.constant 0 : i32
      %swap3A_1549 = arith.index_cast %swap3A : i32 to index
      %swap3A_1550 = arith.index_cast %swap3A_1548 : i32 to index
      %swap3A_1551 = arith.index_cast %scan3A_1541 : i32 to index
      %swap3A_1552 = arith.constant 0 : index
      %swap3A_1553 = tpu.vector_load %arg7[%swap3A_1549, %swap3A_1550, %swap3A_1551, %swap3A_1552] {strides = array<i32>} : memref<4x4x8x128xf32, #tpu.memory_space<vmem>>, vector<1x1x1x16xf32>,
      %swap3A_1554 = vector.shape_cast %swap3A_1553 : vector<1x1x1x16xf32> to vector<16xf32>
      %swap3A_1555 = vector.shape_cast %get3A_1547 : vector<16xf32> to vector<1x1x1x16xf32>
      tpu.vector_store %arg7[%swap3A_1549, %swap3A_1550, %swap3A_1551, %swap3A_1552], %swap3A_1555 {strides = array<i32>} : memref<4x4x8x128xf32, #tpu.memory_space<vmem>>, vector<1x1x1x16xf32>,
      %add3A_1556 = arith.constant 24 : i32
      %add3A_1557 = arith.addi %add3A_1556, %scan3A_1541 : i32
      %get3A_1558 = arith.index_cast %add3A_1557 : i32 to index
      %get3A_1559 = arith.constant 16 : index
      %get3A_1560 = tpu.vector_load %arg5[%get3A_1558, %get3A_1559] {strides = array<i32>} : memref<32x256xf32, #tpu.memory_space<vmem>>, vector<1x16xf32>,
      %get3A_1561 = vector.shape_cast %get3A_1560 : vector<1x16xf32> to vector<16xf32>
      %swap3A_1562 = arith.constant 3 : i32
      %swap3A_1563 = arith.constant 0 : i32
      %swap3A_1564 = arith.index_cast %swap3A_1562 : i32 to index
      %swap3A_1565 = arith.index_cast %swap3A_1563 : i32 to index
      %swap3A_1566 = arith.index_cast %scan3A_1541 : i32 to index
      %swap3A_1567 = arith.constant 16 : index
      %swap3A_1568 = tpu.vector_load %arg7[%swap3A_1564, %swap3A_1565, %swap3A_1566, %swap3A_1567] {strides = array<i32>} : memref<4x4x8x128xf32, #tpu.memory_space<vmem>>, vector<1x1x1x16xf32>,
      %swap3A_1569 = vector.shape_cast %swap3A_1568 : vector<1x1x1x16xf32> to vector<16xf32>
      %swap3A_1570 = vector.shape_cast %get3A_1561 : vector<16xf32> to vector<1x1x1x16xf32>
      tpu.vector_store %arg7[%swap3A_1564, %swap3A_1565, %swap3A_1566, %swap3A_1567], %swap3A_1570 {strides = array<i32>} : memref<4x4x8x128xf32, #tpu.memory_space<vmem>>, vector<1x1x1x16xf32>,
      %add3A_1571 = arith.constant 24 : i32
      %add3A_1572 = arith.addi %add3A_1571, %scan3A_1541 : i32
      %get3A_1573 = arith.index_cast %add3A_1572 : i32 to index
      %get3A_1574 = arith.constant 32 : index
      %get3A_1575 = tpu.vector_load %arg5[%get3A_1573, %get3A_1574] {strides = array<i32>} : memref<32x256xf32, #tpu.memory_space<vmem>>, vector<1x16xf32>,
      %get3A_1576 = vector.shape_cast %get3A_1575 : vector<1x16xf32> to vector<16xf32>
      %swap3A_1577 = arith.constant 3 : i32
      %swap3A_1578 = arith.constant 0 : i32
      %swap3A_1579 = arith.index_cast %swap3A_1577 : i32 to index
      %swap3A_1580 = arith.index_cast %swap3A_1578 : i32 to index
      %swap3A_1581 = arith.index_cast %scan3A_1541 : i32 to index
      %swap3A_1582 = arith.constant 32 : index
      %swap3A_1583 = tpu.vector_load %arg7[%swap3A_1579, %swap3A_1580, %swap3A_1581, %swap3A_1582] {strides = array<i32>} : memref<4x4x8x128xf32, #tpu.memory_space<vmem>>, vector<1x1x1x16xf32>,
      %swap3A_1584 = vector.shape_cast %swap3A_1583 : vector<1x1x1x16xf32> to vector<16xf32>
      %swap3A_1585 = vector.shape_cast %get3A_1576 : vector<16xf32> to vector<1x1x1x16xf32>
      tpu.vector_store %arg7[%swap3A_1579, %swap3A_1580, %swap3A_1581, %swap3A_1582], %swap3A_1585 {strides = array<i32>} : memref<4x4x8x128xf32, #tpu.memory_space<vmem>>, vector<1x1x1x16xf32>,
      %add3A_1586 = arith.constant 24 : i32
      %add3A_1587 = arith.addi %add3A_1586, %scan3A_1541 : i32
      %get3A_1588 = arith.index_cast %add3A_1587 : i32 to index
      %get3A_1589 = arith.constant 48 : index
      %get3A_1590 = tpu.vector_load %arg5[%get3A_1588, %get3A_1589] {strides = array<i32>} : memref<32x256xf32, #tpu.memory_space<vmem>>, vector<1x16xf32>,
      %get3A_1591 = vector.shape_cast %get3A_1590 : vector<1x16xf32> to vector<16xf32>
      %swap3A_1592 = arith.constant 3 : i32
      %swap3A_1593 = arith.constant 0 : i32
      %swap3A_1594 = arith.index_cast %swap3A_1592 : i32 to index
      %swap3A_1595 = arith.index_cast %swap3A_1593 : i32 to index
      %swap3A_1596 = arith.index_cast %scan3A_1541 : i32 to index
      %swap3A_1597 = arith.constant 48 : index
      %swap3A_1598 = tpu.vector_load %arg7[%swap3A_1594, %swap3A_1595, %swap3A_1596, %swap3A_1597] {strides = array<i32>} : memref<4x4x8x128xf32, #tpu.memory_space<vmem>>, vector<1x1x1x16xf32>,
      %swap3A_1599 = vector.shape_cast %swap3A_1598 : vector<1x1x1x16xf32> to vector<16xf32>
      %swap3A_1600 = vector.shape_cast %get3A_1591 : vector<16xf32> to vector<1x1x1x16xf32>
      tpu.vector_store %arg7[%swap3A_1594, %swap3A_1595, %swap3A_1596, %swap3A_1597], %swap3A_1600 {strides = array<i32>} : memref<4x4x8x128xf32, #tpu.memory_space<vmem>>, vector<1x1x1x16xf32>,
      %add3A_1601 = arith.constant 24 : i32
      %add3A_1602 = arith.addi %add3A_1601, %scan3A_1541 : i32
      %get3A_1603 = arith.index_cast %add3A_1602 : i32 to index
      %get3A_1604 = arith.constant 64 : index
      %get3A_1605 = tpu.vector_load %arg5[%get3A_1603, %get3A_1604] {strides = array<i32>} : memref<32x256xf32, #tpu.memory_space<vmem>>, vector<1x16xf32>,
      %get3A_1606 = vector.shape_cast %get3A_1605 : vector<1x16xf32> to vector<16xf32>
      %swap3A_1607 = arith.constant 3 : i32
      %swap3A_1608 = arith.constant 0 : i32
      %swap3A_1609 = arith.index_cast %swap3A_1607 : i32 to index
      %swap3A_1610 = arith.index_cast %swap3A_1608 : i32 to index
      %swap3A_1611 = arith.index_cast %scan3A_1541 : i32 to index
      %swap3A_1612 = arith.constant 64 : index
      %swap3A_1613 = tpu.vector_load %arg7[%swap3A_1609, %swap3A_1610, %swap3A_1611, %swap3A_1612] {strides = array<i32>} : memref<4x4x8x128xf32, #tpu.memory_space<vmem>>, vector<1x1x1x16xf32>,
      %swap3A_1614 = vector.shape_cast %swap3A_1613 : vector<1x1x1x16xf32> to vector<16xf32>
      %swap3A_1615 = vector.shape_cast %get3A_1606 : vector<16xf32> to vector<1x1x1x16xf32>
      tpu.vector_store %arg7[%swap3A_1609, %swap3A_1610, %swap3A_1611, %swap3A_1612], %swap3A_1615 {strides = array<i32>} : memref<4x4x8x128xf32, #tpu.memory_space<vmem>>, vector<1x1x1x16xf32>,
      %add3A_1616 = arith.constant 24 : i32
      %add3A_1617 = arith.addi %add3A_1616, %scan3A_1541 : i32
      %get3A_1618 = arith.index_cast %add3A_1617 : i32 to index
      %get3A_1619 = arith.constant 80 : index
      %get3A_1620 = tpu.vector_load %arg5[%get3A_1618, %get3A_1619] {strides = array<i32>} : memref<32x256xf32, #tpu.memory_space<vmem>>, vector<1x16xf32>,
      %get3A_1621 = vector.shape_cast %get3A_1620 : vector<1x16xf32> to vector<16xf32>
      %swap3A_1622 = arith.constant 3 : i32
      %swap3A_1623 = arith.constant 0 : i32
      %swap3A_1624 = arith.index_cast %swap3A_1622 : i32 to index
      %swap3A_1625 = arith.index_cast %swap3A_1623 : i32 to index
      %swap3A_1626 = arith.index_cast %scan3A_1541 : i32 to index
      %swap3A_1627 = arith.constant 80 : index
      %swap3A_1628 = tpu.vector_load %arg7[%swap3A_1624, %swap3A_1625, %swap3A_1626, %swap3A_1627] {strides = array<i32>} : memref<4x4x8x128xf32, #tpu.memory_space<vmem>>, vector<1x1x1x16xf32>,
      %swap3A_1629 = vector.shape_cast %swap3A_1628 : vector<1x1x1x16xf32> to vector<16xf32>
      %swap3A_1630 = vector.shape_cast %get3A_1621 : vector<16xf32> to vector<1x1x1x16xf32>
      tpu.vector_store %arg7[%swap3A_1624, %swap3A_1625, %swap3A_1626, %swap3A_1627], %swap3A_1630 {strides = array<i32>} : memref<4x4x8x128xf32, #tpu.memory_space<vmem>>, vector<1x1x1x16xf32>,
      %add3A_1631 = arith.constant 24 : i32
      %add3A_1632 = arith.addi %add3A_1631, %scan3A_1541 : i32
      %get3A_1633 = arith.index_cast %add3A_1632 : i32 to index
      %get3A_1634 = arith.constant 96 : index
      %get3A_1635 = tpu.vector_load %arg5[%get3A_1633, %get3A_1634] {strides = array<i32>} : memref<32x256xf32, #tpu.memory_space<vmem>>, vector<1x16xf32>,
      %get3A_1636 = vector.shape_cast %get3A_1635 : vector<1x16xf32> to vector<16xf32>
      %swap3A_1637 = arith.constant 3 : i32
      %swap3A_1638 = arith.constant 0 : i32
      %swap3A_1639 = arith.index_cast %swap3A_1637 : i32 to index
      %swap3A_1640 = arith.index_cast %swap3A_1638 : i32 to index
      %swap3A_1641 = arith.index_cast %scan3A_1541 : i32 to index
      %swap3A_1642 = arith.constant 96 : index
      %swap3A_1643 = tpu.vector_load %arg7[%swap3A_1639, %swap3A_1640, %swap3A_1641, %swap3A_1642] {strides = array<i32>} : memref<4x4x8x128xf32, #tpu.memory_space<vmem>>, vector<1x1x1x16xf32>,
      %swap3A_1644 = vector.shape_cast %swap3A_1643 : vector<1x1x1x16xf32> to vector<16xf32>
      %swap3A_1645 = vector.shape_cast %get3A_1636 : vector<16xf32> to vector<1x1x1x16xf32>
      tpu.vector_store %arg7[%swap3A_1639, %swap3A_1640, %swap3A_1641, %swap3A_1642], %swap3A_1645 {strides = array<i32>} : memref<4x4x8x128xf32, #tpu.memory_space<vmem>>, vector<1x1x1x16xf32>,
      %add3A_1646 = arith.constant 24 : i32
      %add3A_1647 = arith.addi %add3A_1646, %scan3A_1541 : i32
      %get3A_1648 = arith.index_cast %add3A_1647 : i32 to index
      %get3A_1649 = arith.constant 112 : index
      %get3A_1650 = tpu.vector_load %arg5[%get3A_1648, %get3A_1649] {strides = array<i32>} : memref<32x256xf32, #tpu.memory_space<vmem>>, vector<1x16xf32>,
      %get3A_1651 = vector.shape_cast %get3A_1650 : vector<1x16xf32> to vector<16xf32>
      %swap3A_1652 = arith.constant 3 : i32
      %swap3A_1653 = arith.constant 0 : i32
      %swap3A_1654 = arith.index_cast %swap3A_1652 : i32 to index
      %swap3A_1655 = arith.index_cast %swap3A_1653 : i32 to index
      %swap3A_1656 = arith.index_cast %scan3A_1541 : i32 to index
      %swap3A_1657 = arith.constant 112 : index
      %swap3A_1658 = tpu.vector_load %arg7[%swap3A_1654, %swap3A_1655, %swap3A_1656, %swap3A_1657] {strides = array<i32>} : memref<4x4x8x128xf32, #tpu.memory_space<vmem>>, vector<1x1x1x16xf32>,
      %swap3A_1659 = vector.shape_cast %swap3A_1658 : vector<1x1x1x16xf32> to vector<16xf32>
      %swap3A_1660 = vector.shape_cast %get3A_1651 : vector<16xf32> to vector<1x1x1x16xf32>
      tpu.vector_store %arg7[%swap3A_1654, %swap3A_1655, %swap3A_1656, %swap3A_1657], %swap3A_1660 {strides = array<i32>} : memref<4x4x8x128xf32, #tpu.memory_space<vmem>>, vector<1x1x1x16xf32>,
      %add3A_1661 = arith.constant 24 : i32
      %add3A_1662 = arith.addi %add3A_1661, %scan3A_1541 : i32
      %get3A_1663 = arith.index_cast %add3A_1662 : i32 to index
      %get3A_1664 = arith.constant 128 : index
      %get3A_1665 = tpu.vector_load %arg5[%get3A_1663, %get3A_1664] {strides = array<i32>} : memref<32x256xf32, #tpu.memory_space<vmem>>, vector<1x16xf32>,
      %get3A_1666 = vector.shape_cast %get3A_1665 : vector<1x16xf32> to vector<16xf32>
      %swap3A_1667 = arith.constant 3 : i32
      %swap3A_1668 = arith.constant 1 : i32
      %swap3A_1669 = arith.index_cast %swap3A_1667 : i32 to index
      %swap3A_1670 = arith.index_cast %swap3A_1668 : i32 to index
      %swap3A_1671 = arith.index_cast %scan3A_1541 : i32 to index
      %swap3A_1672 = arith.constant 0 : index
      %swap3A_1673 = tpu.vector_load %arg7[%swap3A_1669, %swap3A_1670, %swap3A_1671, %swap3A_1672] {strides = array<i32>} : memref<4x4x8x128xf32, #tpu.memory_space<vmem>>, vector<1x1x1x16xf32>,
      %swap3A_1674 = vector.shape_cast %swap3A_1673 : vector<1x1x1x16xf32> to vector<16xf32>
      %swap3A_1675 = vector.shape_cast %get3A_1666 : vector<16xf32> to vector<1x1x1x16xf32>
      tpu.vector_store %arg7[%swap3A_1669, %swap3A_1670, %swap3A_1671, %swap3A_1672], %swap3A_1675 {strides = array<i32>} : memref<4x4x8x128xf32, #tpu.memory_space<vmem>>, vector<1x1x1x16xf32>,
      %add3A_1676 = arith.constant 24 : i32
      %add3A_1677 = arith.addi %add3A_1676, %scan3A_1541 : i32
      %get3A_1678 = arith.index_cast %add3A_1677 : i32 to index
      %get3A_1679 = arith.constant 144 : index
      %get3A_1680 = tpu.vector_load %arg5[%get3A_1678, %get3A_1679] {strides = array<i32>} : memref<32x256xf32, #tpu.memory_space<vmem>>, vector<1x16xf32>,
      %get3A_1681 = vector.shape_cast %get3A_1680 : vector<1x16xf32> to vector<16xf32>
      %swap3A_1682 = arith.constant 3 : i32
      %swap3A_1683 = arith.constant 1 : i32
      %swap3A_1684 = arith.index_cast %swap3A_1682 : i32 to index
      %swap3A_1685 = arith.index_cast %swap3A_1683 : i32 to index
      %swap3A_1686 = arith.index_cast %scan3A_1541 : i32 to index
      %swap3A_1687 = arith.constant 16 : index
      %swap3A_1688 = tpu.vector_load %arg7[%swap3A_1684, %swap3A_1685, %swap3A_1686, %swap3A_1687] {strides = array<i32>} : memref<4x4x8x128xf32, #tpu.memory_space<vmem>>, vector<1x1x1x16xf32>,
      %swap3A_1689 = vector.shape_cast %swap3A_1688 : vector<1x1x1x16xf32> to vector<16xf32>
      %swap3A_1690 = vector.shape_cast %get3A_1681 : vector<16xf32> to vector<1x1x1x16xf32>
      tpu.vector_store %arg7[%swap3A_1684, %swap3A_1685, %swap3A_1686, %swap3A_1687], %swap3A_1690 {strides = array<i32>} : memref<4x4x8x128xf32, #tpu.memory_space<vmem>>, vector<1x1x1x16xf32>,
      %add3A_1691 = arith.constant 24 : i32
      %add3A_1692 = arith.addi %add3A_1691, %scan3A_1541 : i32
      %get3A_1693 = arith.index_cast %add3A_1692 : i32 to index
      %get3A_1694 = arith.constant 160 : index
      %get3A_1695 = tpu.vector_load %arg5[%get3A_1693, %get3A_1694] {strides = array<i32>} : memref<32x256xf32, #tpu.memory_space<vmem>>, vector<1x16xf32>,
      %get3A_1696 = vector.shape_cast %get3A_1695 : vector<1x16xf32> to vector<16xf32>
      %swap3A_1697 = arith.constant 3 : i32
      %swap3A_1698 = arith.constant 1 : i32
      %swap3A_1699 = arith.index_cast %swap3A_1697 : i32 to index
      %swap3A_1700 = arith.index_cast %swap3A_1698 : i32 to index
      %swap3A_1701 = arith.index_cast %scan3A_1541 : i32 to index
      %swap3A_1702 = arith.constant 32 : index
      %swap3A_1703 = tpu.vector_load %arg7[%swap3A_1699, %swap3A_1700, %swap3A_1701, %swap3A_1702] {strides = array<i32>} : memref<4x4x8x128xf32, #tpu.memory_space<vmem>>, vector<1x1x1x16xf32>,
      %swap3A_1704 = vector.shape_cast %swap3A_1703 : vector<1x1x1x16xf32> to vector<16xf32>
      %swap3A_1705 = vector.shape_cast %get3A_1696 : vector<16xf32> to vector<1x1x1x16xf32>
      tpu.vector_store %arg7[%swap3A_1699, %swap3A_1700, %swap3A_1701, %swap3A_1702], %swap3A_1705 {strides = array<i32>} : memref<4x4x8x128xf32, #tpu.memory_space<vmem>>, vector<1x1x1x16xf32>,
      %add3A_1706 = arith.constant 24 : i32
      %add3A_1707 = arith.addi %add3A_1706, %scan3A_1541 : i32
      %get3A_1708 = arith.index_cast %add3A_1707 : i32 to index
      %get3A_1709 = arith.constant 176 : index
      %get3A_1710 = tpu.vector_load %arg5[%get3A_1708, %get3A_1709] {strides = array<i32>} : memref<32x256xf32, #tpu.memory_space<vmem>>, vector<1x16xf32>,
      %get3A_1711 = vector.shape_cast %get3A_1710 : vector<1x16xf32> to vector<16xf32>
      %swap3A_1712 = arith.constant 3 : i32
      %swap3A_1713 = arith.constant 1 : i32
      %swap3A_1714 = arith.index_cast %swap3A_1712 : i32 to index
      %swap3A_1715 = arith.index_cast %swap3A_1713 : i32 to index
      %swap3A_1716 = arith.index_cast %scan3A_1541 : i32 to index
      %swap3A_1717 = arith.constant 48 : index
      %swap3A_1718 = tpu.vector_load %arg7[%swap3A_1714, %swap3A_1715, %swap3A_1716, %swap3A_1717] {strides = array<i32>} : memref<4x4x8x128xf32, #tpu.memory_space<vmem>>, vector<1x1x1x16xf32>,
      %swap3A_1719 = vector.shape_cast %swap3A_1718 : vector<1x1x1x16xf32> to vector<16xf32>
      %swap3A_1720 = vector.shape_cast %get3A_1711 : vector<16xf32> to vector<1x1x1x16xf32>
      tpu.vector_store %arg7[%swap3A_1714, %swap3A_1715, %swap3A_1716, %swap3A_1717], %swap3A_1720 {strides = array<i32>} : memref<4x4x8x128xf32, #tpu.memory_space<vmem>>, vector<1x1x1x16xf32>,
      %add3A_1721 = arith.constant 24 : i32
      %add3A_1722 = arith.addi %add3A_1721, %scan3A_1541 : i32
      %get3A_1723 = arith.index_cast %add3A_1722 : i32 to index
      %get3A_1724 = arith.constant 192 : index
      %get3A_1725 = tpu.vector_load %arg5[%get3A_1723, %get3A_1724] {strides = array<i32>} : memref<32x256xf32, #tpu.memory_space<vmem>>, vector<1x16xf32>,
      %get3A_1726 = vector.shape_cast %get3A_1725 : vector<1x16xf32> to vector<16xf32>
      %swap3A_1727 = arith.constant 3 : i32
      %swap3A_1728 = arith.constant 1 : i32
      %swap3A_1729 = arith.index_cast %swap3A_1727 : i32 to index
      %swap3A_1730 = arith.index_cast %swap3A_1728 : i32 to index
      %swap3A_1731 = arith.index_cast %scan3A_1541 : i32 to index
      %swap3A_1732 = arith.constant 64 : index
      %swap3A_1733 = tpu.vector_load %arg7[%swap3A_1729, %swap3A_1730, %swap3A_1731, %swap3A_1732] {strides = array<i32>} : memref<4x4x8x128xf32, #tpu.memory_space<vmem>>, vector<1x1x1x16xf32>,
      %swap3A_1734 = vector.shape_cast %swap3A_1733 : vector<1x1x1x16xf32> to vector<16xf32>
      %swap3A_1735 = vector.shape_cast %get3A_1726 : vector<16xf32> to vector<1x1x1x16xf32>
      tpu.vector_store %arg7[%swap3A_1729, %swap3A_1730, %swap3A_1731, %swap3A_1732], %swap3A_1735 {strides = array<i32>} : memref<4x4x8x128xf32, #tpu.memory_space<vmem>>, vector<1x1x1x16xf32>,
      %add3A_1736 = arith.constant 24 : i32
      %add3A_1737 = arith.addi %add3A_1736, %scan3A_1541 : i32
      %get3A_1738 = arith.index_cast %add3A_1737 : i32 to index
      %get3A_1739 = arith.constant 208 : index
      %get3A_1740 = tpu.vector_load %arg5[%get3A_1738, %get3A_1739] {strides = array<i32>} : memref<32x256xf32, #tpu.memory_space<vmem>>, vector<1x16xf32>,
      %get3A_1741 = vector.shape_cast %get3A_1740 : vector<1x16xf32> to vector<16xf32>
      %swap3A_1742 = arith.constant 3 : i32
      %swap3A_1743 = arith.constant 1 : i32
      %swap3A_1744 = arith.index_cast %swap3A_1742 : i32 to index
      %swap3A_1745 = arith.index_cast %swap3A_1743 : i32 to index
      %swap3A_1746 = arith.index_cast %scan3A_1541 : i32 to index
      %swap3A_1747 = arith.constant 80 : index
      %swap3A_1748 = tpu.vector_load %arg7[%swap3A_1744, %swap3A_1745, %swap3A_1746, %swap3A_1747] {strides = array<i32>} : memref<4x4x8x128xf32, #tpu.memory_space<vmem>>, vector<1x1x1x16xf32>,
      %swap3A_1749 = vector.shape_cast %swap3A_1748 : vector<1x1x1x16xf32> to vector<16xf32>
      %swap3A_1750 = vector.shape_cast %get3A_1741 : vector<16xf32> to vector<1x1x1x16xf32>
      tpu.vector_store %arg7[%swap3A_1744, %swap3A_1745, %swap3A_1746, %swap3A_1747], %swap3A_1750 {strides = array<i32>} : memref<4x4x8x128xf32, #tpu.memory_space<vmem>>, vector<1x1x1x16xf32>,
      %add3A_1751 = arith.constant 24 : i32
      %add3A_1752 = arith.addi %add3A_1751, %scan3A_1541 : i32
      %get3A_1753 = arith.index_cast %add3A_1752 : i32 to index
      %get3A_1754 = arith.constant 224 : index
      %get3A_1755 = tpu.vector_load %arg5[%get3A_1753, %get3A_1754] {strides = array<i32>} : memref<32x256xf32, #tpu.memory_space<vmem>>, vector<1x16xf32>,
      %get3A_1756 = vector.shape_cast %get3A_1755 : vector<1x16xf32> to vector<16xf32>
      %swap3A_1757 = arith.constant 3 : i32
      %swap3A_1758 = arith.constant 1 : i32
      %swap3A_1759 = arith.index_cast %swap3A_1757 : i32 to index
      %swap3A_1760 = arith.index_cast %swap3A_1758 : i32 to index
      %swap3A_1761 = arith.index_cast %scan3A_1541 : i32 to index
      %swap3A_1762 = arith.constant 96 : index
      %swap3A_1763 = tpu.vector_load %arg7[%swap3A_1759, %swap3A_1760, %swap3A_1761, %swap3A_1762] {strides = array<i32>} : memref<4x4x8x128xf32, #tpu.memory_space<vmem>>, vector<1x1x1x16xf32>,
      %swap3A_1764 = vector.shape_cast %swap3A_1763 : vector<1x1x1x16xf32> to vector<16xf32>
      %swap3A_1765 = vector.shape_cast %get3A_1756 : vector<16xf32> to vector<1x1x1x16xf32>
      tpu.vector_store %arg7[%swap3A_1759, %swap3A_1760, %swap3A_1761, %swap3A_1762], %swap3A_1765 {strides = array<i32>} : memref<4x4x8x128xf32, #tpu.memory_space<vmem>>, vector<1x1x1x16xf32>,
      %add3A_1766 = arith.constant 24 : i32
      %add3A_1767 = arith.addi %add3A_1766, %scan3A_1541 : i32
      %get3A_1768 = arith.index_cast %add3A_1767 : i32 to index
      %get3A_1769 = arith.constant 240 : index
      %get3A_1770 = tpu.vector_load %arg5[%get3A_1768, %get3A_1769] {strides = array<i32>} : memref<32x256xf32, #tpu.memory_space<vmem>>, vector<1x16xf32>,
      %get3A_1771 = vector.shape_cast %get3A_1770 : vector<1x16xf32> to vector<16xf32>
      %swap3A_1772 = arith.constant 3 : i32
      %swap3A_1773 = arith.constant 1 : i32
      %swap3A_1774 = arith.index_cast %swap3A_1772 : i32 to index
      %swap3A_1775 = arith.index_cast %swap3A_1773 : i32 to index
      %swap3A_1776 = arith.index_cast %scan3A_1541 : i32 to index
      %swap3A_1777 = arith.constant 112 : index
      %swap3A_1778 = tpu.vector_load %arg7[%swap3A_1774, %swap3A_1775, %swap3A_1776, %swap3A_1777] {strides = array<i32>} : memref<4x4x8x128xf32, #tpu.memory_space<vmem>>, vector<1x1x1x16xf32>,
      %swap3A_1779 = vector.shape_cast %swap3A_1778 : vector<1x1x1x16xf32> to vector<16xf32>
      %swap3A_1780 = vector.shape_cast %get3A_1771 : vector<16xf32> to vector<1x1x1x16xf32>
      tpu.vector_store %arg7[%swap3A_1774, %swap3A_1775, %swap3A_1776, %swap3A_1777], %swap3A_1780 {strides = array<i32>} : memref<4x4x8x128xf32, #tpu.memory_space<vmem>>, vector<1x1x1x16xf32>,
      %swap3A_1781 = arith.constant 3 : i32
      %swap3A_1782 = arith.constant 2 : i32
      %swap3A_1783 = arith.index_cast %swap3A_1781 : i32 to index
      %swap3A_1784 = arith.index_cast %swap3A_1782 : i32 to index
      %swap3A_1785 = arith.index_cast %scan3A_1541 : i32 to index
      %swap3A_1786 = arith.constant 0 : index
      %swap3A_1787 = tpu.vector_load %arg7[%swap3A_1783, %swap3A_1784, %swap3A_1785, %swap3A_1786] {strides = array<i32>} : memref<4x4x8x128xf32, #tpu.memory_space<vmem>>, vector<1x1x1x16xf32>,
      %swap3A_1788 = vector.shape_cast %swap3A_1787 : vector<1x1x1x16xf32> to vector<16xf32>
      %swap3A_1789 = vector.shape_cast %get3A_2 : vector<16xf32> to vector<1x1x1x16xf32>
      tpu.vector_store %arg7[%swap3A_1783, %swap3A_1784, %swap3A_1785, %swap3A_1786], %swap3A_1789 {strides = array<i32>} : memref<4x4x8x128xf32, #tpu.memory_space<vmem>>, vector<1x1x1x16xf32>,
      %swap3A_1790 = arith.constant 3 : i32
      %swap3A_1791 = arith.constant 2 : i32
      %swap3A_1792 = arith.index_cast %swap3A_1790 : i32 to index
      %swap3A_1793 = arith.index_cast %swap3A_1791 : i32 to index
      %swap3A_1794 = arith.index_cast %scan3A_1541 : i32 to index
      %swap3A_1795 = arith.constant 16 : index
      %swap3A_1796 = tpu.vector_load %arg7[%swap3A_1792, %swap3A_1793, %swap3A_1794, %swap3A_1795] {strides = array<i32>} : memref<4x4x8x128xf32, #tpu.memory_space<vmem>>, vector<1x1x1x16xf32>,
      %swap3A_1797 = vector.shape_cast %swap3A_1796 : vector<1x1x1x16xf32> to vector<16xf32>
      %swap3A_1798 = vector.shape_cast %get3A_5 : vector<16xf32> to vector<1x1x1x16xf32>
      tpu.vector_store %arg7[%swap3A_1792, %swap3A_1793, %swap3A_1794, %swap3A_1795], %swap3A_1798 {strides = array<i32>} : memref<4x4x8x128xf32, #tpu.memory_space<vmem>>, vector<1x1x1x16xf32>,
      %swap3A_1799 = arith.constant 3 : i32
      %swap3A_1800 = arith.constant 2 : i32
      %swap3A_1801 = arith.index_cast %swap3A_1799 : i32 to index
      %swap3A_1802 = arith.index_cast %swap3A_1800 : i32 to index
      %swap3A_1803 = arith.index_cast %scan3A_1541 : i32 to index
      %swap3A_1804 = arith.constant 32 : index
      %swap3A_1805 = tpu.vector_load %arg7[%swap3A_1801, %swap3A_1802, %swap3A_1803, %swap3A_1804] {strides = array<i32>} : memref<4x4x8x128xf32, #tpu.memory_space<vmem>>, vector<1x1x1x16xf32>,
      %swap3A_1806 = vector.shape_cast %swap3A_1805 : vector<1x1x1x16xf32> to vector<16xf32>
      %swap3A_1807 = vector.shape_cast %get3A_8 : vector<16xf32> to vector<1x1x1x16xf32>
      tpu.vector_store %arg7[%swap3A_1801, %swap3A_1802, %swap3A_1803, %swap3A_1804], %swap3A_1807 {strides = array<i32>} : memref<4x4x8x128xf32, #tpu.memory_space<vmem>>, vector<1x1x1x16xf32>,
      %swap3A_1808 = arith.constant 3 : i32
      %swap3A_1809 = arith.constant 2 : i32
      %swap3A_1810 = arith.index_cast %swap3A_1808 : i32 to index
      %swap3A_1811 = arith.index_cast %swap3A_1809 : i32 to index
      %swap3A_1812 = arith.index_cast %scan3A_1541 : i32 to index
      %swap3A_1813 = arith.constant 48 : index
      %swap3A_1814 = tpu.vector_load %arg7[%swap3A_1810, %swap3A_1811, %swap3A_1812, %swap3A_1813] {strides = array<i32>} : memref<4x4x8x128xf32, #tpu.memory_space<vmem>>, vector<1x1x1x16xf32>,
      %swap3A_1815 = vector.shape_cast %swap3A_1814 : vector<1x1x1x16xf32> to vector<16xf32>
      %swap3A_1816 = vector.shape_cast %get3A_11 : vector<16xf32> to vector<1x1x1x16xf32>
      tpu.vector_store %arg7[%swap3A_1810, %swap3A_1811, %swap3A_1812, %swap3A_1813], %swap3A_1816 {strides = array<i32>} : memref<4x4x8x128xf32, #tpu.memory_space<vmem>>, vector<1x1x1x16xf32>,
      %swap3A_1817 = arith.constant 3 : i32
      %swap3A_1818 = arith.constant 2 : i32
      %swap3A_1819 = arith.index_cast %swap3A_1817 : i32 to index
      %swap3A_1820 = arith.index_cast %swap3A_1818 : i32 to index
      %swap3A_1821 = arith.index_cast %scan3A_1541 : i32 to index
      %swap3A_1822 = arith.constant 64 : index
      %swap3A_1823 = tpu.vector_load %arg7[%swap3A_1819, %swap3A_1820, %swap3A_1821, %swap3A_1822] {strides = array<i32>} : memref<4x4x8x128xf32, #tpu.memory_space<vmem>>, vector<1x1x1x16xf32>,
      %swap3A_1824 = vector.shape_cast %swap3A_1823 : vector<1x1x1x16xf32> to vector<16xf32>
      %swap3A_1825 = vector.shape_cast %get3A_14 : vector<16xf32> to vector<1x1x1x16xf32>
      tpu.vector_store %arg7[%swap3A_1819, %swap3A_1820, %swap3A_1821, %swap3A_1822], %swap3A_1825 {strides = array<i32>} : memref<4x4x8x128xf32, #tpu.memory_space<vmem>>, vector<1x1x1x16xf32>,
      %swap3A_1826 = arith.constant 3 : i32
      %swap3A_1827 = arith.constant 2 : i32
      %swap3A_1828 = arith.index_cast %swap3A_1826 : i32 to index
      %swap3A_1829 = arith.index_cast %swap3A_1827 : i32 to index
      %swap3A_1830 = arith.index_cast %scan3A_1541 : i32 to index
      %swap3A_1831 = arith.constant 80 : index
      %swap3A_1832 = tpu.vector_load %arg7[%swap3A_1828, %swap3A_1829, %swap3A_1830, %swap3A_1831] {strides = array<i32>} : memref<4x4x8x128xf32, #tpu.memory_space<vmem>>, vector<1x1x1x16xf32>,
      %swap3A_1833 = vector.shape_cast %swap3A_1832 : vector<1x1x1x16xf32> to vector<16xf32>
      %swap3A_1834 = vector.shape_cast %get3A_17 : vector<16xf32> to vector<1x1x1x16xf32>
      tpu.vector_store %arg7[%swap3A_1828, %swap3A_1829, %swap3A_1830, %swap3A_1831], %swap3A_1834 {strides = array<i32>} : memref<4x4x8x128xf32, #tpu.memory_space<vmem>>, vector<1x1x1x16xf32>,
      %swap3A_1835 = arith.constant 3 : i32
      %swap3A_1836 = arith.constant 2 : i32
      %swap3A_1837 = arith.index_cast %swap3A_1835 : i32 to index
      %swap3A_1838 = arith.index_cast %swap3A_1836 : i32 to index
      %swap3A_1839 = arith.index_cast %scan3A_1541 : i32 to index
      %swap3A_1840 = arith.constant 96 : index
      %swap3A_1841 = tpu.vector_load %arg7[%swap3A_1837, %swap3A_1838, %swap3A_1839, %swap3A_1840] {strides = array<i32>} : memref<4x4x8x128xf32, #tpu.memory_space<vmem>>, vector<1x1x1x16xf32>,
      %swap3A_1842 = vector.shape_cast %swap3A_1841 : vector<1x1x1x16xf32> to vector<16xf32>
      %swap3A_1843 = vector.shape_cast %get3A_20 : vector<16xf32> to vector<1x1x1x16xf32>
      tpu.vector_store %arg7[%swap3A_1837, %swap3A_1838, %swap3A_1839, %swap3A_1840], %swap3A_1843 {strides = array<i32>} : memref<4x4x8x128xf32, #tpu.memory_space<vmem>>, vector<1x1x1x16xf32>,
      %swap3A_1844 = arith.constant 3 : i32
      %swap3A_1845 = arith.constant 2 : i32
      %swap3A_1846 = arith.index_cast %swap3A_1844 : i32 to index
      %swap3A_1847 = arith.index_cast %swap3A_1845 : i32 to index
      %swap3A_1848 = arith.index_cast %scan3A_1541 : i32 to index
      %swap3A_1849 = arith.constant 112 : index
      %swap3A_1850 = tpu.vector_load %arg7[%swap3A_1846, %swap3A_1847, %swap3A_1848, %swap3A_1849] {strides = array<i32>} : memref<4x4x8x128xf32, #tpu.memory_space<vmem>>, vector<1x1x1x16xf32>,
      %swap3A_1851 = vector.shape_cast %swap3A_1850 : vector<1x1x1x16xf32> to vector<16xf32>
      %swap3A_1852 = vector.shape_cast %get3A_23 : vector<16xf32> to vector<1x1x1x16xf32>
      tpu.vector_store %arg7[%swap3A_1846, %swap3A_1847, %swap3A_1848, %swap3A_1849], %swap3A_1852 {strides = array<i32>} : memref<4x4x8x128xf32, #tpu.memory_space<vmem>>, vector<1x1x1x16xf32>,
      %swap3A_1853 = arith.constant 3 : i32
      %swap3A_1854 = arith.constant 3 : i32
      %swap3A_1855 = arith.index_cast %swap3A_1853 : i32 to index
      %swap3A_1856 = arith.index_cast %swap3A_1854 : i32 to index
      %swap3A_1857 = arith.index_cast %scan3A_1541 : i32 to index
      %swap3A_1858 = arith.constant 0 : index
      %swap3A_1859 = tpu.vector_load %arg7[%swap3A_1855, %swap3A_1856, %swap3A_1857, %swap3A_1858] {strides = array<i32>} : memref<4x4x8x128xf32, #tpu.memory_space<vmem>>, vector<1x1x1x16xf32>,
      %swap3A_1860 = vector.shape_cast %swap3A_1859 : vector<1x1x1x16xf32> to vector<16xf32>
      %swap3A_1861 = vector.shape_cast %get3A_26 : vector<16xf32> to vector<1x1x1x16xf32>
      tpu.vector_store %arg7[%swap3A_1855, %swap3A_1856, %swap3A_1857, %swap3A_1858], %swap3A_1861 {strides = array<i32>} : memref<4x4x8x128xf32, #tpu.memory_space<vmem>>, vector<1x1x1x16xf32>,
      %swap3A_1862 = arith.constant 3 : i32
      %swap3A_1863 = arith.constant 3 : i32
      %swap3A_1864 = arith.index_cast %swap3A_1862 : i32 to index
      %swap3A_1865 = arith.index_cast %swap3A_1863 : i32 to index
      %swap3A_1866 = arith.index_cast %scan3A_1541 : i32 to index
      %swap3A_1867 = arith.constant 16 : index
      %swap3A_1868 = tpu.vector_load %arg7[%swap3A_1864, %swap3A_1865, %swap3A_1866, %swap3A_1867] {strides = array<i32>} : memref<4x4x8x128xf32, #tpu.memory_space<vmem>>, vector<1x1x1x16xf32>,
      %swap3A_1869 = vector.shape_cast %swap3A_1868 : vector<1x1x1x16xf32> to vector<16xf32>
      %swap3A_1870 = vector.shape_cast %get3A_29 : vector<16xf32> to vector<1x1x1x16xf32>
      tpu.vector_store %arg7[%swap3A_1864, %swap3A_1865, %swap3A_1866, %swap3A_1867], %swap3A_1870 {strides = array<i32>} : memref<4x4x8x128xf32, #tpu.memory_space<vmem>>, vector<1x1x1x16xf32>,
      %swap3A_1871 = arith.constant 3 : i32
      %swap3A_1872 = arith.constant 3 : i32
      %swap3A_1873 = arith.index_cast %swap3A_1871 : i32 to index
      %swap3A_1874 = arith.index_cast %swap3A_1872 : i32 to index
      %swap3A_1875 = arith.index_cast %scan3A_1541 : i32 to index
      %swap3A_1876 = arith.constant 32 : index
      %swap3A_1877 = tpu.vector_load %arg7[%swap3A_1873, %swap3A_1874, %swap3A_1875, %swap3A_1876] {strides = array<i32>} : memref<4x4x8x128xf32, #tpu.memory_space<vmem>>, vector<1x1x1x16xf32>,
      %swap3A_1878 = vector.shape_cast %swap3A_1877 : vector<1x1x1x16xf32> to vector<16xf32>
      %swap3A_1879 = vector.shape_cast %get3A_32 : vector<16xf32> to vector<1x1x1x16xf32>
      tpu.vector_store %arg7[%swap3A_1873, %swap3A_1874, %swap3A_1875, %swap3A_1876], %swap3A_1879 {strides = array<i32>} : memref<4x4x8x128xf32, #tpu.memory_space<vmem>>, vector<1x1x1x16xf32>,
      %swap3A_1880 = arith.constant 3 : i32
      %swap3A_1881 = arith.constant 3 : i32
      %swap3A_1882 = arith.index_cast %swap3A_1880 : i32 to index
      %swap3A_1883 = arith.index_cast %swap3A_1881 : i32 to index
      %swap3A_1884 = arith.index_cast %scan3A_1541 : i32 to index
      %swap3A_1885 = arith.constant 48 : index
      %swap3A_1886 = tpu.vector_load %arg7[%swap3A_1882, %swap3A_1883, %swap3A_1884, %swap3A_1885] {strides = array<i32>} : memref<4x4x8x128xf32, #tpu.memory_space<vmem>>, vector<1x1x1x16xf32>,
      %swap3A_1887 = vector.shape_cast %swap3A_1886 : vector<1x1x1x16xf32> to vector<16xf32>
      %swap3A_1888 = vector.shape_cast %get3A_35 : vector<16xf32> to vector<1x1x1x16xf32>
      tpu.vector_store %arg7[%swap3A_1882, %swap3A_1883, %swap3A_1884, %swap3A_1885], %swap3A_1888 {strides = array<i32>} : memref<4x4x8x128xf32, #tpu.memory_space<vmem>>, vector<1x1x1x16xf32>,
      %swap3A_1889 = arith.constant 3 : i32
      %swap3A_1890 = arith.constant 3 : i32
      %swap3A_1891 = arith.index_cast %swap3A_1889 : i32 to index
      %swap3A_1892 = arith.index_cast %swap3A_1890 : i32 to index
      %swap3A_1893 = arith.index_cast %scan3A_1541 : i32 to index
      %swap3A_1894 = arith.constant 64 : index
      %swap3A_1895 = tpu.vector_load %arg7[%swap3A_1891, %swap3A_1892, %swap3A_1893, %swap3A_1894] {strides = array<i32>} : memref<4x4x8x128xf32, #tpu.memory_space<vmem>>, vector<1x1x1x16xf32>,
      %swap3A_1896 = vector.shape_cast %swap3A_1895 : vector<1x1x1x16xf32> to vector<16xf32>
      %swap3A_1897 = vector.shape_cast %get3A_38 : vector<16xf32> to vector<1x1x1x16xf32>
      tpu.vector_store %arg7[%swap3A_1891, %swap3A_1892, %swap3A_1893, %swap3A_1894], %swap3A_1897 {strides = array<i32>} : memref<4x4x8x128xf32, #tpu.memory_space<vmem>>, vector<1x1x1x16xf32>,
      %swap3A_1898 = arith.constant 3 : i32
      %swap3A_1899 = arith.constant 3 : i32
      %swap3A_1900 = arith.index_cast %swap3A_1898 : i32 to index
      %swap3A_1901 = arith.index_cast %swap3A_1899 : i32 to index
      %swap3A_1902 = arith.index_cast %scan3A_1541 : i32 to index
      %swap3A_1903 = arith.constant 80 : index
      %swap3A_1904 = tpu.vector_load %arg7[%swap3A_1900, %swap3A_1901, %swap3A_1902, %swap3A_1903] {strides = array<i32>} : memref<4x4x8x128xf32, #tpu.memory_space<vmem>>, vector<1x1x1x16xf32>,
      %swap3A_1905 = vector.shape_cast %swap3A_1904 : vector<1x1x1x16xf32> to vector<16xf32>
      %swap3A_1906 = vector.shape_cast %get3A_41 : vector<16xf32> to vector<1x1x1x16xf32>
      tpu.vector_store %arg7[%swap3A_1900, %swap3A_1901, %swap3A_1902, %swap3A_1903], %swap3A_1906 {strides = array<i32>} : memref<4x4x8x128xf32, #tpu.memory_space<vmem>>, vector<1x1x1x16xf32>,
      %swap3A_1907 = arith.constant 3 : i32
      %swap3A_1908 = arith.constant 3 : i32
      %swap3A_1909 = arith.index_cast %swap3A_1907 : i32 to index
      %swap3A_1910 = arith.index_cast %swap3A_1908 : i32 to index
      %swap3A_1911 = arith.index_cast %scan3A_1541 : i32 to index
      %swap3A_1912 = arith.constant 96 : index
      %swap3A_1913 = tpu.vector_load %arg7[%swap3A_1909, %swap3A_1910, %swap3A_1911, %swap3A_1912] {strides = array<i32>} : memref<4x4x8x128xf32, #tpu.memory_space<vmem>>, vector<1x1x1x16xf32>,
      %swap3A_1914 = vector.shape_cast %swap3A_1913 : vector<1x1x1x16xf32> to vector<16xf32>
      %swap3A_1915 = vector.shape_cast %get3A_44 : vector<16xf32> to vector<1x1x1x16xf32>
      tpu.vector_store %arg7[%swap3A_1909, %swap3A_1910, %swap3A_1911, %swap3A_1912], %swap3A_1915 {strides = array<i32>} : memref<4x4x8x128xf32, #tpu.memory_space<vmem>>, vector<1x1x1x16xf32>,
      %swap3A_1916 = arith.constant 3 : i32
      %swap3A_1917 = arith.constant 3 : i32
      %swap3A_1918 = arith.index_cast %swap3A_1916 : i32 to index
      %swap3A_1919 = arith.index_cast %swap3A_1917 : i32 to index
      %swap3A_1920 = arith.index_cast %scan3A_1541 : i32 to index
      %swap3A_1921 = arith.constant 112 : index
      %swap3A_1922 = tpu.vector_load %arg7[%swap3A_1918, %swap3A_1919, %swap3A_1920, %swap3A_1921] {strides = array<i32>} : memref<4x4x8x128xf32, #tpu.memory_space<vmem>>, vector<1x1x1x16xf32>,
      %swap3A_1923 = vector.shape_cast %swap3A_1922 : vector<1x1x1x16xf32> to vector<16xf32>
      %swap3A_1924 = vector.shape_cast %get3A_47 : vector<16xf32> to vector<1x1x1x16xf32>
      tpu.vector_store %arg7[%swap3A_1918, %swap3A_1919, %swap3A_1920, %swap3A_1921], %swap3A_1924 {strides = array<i32>} : memref<4x4x8x128xf32, #tpu.memory_space<vmem>>, vector<1x1x1x16xf32>,
    }
    %scan3A_621 = arith.constant 8 : i32
    %dma_start3A_622 = arith.constant 3 : i32
    %dma_start3A_623 = arith.constant 0 : i32
    %dma_start3A_624 = arith.constant 3 : i32
    %dma_start3A_625 = arith.constant 0 : i32
    %dma_start3A_626 = arith.constant 0 : i32
    %dma_start3A_627 = arith.constant 0 : i32
    %dma_start3A_628 = tpu.memref_slice %arg7[%dma_start3A_622, %dma_start3A_625, %dma_start3A_626, %dma_start3A_627] : memref<4x4x8x128xf32, #tpu.memory_space<vmem>> -> memref<1x4x8x128xf32, #tpu.memory_space<vmem>>
    %dma_start3A_629 = tpu.memref_squeeze %dma_start3A_628 : memref<1x4x8x128xf32, #tpu.memory_space<vmem>> -> memref<4x8x128xf32, #tpu.memory_space<vmem>>
    %dma_start3A_630 = arith.constant 0 : i32
    %dma_start3A_631 = arith.constant 0 : i32
    %dma_start3A_632 = arith.constant 0 : i32
    %dma_start3A_633 = tpu.memref_slice %arg4[%dma_start3A_623, %add3A, %dma_start3A_624, %dma_start3A_630, %dma_start3A_631, %dma_start3A_632] : memref<8x32x4x4x8x128xf32, #tpu.memory_space<hbm>> -> memref<1x1x1x4x8x128xf32, #tpu.memory_space<hbm>>
    %dma_start3A_634 = tpu.memref_squeeze %dma_start3A_633 : memref<1x1x1x4x8x128xf32, #tpu.memory_space<hbm>> -> memref<4x8x128xf32, #tpu.memory_space<hbm>>
    %dma_start3A_635 = arith.constant 0 : i32
    %dma_start3A_636 = arith.constant 0 : i32
    %dma_start3A_637 = arith.constant 0 : i32
    %dma_start3A_638 = tpu.memref_slice %arg4[%dma_start3A_623, %add3A, %dma_start3A_624, %dma_start3A_635, %dma_start3A_636, %dma_start3A_637] : memref<8x32x4x4x8x128xf32, #tpu.memory_space<hbm>> -> memref<1x1x1x4x8x128xf32, #tpu.memory_space<hbm>>
    %dma_start3A_639 = tpu.memref_squeeze %dma_start3A_638 : memref<1x1x1x4x8x128xf32, #tpu.memory_space<hbm>> -> memref<4x8x128xf32, #tpu.memory_space<hbm>>
    %dma_start3A_640 = arith.constant 0 : i32
    %dma_start3A_641 = arith.constant 0 : i32
    %dma_start3A_642 = arith.constant 0 : i32
    %dma_start3A_643 = tpu.memref_slice %arg7[%dma_start3A_622, %dma_start3A_640, %dma_start3A_641, %dma_start3A_642] : memref<4x4x8x128xf32, #tpu.memory_space<vmem>> -> memref<1x4x8x128xf32, #tpu.memory_space<vmem>>
    %dma_start3A_644 = tpu.memref_squeeze %dma_start3A_643 : memref<1x4x8x128xf32, #tpu.memory_space<vmem>> -> memref<4x8x128xf32, #tpu.memory_space<vmem>>
    tpu.enqueue_dma source(%dma_start3A_644 : memref<4x8x128xf32, #tpu.memory_space<vmem>>) target(%dma_start3A_639 : memref<4x8x128xf32, #tpu.memory_space<hbm>>) target_semaphore(%arg8 : memref<!tpu.dma_semaphore, #tpu.memory_space<semaphore_mem>>)
    %dma_start3A_645 = arith.constant 3 : i32
    %dma_start3A_646 = arith.constant 1 : i32
    %dma_start3A_647 = arith.constant 3 : i32
    %dma_start3A_648 = arith.constant 0 : i32
    %dma_start3A_649 = arith.constant 0 : i32
    %dma_start3A_650 = arith.constant 0 : i32
    %dma_start3A_651 = tpu.memref_slice %arg7[%dma_start3A_645, %dma_start3A_648, %dma_start3A_649, %dma_start3A_650] : memref<4x4x8x128xf32, #tpu.memory_space<vmem>> -> memref<1x4x8x128xf32, #tpu.memory_space<vmem>>
    %dma_start3A_652 = tpu.memref_squeeze %dma_start3A_651 : memref<1x4x8x128xf32, #tpu.memory_space<vmem>> -> memref<4x8x128xf32, #tpu.memory_space<vmem>>
    %dma_start3A_653 = arith.constant 0 : i32
    %dma_start3A_654 = arith.constant 0 : i32
    %dma_start3A_655 = arith.constant 0 : i32
    %dma_start3A_656 = tpu.memref_slice %arg4[%dma_start3A_646, %add3A, %dma_start3A_647, %dma_start3A_653, %dma_start3A_654, %dma_start3A_655] : memref<8x32x4x4x8x128xf32, #tpu.memory_space<hbm>> -> memref<1x1x1x4x8x128xf32, #tpu.memory_space<hbm>>
    %dma_start3A_657 = tpu.memref_squeeze %dma_start3A_656 : memref<1x1x1x4x8x128xf32, #tpu.memory_space<hbm>> -> memref<4x8x128xf32, #tpu.memory_space<hbm>>
    %dma_start3A_658 = arith.constant 0 : i32
    %dma_start3A_659 = arith.constant 0 : i32
    %dma_start3A_660 = arith.constant 0 : i32
    %dma_start3A_661 = tpu.memref_slice %arg4[%dma_start3A_646, %add3A, %dma_start3A_647, %dma_start3A_658, %dma_start3A_659, %dma_start3A_660] : memref<8x32x4x4x8x128xf32, #tpu.memory_space<hbm>> -> memref<1x1x1x4x8x128xf32, #tpu.memory_space<hbm>>
    %dma_start3A_662 = tpu.memref_squeeze %dma_start3A_661 : memref<1x1x1x4x8x128xf32, #tpu.memory_space<hbm>> -> memref<4x8x128xf32, #tpu.memory_space<hbm>>
    %dma_start3A_663 = arith.constant 0 : i32
    %dma_start3A_664 = arith.constant 0 : i32
    %dma_start3A_665 = arith.constant 0 : i32
    %dma_start3A_666 = tpu.memref_slice %arg7[%dma_start3A_645, %dma_start3A_663, %dma_start3A_664, %dma_start3A_665] : memref<4x4x8x128xf32, #tpu.memory_space<vmem>> -> memref<1x4x8x128xf32, #tpu.memory_space<vmem>>
    %dma_start3A_667 = tpu.memref_squeeze %dma_start3A_666 : memref<1x4x8x128xf32, #tpu.memory_space<vmem>> -> memref<4x8x128xf32, #tpu.memory_space<vmem>>
    tpu.enqueue_dma source(%dma_start3A_667 : memref<4x8x128xf32, #tpu.memory_space<vmem>>) target(%dma_start3A_662 : memref<4x8x128xf32, #tpu.memory_space<hbm>>) target_semaphore(%arg8 : memref<!tpu.dma_semaphore, #tpu.memory_space<semaphore_mem>>)
    %dma_start3A_668 = arith.constant 3 : i32
    %dma_start3A_669 = arith.constant 2 : i32
    %dma_start3A_670 = arith.constant 3 : i32
    %dma_start3A_671 = arith.constant 0 : i32
    %dma_start3A_672 = arith.constant 0 : i32
    %dma_start3A_673 = arith.constant 0 : i32
    %dma_start3A_674 = tpu.memref_slice %arg7[%dma_start3A_668, %dma_start3A_671, %dma_start3A_672, %dma_start3A_673] : memref<4x4x8x128xf32, #tpu.memory_space<vmem>> -> memref<1x4x8x128xf32, #tpu.memory_space<vmem>>
    %dma_start3A_675 = tpu.memref_squeeze %dma_start3A_674 : memref<1x4x8x128xf32, #tpu.memory_space<vmem>> -> memref<4x8x128xf32, #tpu.memory_space<vmem>>
    %dma_start3A_676 = arith.constant 0 : i32
    %dma_start3A_677 = arith.constant 0 : i32
    %dma_start3A_678 = arith.constant 0 : i32
    %dma_start3A_679 = tpu.memref_slice %arg4[%dma_start3A_669, %add3A, %dma_start3A_670, %dma_start3A_676, %dma_start3A_677, %dma_start3A_678] : memref<8x32x4x4x8x128xf32, #tpu.memory_space<hbm>> -> memref<1x1x1x4x8x128xf32, #tpu.memory_space<hbm>>
    %dma_start3A_680 = tpu.memref_squeeze %dma_start3A_679 : memref<1x1x1x4x8x128xf32, #tpu.memory_space<hbm>> -> memref<4x8x128xf32, #tpu.memory_space<hbm>>
    %dma_start3A_681 = arith.constant 0 : i32
    %dma_start3A_682 = arith.constant 0 : i32
    %dma_start3A_683 = arith.constant 0 : i32
    %dma_start3A_684 = tpu.memref_slice %arg4[%dma_start3A_669, %add3A, %dma_start3A_670, %dma_start3A_681, %dma_start3A_682, %dma_start3A_683] : memref<8x32x4x4x8x128xf32, #tpu.memory_space<hbm>> -> memref<1x1x1x4x8x128xf32, #tpu.memory_space<hbm>>
    %dma_start3A_685 = tpu.memref_squeeze %dma_start3A_684 : memref<1x1x1x4x8x128xf32, #tpu.memory_space<hbm>> -> memref<4x8x128xf32, #tpu.memory_space<hbm>>
    %dma_start3A_686 = arith.constant 0 : i32
    %dma_start3A_687 = arith.constant 0 : i32
    %dma_start3A_688 = arith.constant 0 : i32
    %dma_start3A_689 = tpu.memref_slice %arg7[%dma_start3A_668, %dma_start3A_686, %dma_start3A_687, %dma_start3A_688] : memref<4x4x8x128xf32, #tpu.memory_space<vmem>> -> memref<1x4x8x128xf32, #tpu.memory_space<vmem>>
    %dma_start3A_690 = tpu.memref_squeeze %dma_start3A_689 : memref<1x4x8x128xf32, #tpu.memory_space<vmem>> -> memref<4x8x128xf32, #tpu.memory_space<vmem>>
    tpu.enqueue_dma source(%dma_start3A_690 : memref<4x8x128xf32, #tpu.memory_space<vmem>>) target(%dma_start3A_685 : memref<4x8x128xf32, #tpu.memory_space<hbm>>) target_semaphore(%arg8 : memref<!tpu.dma_semaphore, #tpu.memory_space<semaphore_mem>>)
    %dma_start3A_691 = arith.constant 3 : i32
    %dma_start3A_692 = arith.constant 3 : i32
    %dma_start3A_693 = arith.constant 3 : i32
    %dma_start3A_694 = arith.constant 0 : i32
    %dma_start3A_695 = arith.constant 0 : i32
    %dma_start3A_696 = arith.constant 0 : i32
    %dma_start3A_697 = tpu.memref_slice %arg7[%dma_start3A_691, %dma_start3A_694, %dma_start3A_695, %dma_start3A_696] : memref<4x4x8x128xf32, #tpu.memory_space<vmem>> -> memref<1x4x8x128xf32, #tpu.memory_space<vmem>>
    %dma_start3A_698 = tpu.memref_squeeze %dma_start3A_697 : memref<1x4x8x128xf32, #tpu.memory_space<vmem>> -> memref<4x8x128xf32, #tpu.memory_space<vmem>>
    %dma_start3A_699 = arith.constant 0 : i32
    %dma_start3A_700 = arith.constant 0 : i32
    %dma_start3A_701 = arith.constant 0 : i32
    %dma_start3A_702 = tpu.memref_slice %arg4[%dma_start3A_692, %add3A, %dma_start3A_693, %dma_start3A_699, %dma_start3A_700, %dma_start3A_701] : memref<8x32x4x4x8x128xf32, #tpu.memory_space<hbm>> -> memref<1x1x1x4x8x128xf32, #tpu.memory_space<hbm>>
    %dma_start3A_703 = tpu.memref_squeeze %dma_start3A_702 : memref<1x1x1x4x8x128xf32, #tpu.memory_space<hbm>> -> memref<4x8x128xf32, #tpu.memory_space<hbm>>
    %dma_start3A_704 = arith.constant 0 : i32
    %dma_start3A_705 = arith.constant 0 : i32
    %dma_start3A_706 = arith.constant 0 : i32
    %dma_start3A_707 = tpu.memref_slice %arg4[%dma_start3A_692, %add3A, %dma_start3A_693, %dma_start3A_704, %dma_start3A_705, %dma_start3A_706] : memref<8x32x4x4x8x128xf32, #tpu.memory_space<hbm>> -> memref<1x1x1x4x8x128xf32, #tpu.memory_space<hbm>>
    %dma_start3A_708 = tpu.memref_squeeze %dma_start3A_707 : memref<1x1x1x4x8x128xf32, #tpu.memory_space<hbm>> -> memref<4x8x128xf32, #tpu.memory_space<hbm>>
    %dma_start3A_709 = arith.constant 0 : i32
    %dma_start3A_710 = arith.constant 0 : i32
    %dma_start3A_711 = arith.constant 0 : i32
    %dma_start3A_712 = tpu.memref_slice %arg7[%dma_start3A_691, %dma_start3A_709, %dma_start3A_710, %dma_start3A_711] : memref<4x4x8x128xf32, #tpu.memory_space<vmem>> -> memref<1x4x8x128xf32, #tpu.memory_space<vmem>>
    %dma_start3A_713 = tpu.memref_squeeze %dma_start3A_712 : memref<1x4x8x128xf32, #tpu.memory_space<vmem>> -> memref<4x8x128xf32, #tpu.memory_space<vmem>>
    tpu.enqueue_dma source(%dma_start3A_713 : memref<4x8x128xf32, #tpu.memory_space<vmem>>) target(%dma_start3A_708 : memref<4x8x128xf32, #tpu.memory_space<hbm>>) target_semaphore(%arg8 : memref<!tpu.dma_semaphore, #tpu.memory_space<semaphore_mem>>)
    %dma_start3A_714 = arith.constant 3 : i32
    %dma_start3A_715 = arith.constant 4 : i32
    %dma_start3A_716 = arith.constant 3 : i32
    %dma_start3A_717 = arith.constant 0 : i32
    %dma_start3A_718 = arith.constant 0 : i32
    %dma_start3A_719 = arith.constant 0 : i32
    %dma_start3A_720 = tpu.memref_slice %arg7[%dma_start3A_714, %dma_start3A_717, %dma_start3A_718, %dma_start3A_719] : memref<4x4x8x128xf32, #tpu.memory_space<vmem>> -> memref<1x4x8x128xf32, #tpu.memory_space<vmem>>
    %dma_start3A_721 = tpu.memref_squeeze %dma_start3A_720 : memref<1x4x8x128xf32, #tpu.memory_space<vmem>> -> memref<4x8x128xf32, #tpu.memory_space<vmem>>
    %dma_start3A_722 = arith.constant 0 : i32
    %dma_start3A_723 = arith.constant 0 : i32
    %dma_start3A_724 = arith.constant 0 : i32
    %dma_start3A_725 = tpu.memref_slice %arg4[%dma_start3A_715, %add3A, %dma_start3A_716, %dma_start3A_722, %dma_start3A_723, %dma_start3A_724] : memref<8x32x4x4x8x128xf32, #tpu.memory_space<hbm>> -> memref<1x1x1x4x8x128xf32, #tpu.memory_space<hbm>>
    %dma_start3A_726 = tpu.memref_squeeze %dma_start3A_725 : memref<1x1x1x4x8x128xf32, #tpu.memory_space<hbm>> -> memref<4x8x128xf32, #tpu.memory_space<hbm>>
    %dma_start3A_727 = arith.constant 0 : i32
    %dma_start3A_728 = arith.constant 0 : i32
    %dma_start3A_729 = arith.constant 0 : i32
    %dma_start3A_730 = tpu.memref_slice %arg4[%dma_start3A_715, %add3A, %dma_start3A_716, %dma_start3A_727, %dma_start3A_728, %dma_start3A_729] : memref<8x32x4x4x8x128xf32, #tpu.memory_space<hbm>> -> memref<1x1x1x4x8x128xf32, #tpu.memory_space<hbm>>
    %dma_start3A_731 = tpu.memref_squeeze %dma_start3A_730 : memref<1x1x1x4x8x128xf32, #tpu.memory_space<hbm>> -> memref<4x8x128xf32, #tpu.memory_space<hbm>>
    %dma_start3A_732 = arith.constant 0 : i32
    %dma_start3A_733 = arith.constant 0 : i32
    %dma_start3A_734 = arith.constant 0 : i32
    %dma_start3A_735 = tpu.memref_slice %arg7[%dma_start3A_714, %dma_start3A_732, %dma_start3A_733, %dma_start3A_734] : memref<4x4x8x128xf32, #tpu.memory_space<vmem>> -> memref<1x4x8x128xf32, #tpu.memory_space<vmem>>
    %dma_start3A_736 = tpu.memref_squeeze %dma_start3A_735 : memref<1x4x8x128xf32, #tpu.memory_space<vmem>> -> memref<4x8x128xf32, #tpu.memory_space<vmem>>
    tpu.enqueue_dma source(%dma_start3A_736 : memref<4x8x128xf32, #tpu.memory_space<vmem>>) target(%dma_start3A_731 : memref<4x8x128xf32, #tpu.memory_space<hbm>>) target_semaphore(%arg8 : memref<!tpu.dma_semaphore, #tpu.memory_space<semaphore_mem>>)
    %dma_start3A_737 = arith.constant 3 : i32
    %dma_start3A_738 = arith.constant 5 : i32
    %dma_start3A_739 = arith.constant 3 : i32
    %dma_start3A_740 = arith.constant 0 : i32
    %dma_start3A_741 = arith.constant 0 : i32
    %dma_start3A_742 = arith.constant 0 : i32
    %dma_start3A_743 = tpu.memref_slice %arg7[%dma_start3A_737, %dma_start3A_740, %dma_start3A_741, %dma_start3A_742] : memref<4x4x8x128xf32, #tpu.memory_space<vmem>> -> memref<1x4x8x128xf32, #tpu.memory_space<vmem>>
    %dma_start3A_744 = tpu.memref_squeeze %dma_start3A_743 : memref<1x4x8x128xf32, #tpu.memory_space<vmem>> -> memref<4x8x128xf32, #tpu.memory_space<vmem>>
    %dma_start3A_745 = arith.constant 0 : i32
    %dma_start3A_746 = arith.constant 0 : i32
    %dma_start3A_747 = arith.constant 0 : i32
    %dma_start3A_748 = tpu.memref_slice %arg4[%dma_start3A_738, %add3A, %dma_start3A_739, %dma_start3A_745, %dma_start3A_746, %dma_start3A_747] : memref<8x32x4x4x8x128xf32, #tpu.memory_space<hbm>> -> memref<1x1x1x4x8x128xf32, #tpu.memory_space<hbm>>
    %dma_start3A_749 = tpu.memref_squeeze %dma_start3A_748 : memref<1x1x1x4x8x128xf32, #tpu.memory_space<hbm>> -> memref<4x8x128xf32, #tpu.memory_space<hbm>>
    %dma_start3A_750 = arith.constant 0 : i32
    %dma_start3A_751 = arith.constant 0 : i32
    %dma_start3A_752 = arith.constant 0 : i32
    %dma_start3A_753 = tpu.memref_slice %arg4[%dma_start3A_738, %add3A, %dma_start3A_739, %dma_start3A_750, %dma_start3A_751, %dma_start3A_752] : memref<8x32x4x4x8x128xf32, #tpu.memory_space<hbm>> -> memref<1x1x1x4x8x128xf32, #tpu.memory_space<hbm>>
    %dma_start3A_754 = tpu.memref_squeeze %dma_start3A_753 : memref<1x1x1x4x8x128xf32, #tpu.memory_space<hbm>> -> memref<4x8x128xf32, #tpu.memory_space<hbm>>
    %dma_start3A_755 = arith.constant 0 : i32
    %dma_start3A_756 = arith.constant 0 : i32
    %dma_start3A_757 = arith.constant 0 : i32
    %dma_start3A_758 = tpu.memref_slice %arg7[%dma_start3A_737, %dma_start3A_755, %dma_start3A_756, %dma_start3A_757] : memref<4x4x8x128xf32, #tpu.memory_space<vmem>> -> memref<1x4x8x128xf32, #tpu.memory_space<vmem>>
    %dma_start3A_759 = tpu.memref_squeeze %dma_start3A_758 : memref<1x4x8x128xf32, #tpu.memory_space<vmem>> -> memref<4x8x128xf32, #tpu.memory_space<vmem>>
    tpu.enqueue_dma source(%dma_start3A_759 : memref<4x8x128xf32, #tpu.memory_space<vmem>>) target(%dma_start3A_754 : memref<4x8x128xf32, #tpu.memory_space<hbm>>) target_semaphore(%arg8 : memref<!tpu.dma_semaphore, #tpu.memory_space<semaphore_mem>>)
    %dma_start3A_760 = arith.constant 3 : i32
    %dma_start3A_761 = arith.constant 6 : i32
    %dma_start3A_762 = arith.constant 3 : i32
    %dma_start3A_763 = arith.constant 0 : i32
    %dma_start3A_764 = arith.constant 0 : i32
    %dma_start3A_765 = arith.constant 0 : i32
    %dma_start3A_766 = tpu.memref_slice %arg7[%dma_start3A_760, %dma_start3A_763, %dma_start3A_764, %dma_start3A_765] : memref<4x4x8x128xf32, #tpu.memory_space<vmem>> -> memref<1x4x8x128xf32, #tpu.memory_space<vmem>>
    %dma_start3A_767 = tpu.memref_squeeze %dma_start3A_766 : memref<1x4x8x128xf32, #tpu.memory_space<vmem>> -> memref<4x8x128xf32, #tpu.memory_space<vmem>>
    %dma_start3A_768 = arith.constant 0 : i32
    %dma_start3A_769 = arith.constant 0 : i32
    %dma_start3A_770 = arith.constant 0 : i32
    %dma_start3A_771 = tpu.memref_slice %arg4[%dma_start3A_761, %add3A, %dma_start3A_762, %dma_start3A_768, %dma_start3A_769, %dma_start3A_770] : memref<8x32x4x4x8x128xf32, #tpu.memory_space<hbm>> -> memref<1x1x1x4x8x128xf32, #tpu.memory_space<hbm>>
    %dma_start3A_772 = tpu.memref_squeeze %dma_start3A_771 : memref<1x1x1x4x8x128xf32, #tpu.memory_space<hbm>> -> memref<4x8x128xf32, #tpu.memory_space<hbm>>
    %dma_start3A_773 = arith.constant 0 : i32
    %dma_start3A_774 = arith.constant 0 : i32
    %dma_start3A_775 = arith.constant 0 : i32
    %dma_start3A_776 = tpu.memref_slice %arg4[%dma_start3A_761, %add3A, %dma_start3A_762, %dma_start3A_773, %dma_start3A_774, %dma_start3A_775] : memref<8x32x4x4x8x128xf32, #tpu.memory_space<hbm>> -> memref<1x1x1x4x8x128xf32, #tpu.memory_space<hbm>>
    %dma_start3A_777 = tpu.memref_squeeze %dma_start3A_776 : memref<1x1x1x4x8x128xf32, #tpu.memory_space<hbm>> -> memref<4x8x128xf32, #tpu.memory_space<hbm>>
    %dma_start3A_778 = arith.constant 0 : i32
    %dma_start3A_779 = arith.constant 0 : i32
    %dma_start3A_780 = arith.constant 0 : i32
    %dma_start3A_781 = tpu.memref_slice %arg7[%dma_start3A_760, %dma_start3A_778, %dma_start3A_779, %dma_start3A_780] : memref<4x4x8x128xf32, #tpu.memory_space<vmem>> -> memref<1x4x8x128xf32, #tpu.memory_space<vmem>>
    %dma_start3A_782 = tpu.memref_squeeze %dma_start3A_781 : memref<1x4x8x128xf32, #tpu.memory_space<vmem>> -> memref<4x8x128xf32, #tpu.memory_space<vmem>>
    tpu.enqueue_dma source(%dma_start3A_782 : memref<4x8x128xf32, #tpu.memory_space<vmem>>) target(%dma_start3A_777 : memref<4x8x128xf32, #tpu.memory_space<hbm>>) target_semaphore(%arg8 : memref<!tpu.dma_semaphore, #tpu.memory_space<semaphore_mem>>)
    %dma_start3A_783 = arith.constant 3 : i32
    %dma_start3A_784 = arith.constant 7 : i32
    %dma_start3A_785 = arith.constant 3 : i32
    %dma_start3A_786 = arith.constant 0 : i32
    %dma_start3A_787 = arith.constant 0 : i32
    %dma_start3A_788 = arith.constant 0 : i32
    %dma_start3A_789 = tpu.memref_slice %arg7[%dma_start3A_783, %dma_start3A_786, %dma_start3A_787, %dma_start3A_788] : memref<4x4x8x128xf32, #tpu.memory_space<vmem>> -> memref<1x4x8x128xf32, #tpu.memory_space<vmem>>
    %dma_start3A_790 = tpu.memref_squeeze %dma_start3A_789 : memref<1x4x8x128xf32, #tpu.memory_space<vmem>> -> memref<4x8x128xf32, #tpu.memory_space<vmem>>
    %dma_start3A_791 = arith.constant 0 : i32
    %dma_start3A_792 = arith.constant 0 : i32
    %dma_start3A_793 = arith.constant 0 : i32
    %dma_start3A_794 = tpu.memref_slice %arg4[%dma_start3A_784, %add3A, %dma_start3A_785, %dma_start3A_791, %dma_start3A_792, %dma_start3A_793] : memref<8x32x4x4x8x128xf32, #tpu.memory_space<hbm>> -> memref<1x1x1x4x8x128xf32, #tpu.memory_space<hbm>>
    %dma_start3A_795 = tpu.memref_squeeze %dma_start3A_794 : memref<1x1x1x4x8x128xf32, #tpu.memory_space<hbm>> -> memref<4x8x128xf32, #tpu.memory_space<hbm>>
    %dma_start3A_796 = arith.constant 0 : i32
    %dma_start3A_797 = arith.constant 0 : i32
    %dma_start3A_798 = arith.constant 0 : i32
    %dma_start3A_799 = tpu.memref_slice %arg4[%dma_start3A_784, %add3A, %dma_start3A_785, %dma_start3A_796, %dma_start3A_797, %dma_start3A_798] : memref<8x32x4x4x8x128xf32, #tpu.memory_space<hbm>> -> memref<1x1x1x4x8x128xf32, #tpu.memory_space<hbm>>
    %dma_start3A_800 = tpu.memref_squeeze %dma_start3A_799 : memref<1x1x1x4x8x128xf32, #tpu.memory_space<hbm>> -> memref<4x8x128xf32, #tpu.memory_space<hbm>>
    %dma_start3A_801 = arith.constant 0 : i32
    %dma_start3A_802 = arith.constant 0 : i32
    %dma_start3A_803 = arith.constant 0 : i32
    %dma_start3A_804 = tpu.memref_slice %arg7[%dma_start3A_783, %dma_start3A_801, %dma_start3A_802, %dma_start3A_803] : memref<4x4x8x128xf32, #tpu.memory_space<vmem>> -> memref<1x4x8x128xf32, #tpu.memory_space<vmem>>
    %dma_start3A_805 = tpu.memref_squeeze %dma_start3A_804 : memref<1x4x8x128xf32, #tpu.memory_space<vmem>> -> memref<4x8x128xf32, #tpu.memory_space<vmem>>
    tpu.enqueue_dma source(%dma_start3A_805 : memref<4x8x128xf32, #tpu.memory_space<vmem>>) target(%dma_start3A_800 : memref<4x8x128xf32, #tpu.memory_space<hbm>>) target_semaphore(%arg8 : memref<!tpu.dma_semaphore, #tpu.memory_space<semaphore_mem>>)
    %dma_wait3A = arith.constant 0 : i32
    %dma_wait3A_806 = arith.constant 0 : i32
    %dma_wait3A_807 = arith.constant 0 : i32
    %dma_wait3A_808 = arith.constant 0 : i32
    %dma_wait3A_809 = arith.constant 0 : i32
    %dma_wait3A_810 = arith.constant 0 : i32
    %dma_wait3A_811 = tpu.memref_slice %arg7[%dma_wait3A, %dma_wait3A_808, %dma_wait3A_809, %dma_wait3A_810] : memref<4x4x8x128xf32, #tpu.memory_space<vmem>> -> memref<1x4x8x128xf32, #tpu.memory_space<vmem>>
    %dma_wait3A_812 = tpu.memref_squeeze %dma_wait3A_811 : memref<1x4x8x128xf32, #tpu.memory_space<vmem>> -> memref<4x8x128xf32, #tpu.memory_space<vmem>>
    %dma_wait3A_813 = arith.constant 0 : i32
    %dma_wait3A_814 = arith.constant 0 : i32
    %dma_wait3A_815 = arith.constant 0 : i32
    %dma_wait3A_816 = tpu.memref_slice %arg4[%dma_wait3A_806, %add3A, %dma_wait3A_807, %dma_wait3A_813, %dma_wait3A_814, %dma_wait3A_815] : memref<8x32x4x4x8x128xf32, #tpu.memory_space<hbm>> -> memref<1x1x1x4x8x128xf32, #tpu.memory_space<hbm>>
    %dma_wait3A_817 = tpu.memref_squeeze %dma_wait3A_816 : memref<1x1x1x4x8x128xf32, #tpu.memory_space<hbm>> -> memref<4x8x128xf32, #tpu.memory_space<hbm>>
    %dma_wait3A_818 = arith.constant 0 : i32
    %dma_wait3A_819 = arith.constant 0 : i32
    %dma_wait3A_820 = arith.constant 0 : i32
    %dma_wait3A_821 = tpu.memref_slice %arg4[%dma_wait3A_806, %add3A, %dma_wait3A_807, %dma_wait3A_818, %dma_wait3A_819, %dma_wait3A_820] : memref<8x32x4x4x8x128xf32, #tpu.memory_space<hbm>> -> memref<1x1x1x4x8x128xf32, #tpu.memory_space<hbm>>
    %dma_wait3A_822 = tpu.memref_squeeze %dma_wait3A_821 : memref<1x1x1x4x8x128xf32, #tpu.memory_space<hbm>> -> memref<4x8x128xf32, #tpu.memory_space<hbm>>
    %dma_wait3A_823 = arith.constant 0 : i32
    %dma_wait3A_824 = arith.constant 0 : i32
    %dma_wait3A_825 = arith.constant 0 : i32
    %dma_wait3A_826 = tpu.memref_slice %arg7[%dma_wait3A, %dma_wait3A_823, %dma_wait3A_824, %dma_wait3A_825] : memref<4x4x8x128xf32, #tpu.memory_space<vmem>> -> memref<1x4x8x128xf32, #tpu.memory_space<vmem>>
    %dma_wait3A_827 = tpu.memref_squeeze %dma_wait3A_826 : memref<1x4x8x128xf32, #tpu.memory_space<vmem>> -> memref<4x8x128xf32, #tpu.memory_space<vmem>>
    tpu.wait_dma2 semaphore(%arg8 : memref<!tpu.dma_semaphore, #tpu.memory_space<semaphore_mem>>) src(%dma_wait3A_827 : memref<4x8x128xf32, #tpu.memory_space<vmem>>) dst(%dma_wait3A_822 : memref<4x8x128xf32, #tpu.memory_space<hbm>>)
    %dma_wait3A_828 = arith.constant 0 : i32
    %dma_wait3A_829 = arith.constant 1 : i32
    %dma_wait3A_830 = arith.constant 0 : i32
    %dma_wait3A_831 = arith.constant 0 : i32
    %dma_wait3A_832 = arith.constant 0 : i32
    %dma_wait3A_833 = arith.constant 0 : i32
    %dma_wait3A_834 = tpu.memref_slice %arg7[%dma_wait3A_828, %dma_wait3A_831, %dma_wait3A_832, %dma_wait3A_833] : memref<4x4x8x128xf32, #tpu.memory_space<vmem>> -> memref<1x4x8x128xf32, #tpu.memory_space<vmem>>
    %dma_wait3A_835 = tpu.memref_squeeze %dma_wait3A_834 : memref<1x4x8x128xf32, #tpu.memory_space<vmem>> -> memref<4x8x128xf32, #tpu.memory_space<vmem>>
    %dma_wait3A_836 = arith.constant 0 : i32
    %dma_wait3A_837 = arith.constant 0 : i32
    %dma_wait3A_838 = arith.constant 0 : i32
    %dma_wait3A_839 = tpu.memref_slice %arg4[%dma_wait3A_829, %add3A, %dma_wait3A_830, %dma_wait3A_836, %dma_wait3A_837, %dma_wait3A_838] : memref<8x32x4x4x8x128xf32, #tpu.memory_space<hbm>> -> memref<1x1x1x4x8x128xf32, #tpu.memory_space<hbm>>
    %dma_wait3A_840 = tpu.memref_squeeze %dma_wait3A_839 : memref<1x1x1x4x8x128xf32, #tpu.memory_space<hbm>> -> memref<4x8x128xf32, #tpu.memory_space<hbm>>
    %dma_wait3A_841 = arith.constant 0 : i32
    %dma_wait3A_842 = arith.constant 0 : i32
    %dma_wait3A_843 = arith.constant 0 : i32
    %dma_wait3A_844 = tpu.memref_slice %arg4[%dma_wait3A_829, %add3A, %dma_wait3A_830, %dma_wait3A_841, %dma_wait3A_842, %dma_wait3A_843] : memref<8x32x4x4x8x128xf32, #tpu.memory_space<hbm>> -> memref<1x1x1x4x8x128xf32, #tpu.memory_space<hbm>>
    %dma_wait3A_845 = tpu.memref_squeeze %dma_wait3A_844 : memref<1x1x1x4x8x128xf32, #tpu.memory_space<hbm>> -> memref<4x8x128xf32, #tpu.memory_space<hbm>>
    %dma_wait3A_846 = arith.constant 0 : i32
    %dma_wait3A_847 = arith.constant 0 : i32
    %dma_wait3A_848 = arith.constant 0 : i32
    %dma_wait3A_849 = tpu.memref_slice %arg7[%dma_wait3A_828, %dma_wait3A_846, %dma_wait3A_847, %dma_wait3A_848] : memref<4x4x8x128xf32, #tpu.memory_space<vmem>> -> memref<1x4x8x128xf32, #tpu.memory_space<vmem>>
    %dma_wait3A_850 = tpu.memref_squeeze %dma_wait3A_849 : memref<1x4x8x128xf32, #tpu.memory_space<vmem>> -> memref<4x8x128xf32, #tpu.memory_space<vmem>>
    tpu.wait_dma2 semaphore(%arg8 : memref<!tpu.dma_semaphore, #tpu.memory_space<semaphore_mem>>) src(%dma_wait3A_850 : memref<4x8x128xf32, #tpu.memory_space<vmem>>) dst(%dma_wait3A_845 : memref<4x8x128xf32, #tpu.memory_space<hbm>>)
    %dma_wait3A_851 = arith.constant 0 : i32
    %dma_wait3A_852 = arith.constant 2 : i32
    %dma_wait3A_853 = arith.constant 0 : i32
    %dma_wait3A_854 = arith.constant 0 : i32
    %dma_wait3A_855 = arith.constant 0 : i32
    %dma_wait3A_856 = arith.constant 0 : i32
    %dma_wait3A_857 = tpu.memref_slice %arg7[%dma_wait3A_851, %dma_wait3A_854, %dma_wait3A_855, %dma_wait3A_856] : memref<4x4x8x128xf32, #tpu.memory_space<vmem>> -> memref<1x4x8x128xf32, #tpu.memory_space<vmem>>
    %dma_wait3A_858 = tpu.memref_squeeze %dma_wait3A_857 : memref<1x4x8x128xf32, #tpu.memory_space<vmem>> -> memref<4x8x128xf32, #tpu.memory_space<vmem>>
    %dma_wait3A_859 = arith.constant 0 : i32
    %dma_wait3A_860 = arith.constant 0 : i32
    %dma_wait3A_861 = arith.constant 0 : i32
    %dma_wait3A_862 = tpu.memref_slice %arg4[%dma_wait3A_852, %add3A, %dma_wait3A_853, %dma_wait3A_859, %dma_wait3A_860, %dma_wait3A_861] : memref<8x32x4x4x8x128xf32, #tpu.memory_space<hbm>> -> memref<1x1x1x4x8x128xf32, #tpu.memory_space<hbm>>
    %dma_wait3A_863 = tpu.memref_squeeze %dma_wait3A_862 : memref<1x1x1x4x8x128xf32, #tpu.memory_space<hbm>> -> memref<4x8x128xf32, #tpu.memory_space<hbm>>
    %dma_wait3A_864 = arith.constant 0 : i32
    %dma_wait3A_865 = arith.constant 0 : i32
    %dma_wait3A_866 = arith.constant 0 : i32
    %dma_wait3A_867 = tpu.memref_slice %arg4[%dma_wait3A_852, %add3A, %dma_wait3A_853, %dma_wait3A_864, %dma_wait3A_865, %dma_wait3A_866] : memref<8x32x4x4x8x128xf32, #tpu.memory_space<hbm>> -> memref<1x1x1x4x8x128xf32, #tpu.memory_space<hbm>>
    %dma_wait3A_868 = tpu.memref_squeeze %dma_wait3A_867 : memref<1x1x1x4x8x128xf32, #tpu.memory_space<hbm>> -> memref<4x8x128xf32, #tpu.memory_space<hbm>>
    %dma_wait3A_869 = arith.constant 0 : i32
    %dma_wait3A_870 = arith.constant 0 : i32
    %dma_wait3A_871 = arith.constant 0 : i32
    %dma_wait3A_872 = tpu.memref_slice %arg7[%dma_wait3A_851, %dma_wait3A_869, %dma_wait3A_870, %dma_wait3A_871] : memref<4x4x8x128xf32, #tpu.memory_space<vmem>> -> memref<1x4x8x128xf32, #tpu.memory_space<vmem>>
    %dma_wait3A_873 = tpu.memref_squeeze %dma_wait3A_872 : memref<1x4x8x128xf32, #tpu.memory_space<vmem>> -> memref<4x8x128xf32, #tpu.memory_space<vmem>>
    tpu.wait_dma2 semaphore(%arg8 : memref<!tpu.dma_semaphore, #tpu.memory_space<semaphore_mem>>) src(%dma_wait3A_873 : memref<4x8x128xf32, #tpu.memory_space<vmem>>) dst(%dma_wait3A_868 : memref<4x8x128xf32, #tpu.memory_space<hbm>>)
    %dma_wait3A_874 = arith.constant 0 : i32
    %dma_wait3A_875 = arith.constant 3 : i32
    %dma_wait3A_876 = arith.constant 0 : i32
    %dma_wait3A_877 = arith.constant 0 : i32
    %dma_wait3A_878 = arith.constant 0 : i32
    %dma_wait3A_879 = arith.constant 0 : i32
    %dma_wait3A_880 = tpu.memref_slice %arg7[%dma_wait3A_874, %dma_wait3A_877, %dma_wait3A_878, %dma_wait3A_879] : memref<4x4x8x128xf32, #tpu.memory_space<vmem>> -> memref<1x4x8x128xf32, #tpu.memory_space<vmem>>
    %dma_wait3A_881 = tpu.memref_squeeze %dma_wait3A_880 : memref<1x4x8x128xf32, #tpu.memory_space<vmem>> -> memref<4x8x128xf32, #tpu.memory_space<vmem>>
    %dma_wait3A_882 = arith.constant 0 : i32
    %dma_wait3A_883 = arith.constant 0 : i32
    %dma_wait3A_884 = arith.constant 0 : i32
    %dma_wait3A_885 = tpu.memref_slice %arg4[%dma_wait3A_875, %add3A, %dma_wait3A_876, %dma_wait3A_882, %dma_wait3A_883, %dma_wait3A_884] : memref<8x32x4x4x8x128xf32, #tpu.memory_space<hbm>> -> memref<1x1x1x4x8x128xf32, #tpu.memory_space<hbm>>
    %dma_wait3A_886 = tpu.memref_squeeze %dma_wait3A_885 : memref<1x1x1x4x8x128xf32, #tpu.memory_space<hbm>> -> memref<4x8x128xf32, #tpu.memory_space<hbm>>
    %dma_wait3A_887 = arith.constant 0 : i32
    %dma_wait3A_888 = arith.constant 0 : i32
    %dma_wait3A_889 = arith.constant 0 : i32
    %dma_wait3A_890 = tpu.memref_slice %arg4[%dma_wait3A_875, %add3A, %dma_wait3A_876, %dma_wait3A_887, %dma_wait3A_888, %dma_wait3A_889] : memref<8x32x4x4x8x128xf32, #tpu.memory_space<hbm>> -> memref<1x1x1x4x8x128xf32, #tpu.memory_space<hbm>>
    %dma_wait3A_891 = tpu.memref_squeeze %dma_wait3A_890 : memref<1x1x1x4x8x128xf32, #tpu.memory_space<hbm>> -> memref<4x8x128xf32, #tpu.memory_space<hbm>>
    %dma_wait3A_892 = arith.constant 0 : i32
    %dma_wait3A_893 = arith.constant 0 : i32
    %dma_wait3A_894 = arith.constant 0 : i32
    %dma_wait3A_895 = tpu.memref_slice %arg7[%dma_wait3A_874, %dma_wait3A_892, %dma_wait3A_893, %dma_wait3A_894] : memref<4x4x8x128xf32, #tpu.memory_space<vmem>> -> memref<1x4x8x128xf32, #tpu.memory_space<vmem>>
    %dma_wait3A_896 = tpu.memref_squeeze %dma_wait3A_895 : memref<1x4x8x128xf32, #tpu.memory_space<vmem>> -> memref<4x8x128xf32, #tpu.memory_space<vmem>>
    tpu.wait_dma2 semaphore(%arg8 : memref<!tpu.dma_semaphore, #tpu.memory_space<semaphore_mem>>) src(%dma_wait3A_896 : memref<4x8x128xf32, #tpu.memory_space<vmem>>) dst(%dma_wait3A_891 : memref<4x8x128xf32, #tpu.memory_space<hbm>>)
    %dma_wait3A_897 = arith.constant 0 : i32
    %dma_wait3A_898 = arith.constant 4 : i32
    %dma_wait3A_899 = arith.constant 0 : i32
    %dma_wait3A_900 = arith.constant 0 : i32
    %dma_wait3A_901 = arith.constant 0 : i32
    %dma_wait3A_902 = arith.constant 0 : i32
    %dma_wait3A_903 = tpu.memref_slice %arg7[%dma_wait3A_897, %dma_wait3A_900, %dma_wait3A_901, %dma_wait3A_902] : memref<4x4x8x128xf32, #tpu.memory_space<vmem>> -> memref<1x4x8x128xf32, #tpu.memory_space<vmem>>
    %dma_wait3A_904 = tpu.memref_squeeze %dma_wait3A_903 : memref<1x4x8x128xf32, #tpu.memory_space<vmem>> -> memref<4x8x128xf32, #tpu.memory_space<vmem>>
    %dma_wait3A_905 = arith.constant 0 : i32
    %dma_wait3A_906 = arith.constant 0 : i32
    %dma_wait3A_907 = arith.constant 0 : i32
    %dma_wait3A_908 = tpu.memref_slice %arg4[%dma_wait3A_898, %add3A, %dma_wait3A_899, %dma_wait3A_905, %dma_wait3A_906, %dma_wait3A_907] : memref<8x32x4x4x8x128xf32, #tpu.memory_space<hbm>> -> memref<1x1x1x4x8x128xf32, #tpu.memory_space<hbm>>
    %dma_wait3A_909 = tpu.memref_squeeze %dma_wait3A_908 : memref<1x1x1x4x8x128xf32, #tpu.memory_space<hbm>> -> memref<4x8x128xf32, #tpu.memory_space<hbm>>
    %dma_wait3A_910 = arith.constant 0 : i32
    %dma_wait3A_911 = arith.constant 0 : i32
    %dma_wait3A_912 = arith.constant 0 : i32
    %dma_wait3A_913 = tpu.memref_slice %arg4[%dma_wait3A_898, %add3A, %dma_wait3A_899, %dma_wait3A_910, %dma_wait3A_911, %dma_wait3A_912] : memref<8x32x4x4x8x128xf32, #tpu.memory_space<hbm>> -> memref<1x1x1x4x8x128xf32, #tpu.memory_space<hbm>>
    %dma_wait3A_914 = tpu.memref_squeeze %dma_wait3A_913 : memref<1x1x1x4x8x128xf32, #tpu.memory_space<hbm>> -> memref<4x8x128xf32, #tpu.memory_space<hbm>>
    %dma_wait3A_915 = arith.constant 0 : i32
    %dma_wait3A_916 = arith.constant 0 : i32
    %dma_wait3A_917 = arith.constant 0 : i32
    %dma_wait3A_918 = tpu.memref_slice %arg7[%dma_wait3A_897, %dma_wait3A_915, %dma_wait3A_916, %dma_wait3A_917] : memref<4x4x8x128xf32, #tpu.memory_space<vmem>> -> memref<1x4x8x128xf32, #tpu.memory_space<vmem>>
    %dma_wait3A_919 = tpu.memref_squeeze %dma_wait3A_918 : memref<1x4x8x128xf32, #tpu.memory_space<vmem>> -> memref<4x8x128xf32, #tpu.memory_space<vmem>>
    tpu.wait_dma2 semaphore(%arg8 : memref<!tpu.dma_semaphore, #tpu.memory_space<semaphore_mem>>) src(%dma_wait3A_919 : memref<4x8x128xf32, #tpu.memory_space<vmem>>) dst(%dma_wait3A_914 : memref<4x8x128xf32, #tpu.memory_space<hbm>>)
    %dma_wait3A_920 = arith.constant 0 : i32
    %dma_wait3A_921 = arith.constant 5 : i32
    %dma_wait3A_922 = arith.constant 0 : i32
    %dma_wait3A_923 = arith.constant 0 : i32
    %dma_wait3A_924 = arith.constant 0 : i32
    %dma_wait3A_925 = arith.constant 0 : i32
    %dma_wait3A_926 = tpu.memref_slice %arg7[%dma_wait3A_920, %dma_wait3A_923, %dma_wait3A_924, %dma_wait3A_925] : memref<4x4x8x128xf32, #tpu.memory_space<vmem>> -> memref<1x4x8x128xf32, #tpu.memory_space<vmem>>
    %dma_wait3A_927 = tpu.memref_squeeze %dma_wait3A_926 : memref<1x4x8x128xf32, #tpu.memory_space<vmem>> -> memref<4x8x128xf32, #tpu.memory_space<vmem>>
    %dma_wait3A_928 = arith.constant 0 : i32
    %dma_wait3A_929 = arith.constant 0 : i32
    %dma_wait3A_930 = arith.constant 0 : i32
    %dma_wait3A_931 = tpu.memref_slice %arg4[%dma_wait3A_921, %add3A, %dma_wait3A_922, %dma_wait3A_928, %dma_wait3A_929, %dma_wait3A_930] : memref<8x32x4x4x8x128xf32, #tpu.memory_space<hbm>> -> memref<1x1x1x4x8x128xf32, #tpu.memory_space<hbm>>
    %dma_wait3A_932 = tpu.memref_squeeze %dma_wait3A_931 : memref<1x1x1x4x8x128xf32, #tpu.memory_space<hbm>> -> memref<4x8x128xf32, #tpu.memory_space<hbm>>
    %dma_wait3A_933 = arith.constant 0 : i32
    %dma_wait3A_934 = arith.constant 0 : i32
    %dma_wait3A_935 = arith.constant 0 : i32
    %dma_wait3A_936 = tpu.memref_slice %arg4[%dma_wait3A_921, %add3A, %dma_wait3A_922, %dma_wait3A_933, %dma_wait3A_934, %dma_wait3A_935] : memref<8x32x4x4x8x128xf32, #tpu.memory_space<hbm>> -> memref<1x1x1x4x8x128xf32, #tpu.memory_space<hbm>>
    %dma_wait3A_937 = tpu.memref_squeeze %dma_wait3A_936 : memref<1x1x1x4x8x128xf32, #tpu.memory_space<hbm>> -> memref<4x8x128xf32, #tpu.memory_space<hbm>>
    %dma_wait3A_938 = arith.constant 0 : i32
    %dma_wait3A_939 = arith.constant 0 : i32
    %dma_wait3A_940 = arith.constant 0 : i32
    %dma_wait3A_941 = tpu.memref_slice %arg7[%dma_wait3A_920, %dma_wait3A_938, %dma_wait3A_939, %dma_wait3A_940] : memref<4x4x8x128xf32, #tpu.memory_space<vmem>> -> memref<1x4x8x128xf32, #tpu.memory_space<vmem>>
    %dma_wait3A_942 = tpu.memref_squeeze %dma_wait3A_941 : memref<1x4x8x128xf32, #tpu.memory_space<vmem>> -> memref<4x8x128xf32, #tpu.memory_space<vmem>>
    tpu.wait_dma2 semaphore(%arg8 : memref<!tpu.dma_semaphore, #tpu.memory_space<semaphore_mem>>) src(%dma_wait3A_942 : memref<4x8x128xf32, #tpu.memory_space<vmem>>) dst(%dma_wait3A_937 : memref<4x8x128xf32, #tpu.memory_space<hbm>>)
    %dma_wait3A_943 = arith.constant 0 : i32
    %dma_wait3A_944 = arith.constant 6 : i32
    %dma_wait3A_945 = arith.constant 0 : i32
    %dma_wait3A_946 = arith.constant 0 : i32
    %dma_wait3A_947 = arith.constant 0 : i32
    %dma_wait3A_948 = arith.constant 0 : i32
    %dma_wait3A_949 = tpu.memref_slice %arg7[%dma_wait3A_943, %dma_wait3A_946, %dma_wait3A_947, %dma_wait3A_948] : memref<4x4x8x128xf32, #tpu.memory_space<vmem>> -> memref<1x4x8x128xf32, #tpu.memory_space<vmem>>
    %dma_wait3A_950 = tpu.memref_squeeze %dma_wait3A_949 : memref<1x4x8x128xf32, #tpu.memory_space<vmem>> -> memref<4x8x128xf32, #tpu.memory_space<vmem>>
    %dma_wait3A_951 = arith.constant 0 : i32
    %dma_wait3A_952 = arith.constant 0 : i32
    %dma_wait3A_953 = arith.constant 0 : i32
    %dma_wait3A_954 = tpu.memref_slice %arg4[%dma_wait3A_944, %add3A, %dma_wait3A_945, %dma_wait3A_951, %dma_wait3A_952, %dma_wait3A_953] : memref<8x32x4x4x8x128xf32, #tpu.memory_space<hbm>> -> memref<1x1x1x4x8x128xf32, #tpu.memory_space<hbm>>
    %dma_wait3A_955 = tpu.memref_squeeze %dma_wait3A_954 : memref<1x1x1x4x8x128xf32, #tpu.memory_space<hbm>> -> memref<4x8x128xf32, #tpu.memory_space<hbm>>
    %dma_wait3A_956 = arith.constant 0 : i32
    %dma_wait3A_957 = arith.constant 0 : i32
    %dma_wait3A_958 = arith.constant 0 : i32
    %dma_wait3A_959 = tpu.memref_slice %arg4[%dma_wait3A_944, %add3A, %dma_wait3A_945, %dma_wait3A_956, %dma_wait3A_957, %dma_wait3A_958] : memref<8x32x4x4x8x128xf32, #tpu.memory_space<hbm>> -> memref<1x1x1x4x8x128xf32, #tpu.memory_space<hbm>>
    %dma_wait3A_960 = tpu.memref_squeeze %dma_wait3A_959 : memref<1x1x1x4x8x128xf32, #tpu.memory_space<hbm>> -> memref<4x8x128xf32, #tpu.memory_space<hbm>>
    %dma_wait3A_961 = arith.constant 0 : i32
    %dma_wait3A_962 = arith.constant 0 : i32
    %dma_wait3A_963 = arith.constant 0 : i32
    %dma_wait3A_964 = tpu.memref_slice %arg7[%dma_wait3A_943, %dma_wait3A_961, %dma_wait3A_962, %dma_wait3A_963] : memref<4x4x8x128xf32, #tpu.memory_space<vmem>> -> memref<1x4x8x128xf32, #tpu.memory_space<vmem>>
    %dma_wait3A_965 = tpu.memref_squeeze %dma_wait3A_964 : memref<1x4x8x128xf32, #tpu.memory_space<vmem>> -> memref<4x8x128xf32, #tpu.memory_space<vmem>>
    tpu.wait_dma2 semaphore(%arg8 : memref<!tpu.dma_semaphore, #tpu.memory_space<semaphore_mem>>) src(%dma_wait3A_965 : memref<4x8x128xf32, #tpu.memory_space<vmem>>) dst(%dma_wait3A_960 : memref<4x8x128xf32, #tpu.memory_space<hbm>>)
    %dma_wait3A_966 = arith.constant 0 : i32
    %dma_wait3A_967 = arith.constant 7 : i32
    %dma_wait3A_968 = arith.constant 0 : i32
    %dma_wait3A_969 = arith.constant 0 : i32
    %dma_wait3A_970 = arith.constant 0 : i32
    %dma_wait3A_971 = arith.constant 0 : i32
    %dma_wait3A_972 = tpu.memref_slice %arg7[%dma_wait3A_966, %dma_wait3A_969, %dma_wait3A_970, %dma_wait3A_971] : memref<4x4x8x128xf32, #tpu.memory_space<vmem>> -> memref<1x4x8x128xf32, #tpu.memory_space<vmem>>
    %dma_wait3A_973 = tpu.memref_squeeze %dma_wait3A_972 : memref<1x4x8x128xf32, #tpu.memory_space<vmem>> -> memref<4x8x128xf32, #tpu.memory_space<vmem>>
    %dma_wait3A_974 = arith.constant 0 : i32
    %dma_wait3A_975 = arith.constant 0 : i32
    %dma_wait3A_976 = arith.constant 0 : i32
    %dma_wait3A_977 = tpu.memref_slice %arg4[%dma_wait3A_967, %add3A, %dma_wait3A_968, %dma_wait3A_974, %dma_wait3A_975, %dma_wait3A_976] : memref<8x32x4x4x8x128xf32, #tpu.memory_space<hbm>> -> memref<1x1x1x4x8x128xf32, #tpu.memory_space<hbm>>
    %dma_wait3A_978 = tpu.memref_squeeze %dma_wait3A_977 : memref<1x1x1x4x8x128xf32, #tpu.memory_space<hbm>> -> memref<4x8x128xf32, #tpu.memory_space<hbm>>
    %dma_wait3A_979 = arith.constant 0 : i32
    %dma_wait3A_980 = arith.constant 0 : i32
    %dma_wait3A_981 = arith.constant 0 : i32
    %dma_wait3A_982 = tpu.memref_slice %arg4[%dma_wait3A_967, %add3A, %dma_wait3A_968, %dma_wait3A_979, %dma_wait3A_980, %dma_wait3A_981] : memref<8x32x4x4x8x128xf32, #tpu.memory_space<hbm>> -> memref<1x1x1x4x8x128xf32, #tpu.memory_space<hbm>>
    %dma_wait3A_983 = tpu.memref_squeeze %dma_wait3A_982 : memref<1x1x1x4x8x128xf32, #tpu.memory_space<hbm>> -> memref<4x8x128xf32, #tpu.memory_space<hbm>>
    %dma_wait3A_984 = arith.constant 0 : i32
    %dma_wait3A_985 = arith.constant 0 : i32
    %dma_wait3A_986 = arith.constant 0 : i32
    %dma_wait3A_987 = tpu.memref_slice %arg7[%dma_wait3A_966, %dma_wait3A_984, %dma_wait3A_985, %dma_wait3A_986] : memref<4x4x8x128xf32, #tpu.memory_space<vmem>> -> memref<1x4x8x128xf32, #tpu.memory_space<vmem>>
    %dma_wait3A_988 = tpu.memref_squeeze %dma_wait3A_987 : memref<1x4x8x128xf32, #tpu.memory_space<vmem>> -> memref<4x8x128xf32, #tpu.memory_space<vmem>>
    tpu.wait_dma2 semaphore(%arg8 : memref<!tpu.dma_semaphore, #tpu.memory_space<semaphore_mem>>) src(%dma_wait3A_988 : memref<4x8x128xf32, #tpu.memory_space<vmem>>) dst(%dma_wait3A_983 : memref<4x8x128xf32, #tpu.memory_space<hbm>>)
    %dma_wait3A_989 = arith.constant 1 : i32
    %dma_wait3A_990 = arith.constant 0 : i32
    %dma_wait3A_991 = arith.constant 1 : i32
    %dma_wait3A_992 = arith.constant 0 : i32
    %dma_wait3A_993 = arith.constant 0 : i32
    %dma_wait3A_994 = arith.constant 0 : i32
    %dma_wait3A_995 = tpu.memref_slice %arg7[%dma_wait3A_989, %dma_wait3A_992, %dma_wait3A_993, %dma_wait3A_994] : memref<4x4x8x128xf32, #tpu.memory_space<vmem>> -> memref<1x4x8x128xf32, #tpu.memory_space<vmem>>
    %dma_wait3A_996 = tpu.memref_squeeze %dma_wait3A_995 : memref<1x4x8x128xf32, #tpu.memory_space<vmem>> -> memref<4x8x128xf32, #tpu.memory_space<vmem>>
    %dma_wait3A_997 = arith.constant 0 : i32
    %dma_wait3A_998 = arith.constant 0 : i32
    %dma_wait3A_999 = arith.constant 0 : i32
    %dma_wait3A_1000 = tpu.memref_slice %arg4[%dma_wait3A_990, %add3A, %dma_wait3A_991, %dma_wait3A_997, %dma_wait3A_998, %dma_wait3A_999] : memref<8x32x4x4x8x128xf32, #tpu.memory_space<hbm>> -> memref<1x1x1x4x8x128xf32, #tpu.memory_space<hbm>>
    %dma_wait3A_1001 = tpu.memref_squeeze %dma_wait3A_1000 : memref<1x1x1x4x8x128xf32, #tpu.memory_space<hbm>> -> memref<4x8x128xf32, #tpu.memory_space<hbm>>
    %dma_wait3A_1002 = arith.constant 0 : i32
    %dma_wait3A_1003 = arith.constant 0 : i32
    %dma_wait3A_1004 = arith.constant 0 : i32
    %dma_wait3A_1005 = tpu.memref_slice %arg4[%dma_wait3A_990, %add3A, %dma_wait3A_991, %dma_wait3A_1002, %dma_wait3A_1003, %dma_wait3A_1004] : memref<8x32x4x4x8x128xf32, #tpu.memory_space<hbm>> -> memref<1x1x1x4x8x128xf32, #tpu.memory_space<hbm>>
    %dma_wait3A_1006 = tpu.memref_squeeze %dma_wait3A_1005 : memref<1x1x1x4x8x128xf32, #tpu.memory_space<hbm>> -> memref<4x8x128xf32, #tpu.memory_space<hbm>>
    %dma_wait3A_1007 = arith.constant 0 : i32
    %dma_wait3A_1008 = arith.constant 0 : i32
    %dma_wait3A_1009 = arith.constant 0 : i32
    %dma_wait3A_1010 = tpu.memref_slice %arg7[%dma_wait3A_989, %dma_wait3A_1007, %dma_wait3A_1008, %dma_wait3A_1009] : memref<4x4x8x128xf32, #tpu.memory_space<vmem>> -> memref<1x4x8x128xf32, #tpu.memory_space<vmem>>
    %dma_wait3A_1011 = tpu.memref_squeeze %dma_wait3A_1010 : memref<1x4x8x128xf32, #tpu.memory_space<vmem>> -> memref<4x8x128xf32, #tpu.memory_space<vmem>>
    tpu.wait_dma2 semaphore(%arg8 : memref<!tpu.dma_semaphore, #tpu.memory_space<semaphore_mem>>) src(%dma_wait3A_1011 : memref<4x8x128xf32, #tpu.memory_space<vmem>>) dst(%dma_wait3A_1006 : memref<4x8x128xf32, #tpu.memory_space<hbm>>)
    %dma_wait3A_1012 = arith.constant 1 : i32
    %dma_wait3A_1013 = arith.constant 1 : i32
    %dma_wait3A_1014 = arith.constant 1 : i32
    %dma_wait3A_1015 = arith.constant 0 : i32
    %dma_wait3A_1016 = arith.constant 0 : i32
    %dma_wait3A_1017 = arith.constant 0 : i32
    %dma_wait3A_1018 = tpu.memref_slice %arg7[%dma_wait3A_1012, %dma_wait3A_1015, %dma_wait3A_1016, %dma_wait3A_1017] : memref<4x4x8x128xf32, #tpu.memory_space<vmem>> -> memref<1x4x8x128xf32, #tpu.memory_space<vmem>>
    %dma_wait3A_1019 = tpu.memref_squeeze %dma_wait3A_1018 : memref<1x4x8x128xf32, #tpu.memory_space<vmem>> -> memref<4x8x128xf32, #tpu.memory_space<vmem>>
    %dma_wait3A_1020 = arith.constant 0 : i32
    %dma_wait3A_1021 = arith.constant 0 : i32
    %dma_wait3A_1022 = arith.constant 0 : i32
    %dma_wait3A_1023 = tpu.memref_slice %arg4[%dma_wait3A_1013, %add3A, %dma_wait3A_1014, %dma_wait3A_1020, %dma_wait3A_1021, %dma_wait3A_1022] : memref<8x32x4x4x8x128xf32, #tpu.memory_space<hbm>> -> memref<1x1x1x4x8x128xf32, #tpu.memory_space<hbm>>
    %dma_wait3A_1024 = tpu.memref_squeeze %dma_wait3A_1023 : memref<1x1x1x4x8x128xf32, #tpu.memory_space<hbm>> -> memref<4x8x128xf32, #tpu.memory_space<hbm>>
    %dma_wait3A_1025 = arith.constant 0 : i32
    %dma_wait3A_1026 = arith.constant 0 : i32
    %dma_wait3A_1027 = arith.constant 0 : i32
    %dma_wait3A_1028 = tpu.memref_slice %arg4[%dma_wait3A_1013, %add3A, %dma_wait3A_1014, %dma_wait3A_1025, %dma_wait3A_1026, %dma_wait3A_1027] : memref<8x32x4x4x8x128xf32, #tpu.memory_space<hbm>> -> memref<1x1x1x4x8x128xf32, #tpu.memory_space<hbm>>
    %dma_wait3A_1029 = tpu.memref_squeeze %dma_wait3A_1028 : memref<1x1x1x4x8x128xf32, #tpu.memory_space<hbm>> -> memref<4x8x128xf32, #tpu.memory_space<hbm>>
    %dma_wait3A_1030 = arith.constant 0 : i32
    %dma_wait3A_1031 = arith.constant 0 : i32
    %dma_wait3A_1032 = arith.constant 0 : i32
    %dma_wait3A_1033 = tpu.memref_slice %arg7[%dma_wait3A_1012, %dma_wait3A_1030, %dma_wait3A_1031, %dma_wait3A_1032] : memref<4x4x8x128xf32, #tpu.memory_space<vmem>> -> memref<1x4x8x128xf32, #tpu.memory_space<vmem>>
    %dma_wait3A_1034 = tpu.memref_squeeze %dma_wait3A_1033 : memref<1x4x8x128xf32, #tpu.memory_space<vmem>> -> memref<4x8x128xf32, #tpu.memory_space<vmem>>
    tpu.wait_dma2 semaphore(%arg8 : memref<!tpu.dma_semaphore, #tpu.memory_space<semaphore_mem>>) src(%dma_wait3A_1034 : memref<4x8x128xf32, #tpu.memory_space<vmem>>) dst(%dma_wait3A_1029 : memref<4x8x128xf32, #tpu.memory_space<hbm>>)
    %dma_wait3A_1035 = arith.constant 1 : i32
    %dma_wait3A_1036 = arith.constant 2 : i32
    %dma_wait3A_1037 = arith.constant 1 : i32
    %dma_wait3A_1038 = arith.constant 0 : i32
    %dma_wait3A_1039 = arith.constant 0 : i32
    %dma_wait3A_1040 = arith.constant 0 : i32
    %dma_wait3A_1041 = tpu.memref_slice %arg7[%dma_wait3A_1035, %dma_wait3A_1038, %dma_wait3A_1039, %dma_wait3A_1040] : memref<4x4x8x128xf32, #tpu.memory_space<vmem>> -> memref<1x4x8x128xf32, #tpu.memory_space<vmem>>
    %dma_wait3A_1042 = tpu.memref_squeeze %dma_wait3A_1041 : memref<1x4x8x128xf32, #tpu.memory_space<vmem>> -> memref<4x8x128xf32, #tpu.memory_space<vmem>>
    %dma_wait3A_1043 = arith.constant 0 : i32
    %dma_wait3A_1044 = arith.constant 0 : i32
    %dma_wait3A_1045 = arith.constant 0 : i32
    %dma_wait3A_1046 = tpu.memref_slice %arg4[%dma_wait3A_1036, %add3A, %dma_wait3A_1037, %dma_wait3A_1043, %dma_wait3A_1044, %dma_wait3A_1045] : memref<8x32x4x4x8x128xf32, #tpu.memory_space<hbm>> -> memref<1x1x1x4x8x128xf32, #tpu.memory_space<hbm>>
    %dma_wait3A_1047 = tpu.memref_squeeze %dma_wait3A_1046 : memref<1x1x1x4x8x128xf32, #tpu.memory_space<hbm>> -> memref<4x8x128xf32, #tpu.memory_space<hbm>>
    %dma_wait3A_1048 = arith.constant 0 : i32
    %dma_wait3A_1049 = arith.constant 0 : i32
    %dma_wait3A_1050 = arith.constant 0 : i32
    %dma_wait3A_1051 = tpu.memref_slice %arg4[%dma_wait3A_1036, %add3A, %dma_wait3A_1037, %dma_wait3A_1048, %dma_wait3A_1049, %dma_wait3A_1050] : memref<8x32x4x4x8x128xf32, #tpu.memory_space<hbm>> -> memref<1x1x1x4x8x128xf32, #tpu.memory_space<hbm>>
    %dma_wait3A_1052 = tpu.memref_squeeze %dma_wait3A_1051 : memref<1x1x1x4x8x128xf32, #tpu.memory_space<hbm>> -> memref<4x8x128xf32, #tpu.memory_space<hbm>>
    %dma_wait3A_1053 = arith.constant 0 : i32
    %dma_wait3A_1054 = arith.constant 0 : i32
    %dma_wait3A_1055 = arith.constant 0 : i32
    %dma_wait3A_1056 = tpu.memref_slice %arg7[%dma_wait3A_1035, %dma_wait3A_1053, %dma_wait3A_1054, %dma_wait3A_1055] : memref<4x4x8x128xf32, #tpu.memory_space<vmem>> -> memref<1x4x8x128xf32, #tpu.memory_space<vmem>>
    %dma_wait3A_1057 = tpu.memref_squeeze %dma_wait3A_1056 : memref<1x4x8x128xf32, #tpu.memory_space<vmem>> -> memref<4x8x128xf32, #tpu.memory_space<vmem>>
    tpu.wait_dma2 semaphore(%arg8 : memref<!tpu.dma_semaphore, #tpu.memory_space<semaphore_mem>>) src(%dma_wait3A_1057 : memref<4x8x128xf32, #tpu.memory_space<vmem>>) dst(%dma_wait3A_1052 : memref<4x8x128xf32, #tpu.memory_space<hbm>>)
    %dma_wait3A_1058 = arith.constant 1 : i32
    %dma_wait3A_1059 = arith.constant 3 : i32
    %dma_wait3A_1060 = arith.constant 1 : i32
    %dma_wait3A_1061 = arith.constant 0 : i32
    %dma_wait3A_1062 = arith.constant 0 : i32
    %dma_wait3A_1063 = arith.constant 0 : i32
    %dma_wait3A_1064 = tpu.memref_slice %arg7[%dma_wait3A_1058, %dma_wait3A_1061, %dma_wait3A_1062, %dma_wait3A_1063] : memref<4x4x8x128xf32, #tpu.memory_space<vmem>> -> memref<1x4x8x128xf32, #tpu.memory_space<vmem>>
    %dma_wait3A_1065 = tpu.memref_squeeze %dma_wait3A_1064 : memref<1x4x8x128xf32, #tpu.memory_space<vmem>> -> memref<4x8x128xf32, #tpu.memory_space<vmem>>
    %dma_wait3A_1066 = arith.constant 0 : i32
    %dma_wait3A_1067 = arith.constant 0 : i32
    %dma_wait3A_1068 = arith.constant 0 : i32
    %dma_wait3A_1069 = tpu.memref_slice %arg4[%dma_wait3A_1059, %add3A, %dma_wait3A_1060, %dma_wait3A_1066, %dma_wait3A_1067, %dma_wait3A_1068] : memref<8x32x4x4x8x128xf32, #tpu.memory_space<hbm>> -> memref<1x1x1x4x8x128xf32, #tpu.memory_space<hbm>>
    %dma_wait3A_1070 = tpu.memref_squeeze %dma_wait3A_1069 : memref<1x1x1x4x8x128xf32, #tpu.memory_space<hbm>> -> memref<4x8x128xf32, #tpu.memory_space<hbm>>
    %dma_wait3A_1071 = arith.constant 0 : i32
    %dma_wait3A_1072 = arith.constant 0 : i32
    %dma_wait3A_1073 = arith.constant 0 : i32
    %dma_wait3A_1074 = tpu.memref_slice %arg4[%dma_wait3A_1059, %add3A, %dma_wait3A_1060, %dma_wait3A_1071, %dma_wait3A_1072, %dma_wait3A_1073] : memref<8x32x4x4x8x128xf32, #tpu.memory_space<hbm>> -> memref<1x1x1x4x8x128xf32, #tpu.memory_space<hbm>>
    %dma_wait3A_1075 = tpu.memref_squeeze %dma_wait3A_1074 : memref<1x1x1x4x8x128xf32, #tpu.memory_space<hbm>> -> memref<4x8x128xf32, #tpu.memory_space<hbm>>
    %dma_wait3A_1076 = arith.constant 0 : i32
    %dma_wait3A_1077 = arith.constant 0 : i32
    %dma_wait3A_1078 = arith.constant 0 : i32
    %dma_wait3A_1079 = tpu.memref_slice %arg7[%dma_wait3A_1058, %dma_wait3A_1076, %dma_wait3A_1077, %dma_wait3A_1078] : memref<4x4x8x128xf32, #tpu.memory_space<vmem>> -> memref<1x4x8x128xf32, #tpu.memory_space<vmem>>
    %dma_wait3A_1080 = tpu.memref_squeeze %dma_wait3A_1079 : memref<1x4x8x128xf32, #tpu.memory_space<vmem>> -> memref<4x8x128xf32, #tpu.memory_space<vmem>>
    tpu.wait_dma2 semaphore(%arg8 : memref<!tpu.dma_semaphore, #tpu.memory_space<semaphore_mem>>) src(%dma_wait3A_1080 : memref<4x8x128xf32, #tpu.memory_space<vmem>>) dst(%dma_wait3A_1075 : memref<4x8x128xf32, #tpu.memory_space<hbm>>)
    %dma_wait3A_1081 = arith.constant 1 : i32
    %dma_wait3A_1082 = arith.constant 4 : i32
    %dma_wait3A_1083 = arith.constant 1 : i32
    %dma_wait3A_1084 = arith.constant 0 : i32
    %dma_wait3A_1085 = arith.constant 0 : i32
    %dma_wait3A_1086 = arith.constant 0 : i32
    %dma_wait3A_1087 = tpu.memref_slice %arg7[%dma_wait3A_1081, %dma_wait3A_1084, %dma_wait3A_1085, %dma_wait3A_1086] : memref<4x4x8x128xf32, #tpu.memory_space<vmem>> -> memref<1x4x8x128xf32, #tpu.memory_space<vmem>>
    %dma_wait3A_1088 = tpu.memref_squeeze %dma_wait3A_1087 : memref<1x4x8x128xf32, #tpu.memory_space<vmem>> -> memref<4x8x128xf32, #tpu.memory_space<vmem>>
    %dma_wait3A_1089 = arith.constant 0 : i32
    %dma_wait3A_1090 = arith.constant 0 : i32
    %dma_wait3A_1091 = arith.constant 0 : i32
    %dma_wait3A_1092 = tpu.memref_slice %arg4[%dma_wait3A_1082, %add3A, %dma_wait3A_1083, %dma_wait3A_1089, %dma_wait3A_1090, %dma_wait3A_1091] : memref<8x32x4x4x8x128xf32, #tpu.memory_space<hbm>> -> memref<1x1x1x4x8x128xf32, #tpu.memory_space<hbm>>
    %dma_wait3A_1093 = tpu.memref_squeeze %dma_wait3A_1092 : memref<1x1x1x4x8x128xf32, #tpu.memory_space<hbm>> -> memref<4x8x128xf32, #tpu.memory_space<hbm>>
    %dma_wait3A_1094 = arith.constant 0 : i32
    %dma_wait3A_1095 = arith.constant 0 : i32
    %dma_wait3A_1096 = arith.constant 0 : i32
    %dma_wait3A_1097 = tpu.memref_slice %arg4[%dma_wait3A_1082, %add3A, %dma_wait3A_1083, %dma_wait3A_1094, %dma_wait3A_1095, %dma_wait3A_1096] : memref<8x32x4x4x8x128xf32, #tpu.memory_space<hbm>> -> memref<1x1x1x4x8x128xf32, #tpu.memory_space<hbm>>
    %dma_wait3A_1098 = tpu.memref_squeeze %dma_wait3A_1097 : memref<1x1x1x4x8x128xf32, #tpu.memory_space<hbm>> -> memref<4x8x128xf32, #tpu.memory_space<hbm>>
    %dma_wait3A_1099 = arith.constant 0 : i32
    %dma_wait3A_1100 = arith.constant 0 : i32
    %dma_wait3A_1101 = arith.constant 0 : i32
    %dma_wait3A_1102 = tpu.memref_slice %arg7[%dma_wait3A_1081, %dma_wait3A_1099, %dma_wait3A_1100, %dma_wait3A_1101] : memref<4x4x8x128xf32, #tpu.memory_space<vmem>> -> memref<1x4x8x128xf32, #tpu.memory_space<vmem>>
    %dma_wait3A_1103 = tpu.memref_squeeze %dma_wait3A_1102 : memref<1x4x8x128xf32, #tpu.memory_space<vmem>> -> memref<4x8x128xf32, #tpu.memory_space<vmem>>
    tpu.wait_dma2 semaphore(%arg8 : memref<!tpu.dma_semaphore, #tpu.memory_space<semaphore_mem>>) src(%dma_wait3A_1103 : memref<4x8x128xf32, #tpu.memory_space<vmem>>) dst(%dma_wait3A_1098 : memref<4x8x128xf32, #tpu.memory_space<hbm>>)
    %dma_wait3A_1104 = arith.constant 1 : i32
    %dma_wait3A_1105 = arith.constant 5 : i32
    %dma_wait3A_1106 = arith.constant 1 : i32
    %dma_wait3A_1107 = arith.constant 0 : i32
    %dma_wait3A_1108 = arith.constant 0 : i32
    %dma_wait3A_1109 = arith.constant 0 : i32
    %dma_wait3A_1110 = tpu.memref_slice %arg7[%dma_wait3A_1104, %dma_wait3A_1107, %dma_wait3A_1108, %dma_wait3A_1109] : memref<4x4x8x128xf32, #tpu.memory_space<vmem>> -> memref<1x4x8x128xf32, #tpu.memory_space<vmem>>
    %dma_wait3A_1111 = tpu.memref_squeeze %dma_wait3A_1110 : memref<1x4x8x128xf32, #tpu.memory_space<vmem>> -> memref<4x8x128xf32, #tpu.memory_space<vmem>>
    %dma_wait3A_1112 = arith.constant 0 : i32
    %dma_wait3A_1113 = arith.constant 0 : i32
    %dma_wait3A_1114 = arith.constant 0 : i32
    %dma_wait3A_1115 = tpu.memref_slice %arg4[%dma_wait3A_1105, %add3A, %dma_wait3A_1106, %dma_wait3A_1112, %dma_wait3A_1113, %dma_wait3A_1114] : memref<8x32x4x4x8x128xf32, #tpu.memory_space<hbm>> -> memref<1x1x1x4x8x128xf32, #tpu.memory_space<hbm>>
    %dma_wait3A_1116 = tpu.memref_squeeze %dma_wait3A_1115 : memref<1x1x1x4x8x128xf32, #tpu.memory_space<hbm>> -> memref<4x8x128xf32, #tpu.memory_space<hbm>>
    %dma_wait3A_1117 = arith.constant 0 : i32
    %dma_wait3A_1118 = arith.constant 0 : i32
    %dma_wait3A_1119 = arith.constant 0 : i32
    %dma_wait3A_1120 = tpu.memref_slice %arg4[%dma_wait3A_1105, %add3A, %dma_wait3A_1106, %dma_wait3A_1117, %dma_wait3A_1118, %dma_wait3A_1119] : memref<8x32x4x4x8x128xf32, #tpu.memory_space<hbm>> -> memref<1x1x1x4x8x128xf32, #tpu.memory_space<hbm>>
    %dma_wait3A_1121 = tpu.memref_squeeze %dma_wait3A_1120 : memref<1x1x1x4x8x128xf32, #tpu.memory_space<hbm>> -> memref<4x8x128xf32, #tpu.memory_space<hbm>>
    %dma_wait3A_1122 = arith.constant 0 : i32
    %dma_wait3A_1123 = arith.constant 0 : i32
    %dma_wait3A_1124 = arith.constant 0 : i32
    %dma_wait3A_1125 = tpu.memref_slice %arg7[%dma_wait3A_1104, %dma_wait3A_1122, %dma_wait3A_1123, %dma_wait3A_1124] : memref<4x4x8x128xf32, #tpu.memory_space<vmem>> -> memref<1x4x8x128xf32, #tpu.memory_space<vmem>>
    %dma_wait3A_1126 = tpu.memref_squeeze %dma_wait3A_1125 : memref<1x4x8x128xf32, #tpu.memory_space<vmem>> -> memref<4x8x128xf32, #tpu.memory_space<vmem>>
    tpu.wait_dma2 semaphore(%arg8 : memref<!tpu.dma_semaphore, #tpu.memory_space<semaphore_mem>>) src(%dma_wait3A_1126 : memref<4x8x128xf32, #tpu.memory_space<vmem>>) dst(%dma_wait3A_1121 : memref<4x8x128xf32, #tpu.memory_space<hbm>>)
    %dma_wait3A_1127 = arith.constant 1 : i32
    %dma_wait3A_1128 = arith.constant 6 : i32
    %dma_wait3A_1129 = arith.constant 1 : i32
    %dma_wait3A_1130 = arith.constant 0 : i32
    %dma_wait3A_1131 = arith.constant 0 : i32
    %dma_wait3A_1132 = arith.constant 0 : i32
    %dma_wait3A_1133 = tpu.memref_slice %arg7[%dma_wait3A_1127, %dma_wait3A_1130, %dma_wait3A_1131, %dma_wait3A_1132] : memref<4x4x8x128xf32, #tpu.memory_space<vmem>> -> memref<1x4x8x128xf32, #tpu.memory_space<vmem>>
    %dma_wait3A_1134 = tpu.memref_squeeze %dma_wait3A_1133 : memref<1x4x8x128xf32, #tpu.memory_space<vmem>> -> memref<4x8x128xf32, #tpu.memory_space<vmem>>
    %dma_wait3A_1135 = arith.constant 0 : i32
    %dma_wait3A_1136 = arith.constant 0 : i32
    %dma_wait3A_1137 = arith.constant 0 : i32
    %dma_wait3A_1138 = tpu.memref_slice %arg4[%dma_wait3A_1128, %add3A, %dma_wait3A_1129, %dma_wait3A_1135, %dma_wait3A_1136, %dma_wait3A_1137] : memref<8x32x4x4x8x128xf32, #tpu.memory_space<hbm>> -> memref<1x1x1x4x8x128xf32, #tpu.memory_space<hbm>>
    %dma_wait3A_1139 = tpu.memref_squeeze %dma_wait3A_1138 : memref<1x1x1x4x8x128xf32, #tpu.memory_space<hbm>> -> memref<4x8x128xf32, #tpu.memory_space<hbm>>
    %dma_wait3A_1140 = arith.constant 0 : i32
    %dma_wait3A_1141 = arith.constant 0 : i32
    %dma_wait3A_1142 = arith.constant 0 : i32
    %dma_wait3A_1143 = tpu.memref_slice %arg4[%dma_wait3A_1128, %add3A, %dma_wait3A_1129, %dma_wait3A_1140, %dma_wait3A_1141, %dma_wait3A_1142] : memref<8x32x4x4x8x128xf32, #tpu.memory_space<hbm>> -> memref<1x1x1x4x8x128xf32, #tpu.memory_space<hbm>>
    %dma_wait3A_1144 = tpu.memref_squeeze %dma_wait3A_1143 : memref<1x1x1x4x8x128xf32, #tpu.memory_space<hbm>> -> memref<4x8x128xf32, #tpu.memory_space<hbm>>
    %dma_wait3A_1145 = arith.constant 0 : i32
    %dma_wait3A_1146 = arith.constant 0 : i32
    %dma_wait3A_1147 = arith.constant 0 : i32
    %dma_wait3A_1148 = tpu.memref_slice %arg7[%dma_wait3A_1127, %dma_wait3A_1145, %dma_wait3A_1146, %dma_wait3A_1147] : memref<4x4x8x128xf32, #tpu.memory_space<vmem>> -> memref<1x4x8x128xf32, #tpu.memory_space<vmem>>
    %dma_wait3A_1149 = tpu.memref_squeeze %dma_wait3A_1148 : memref<1x4x8x128xf32, #tpu.memory_space<vmem>> -> memref<4x8x128xf32, #tpu.memory_space<vmem>>
    tpu.wait_dma2 semaphore(%arg8 : memref<!tpu.dma_semaphore, #tpu.memory_space<semaphore_mem>>) src(%dma_wait3A_1149 : memref<4x8x128xf32, #tpu.memory_space<vmem>>) dst(%dma_wait3A_1144 : memref<4x8x128xf32, #tpu.memory_space<hbm>>)
    %dma_wait3A_1150 = arith.constant 1 : i32
    %dma_wait3A_1151 = arith.constant 7 : i32
    %dma_wait3A_1152 = arith.constant 1 : i32
    %dma_wait3A_1153 = arith.constant 0 : i32
    %dma_wait3A_1154 = arith.constant 0 : i32
    %dma_wait3A_1155 = arith.constant 0 : i32
    %dma_wait3A_1156 = tpu.memref_slice %arg7[%dma_wait3A_1150, %dma_wait3A_1153, %dma_wait3A_1154, %dma_wait3A_1155] : memref<4x4x8x128xf32, #tpu.memory_space<vmem>> -> memref<1x4x8x128xf32, #tpu.memory_space<vmem>>
    %dma_wait3A_1157 = tpu.memref_squeeze %dma_wait3A_1156 : memref<1x4x8x128xf32, #tpu.memory_space<vmem>> -> memref<4x8x128xf32, #tpu.memory_space<vmem>>
    %dma_wait3A_1158 = arith.constant 0 : i32
    %dma_wait3A_1159 = arith.constant 0 : i32
    %dma_wait3A_1160 = arith.constant 0 : i32
    %dma_wait3A_1161 = tpu.memref_slice %arg4[%dma_wait3A_1151, %add3A, %dma_wait3A_1152, %dma_wait3A_1158, %dma_wait3A_1159, %dma_wait3A_1160] : memref<8x32x4x4x8x128xf32, #tpu.memory_space<hbm>> -> memref<1x1x1x4x8x128xf32, #tpu.memory_space<hbm>>
    %dma_wait3A_1162 = tpu.memref_squeeze %dma_wait3A_1161 : memref<1x1x1x4x8x128xf32, #tpu.memory_space<hbm>> -> memref<4x8x128xf32, #tpu.memory_space<hbm>>
    %dma_wait3A_1163 = arith.constant 0 : i32
    %dma_wait3A_1164 = arith.constant 0 : i32
    %dma_wait3A_1165 = arith.constant 0 : i32
    %dma_wait3A_1166 = tpu.memref_slice %arg4[%dma_wait3A_1151, %add3A, %dma_wait3A_1152, %dma_wait3A_1163, %dma_wait3A_1164, %dma_wait3A_1165] : memref<8x32x4x4x8x128xf32, #tpu.memory_space<hbm>> -> memref<1x1x1x4x8x128xf32, #tpu.memory_space<hbm>>
    %dma_wait3A_1167 = tpu.memref_squeeze %dma_wait3A_1166 : memref<1x1x1x4x8x128xf32, #tpu.memory_space<hbm>> -> memref<4x8x128xf32, #tpu.memory_space<hbm>>
    %dma_wait3A_1168 = arith.constant 0 : i32
    %dma_wait3A_1169 = arith.constant 0 : i32
    %dma_wait3A_1170 = arith.constant 0 : i32
    %dma_wait3A_1171 = tpu.memref_slice %arg7[%dma_wait3A_1150, %dma_wait3A_1168, %dma_wait3A_1169, %dma_wait3A_1170] : memref<4x4x8x128xf32, #tpu.memory_space<vmem>> -> memref<1x4x8x128xf32, #tpu.memory_space<vmem>>
    %dma_wait3A_1172 = tpu.memref_squeeze %dma_wait3A_1171 : memref<1x4x8x128xf32, #tpu.memory_space<vmem>> -> memref<4x8x128xf32, #tpu.memory_space<vmem>>
    tpu.wait_dma2 semaphore(%arg8 : memref<!tpu.dma_semaphore, #tpu.memory_space<semaphore_mem>>) src(%dma_wait3A_1172 : memref<4x8x128xf32, #tpu.memory_space<vmem>>) dst(%dma_wait3A_1167 : memref<4x8x128xf32, #tpu.memory_space<hbm>>)
    %dma_wait3A_1173 = arith.constant 2 : i32
    %dma_wait3A_1174 = arith.constant 0 : i32
    %dma_wait3A_1175 = arith.constant 2 : i32
    %dma_wait3A_1176 = arith.constant 0 : i32
    %dma_wait3A_1177 = arith.constant 0 : i32
    %dma_wait3A_1178 = arith.constant 0 : i32
    %dma_wait3A_1179 = tpu.memref_slice %arg7[%dma_wait3A_1173, %dma_wait3A_1176, %dma_wait3A_1177, %dma_wait3A_1178] : memref<4x4x8x128xf32, #tpu.memory_space<vmem>> -> memref<1x4x8x128xf32, #tpu.memory_space<vmem>>
    %dma_wait3A_1180 = tpu.memref_squeeze %dma_wait3A_1179 : memref<1x4x8x128xf32, #tpu.memory_space<vmem>> -> memref<4x8x128xf32, #tpu.memory_space<vmem>>
    %dma_wait3A_1181 = arith.constant 0 : i32
    %dma_wait3A_1182 = arith.constant 0 : i32
    %dma_wait3A_1183 = arith.constant 0 : i32
    %dma_wait3A_1184 = tpu.memref_slice %arg4[%dma_wait3A_1174, %add3A, %dma_wait3A_1175, %dma_wait3A_1181, %dma_wait3A_1182, %dma_wait3A_1183] : memref<8x32x4x4x8x128xf32, #tpu.memory_space<hbm>> -> memref<1x1x1x4x8x128xf32, #tpu.memory_space<hbm>>
    %dma_wait3A_1185 = tpu.memref_squeeze %dma_wait3A_1184 : memref<1x1x1x4x8x128xf32, #tpu.memory_space<hbm>> -> memref<4x8x128xf32, #tpu.memory_space<hbm>>
    %dma_wait3A_1186 = arith.constant 0 : i32
    %dma_wait3A_1187 = arith.constant 0 : i32
    %dma_wait3A_1188 = arith.constant 0 : i32
    %dma_wait3A_1189 = tpu.memref_slice %arg4[%dma_wait3A_1174, %add3A, %dma_wait3A_1175, %dma_wait3A_1186, %dma_wait3A_1187, %dma_wait3A_1188] : memref<8x32x4x4x8x128xf32, #tpu.memory_space<hbm>> -> memref<1x1x1x4x8x128xf32, #tpu.memory_space<hbm>>
    %dma_wait3A_1190 = tpu.memref_squeeze %dma_wait3A_1189 : memref<1x1x1x4x8x128xf32, #tpu.memory_space<hbm>> -> memref<4x8x128xf32, #tpu.memory_space<hbm>>
    %dma_wait3A_1191 = arith.constant 0 : i32
    %dma_wait3A_1192 = arith.constant 0 : i32
    %dma_wait3A_1193 = arith.constant 0 : i32
    %dma_wait3A_1194 = tpu.memref_slice %arg7[%dma_wait3A_1173, %dma_wait3A_1191, %dma_wait3A_1192, %dma_wait3A_1193] : memref<4x4x8x128xf32, #tpu.memory_space<vmem>> -> memref<1x4x8x128xf32, #tpu.memory_space<vmem>>
    %dma_wait3A_1195 = tpu.memref_squeeze %dma_wait3A_1194 : memref<1x4x8x128xf32, #tpu.memory_space<vmem>> -> memref<4x8x128xf32, #tpu.memory_space<vmem>>
    tpu.wait_dma2 semaphore(%arg8 : memref<!tpu.dma_semaphore, #tpu.memory_space<semaphore_mem>>) src(%dma_wait3A_1195 : memref<4x8x128xf32, #tpu.memory_space<vmem>>) dst(%dma_wait3A_1190 : memref<4x8x128xf32, #tpu.memory_space<hbm>>)
    %dma_wait3A_1196 = arith.constant 2 : i32
    %dma_wait3A_1197 = arith.constant 1 : i32
    %dma_wait3A_1198 = arith.constant 2 : i32
    %dma_wait3A_1199 = arith.constant 0 : i32
    %dma_wait3A_1200 = arith.constant 0 : i32
    %dma_wait3A_1201 = arith.constant 0 : i32
    %dma_wait3A_1202 = tpu.memref_slice %arg7[%dma_wait3A_1196, %dma_wait3A_1199, %dma_wait3A_1200, %dma_wait3A_1201] : memref<4x4x8x128xf32, #tpu.memory_space<vmem>> -> memref<1x4x8x128xf32, #tpu.memory_space<vmem>>
    %dma_wait3A_1203 = tpu.memref_squeeze %dma_wait3A_1202 : memref<1x4x8x128xf32, #tpu.memory_space<vmem>> -> memref<4x8x128xf32, #tpu.memory_space<vmem>>
    %dma_wait3A_1204 = arith.constant 0 : i32
    %dma_wait3A_1205 = arith.constant 0 : i32
    %dma_wait3A_1206 = arith.constant 0 : i32
    %dma_wait3A_1207 = tpu.memref_slice %arg4[%dma_wait3A_1197, %add3A, %dma_wait3A_1198, %dma_wait3A_1204, %dma_wait3A_1205, %dma_wait3A_1206] : memref<8x32x4x4x8x128xf32, #tpu.memory_space<hbm>> -> memref<1x1x1x4x8x128xf32, #tpu.memory_space<hbm>>
    %dma_wait3A_1208 = tpu.memref_squeeze %dma_wait3A_1207 : memref<1x1x1x4x8x128xf32, #tpu.memory_space<hbm>> -> memref<4x8x128xf32, #tpu.memory_space<hbm>>
    %dma_wait3A_1209 = arith.constant 0 : i32
    %dma_wait3A_1210 = arith.constant 0 : i32
    %dma_wait3A_1211 = arith.constant 0 : i32
    %dma_wait3A_1212 = tpu.memref_slice %arg4[%dma_wait3A_1197, %add3A, %dma_wait3A_1198, %dma_wait3A_1209, %dma_wait3A_1210, %dma_wait3A_1211] : memref<8x32x4x4x8x128xf32, #tpu.memory_space<hbm>> -> memref<1x1x1x4x8x128xf32, #tpu.memory_space<hbm>>
    %dma_wait3A_1213 = tpu.memref_squeeze %dma_wait3A_1212 : memref<1x1x1x4x8x128xf32, #tpu.memory_space<hbm>> -> memref<4x8x128xf32, #tpu.memory_space<hbm>>
    %dma_wait3A_1214 = arith.constant 0 : i32
    %dma_wait3A_1215 = arith.constant 0 : i32
    %dma_wait3A_1216 = arith.constant 0 : i32
    %dma_wait3A_1217 = tpu.memref_slice %arg7[%dma_wait3A_1196, %dma_wait3A_1214, %dma_wait3A_1215, %dma_wait3A_1216] : memref<4x4x8x128xf32, #tpu.memory_space<vmem>> -> memref<1x4x8x128xf32, #tpu.memory_space<vmem>>
    %dma_wait3A_1218 = tpu.memref_squeeze %dma_wait3A_1217 : memref<1x4x8x128xf32, #tpu.memory_space<vmem>> -> memref<4x8x128xf32, #tpu.memory_space<vmem>>
    tpu.wait_dma2 semaphore(%arg8 : memref<!tpu.dma_semaphore, #tpu.memory_space<semaphore_mem>>) src(%dma_wait3A_1218 : memref<4x8x128xf32, #tpu.memory_space<vmem>>) dst(%dma_wait3A_1213 : memref<4x8x128xf32, #tpu.memory_space<hbm>>)
    %dma_wait3A_1219 = arith.constant 2 : i32
    %dma_wait3A_1220 = arith.constant 2 : i32
    %dma_wait3A_1221 = arith.constant 2 : i32
    %dma_wait3A_1222 = arith.constant 0 : i32
    %dma_wait3A_1223 = arith.constant 0 : i32
    %dma_wait3A_1224 = arith.constant 0 : i32
    %dma_wait3A_1225 = tpu.memref_slice %arg7[%dma_wait3A_1219, %dma_wait3A_1222, %dma_wait3A_1223, %dma_wait3A_1224] : memref<4x4x8x128xf32, #tpu.memory_space<vmem>> -> memref<1x4x8x128xf32, #tpu.memory_space<vmem>>
    %dma_wait3A_1226 = tpu.memref_squeeze %dma_wait3A_1225 : memref<1x4x8x128xf32, #tpu.memory_space<vmem>> -> memref<4x8x128xf32, #tpu.memory_space<vmem>>
    %dma_wait3A_1227 = arith.constant 0 : i32
    %dma_wait3A_1228 = arith.constant 0 : i32
    %dma_wait3A_1229 = arith.constant 0 : i32
    %dma_wait3A_1230 = tpu.memref_slice %arg4[%dma_wait3A_1220, %add3A, %dma_wait3A_1221, %dma_wait3A_1227, %dma_wait3A_1228, %dma_wait3A_1229] : memref<8x32x4x4x8x128xf32, #tpu.memory_space<hbm>> -> memref<1x1x1x4x8x128xf32, #tpu.memory_space<hbm>>
    %dma_wait3A_1231 = tpu.memref_squeeze %dma_wait3A_1230 : memref<1x1x1x4x8x128xf32, #tpu.memory_space<hbm>> -> memref<4x8x128xf32, #tpu.memory_space<hbm>>
    %dma_wait3A_1232 = arith.constant 0 : i32
    %dma_wait3A_1233 = arith.constant 0 : i32
    %dma_wait3A_1234 = arith.constant 0 : i32
    %dma_wait3A_1235 = tpu.memref_slice %arg4[%dma_wait3A_1220, %add3A, %dma_wait3A_1221, %dma_wait3A_1232, %dma_wait3A_1233, %dma_wait3A_1234] : memref<8x32x4x4x8x128xf32, #tpu.memory_space<hbm>> -> memref<1x1x1x4x8x128xf32, #tpu.memory_space<hbm>>
    %dma_wait3A_1236 = tpu.memref_squeeze %dma_wait3A_1235 : memref<1x1x1x4x8x128xf32, #tpu.memory_space<hbm>> -> memref<4x8x128xf32, #tpu.memory_space<hbm>>
    %dma_wait3A_1237 = arith.constant 0 : i32
    %dma_wait3A_1238 = arith.constant 0 : i32
    %dma_wait3A_1239 = arith.constant 0 : i32
    %dma_wait3A_1240 = tpu.memref_slice %arg7[%dma_wait3A_1219, %dma_wait3A_1237, %dma_wait3A_1238, %dma_wait3A_1239] : memref<4x4x8x128xf32, #tpu.memory_space<vmem>> -> memref<1x4x8x128xf32, #tpu.memory_space<vmem>>
    %dma_wait3A_1241 = tpu.memref_squeeze %dma_wait3A_1240 : memref<1x4x8x128xf32, #tpu.memory_space<vmem>> -> memref<4x8x128xf32, #tpu.memory_space<vmem>>
    tpu.wait_dma2 semaphore(%arg8 : memref<!tpu.dma_semaphore, #tpu.memory_space<semaphore_mem>>) src(%dma_wait3A_1241 : memref<4x8x128xf32, #tpu.memory_space<vmem>>) dst(%dma_wait3A_1236 : memref<4x8x128xf32, #tpu.memory_space<hbm>>)
    %dma_wait3A_1242 = arith.constant 2 : i32
    %dma_wait3A_1243 = arith.constant 3 : i32
    %dma_wait3A_1244 = arith.constant 2 : i32
    %dma_wait3A_1245 = arith.constant 0 : i32
    %dma_wait3A_1246 = arith.constant 0 : i32
    %dma_wait3A_1247 = arith.constant 0 : i32
    %dma_wait3A_1248 = tpu.memref_slice %arg7[%dma_wait3A_1242, %dma_wait3A_1245, %dma_wait3A_1246, %dma_wait3A_1247] : memref<4x4x8x128xf32, #tpu.memory_space<vmem>> -> memref<1x4x8x128xf32, #tpu.memory_space<vmem>>
    %dma_wait3A_1249 = tpu.memref_squeeze %dma_wait3A_1248 : memref<1x4x8x128xf32, #tpu.memory_space<vmem>> -> memref<4x8x128xf32, #tpu.memory_space<vmem>>
    %dma_wait3A_1250 = arith.constant 0 : i32
    %dma_wait3A_1251 = arith.constant 0 : i32
    %dma_wait3A_1252 = arith.constant 0 : i32
    %dma_wait3A_1253 = tpu.memref_slice %arg4[%dma_wait3A_1243, %add3A, %dma_wait3A_1244, %dma_wait3A_1250, %dma_wait3A_1251, %dma_wait3A_1252] : memref<8x32x4x4x8x128xf32, #tpu.memory_space<hbm>> -> memref<1x1x1x4x8x128xf32, #tpu.memory_space<hbm>>
    %dma_wait3A_1254 = tpu.memref_squeeze %dma_wait3A_1253 : memref<1x1x1x4x8x128xf32, #tpu.memory_space<hbm>> -> memref<4x8x128xf32, #tpu.memory_space<hbm>>
    %dma_wait3A_1255 = arith.constant 0 : i32
    %dma_wait3A_1256 = arith.constant 0 : i32
    %dma_wait3A_1257 = arith.constant 0 : i32
    %dma_wait3A_1258 = tpu.memref_slice %arg4[%dma_wait3A_1243, %add3A, %dma_wait3A_1244, %dma_wait3A_1255, %dma_wait3A_1256, %dma_wait3A_1257] : memref<8x32x4x4x8x128xf32, #tpu.memory_space<hbm>> -> memref<1x1x1x4x8x128xf32, #tpu.memory_space<hbm>>
    %dma_wait3A_1259 = tpu.memref_squeeze %dma_wait3A_1258 : memref<1x1x1x4x8x128xf32, #tpu.memory_space<hbm>> -> memref<4x8x128xf32, #tpu.memory_space<hbm>>
    %dma_wait3A_1260 = arith.constant 0 : i32
    %dma_wait3A_1261 = arith.constant 0 : i32
    %dma_wait3A_1262 = arith.constant 0 : i32
    %dma_wait3A_1263 = tpu.memref_slice %arg7[%dma_wait3A_1242, %dma_wait3A_1260, %dma_wait3A_1261, %dma_wait3A_1262] : memref<4x4x8x128xf32, #tpu.memory_space<vmem>> -> memref<1x4x8x128xf32, #tpu.memory_space<vmem>>
    %dma_wait3A_1264 = tpu.memref_squeeze %dma_wait3A_1263 : memref<1x4x8x128xf32, #tpu.memory_space<vmem>> -> memref<4x8x128xf32, #tpu.memory_space<vmem>>
    tpu.wait_dma2 semaphore(%arg8 : memref<!tpu.dma_semaphore, #tpu.memory_space<semaphore_mem>>) src(%dma_wait3A_1264 : memref<4x8x128xf32, #tpu.memory_space<vmem>>) dst(%dma_wait3A_1259 : memref<4x8x128xf32, #tpu.memory_space<hbm>>)
    %dma_wait3A_1265 = arith.constant 2 : i32
    %dma_wait3A_1266 = arith.constant 4 : i32
    %dma_wait3A_1267 = arith.constant 2 : i32
    %dma_wait3A_1268 = arith.constant 0 : i32
    %dma_wait3A_1269 = arith.constant 0 : i32
    %dma_wait3A_1270 = arith.constant 0 : i32
    %dma_wait3A_1271 = tpu.memref_slice %arg7[%dma_wait3A_1265, %dma_wait3A_1268, %dma_wait3A_1269, %dma_wait3A_1270] : memref<4x4x8x128xf32, #tpu.memory_space<vmem>> -> memref<1x4x8x128xf32, #tpu.memory_space<vmem>>
    %dma_wait3A_1272 = tpu.memref_squeeze %dma_wait3A_1271 : memref<1x4x8x128xf32, #tpu.memory_space<vmem>> -> memref<4x8x128xf32, #tpu.memory_space<vmem>>
    %dma_wait3A_1273 = arith.constant 0 : i32
    %dma_wait3A_1274 = arith.constant 0 : i32
    %dma_wait3A_1275 = arith.constant 0 : i32
    %dma_wait3A_1276 = tpu.memref_slice %arg4[%dma_wait3A_1266, %add3A, %dma_wait3A_1267, %dma_wait3A_1273, %dma_wait3A_1274, %dma_wait3A_1275] : memref<8x32x4x4x8x128xf32, #tpu.memory_space<hbm>> -> memref<1x1x1x4x8x128xf32, #tpu.memory_space<hbm>>
    %dma_wait3A_1277 = tpu.memref_squeeze %dma_wait3A_1276 : memref<1x1x1x4x8x128xf32, #tpu.memory_space<hbm>> -> memref<4x8x128xf32, #tpu.memory_space<hbm>>
    %dma_wait3A_1278 = arith.constant 0 : i32
    %dma_wait3A_1279 = arith.constant 0 : i32
    %dma_wait3A_1280 = arith.constant 0 : i32
    %dma_wait3A_1281 = tpu.memref_slice %arg4[%dma_wait3A_1266, %add3A, %dma_wait3A_1267, %dma_wait3A_1278, %dma_wait3A_1279, %dma_wait3A_1280] : memref<8x32x4x4x8x128xf32, #tpu.memory_space<hbm>> -> memref<1x1x1x4x8x128xf32, #tpu.memory_space<hbm>>
    %dma_wait3A_1282 = tpu.memref_squeeze %dma_wait3A_1281 : memref<1x1x1x4x8x128xf32, #tpu.memory_space<hbm>> -> memref<4x8x128xf32, #tpu.memory_space<hbm>>
    %dma_wait3A_1283 = arith.constant 0 : i32
    %dma_wait3A_1284 = arith.constant 0 : i32
    %dma_wait3A_1285 = arith.constant 0 : i32
    %dma_wait3A_1286 = tpu.memref_slice %arg7[%dma_wait3A_1265, %dma_wait3A_1283, %dma_wait3A_1284, %dma_wait3A_1285] : memref<4x4x8x128xf32, #tpu.memory_space<vmem>> -> memref<1x4x8x128xf32, #tpu.memory_space<vmem>>
    %dma_wait3A_1287 = tpu.memref_squeeze %dma_wait3A_1286 : memref<1x4x8x128xf32, #tpu.memory_space<vmem>> -> memref<4x8x128xf32, #tpu.memory_space<vmem>>
    tpu.wait_dma2 semaphore(%arg8 : memref<!tpu.dma_semaphore, #tpu.memory_space<semaphore_mem>>) src(%dma_wait3A_1287 : memref<4x8x128xf32, #tpu.memory_space<vmem>>) dst(%dma_wait3A_1282 : memref<4x8x128xf32, #tpu.memory_space<hbm>>)
    %dma_wait3A_1288 = arith.constant 2 : i32
    %dma_wait3A_1289 = arith.constant 5 : i32
    %dma_wait3A_1290 = arith.constant 2 : i32
    %dma_wait3A_1291 = arith.constant 0 : i32
    %dma_wait3A_1292 = arith.constant 0 : i32
    %dma_wait3A_1293 = arith.constant 0 : i32
    %dma_wait3A_1294 = tpu.memref_slice %arg7[%dma_wait3A_1288, %dma_wait3A_1291, %dma_wait3A_1292, %dma_wait3A_1293] : memref<4x4x8x128xf32, #tpu.memory_space<vmem>> -> memref<1x4x8x128xf32, #tpu.memory_space<vmem>>
    %dma_wait3A_1295 = tpu.memref_squeeze %dma_wait3A_1294 : memref<1x4x8x128xf32, #tpu.memory_space<vmem>> -> memref<4x8x128xf32, #tpu.memory_space<vmem>>
    %dma_wait3A_1296 = arith.constant 0 : i32
    %dma_wait3A_1297 = arith.constant 0 : i32
    %dma_wait3A_1298 = arith.constant 0 : i32
    %dma_wait3A_1299 = tpu.memref_slice %arg4[%dma_wait3A_1289, %add3A, %dma_wait3A_1290, %dma_wait3A_1296, %dma_wait3A_1297, %dma_wait3A_1298] : memref<8x32x4x4x8x128xf32, #tpu.memory_space<hbm>> -> memref<1x1x1x4x8x128xf32, #tpu.memory_space<hbm>>
    %dma_wait3A_1300 = tpu.memref_squeeze %dma_wait3A_1299 : memref<1x1x1x4x8x128xf32, #tpu.memory_space<hbm>> -> memref<4x8x128xf32, #tpu.memory_space<hbm>>
    %dma_wait3A_1301 = arith.constant 0 : i32
    %dma_wait3A_1302 = arith.constant 0 : i32
    %dma_wait3A_1303 = arith.constant 0 : i32
    %dma_wait3A_1304 = tpu.memref_slice %arg4[%dma_wait3A_1289, %add3A, %dma_wait3A_1290, %dma_wait3A_1301, %dma_wait3A_1302, %dma_wait3A_1303] : memref<8x32x4x4x8x128xf32, #tpu.memory_space<hbm>> -> memref<1x1x1x4x8x128xf32, #tpu.memory_space<hbm>>
    %dma_wait3A_1305 = tpu.memref_squeeze %dma_wait3A_1304 : memref<1x1x1x4x8x128xf32, #tpu.memory_space<hbm>> -> memref<4x8x128xf32, #tpu.memory_space<hbm>>
    %dma_wait3A_1306 = arith.constant 0 : i32
    %dma_wait3A_1307 = arith.constant 0 : i32
    %dma_wait3A_1308 = arith.constant 0 : i32
    %dma_wait3A_1309 = tpu.memref_slice %arg7[%dma_wait3A_1288, %dma_wait3A_1306, %dma_wait3A_1307, %dma_wait3A_1308] : memref<4x4x8x128xf32, #tpu.memory_space<vmem>> -> memref<1x4x8x128xf32, #tpu.memory_space<vmem>>
    %dma_wait3A_1310 = tpu.memref_squeeze %dma_wait3A_1309 : memref<1x4x8x128xf32, #tpu.memory_space<vmem>> -> memref<4x8x128xf32, #tpu.memory_space<vmem>>
    tpu.wait_dma2 semaphore(%arg8 : memref<!tpu.dma_semaphore, #tpu.memory_space<semaphore_mem>>) src(%dma_wait3A_1310 : memref<4x8x128xf32, #tpu.memory_space<vmem>>) dst(%dma_wait3A_1305 : memref<4x8x128xf32, #tpu.memory_space<hbm>>)
    %dma_wait3A_1311 = arith.constant 2 : i32
    %dma_wait3A_1312 = arith.constant 6 : i32
    %dma_wait3A_1313 = arith.constant 2 : i32
    %dma_wait3A_1314 = arith.constant 0 : i32
    %dma_wait3A_1315 = arith.constant 0 : i32
    %dma_wait3A_1316 = arith.constant 0 : i32
    %dma_wait3A_1317 = tpu.memref_slice %arg7[%dma_wait3A_1311, %dma_wait3A_1314, %dma_wait3A_1315, %dma_wait3A_1316] : memref<4x4x8x128xf32, #tpu.memory_space<vmem>> -> memref<1x4x8x128xf32, #tpu.memory_space<vmem>>
    %dma_wait3A_1318 = tpu.memref_squeeze %dma_wait3A_1317 : memref<1x4x8x128xf32, #tpu.memory_space<vmem>> -> memref<4x8x128xf32, #tpu.memory_space<vmem>>
    %dma_wait3A_1319 = arith.constant 0 : i32
    %dma_wait3A_1320 = arith.constant 0 : i32
    %dma_wait3A_1321 = arith.constant 0 : i32
    %dma_wait3A_1322 = tpu.memref_slice %arg4[%dma_wait3A_1312, %add3A, %dma_wait3A_1313, %dma_wait3A_1319, %dma_wait3A_1320, %dma_wait3A_1321] : memref<8x32x4x4x8x128xf32, #tpu.memory_space<hbm>> -> memref<1x1x1x4x8x128xf32, #tpu.memory_space<hbm>>
    %dma_wait3A_1323 = tpu.memref_squeeze %dma_wait3A_1322 : memref<1x1x1x4x8x128xf32, #tpu.memory_space<hbm>> -> memref<4x8x128xf32, #tpu.memory_space<hbm>>
    %dma_wait3A_1324 = arith.constant 0 : i32
    %dma_wait3A_1325 = arith.constant 0 : i32
    %dma_wait3A_1326 = arith.constant 0 : i32
    %dma_wait3A_1327 = tpu.memref_slice %arg4[%dma_wait3A_1312, %add3A, %dma_wait3A_1313, %dma_wait3A_1324, %dma_wait3A_1325, %dma_wait3A_1326] : memref<8x32x4x4x8x128xf32, #tpu.memory_space<hbm>> -> memref<1x1x1x4x8x128xf32, #tpu.memory_space<hbm>>
    %dma_wait3A_1328 = tpu.memref_squeeze %dma_wait3A_1327 : memref<1x1x1x4x8x128xf32, #tpu.memory_space<hbm>> -> memref<4x8x128xf32, #tpu.memory_space<hbm>>
    %dma_wait3A_1329 = arith.constant 0 : i32
    %dma_wait3A_1330 = arith.constant 0 : i32
    %dma_wait3A_1331 = arith.constant 0 : i32
    %dma_wait3A_1332 = tpu.memref_slice %arg7[%dma_wait3A_1311, %dma_wait3A_1329, %dma_wait3A_1330, %dma_wait3A_1331] : memref<4x4x8x128xf32, #tpu.memory_space<vmem>> -> memref<1x4x8x128xf32, #tpu.memory_space<vmem>>
    %dma_wait3A_1333 = tpu.memref_squeeze %dma_wait3A_1332 : memref<1x4x8x128xf32, #tpu.memory_space<vmem>> -> memref<4x8x128xf32, #tpu.memory_space<vmem>>
    tpu.wait_dma2 semaphore(%arg8 : memref<!tpu.dma_semaphore, #tpu.memory_space<semaphore_mem>>) src(%dma_wait3A_1333 : memref<4x8x128xf32, #tpu.memory_space<vmem>>) dst(%dma_wait3A_1328 : memref<4x8x128xf32, #tpu.memory_space<hbm>>)
    %dma_wait3A_1334 = arith.constant 2 : i32
    %dma_wait3A_1335 = arith.constant 7 : i32
    %dma_wait3A_1336 = arith.constant 2 : i32
    %dma_wait3A_1337 = arith.constant 0 : i32
    %dma_wait3A_1338 = arith.constant 0 : i32
    %dma_wait3A_1339 = arith.constant 0 : i32
    %dma_wait3A_1340 = tpu.memref_slice %arg7[%dma_wait3A_1334, %dma_wait3A_1337, %dma_wait3A_1338, %dma_wait3A_1339] : memref<4x4x8x128xf32, #tpu.memory_space<vmem>> -> memref<1x4x8x128xf32, #tpu.memory_space<vmem>>
    %dma_wait3A_1341 = tpu.memref_squeeze %dma_wait3A_1340 : memref<1x4x8x128xf32, #tpu.memory_space<vmem>> -> memref<4x8x128xf32, #tpu.memory_space<vmem>>
    %dma_wait3A_1342 = arith.constant 0 : i32
    %dma_wait3A_1343 = arith.constant 0 : i32
    %dma_wait3A_1344 = arith.constant 0 : i32
    %dma_wait3A_1345 = tpu.memref_slice %arg4[%dma_wait3A_1335, %add3A, %dma_wait3A_1336, %dma_wait3A_1342, %dma_wait3A_1343, %dma_wait3A_1344] : memref<8x32x4x4x8x128xf32, #tpu.memory_space<hbm>> -> memref<1x1x1x4x8x128xf32, #tpu.memory_space<hbm>>
    %dma_wait3A_1346 = tpu.memref_squeeze %dma_wait3A_1345 : memref<1x1x1x4x8x128xf32, #tpu.memory_space<hbm>> -> memref<4x8x128xf32, #tpu.memory_space<hbm>>
    %dma_wait3A_1347 = arith.constant 0 : i32
    %dma_wait3A_1348 = arith.constant 0 : i32
    %dma_wait3A_1349 = arith.constant 0 : i32
    %dma_wait3A_1350 = tpu.memref_slice %arg4[%dma_wait3A_1335, %add3A, %dma_wait3A_1336, %dma_wait3A_1347, %dma_wait3A_1348, %dma_wait3A_1349] : memref<8x32x4x4x8x128xf32, #tpu.memory_space<hbm>> -> memref<1x1x1x4x8x128xf32, #tpu.memory_space<hbm>>
    %dma_wait3A_1351 = tpu.memref_squeeze %dma_wait3A_1350 : memref<1x1x1x4x8x128xf32, #tpu.memory_space<hbm>> -> memref<4x8x128xf32, #tpu.memory_space<hbm>>
    %dma_wait3A_1352 = arith.constant 0 : i32
    %dma_wait3A_1353 = arith.constant 0 : i32
    %dma_wait3A_1354 = arith.constant 0 : i32
    %dma_wait3A_1355 = tpu.memref_slice %arg7[%dma_wait3A_1334, %dma_wait3A_1352, %dma_wait3A_1353, %dma_wait3A_1354] : memref<4x4x8x128xf32, #tpu.memory_space<vmem>> -> memref<1x4x8x128xf32, #tpu.memory_space<vmem>>
    %dma_wait3A_1356 = tpu.memref_squeeze %dma_wait3A_1355 : memref<1x4x8x128xf32, #tpu.memory_space<vmem>> -> memref<4x8x128xf32, #tpu.memory_space<vmem>>
    tpu.wait_dma2 semaphore(%arg8 : memref<!tpu.dma_semaphore, #tpu.memory_space<semaphore_mem>>) src(%dma_wait3A_1356 : memref<4x8x128xf32, #tpu.memory_space<vmem>>) dst(%dma_wait3A_1351 : memref<4x8x128xf32, #tpu.memory_space<hbm>>)
    %dma_wait3A_1357 = arith.constant 3 : i32
    %dma_wait3A_1358 = arith.constant 0 : i32
    %dma_wait3A_1359 = arith.constant 3 : i32
    %dma_wait3A_1360 = arith.constant 0 : i32
    %dma_wait3A_1361 = arith.constant 0 : i32
    %dma_wait3A_1362 = arith.constant 0 : i32
    %dma_wait3A_1363 = tpu.memref_slice %arg7[%dma_wait3A_1357, %dma_wait3A_1360, %dma_wait3A_1361, %dma_wait3A_1362] : memref<4x4x8x128xf32, #tpu.memory_space<vmem>> -> memref<1x4x8x128xf32, #tpu.memory_space<vmem>>
    %dma_wait3A_1364 = tpu.memref_squeeze %dma_wait3A_1363 : memref<1x4x8x128xf32, #tpu.memory_space<vmem>> -> memref<4x8x128xf32, #tpu.memory_space<vmem>>
    %dma_wait3A_1365 = arith.constant 0 : i32
    %dma_wait3A_1366 = arith.constant 0 : i32
    %dma_wait3A_1367 = arith.constant 0 : i32
    %dma_wait3A_1368 = tpu.memref_slice %arg4[%dma_wait3A_1358, %add3A, %dma_wait3A_1359, %dma_wait3A_1365, %dma_wait3A_1366, %dma_wait3A_1367] : memref<8x32x4x4x8x128xf32, #tpu.memory_space<hbm>> -> memref<1x1x1x4x8x128xf32, #tpu.memory_space<hbm>>
    %dma_wait3A_1369 = tpu.memref_squeeze %dma_wait3A_1368 : memref<1x1x1x4x8x128xf32, #tpu.memory_space<hbm>> -> memref<4x8x128xf32, #tpu.memory_space<hbm>>
    %dma_wait3A_1370 = arith.constant 0 : i32
    %dma_wait3A_1371 = arith.constant 0 : i32
    %dma_wait3A_1372 = arith.constant 0 : i32
    %dma_wait3A_1373 = tpu.memref_slice %arg4[%dma_wait3A_1358, %add3A, %dma_wait3A_1359, %dma_wait3A_1370, %dma_wait3A_1371, %dma_wait3A_1372] : memref<8x32x4x4x8x128xf32, #tpu.memory_space<hbm>> -> memref<1x1x1x4x8x128xf32, #tpu.memory_space<hbm>>
    %dma_wait3A_1374 = tpu.memref_squeeze %dma_wait3A_1373 : memref<1x1x1x4x8x128xf32, #tpu.memory_space<hbm>> -> memref<4x8x128xf32, #tpu.memory_space<hbm>>
    %dma_wait3A_1375 = arith.constant 0 : i32
    %dma_wait3A_1376 = arith.constant 0 : i32
    %dma_wait3A_1377 = arith.constant 0 : i32
    %dma_wait3A_1378 = tpu.memref_slice %arg7[%dma_wait3A_1357, %dma_wait3A_1375, %dma_wait3A_1376, %dma_wait3A_1377] : memref<4x4x8x128xf32, #tpu.memory_space<vmem>> -> memref<1x4x8x128xf32, #tpu.memory_space<vmem>>
    %dma_wait3A_1379 = tpu.memref_squeeze %dma_wait3A_1378 : memref<1x4x8x128xf32, #tpu.memory_space<vmem>> -> memref<4x8x128xf32, #tpu.memory_space<vmem>>
    tpu.wait_dma2 semaphore(%arg8 : memref<!tpu.dma_semaphore, #tpu.memory_space<semaphore_mem>>) src(%dma_wait3A_1379 : memref<4x8x128xf32, #tpu.memory_space<vmem>>) dst(%dma_wait3A_1374 : memref<4x8x128xf32, #tpu.memory_space<hbm>>)
    %dma_wait3A_1380 = arith.constant 3 : i32
    %dma_wait3A_1381 = arith.constant 1 : i32
    %dma_wait3A_1382 = arith.constant 3 : i32
    %dma_wait3A_1383 = arith.constant 0 : i32
    %dma_wait3A_1384 = arith.constant 0 : i32
    %dma_wait3A_1385 = arith.constant 0 : i32
    %dma_wait3A_1386 = tpu.memref_slice %arg7[%dma_wait3A_1380, %dma_wait3A_1383, %dma_wait3A_1384, %dma_wait3A_1385] : memref<4x4x8x128xf32, #tpu.memory_space<vmem>> -> memref<1x4x8x128xf32, #tpu.memory_space<vmem>>
    %dma_wait3A_1387 = tpu.memref_squeeze %dma_wait3A_1386 : memref<1x4x8x128xf32, #tpu.memory_space<vmem>> -> memref<4x8x128xf32, #tpu.memory_space<vmem>>
    %dma_wait3A_1388 = arith.constant 0 : i32
    %dma_wait3A_1389 = arith.constant 0 : i32
    %dma_wait3A_1390 = arith.constant 0 : i32
    %dma_wait3A_1391 = tpu.memref_slice %arg4[%dma_wait3A_1381, %add3A, %dma_wait3A_1382, %dma_wait3A_1388, %dma_wait3A_1389, %dma_wait3A_1390] : memref<8x32x4x4x8x128xf32, #tpu.memory_space<hbm>> -> memref<1x1x1x4x8x128xf32, #tpu.memory_space<hbm>>
    %dma_wait3A_1392 = tpu.memref_squeeze %dma_wait3A_1391 : memref<1x1x1x4x8x128xf32, #tpu.memory_space<hbm>> -> memref<4x8x128xf32, #tpu.memory_space<hbm>>
    %dma_wait3A_1393 = arith.constant 0 : i32
    %dma_wait3A_1394 = arith.constant 0 : i32
    %dma_wait3A_1395 = arith.constant 0 : i32
    %dma_wait3A_1396 = tpu.memref_slice %arg4[%dma_wait3A_1381, %add3A, %dma_wait3A_1382, %dma_wait3A_1393, %dma_wait3A_1394, %dma_wait3A_1395] : memref<8x32x4x4x8x128xf32, #tpu.memory_space<hbm>> -> memref<1x1x1x4x8x128xf32, #tpu.memory_space<hbm>>
    %dma_wait3A_1397 = tpu.memref_squeeze %dma_wait3A_1396 : memref<1x1x1x4x8x128xf32, #tpu.memory_space<hbm>> -> memref<4x8x128xf32, #tpu.memory_space<hbm>>
    %dma_wait3A_1398 = arith.constant 0 : i32
    %dma_wait3A_1399 = arith.constant 0 : i32
    %dma_wait3A_1400 = arith.constant 0 : i32
    %dma_wait3A_1401 = tpu.memref_slice %arg7[%dma_wait3A_1380, %dma_wait3A_1398, %dma_wait3A_1399, %dma_wait3A_1400] : memref<4x4x8x128xf32, #tpu.memory_space<vmem>> -> memref<1x4x8x128xf32, #tpu.memory_space<vmem>>
    %dma_wait3A_1402 = tpu.memref_squeeze %dma_wait3A_1401 : memref<1x4x8x128xf32, #tpu.memory_space<vmem>> -> memref<4x8x128xf32, #tpu.memory_space<vmem>>
    tpu.wait_dma2 semaphore(%arg8 : memref<!tpu.dma_semaphore, #tpu.memory_space<semaphore_mem>>) src(%dma_wait3A_1402 : memref<4x8x128xf32, #tpu.memory_space<vmem>>) dst(%dma_wait3A_1397 : memref<4x8x128xf32, #tpu.memory_space<hbm>>)
    %dma_wait3A_1403 = arith.constant 3 : i32
    %dma_wait3A_1404 = arith.constant 2 : i32
    %dma_wait3A_1405 = arith.constant 3 : i32
    %dma_wait3A_1406 = arith.constant 0 : i32
    %dma_wait3A_1407 = arith.constant 0 : i32
    %dma_wait3A_1408 = arith.constant 0 : i32
    %dma_wait3A_1409 = tpu.memref_slice %arg7[%dma_wait3A_1403, %dma_wait3A_1406, %dma_wait3A_1407, %dma_wait3A_1408] : memref<4x4x8x128xf32, #tpu.memory_space<vmem>> -> memref<1x4x8x128xf32, #tpu.memory_space<vmem>>
    %dma_wait3A_1410 = tpu.memref_squeeze %dma_wait3A_1409 : memref<1x4x8x128xf32, #tpu.memory_space<vmem>> -> memref<4x8x128xf32, #tpu.memory_space<vmem>>
    %dma_wait3A_1411 = arith.constant 0 : i32
    %dma_wait3A_1412 = arith.constant 0 : i32
    %dma_wait3A_1413 = arith.constant 0 : i32
    %dma_wait3A_1414 = tpu.memref_slice %arg4[%dma_wait3A_1404, %add3A, %dma_wait3A_1405, %dma_wait3A_1411, %dma_wait3A_1412, %dma_wait3A_1413] : memref<8x32x4x4x8x128xf32, #tpu.memory_space<hbm>> -> memref<1x1x1x4x8x128xf32, #tpu.memory_space<hbm>>
    %dma_wait3A_1415 = tpu.memref_squeeze %dma_wait3A_1414 : memref<1x1x1x4x8x128xf32, #tpu.memory_space<hbm>> -> memref<4x8x128xf32, #tpu.memory_space<hbm>>
    %dma_wait3A_1416 = arith.constant 0 : i32
    %dma_wait3A_1417 = arith.constant 0 : i32
    %dma_wait3A_1418 = arith.constant 0 : i32
    %dma_wait3A_1419 = tpu.memref_slice %arg4[%dma_wait3A_1404, %add3A, %dma_wait3A_1405, %dma_wait3A_1416, %dma_wait3A_1417, %dma_wait3A_1418] : memref<8x32x4x4x8x128xf32, #tpu.memory_space<hbm>> -> memref<1x1x1x4x8x128xf32, #tpu.memory_space<hbm>>
    %dma_wait3A_1420 = tpu.memref_squeeze %dma_wait3A_1419 : memref<1x1x1x4x8x128xf32, #tpu.memory_space<hbm>> -> memref<4x8x128xf32, #tpu.memory_space<hbm>>
    %dma_wait3A_1421 = arith.constant 0 : i32
    %dma_wait3A_1422 = arith.constant 0 : i32
    %dma_wait3A_1423 = arith.constant 0 : i32
    %dma_wait3A_1424 = tpu.memref_slice %arg7[%dma_wait3A_1403, %dma_wait3A_1421, %dma_wait3A_1422, %dma_wait3A_1423] : memref<4x4x8x128xf32, #tpu.memory_space<vmem>> -> memref<1x4x8x128xf32, #tpu.memory_space<vmem>>
    %dma_wait3A_1425 = tpu.memref_squeeze %dma_wait3A_1424 : memref<1x4x8x128xf32, #tpu.memory_space<vmem>> -> memref<4x8x128xf32, #tpu.memory_space<vmem>>
    tpu.wait_dma2 semaphore(%arg8 : memref<!tpu.dma_semaphore, #tpu.memory_space<semaphore_mem>>) src(%dma_wait3A_1425 : memref<4x8x128xf32, #tpu.memory_space<vmem>>) dst(%dma_wait3A_1420 : memref<4x8x128xf32, #tpu.memory_space<hbm>>)
    %dma_wait3A_1426 = arith.constant 3 : i32
    %dma_wait3A_1427 = arith.constant 3 : i32
    %dma_wait3A_1428 = arith.constant 3 : i32
    %dma_wait3A_1429 = arith.constant 0 : i32
    %dma_wait3A_1430 = arith.constant 0 : i32
    %dma_wait3A_1431 = arith.constant 0 : i32
    %dma_wait3A_1432 = tpu.memref_slice %arg7[%dma_wait3A_1426, %dma_wait3A_1429, %dma_wait3A_1430, %dma_wait3A_1431] : memref<4x4x8x128xf32, #tpu.memory_space<vmem>> -> memref<1x4x8x128xf32, #tpu.memory_space<vmem>>
    %dma_wait3A_1433 = tpu.memref_squeeze %dma_wait3A_1432 : memref<1x4x8x128xf32, #tpu.memory_space<vmem>> -> memref<4x8x128xf32, #tpu.memory_space<vmem>>
    %dma_wait3A_1434 = arith.constant 0 : i32
    %dma_wait3A_1435 = arith.constant 0 : i32
    %dma_wait3A_1436 = arith.constant 0 : i32
    %dma_wait3A_1437 = tpu.memref_slice %arg4[%dma_wait3A_1427, %add3A, %dma_wait3A_1428, %dma_wait3A_1434, %dma_wait3A_1435, %dma_wait3A_1436] : memref<8x32x4x4x8x128xf32, #tpu.memory_space<hbm>> -> memref<1x1x1x4x8x128xf32, #tpu.memory_space<hbm>>
    %dma_wait3A_1438 = tpu.memref_squeeze %dma_wait3A_1437 : memref<1x1x1x4x8x128xf32, #tpu.memory_space<hbm>> -> memref<4x8x128xf32, #tpu.memory_space<hbm>>
    %dma_wait3A_1439 = arith.constant 0 : i32
    %dma_wait3A_1440 = arith.constant 0 : i32
    %dma_wait3A_1441 = arith.constant 0 : i32
    %dma_wait3A_1442 = tpu.memref_slice %arg4[%dma_wait3A_1427, %add3A, %dma_wait3A_1428, %dma_wait3A_1439, %dma_wait3A_1440, %dma_wait3A_1441] : memref<8x32x4x4x8x128xf32, #tpu.memory_space<hbm>> -> memref<1x1x1x4x8x128xf32, #tpu.memory_space<hbm>>
    %dma_wait3A_1443 = tpu.memref_squeeze %dma_wait3A_1442 : memref<1x1x1x4x8x128xf32, #tpu.memory_space<hbm>> -> memref<4x8x128xf32, #tpu.memory_space<hbm>>
    %dma_wait3A_1444 = arith.constant 0 : i32
    %dma_wait3A_1445 = arith.constant 0 : i32
    %dma_wait3A_1446 = arith.constant 0 : i32
    %dma_wait3A_1447 = tpu.memref_slice %arg7[%dma_wait3A_1426, %dma_wait3A_1444, %dma_wait3A_1445, %dma_wait3A_1446] : memref<4x4x8x128xf32, #tpu.memory_space<vmem>> -> memref<1x4x8x128xf32, #tpu.memory_space<vmem>>
    %dma_wait3A_1448 = tpu.memref_squeeze %dma_wait3A_1447 : memref<1x4x8x128xf32, #tpu.memory_space<vmem>> -> memref<4x8x128xf32, #tpu.memory_space<vmem>>
    tpu.wait_dma2 semaphore(%arg8 : memref<!tpu.dma_semaphore, #tpu.memory_space<semaphore_mem>>) src(%dma_wait3A_1448 : memref<4x8x128xf32, #tpu.memory_space<vmem>>) dst(%dma_wait3A_1443 : memref<4x8x128xf32, #tpu.memory_space<hbm>>)
    %dma_wait3A_1449 = arith.constant 3 : i32
    %dma_wait3A_1450 = arith.constant 4 : i32
    %dma_wait3A_1451 = arith.constant 3 : i32
    %dma_wait3A_1452 = arith.constant 0 : i32
    %dma_wait3A_1453 = arith.constant 0 : i32
    %dma_wait3A_1454 = arith.constant 0 : i32
    %dma_wait3A_1455 = tpu.memref_slice %arg7[%dma_wait3A_1449, %dma_wait3A_1452, %dma_wait3A_1453, %dma_wait3A_1454] : memref<4x4x8x128xf32, #tpu.memory_space<vmem>> -> memref<1x4x8x128xf32, #tpu.memory_space<vmem>>
    %dma_wait3A_1456 = tpu.memref_squeeze %dma_wait3A_1455 : memref<1x4x8x128xf32, #tpu.memory_space<vmem>> -> memref<4x8x128xf32, #tpu.memory_space<vmem>>
    %dma_wait3A_1457 = arith.constant 0 : i32
    %dma_wait3A_1458 = arith.constant 0 : i32
    %dma_wait3A_1459 = arith.constant 0 : i32
    %dma_wait3A_1460 = tpu.memref_slice %arg4[%dma_wait3A_1450, %add3A, %dma_wait3A_1451, %dma_wait3A_1457, %dma_wait3A_1458, %dma_wait3A_1459] : memref<8x32x4x4x8x128xf32, #tpu.memory_space<hbm>> -> memref<1x1x1x4x8x128xf32, #tpu.memory_space<hbm>>
    %dma_wait3A_1461 = tpu.memref_squeeze %dma_wait3A_1460 : memref<1x1x1x4x8x128xf32, #tpu.memory_space<hbm>> -> memref<4x8x128xf32, #tpu.memory_space<hbm>>
    %dma_wait3A_1462 = arith.constant 0 : i32
    %dma_wait3A_1463 = arith.constant 0 : i32
    %dma_wait3A_1464 = arith.constant 0 : i32
    %dma_wait3A_1465 = tpu.memref_slice %arg4[%dma_wait3A_1450, %add3A, %dma_wait3A_1451, %dma_wait3A_1462, %dma_wait3A_1463, %dma_wait3A_1464] : memref<8x32x4x4x8x128xf32, #tpu.memory_space<hbm>> -> memref<1x1x1x4x8x128xf32, #tpu.memory_space<hbm>>
    %dma_wait3A_1466 = tpu.memref_squeeze %dma_wait3A_1465 : memref<1x1x1x4x8x128xf32, #tpu.memory_space<hbm>> -> memref<4x8x128xf32, #tpu.memory_space<hbm>>
    %dma_wait3A_1467 = arith.constant 0 : i32
    %dma_wait3A_1468 = arith.constant 0 : i32
    %dma_wait3A_1469 = arith.constant 0 : i32
    %dma_wait3A_1470 = tpu.memref_slice %arg7[%dma_wait3A_1449, %dma_wait3A_1467, %dma_wait3A_1468, %dma_wait3A_1469] : memref<4x4x8x128xf32, #tpu.memory_space<vmem>> -> memref<1x4x8x128xf32, #tpu.memory_space<vmem>>
    %dma_wait3A_1471 = tpu.memref_squeeze %dma_wait3A_1470 : memref<1x4x8x128xf32, #tpu.memory_space<vmem>> -> memref<4x8x128xf32, #tpu.memory_space<vmem>>
    tpu.wait_dma2 semaphore(%arg8 : memref<!tpu.dma_semaphore, #tpu.memory_space<semaphore_mem>>) src(%dma_wait3A_1471 : memref<4x8x128xf32, #tpu.memory_space<vmem>>) dst(%dma_wait3A_1466 : memref<4x8x128xf32, #tpu.memory_space<hbm>>)
    %dma_wait3A_1472 = arith.constant 3 : i32
    %dma_wait3A_1473 = arith.constant 5 : i32
    %dma_wait3A_1474 = arith.constant 3 : i32
    %dma_wait3A_1475 = arith.constant 0 : i32
    %dma_wait3A_1476 = arith.constant 0 : i32
    %dma_wait3A_1477 = arith.constant 0 : i32
    %dma_wait3A_1478 = tpu.memref_slice %arg7[%dma_wait3A_1472, %dma_wait3A_1475, %dma_wait3A_1476, %dma_wait3A_1477] : memref<4x4x8x128xf32, #tpu.memory_space<vmem>> -> memref<1x4x8x128xf32, #tpu.memory_space<vmem>>
    %dma_wait3A_1479 = tpu.memref_squeeze %dma_wait3A_1478 : memref<1x4x8x128xf32, #tpu.memory_space<vmem>> -> memref<4x8x128xf32, #tpu.memory_space<vmem>>
    %dma_wait3A_1480 = arith.constant 0 : i32
    %dma_wait3A_1481 = arith.constant 0 : i32
    %dma_wait3A_1482 = arith.constant 0 : i32
    %dma_wait3A_1483 = tpu.memref_slice %arg4[%dma_wait3A_1473, %add3A, %dma_wait3A_1474, %dma_wait3A_1480, %dma_wait3A_1481, %dma_wait3A_1482] : memref<8x32x4x4x8x128xf32, #tpu.memory_space<hbm>> -> memref<1x1x1x4x8x128xf32, #tpu.memory_space<hbm>>
    %dma_wait3A_1484 = tpu.memref_squeeze %dma_wait3A_1483 : memref<1x1x1x4x8x128xf32, #tpu.memory_space<hbm>> -> memref<4x8x128xf32, #tpu.memory_space<hbm>>
    %dma_wait3A_1485 = arith.constant 0 : i32
    %dma_wait3A_1486 = arith.constant 0 : i32
    %dma_wait3A_1487 = arith.constant 0 : i32
    %dma_wait3A_1488 = tpu.memref_slice %arg4[%dma_wait3A_1473, %add3A, %dma_wait3A_1474, %dma_wait3A_1485, %dma_wait3A_1486, %dma_wait3A_1487] : memref<8x32x4x4x8x128xf32, #tpu.memory_space<hbm>> -> memref<1x1x1x4x8x128xf32, #tpu.memory_space<hbm>>
    %dma_wait3A_1489 = tpu.memref_squeeze %dma_wait3A_1488 : memref<1x1x1x4x8x128xf32, #tpu.memory_space<hbm>> -> memref<4x8x128xf32, #tpu.memory_space<hbm>>
    %dma_wait3A_1490 = arith.constant 0 : i32
    %dma_wait3A_1491 = arith.constant 0 : i32
    %dma_wait3A_1492 = arith.constant 0 : i32
    %dma_wait3A_1493 = tpu.memref_slice %arg7[%dma_wait3A_1472, %dma_wait3A_1490, %dma_wait3A_1491, %dma_wait3A_1492] : memref<4x4x8x128xf32, #tpu.memory_space<vmem>> -> memref<1x4x8x128xf32, #tpu.memory_space<vmem>>
    %dma_wait3A_1494 = tpu.memref_squeeze %dma_wait3A_1493 : memref<1x4x8x128xf32, #tpu.memory_space<vmem>> -> memref<4x8x128xf32, #tpu.memory_space<vmem>>
    tpu.wait_dma2 semaphore(%arg8 : memref<!tpu.dma_semaphore, #tpu.memory_space<semaphore_mem>>) src(%dma_wait3A_1494 : memref<4x8x128xf32, #tpu.memory_space<vmem>>) dst(%dma_wait3A_1489 : memref<4x8x128xf32, #tpu.memory_space<hbm>>)
    %dma_wait3A_1495 = arith.constant 3 : i32
    %dma_wait3A_1496 = arith.constant 6 : i32
    %dma_wait3A_1497 = arith.constant 3 : i32
    %dma_wait3A_1498 = arith.constant 0 : i32
    %dma_wait3A_1499 = arith.constant 0 : i32
    %dma_wait3A_1500 = arith.constant 0 : i32
    %dma_wait3A_1501 = tpu.memref_slice %arg7[%dma_wait3A_1495, %dma_wait3A_1498, %dma_wait3A_1499, %dma_wait3A_1500] : memref<4x4x8x128xf32, #tpu.memory_space<vmem>> -> memref<1x4x8x128xf32, #tpu.memory_space<vmem>>
    %dma_wait3A_1502 = tpu.memref_squeeze %dma_wait3A_1501 : memref<1x4x8x128xf32, #tpu.memory_space<vmem>> -> memref<4x8x128xf32, #tpu.memory_space<vmem>>
    %dma_wait3A_1503 = arith.constant 0 : i32
    %dma_wait3A_1504 = arith.constant 0 : i32
    %dma_wait3A_1505 = arith.constant 0 : i32
    %dma_wait3A_1506 = tpu.memref_slice %arg4[%dma_wait3A_1496, %add3A, %dma_wait3A_1497, %dma_wait3A_1503, %dma_wait3A_1504, %dma_wait3A_1505] : memref<8x32x4x4x8x128xf32, #tpu.memory_space<hbm>> -> memref<1x1x1x4x8x128xf32, #tpu.memory_space<hbm>>
    %dma_wait3A_1507 = tpu.memref_squeeze %dma_wait3A_1506 : memref<1x1x1x4x8x128xf32, #tpu.memory_space<hbm>> -> memref<4x8x128xf32, #tpu.memory_space<hbm>>
    %dma_wait3A_1508 = arith.constant 0 : i32
    %dma_wait3A_1509 = arith.constant 0 : i32
    %dma_wait3A_1510 = arith.constant 0 : i32
    %dma_wait3A_1511 = tpu.memref_slice %arg4[%dma_wait3A_1496, %add3A, %dma_wait3A_1497, %dma_wait3A_1508, %dma_wait3A_1509, %dma_wait3A_1510] : memref<8x32x4x4x8x128xf32, #tpu.memory_space<hbm>> -> memref<1x1x1x4x8x128xf32, #tpu.memory_space<hbm>>
    %dma_wait3A_1512 = tpu.memref_squeeze %dma_wait3A_1511 : memref<1x1x1x4x8x128xf32, #tpu.memory_space<hbm>> -> memref<4x8x128xf32, #tpu.memory_space<hbm>>
    %dma_wait3A_1513 = arith.constant 0 : i32
    %dma_wait3A_1514 = arith.constant 0 : i32
    %dma_wait3A_1515 = arith.constant 0 : i32
    %dma_wait3A_1516 = tpu.memref_slice %arg7[%dma_wait3A_1495, %dma_wait3A_1513, %dma_wait3A_1514, %dma_wait3A_1515] : memref<4x4x8x128xf32, #tpu.memory_space<vmem>> -> memref<1x4x8x128xf32, #tpu.memory_space<vmem>>
    %dma_wait3A_1517 = tpu.memref_squeeze %dma_wait3A_1516 : memref<1x4x8x128xf32, #tpu.memory_space<vmem>> -> memref<4x8x128xf32, #tpu.memory_space<vmem>>
    tpu.wait_dma2 semaphore(%arg8 : memref<!tpu.dma_semaphore, #tpu.memory_space<semaphore_mem>>) src(%dma_wait3A_1517 : memref<4x8x128xf32, #tpu.memory_space<vmem>>) dst(%dma_wait3A_1512 : memref<4x8x128xf32, #tpu.memory_space<hbm>>)
    %dma_wait3A_1518 = arith.constant 3 : i32
    %dma_wait3A_1519 = arith.constant 7 : i32
    %dma_wait3A_1520 = arith.constant 3 : i32
    %dma_wait3A_1521 = arith.constant 0 : i32
    %dma_wait3A_1522 = arith.constant 0 : i32
    %dma_wait3A_1523 = arith.constant 0 : i32
    %dma_wait3A_1524 = tpu.memref_slice %arg7[%dma_wait3A_1518, %dma_wait3A_1521, %dma_wait3A_1522, %dma_wait3A_1523] : memref<4x4x8x128xf32, #tpu.memory_space<vmem>> -> memref<1x4x8x128xf32, #tpu.memory_space<vmem>>
    %dma_wait3A_1525 = tpu.memref_squeeze %dma_wait3A_1524 : memref<1x4x8x128xf32, #tpu.memory_space<vmem>> -> memref<4x8x128xf32, #tpu.memory_space<vmem>>
    %dma_wait3A_1526 = arith.constant 0 : i32
    %dma_wait3A_1527 = arith.constant 0 : i32
    %dma_wait3A_1528 = arith.constant 0 : i32
    %dma_wait3A_1529 = tpu.memref_slice %arg4[%dma_wait3A_1519, %add3A, %dma_wait3A_1520, %dma_wait3A_1526, %dma_wait3A_1527, %dma_wait3A_1528] : memref<8x32x4x4x8x128xf32, #tpu.memory_space<hbm>> -> memref<1x1x1x4x8x128xf32, #tpu.memory_space<hbm>>
    %dma_wait3A_1530 = tpu.memref_squeeze %dma_wait3A_1529 : memref<1x1x1x4x8x128xf32, #tpu.memory_space<hbm>> -> memref<4x8x128xf32, #tpu.memory_space<hbm>>
    %dma_wait3A_1531 = arith.constant 0 : i32
    %dma_wait3A_1532 = arith.constant 0 : i32
    %dma_wait3A_1533 = arith.constant 0 : i32
    %dma_wait3A_1534 = tpu.memref_slice %arg4[%dma_wait3A_1519, %add3A, %dma_wait3A_1520, %dma_wait3A_1531, %dma_wait3A_1532, %dma_wait3A_1533] : memref<8x32x4x4x8x128xf32, #tpu.memory_space<hbm>> -> memref<1x1x1x4x8x128xf32, #tpu.memory_space<hbm>>
    %dma_wait3A_1535 = tpu.memref_squeeze %dma_wait3A_1534 : memref<1x1x1x4x8x128xf32, #tpu.memory_space<hbm>> -> memref<4x8x128xf32, #tpu.memory_space<hbm>>
    %dma_wait3A_1536 = arith.constant 0 : i32
    %dma_wait3A_1537 = arith.constant 0 : i32
    %dma_wait3A_1538 = arith.constant 0 : i32
    %dma_wait3A_1539 = tpu.memref_slice %arg7[%dma_wait3A_1518, %dma_wait3A_1536, %dma_wait3A_1537, %dma_wait3A_1538] : memref<4x4x8x128xf32, #tpu.memory_space<vmem>> -> memref<1x4x8x128xf32, #tpu.memory_space<vmem>>
    %dma_wait3A_1540 = tpu.memref_squeeze %dma_wait3A_1539 : memref<1x4x8x128xf32, #tpu.memory_space<vmem>> -> memref<4x8x128xf32, #tpu.memory_space<vmem>>
    tpu.wait_dma2 semaphore(%arg8 : memref<!tpu.dma_semaphore, #tpu.memory_space<semaphore_mem>>) src(%dma_wait3A_1540 : memref<4x8x128xf32, #tpu.memory_space<vmem>>) dst(%dma_wait3A_1535 : memref<4x8x128xf32, #tpu.memory_space<hbm>>)
    return
  }
}

</mosaic_0001>

<sc_bundles>
// kernel: _pos_embed.3.cloned.1.call-start
scs
__scs_entry_jumppad:
0x0: {  	(pc) =	sbr.rel $0x88, $3  }
0x1: {  	(tag) =	ssettag $0x0;
	lr =	simm.s32 $0x1  }
0x2: {  	[smem:$0x3F9F] =	sst lr;
	_ =	strace $0xD0000000  }
0x3: {  	_ = 	snop  }
0x4: {  	_ = 	snop  }
0x5: {  	_ = 	snop  }
0x6: {  	_ = 	snop  }
0x7: {  	_ = 	snop  }
__scs_overlays_trampoline_lowered:
0x8: {  	[smem:$0x3FAE] =	sst s0  }
0x9: {  	[smem:$0x3FAF] =	sst s1  }
0xa: {  	[smem:$0x3FB0] =	sst s2  }
0xb: {  	[smem:$0x3FB1] =	sst s3  }
0xc: {  	[smem:$0x3FB2] =	sst s4  }
0xd: {  	[smem:$0x3FB3] =	sst s5  }
0xe: {  	[smem:$0x3FB4] =	sst s6  }
0xf: {  	[smem:$0x3FB5] =	sst s7  }
0x10: {  	[smem:$0x3FB6] =	sst s8  }
0x11: {  	[smem:$0x3FB7] =	sst s9;
	s0 =	simm.s32 @!p0 $0x0  }
0x12: {  	s1 =	sld [smem:$0x3F9D];
	s0 =	simm.s32 @p0 $0x1  }
0x13: {  	[smem:$0x3FB8] =	sst s0;
	s0 =	simm.s32 @!p1 $0x0  }
0x14: {  	s2 =	sld [smem:$0x3F9C];
	s0 =	simm.s32 @p1 $0x1  }
0x15: {  	[smem:$0x3FB9] =	sst s0;
	s0 =	simm.s32 @!p2 $0x0  }
0x16: {  	s3 =	sld [smem:$0x3FDB];
	s0 =	simm.s32 @p2 $0x1  }
0x17: {  	s4 =	simm.s32 $0x1BF5;
	[smem:$0x3FBB] =	sst s0  }
0x18: {  	s0 =	sld [smem:$0x3F9E];
	_ =	swait.ge [sflag:s4], $0x0  }
0x19: {  	s7 =	sld [smem:$0x3F9F]  }
0x1a: {  	s8 =	sadd.s32 $0xFFFFE003, lr  }
0x1b: {  	s9 =	sadd.s32 $0xFFFFFEF7, lr;
	s5 =	simm.s32 $0xFFFFFFFF;
	p2 =	slt.u32 s8, $0xFFFFF086  }
0x1c: {  	p1 =	slt.u32 s9, $0xF7A;
	s5 =	simm.s32 @!p2 $0x0  }
0x1d: {  	s5 =	simm.s32 @p1 $0x1;
	p0 =	seq.s32 s7, s2  }
0x1e: {  	s7 =	smul.u32 @!p0 $0xF7A, s2;
	p2 =	seq.s32 @!p0 s5, $0x0  }
0x1f: {  	s9 =	smul.u32 $0xF7A, s1;
	s8 =	simm.s32 @!p0 $0x1BF5;
	p2 =	por !p2, p0  }
0x20: {  	[sflag:s8] =	ssyncset.s32 @!p0 $0xFFFFF086;
	s6 =	sadd.s32 @!p0 s3, s7;
	s7 =	simm.s32 @!p0 $0x108  }
0x21: {  	s3 =	sadd.s32 s3, s9;
	s6 =	sadd.s32 @!p0 $0x88, s6;
	s7 =	simm.s32 @p2 $0x1082  }
0x22: {  	[simem:s7], [sflag:s8] =	dma.local @!p0 [hbm:s6], $0xF7A  }
0x23: {  	s9 =	sor.u32 $0xD0000000, s2;
	s6 =	simm.s32 $0x108;
	_ =	swait.ge @!p0 [sflag:s8], $0x0  }
0x24: {  	s3 =	sadd.s32 $0x88, s3;
	s6 =	simm.s32 @!p1 $0x1082;
	[sflag:s4] =	ssyncset.s32 $0xFFFFF086  }
0x25: {  	[simem:s6], [sflag:s4] =	dma.local [hbm:s3], $0xF7A  }
0x26: {  	[smem:$0x3F9F] =	sst s1;
	(tag) =	ssettag s2;
	_ =	strace s9  }
0x27: {  	s1 =	sld [smem:$0x3FAF]  }
0x28: {  	s2 =	sld [smem:$0x3FB0]  }
0x29: {  	s4 =	sld [smem:$0x3FB2]  }
0x2a: {  	p0 =	seq.s32 s5, $0x0;
	s5 =	sld [smem:$0x3FB3]  }
0x2b: {  	s6 =	sld [smem:$0x3FB4]  }
0x2c: {  	s7 =	sld [smem:$0x3FB5]  }
0x2d: {  	s3 =	simm.s32 $0x108;
	s8 =	sld [smem:$0x3FB6]  }
0x2e: {  	s3 =	simm.s32 @!p0 $0x1082;
	s9 =	sld [smem:$0x3FB7]  }
0x2f: {  	lr =	sadd.s32 s0, s3;
	s0 =	sld [smem:$0x3FAE]  }
0x30: {  	s3 =	sld [smem:$0x3FB1]  }
0x31: {  	[smem:$0x3FBA] =	sst s10  }
0x32: {  	s10 =	sld [smem:$0x3FB8];
	_ =	sdelay $0x3  }
0x33: {  	p0 =	seq.s32 s10, $0x1;
	s10 =	sld [smem:$0x3FBA];
	_ =	sdelay $0x3  }
0x34: {  	[smem:$0x3FBA] =	sst s10  }
0x35: {  	s10 =	sld [smem:$0x3FB9];
	_ =	sdelay $0x3  }
0x36: {  	p1 =	seq.s32 s10, $0x1;
	s10 =	sld [smem:$0x3FBA];
	_ =	sdelay $0x3  }
0x37: {  	[smem:$0x3FBA] =	sst s10  }
0x38: {  	s10 =	sld [smem:$0x3FBB]  }
0x39: {  	_ = 	snop;
	(pc) =	sbr.ind lr, $3  }
0x3a: {  	_ = 	snop  }
0x3b: {  	_ = 	snop  }
0x3c: {  	p2 =	seq.s32 s10, $0x1;
	s10 =	sld [smem:$0x3FBA]  }
0x3d: {  	_ =	shalt  }
0x3e: {  	_ =	shalt  }
0x3f: {  	_ =	shalt  }
0x40: {  	_ =	shalt  }
0x41: {  	_ =	shalt  }
0x42: {  	_ =	shalt  }
0x43: {  	_ =	shalt  }
0x44: {  	_ =	shalt  }
0x45: {  	_ =	shalt  }
0x46: {  	_ =	shalt  }
0x47: {  	_ =	shalt  }
0x48: {  	_ =	shalt  }
0x49: {  	_ =	shalt  }
0x4a: {  	_ =	shalt  }
0x4b: {  	_ =	shalt  }
0x4c: {  	_ =	shalt  }
0x4d: {  	_ =	shalt  }
0x4e: {  	_ =	shalt  }
0x4f: {  	_ =	shalt  }
0x50: {  	_ =	shalt  }
0x51: {  	_ =	shalt  }
0x52: {  	_ =	shalt  }
0x53: {  	_ =	shalt  }
0x54: {  	_ =	shalt  }
0x55: {  	_ =	shalt  }
0x56: {  	_ =	shalt  }
0x57: {  	_ =	shalt  }
0x58: {  	_ =	shalt  }
0x59: {  	_ =	shalt  }
0x5a: {  	_ =	shalt  }
0x5b: {  	_ =	shalt  }
0x5c: {  	_ =	shalt  }
0x5d: {  	_ =	shalt  }
0x5e: {  	_ =	shalt  }
0x5f: {  	_ =	shalt  }
0x60: {  	_ =	shalt  }
0x61: {  	_ =	shalt  }
0x62: {  	_ =	shalt  }
0x63: {  	_ =	shalt  }
0x64: {  	_ =	shalt  }
0x65: {  	_ =	shalt  }
0x66: {  	_ =	shalt  }
0x67: {  	_ =	shalt  }
0x68: {  	_ =	shalt  }
0x69: {  	_ =	shalt  }
0x6a: {  	_ =	shalt  }
0x6b: {  	_ =	shalt  }
0x6c: {  	_ =	shalt  }
0x6d: {  	_ =	shalt  }
0x6e: {  	_ =	shalt  }
0x6f: {  	_ =	shalt  }
0x70: {  	_ =	shalt  }
0x71: {  	_ =	shalt  }
0x72: {  	_ =	shalt  }
0x73: {  	_ =	shalt  }
0x74: {  	_ =	shalt  }
0x75: {  	_ =	shalt  }
0x76: {  	_ =	shalt  }
0x77: {  	_ =	shalt  }
0x78: {  	_ =	shalt  }
0x79: {  	_ =	shalt  }
0x7a: {  	_ =	shalt  }
0x7b: {  	_ =	shalt  }
0x7c: {  	_ =	shalt  }
0x7d: {  	_ =	shalt  }
0x7e: {  	_ =	shalt  }
0x7f: {  	_ =	shalt  }
0x80: {  	_ =	shalt  }
0x81: {  	_ =	shalt  }
0x82: {  	_ =	shalt  }
0x83: {  	_ =	shalt  }
0x84: {  	_ =	shalt  }
0x85: {  	_ =	shalt  }
0x86: {  	_ =	shalt  }
0x87: {  	_ =	shalt  }
.Lfunc_end0:
.L_simem_size_0:
called_computation_lowered:
.L_overlay_start_0:
0x88: {  	s2 =	sld [smem:$0x3FD9]  }
0x89: {  	s3 =	sld [smem:$0x3FFE];
	_ =	sdelay $0x1  }
0x8a: {  	s1 =	srdreg.scid  }
0x8b: {  	s0 =	sand.u32 $0x1, s1  }
0x8c: {  	s17 =	sshll.u32 s0, $0xA;
	s2 =	sadd.s32 s3, s2  }
0x8d: {  	s2 =	sadd.s32 s2, s17  }
0x8e: {  	[smem:$0x3FC6] =	sst s2  }
0x8f: {  	_ = 	snop  }
0x90: {  	s2 =	sld [smem:$0x3FD0];
	(tm) =	ssettm $0x1  }
0x91: {  	s18 =	sld [smem:$0x3FFB];
	_ =	sdelay $0x3  }
0x92: {  	_ =	strace s18  }
0x93: {  	s3 =	sld [smem:$0x3FFC];
	_ =	sdelay $0x3  }
0x94: {  	_ =	strace s3  }
0x95: {  	s3 =	sld [smem:$0x3FFD];
	_ =	sdelay $0x3  }
0x96: {  	_ =	strace s3  }
0x97: {  	_ =	strace $0x8FFFFFFF  }
0x98: {  	s19 =	sld [smem:$0x3FDB];
	_ =	sdelay $0x1  }
0x99: {  	s4 =	simm.s32 $_scs_section_size  }
0x9a: {  	s5 =	simm.s32 $_size__tile_overlayer_lowered;
	s6 =	simm.s32 $_tile_overlayer_lowered  }
0x9b: {  	s22 =	simm.s32 $0x1BFF;
	s21 =	sshll.u32 s6, $0x1;
	s3 =	sadd.s32 s4, s19  }
0x9c: {  	s7 =	simm.s32 $0x0;
	s20 =	sshll.u32 s5, $0x1;
	s5 =	sadd.s32 s21, s3  }
0x9d: {  	[timem:s7], [sflag:s22] =	dma.local [hbm:s5], s20  }
0x9e: {  	_ =	swait.ge [sflag:s22], s20  }
0x9f: {  	s4 =	ssub.s32 $0x0, s20;
	[sflag:s22] =	ssyncset.done $0x0  }
0xa0: {  	[sflag:s22] =	ssyncadd.s32 s4;
	_ =	sdelay $0x1  }
0xa1: {  	s23 =	simm.s32 $0x1B8B  }
0xa2: {  	_ =	swait.ge [sflag:s23], $0x1  }
0xa3: {  	[sflag:s23] =	ssyncset.done $0x0  }
0xa4: {  	s25 =	simm.s32 $0x1B8E;
	s24 =	sld [smem:$0x3FFE];
	[sflag:s23] =	ssyncadd.s32 $0xFFFFFFFF  }
0xa5: {  	s26 =	simm.s32 $execute0_lowered;
	[smem:$0x3FD2] =	sst s25  }
0xa6: {  	s5 =	sshll.u32 s26, $0x1;
	_ =	strace $0x80000046;
	[dreg:$0x1] =	wrdreg $0xFFFFFFFF  }
0xa7: {  	s28 =	simm.s32 $_size_execute0_lowered;
	s3 =	sadd.s32 s3, s5;
	[dreg:$0x0] =	wrdreg $0x0  }
0xa8: {  	s5 =	sshll.u32 s28, $0x1;
	[dreg:$0x2] =	wrdreg s3  }
0xa9: {  	[dreg:$0x3] =	wrdreg s5  }
0xaa: {  	[dreg:$0x4] =	wrdreg $0xC0  }
0xab: {  	_ =	task [dreg:s7], $0x5FFFF  }
0xac: {  	[dreg:$0x1] =	wrdreg $0xFFFFFFFF  }
0xad: {  	[dreg:$0x0] =	wrdreg $0x60  }
0xae: {  	[dreg:$0x2] =	wrdreg s24  }
0xaf: {  	[dreg:$0x3] =	wrdreg s2  }
0xb0: {  	[dreg:$0x4] =	wrdreg $0x9  }
0xb1: {  	_ =	task.clear_ibuf [dreg:s7], $0x5FFFF;
	_ =	strace $0x90000046  }
0xb2: {  	s29 =	simm.s32 $0x9;
	_ =	strace $0x80000048  }
0xb3: {  	_ =	swait.ge [sflag:s29], $0x1  }
0xb4: {  	[sflag:s29] =	ssyncadd.s32 $0xFFFFFFFF  }
0xb5: {  	_ =	strace $0x90000048  }
0xb6: {  	_ =	sfence  }
0xb7: {  	s30 =	sld [smem:$0x0];
	_ =	sdelay $0x2  }
0xb8: {  	s31 =	sshll.u32 s1, $0xD;
	s1 =	sshrl.u32 s1, $0x2  }
0xb9: {  	s3 =	sand.u32 $0x4000, s31;
	s1 =	sadd.s32 s1, s30  }
0xba: {  	s0 =	sor.u32 s3, s0;
	s1 =	sshll.u32 s1, $0x11  }
0xbb: {  	s0 =	sor.u32 s1, s0  }
0xbc: {  	s0 =	sadd.s32 $0x8F2B, s0  }
0xbd: {  	[sflag:s0] =	ssyncadd.remote.s32 $0x1  }
0xbe: {  	_ =	sfence.sel $0xFFFF  }
0xbf: {  	[dreg:$0x0] =	wrdreg $0xFFFFFFFF;
	(pc) =	sbr.abs _section_cstart, $3  }
0xc0: {  	[dreg:$0x1] =	wrdreg $0xFFFFFFFF  }
0xc1: {  	_ =	task.clear_ibuf [dreg:s7], $0x2FFFF;
	_ =	strace $0x9FFFFFFF  }
0xc2: {  	(tm) =	ssettm $0x7FFFFFFF  }
0xc3: {  	_ =	shalt  }
tec
execute0_lowered:
.L_overlay_start_1:
0x0: {  	(tag) =	ssettag $0x1  }
0x1: {  	s0 =	rddreg [dreg:$0x0]  }
0x2: {  	s1 =	rddreg [dreg:$0x1]  }
0x3: {  	s3 =	srdreg.scid;
	s4 =	stileid.u32  }
0x4: {  	s2 =	simm.s32 $0x0;
	s3 =	sand.u32 $0x1, s3;
	s4 =	sshll.u32 s4, $0x1  }
0x5: {  	s9 =	simm.s32 $0x2;
	[smem:$0x7FF] =	sst s2;
	s4 =	sor.u32 s3, s4  }
0x6: {  	s10 =	simm.s32 $0x2100;
	_ =	strace $0x80000047;
	s5 =	sshll.u32 s4, $0x5  }
0x7: {  	s4 =	sshll.u32 s4, $0xB;
	s5 =	sadd.s32 s5, s0;
	s0 =	sadd.s32 $0xC00, s0  }
0x8: {  	s4 =	sadd.s32 s1, s4;
	[dreg:$0x3] =	wrdreg s0;
	s13 =	sadd.s32 $0x400, s5  }
0x9: {  	s11 =	simm.s32 $0x3100;
	s14 =	sadd.s32 $0x10000, s4;
	[dreg:$0x4] =	wrdreg s13  }
0xa: {  	s3 =	ssub.s32 $0x2, s3;
	s15 =	sadd.s32 $0x20000, s4;
	[dreg:$0x5] =	wrdreg s14  }
0xb: {  	s12 =	sshrl.u32 s3, $0x1;
	s16 =	sadd.s32 $0x30000, s4;
	[dreg:$0x6] =	wrdreg s15  }
0xc: {  	s0 =	ssub.s32 s3, s12;
	s17 =	sadd.s32 $0x40000, s4;
	[dreg:$0x7] =	wrdreg s16  }
0xd: {  	s18 =	sadd.s32 $0x50000, s4;
	s19 =	sadd.s32 $0x60000, s4;
	[dreg:$0x8] =	wrdreg s17  }
0xe: {  	s20 =	sadd.s32 $0x70000, s4;
	s21 =	sadd.s32 $0x200, s4;
	[dreg:$0x9] =	wrdreg s18  }
0xf: {  	s22 =	sadd.s32 $0x10200, s4;
	s23 =	sadd.s32 $0x20200, s4;
	[dreg:$0xa] =	wrdreg s19  }
0x10: {  	s24 =	sadd.s32 $0x30200, s4;
	s25 =	sadd.s32 $0x40200, s4;
	[dreg:$0xb] =	wrdreg s20  }
0x11: {  	s26 =	sadd.s32 $0x50200, s4;
	s28 =	sadd.s32 $0x50400, s4;
	[dreg:$0xc] =	wrdreg s21  }
0x12: {  	s29 =	sadd.s32 $0x60400, s4;
	s30 =	sadd.s32 $0x70400, s4;
	[dreg:$0xd] =	wrdreg s22  }
0x13: {  	s31 =	sadd.s32 $0x600, s4;
	s1 =	sadd.s32 $0x20600, s4;
	[dreg:$0xe] =	wrdreg s23  }
0x14: {  	s3 =	sadd.s32 $0x30600, s4;
	s5 =	sadd.s32 $0x40600, s4;
	[dreg:$0xf] =	wrdreg s24  }
0x15: {  	s6 =	sadd.s32 $0x50600, s4;
	s7 =	sadd.s32 $0x60600, s4;
	[dreg:$0x10] =	wrdreg s25  }
0x16: {  	s8 =	sadd.s32 $0x70600, s4;
	s12 =	simm.s32 $0x4100;
	[dreg:$0x11] =	wrdreg s26  }
0x17: {  	s19 =	sadd.s32 $0x60200, s4;
	s20 =	sadd.s32 $0x70200, s4;
	s21 =	sadd.s32 $0x400, s4  }
0x18: {  	s22 =	sadd.s32 $0x10400, s4;
	s23 =	sadd.s32 $0x20400, s4;
	s24 =	sadd.s32 $0x30400, s4  }
0x19: {  	s25 =	smax.u32 s0, $0x1;
	s26 =	sadd.s32 $0x40400, s4;
	s0 =	sadd.s32 $0x10600, s4  }
0x1a: {  	s13 =	simm.s32 $0x5100;
	s14 =	simm.s32 $0x1;
	s15 =	simm.s32 $0x0  }
.LBB2_1:
0x1b: {  	s16 =	rddreg [dreg:$0x3]  }
0x1c: {  	[tilespmem:s2], [sflag:$0x2] =	stream.linear.gather [hbm4b:s16+s2], $0x2000, $0x38;
	[tilespmem:$0x6100] =	vst v63  }
0x1d: {  	_ =	swait.ge [sflag:s9], $0x2000  }
0x1e: {  	[sflag:s9] =	ssyncset.done $0x0  }
0x1f: {  	s17 =	simm.s32 $0x2000;
	s18 =	rddreg [dreg:$0x4];
	[sflag:s9] =	ssyncadd.s32 $0xFFFFE000  }
0x20: {  	[tilespmem:s17], [sflag:$0x2] =	stream.linear.gather [hbm4b:s18+s2], $0x100, $0x38;
	[tilespmem:$0x6100] =	vst v63  }
0x21: {  	_ =	swait.ge [sflag:s9], $0x100  }
0x22: {  	[sflag:s9] =	ssyncset.done $0x0  }
0x23: {  	[sflag:s9] =	ssyncadd.s32 $0xFFFFFF00  }
0x24: {  	v7 =	vld [tilespmem:$0x2000]  }
0x25: {  	v8 =	vld [tilespmem:$0x2010]  }
0x26: {  	v9 =	vld [tilespmem:$0x2020]  }
0x27: {  	v10 =	vld [tilespmem:$0x2030]  }
0x28: {  	v11 =	vld [tilespmem:$0x2040]  }
0x29: {  	v0 =	vld [tilespmem:$0x2050]  }
0x2a: {  	v1 =	vld [tilespmem:$0x2060]  }
0x2b: {  	v2 =	vld [tilespmem:$0x2070]  }
0x2c: {  	v3 =	vld [tilespmem:$0x2080]  }
0x2d: {  	v4 =	vld [tilespmem:$0x2090]  }
0x2e: {  	s18 =	simm.s32 $0x0;
	v5 =	vld [tilespmem:$0x20A0]  }
0x2f: {  	v16 =	vld [tilespmem:s18+$0x0]  }
0x30: {  	v6 =	vld [tilespmem:$0x20B0]  }
0x31: {  	v12 =	vld [tilespmem:$0x20C0]  }
0x32: {  	v13 =	vld [tilespmem:$0x20D0]  }
0x33: {  	s16 =	simm.s32 $0x2900;
	v14 =	vld [tilespmem:$0x20E0]  }
0x34: {  	v15 =	vld [tilespmem:$0x20F0];
	[tilespmem:s16+$0xFFFFF800] =	vst v16  }
0x35: {  	v16 =	vld [tilespmem:s18+$0x10];
	_ =	sdelay $0x4  }
0x36: {  	[tilespmem:s16+$0xFFFFF810] =	vst v16  }
0x37: {  	v16 =	vld [tilespmem:s18+$0x20];
	_ =	sdelay $0x4  }
0x38: {  	[tilespmem:s16+$0xFFFFF820] =	vst v16  }
0x39: {  	v16 =	vld [tilespmem:s18+$0x30];
	_ =	sdelay $0x4  }
0x3a: {  	[tilespmem:s16+$0xFFFFF830] =	vst v16  }
0x3b: {  	v16 =	vld [tilespmem:s18+$0x40];
	_ =	sdelay $0x4  }
0x3c: {  	[tilespmem:s16+$0xFFFFF840] =	vst v16  }
0x3d: {  	v16 =	vld [tilespmem:s18+$0x50];
	_ =	sdelay $0x4  }
0x3e: {  	[tilespmem:s16+$0xFFFFF850] =	vst v16  }
0x3f: {  	v16 =	vld [tilespmem:s18+$0x60];
	_ =	sdelay $0x4  }
0x40: {  	[tilespmem:s16+$0xFFFFF860] =	vst v16  }
0x41: {  	v16 =	vld [tilespmem:s18+$0x70];
	_ =	sdelay $0x4  }
0x42: {  	[tilespmem:s16+$0xFFFFF870] =	vst v16  }
0x43: {  	v16 =	vld [tilespmem:s18+$0x80];
	_ =	sdelay $0x4  }
0x44: {  	[tilespmem:s16+$0xFFFFFC00] =	vst v16  }
0x45: {  	v16 =	vld [tilespmem:s18+$0x90];
	_ =	sdelay $0x4  }
0x46: {  	[tilespmem:s16+$0xFFFFFC10] =	vst v16  }
0x47: {  	v16 =	vld [tilespmem:s18+$0xA0];
	_ =	sdelay $0x4  }
0x48: {  	[tilespmem:s16+$0xFFFFFC20] =	vst v16  }
0x49: {  	v16 =	vld [tilespmem:s18+$0xB0];
	_ =	sdelay $0x4  }
0x4a: {  	[tilespmem:s16+$0xFFFFFC30] =	vst v16  }
0x4b: {  	v16 =	vld [tilespmem:s18+$0xC0];
	_ =	sdelay $0x4  }
0x4c: {  	[tilespmem:s16+$0xFFFFFC40] =	vst v16  }
0x4d: {  	v16 =	vld [tilespmem:s18+$0xD0];
	_ =	sdelay $0x4  }
0x4e: {  	[tilespmem:s16+$0xFFFFFC50] =	vst v16  }
0x4f: {  	v16 =	vld [tilespmem:s18+$0xE0];
	_ =	sdelay $0x4  }
0x50: {  	[tilespmem:s16+$0xFFFFFC60] =	vst v16  }
0x51: {  	v16 =	vld [tilespmem:s18+$0xF0];
	[tilespmem:s16+$0x0] =	vst v7  }
0x52: {  	[tilespmem:s16+$0x10] =	vst v8  }
0x53: {  	[tilespmem:s16+$0x20] =	vst v9  }
0x54: {  	[tilespmem:s16+$0x30] =	vst v10  }
0x55: {  	[tilespmem:s16+$0x40] =	vst v11  }
0x56: {  	[tilespmem:s16+$0x50] =	vst v0  }
0x57: {  	[tilespmem:s16+$0x60] =	vst v1  }
0x58: {  	[tilespmem:s16+$0x70] =	vst v2  }
0x59: {  	[tilespmem:s16+$0x400] =	vst v3  }
0x5a: {  	[tilespmem:s16+$0x410] =	vst v4  }
0x5b: {  	[tilespmem:s16+$0x420] =	vst v5  }
0x5c: {  	[tilespmem:s16+$0x430] =	vst v6  }
0x5d: {  	[tilespmem:s16+$0x440] =	vst v12  }
0x5e: {  	[tilespmem:s16+$0x450] =	vst v13  }
0x5f: {  	[tilespmem:s16+$0x460] =	vst v14  }
0x60: {  	[tilespmem:s16+$0x470] =	vst v15  }
0x61: {  	s17 =	simm.s32 $0x100;
	s18 =	simm.s32 $0x800;
	[tilespmem:s16+$0xFFFFFC70] =	vst v16  }
.LBB2_2:
0x62: {  	p0 =	sne.s32 s18, $0x1C00;
	v16 =	vld [tilespmem:s17+$0x0];
	_ =	sdelay $0x3  }
0x63: {  	s16 =	sadd.s32 $0x80, s16  }
0x64: {  	[tilespmem:s16+$0xFFFFF800] =	vst v16  }
0x65: {  	v16 =	vld [tilespmem:s17+$0x10];
	_ =	sdelay $0x4  }
0x66: {  	[tilespmem:s16+$0xFFFFF810] =	vst v16  }
0x67: {  	v16 =	vld [tilespmem:s17+$0x20];
	_ =	sdelay $0x4  }
0x68: {  	[tilespmem:s16+$0xFFFFF820] =	vst v16  }
0x69: {  	v16 =	vld [tilespmem:s17+$0x30];
	_ =	sdelay $0x4  }
0x6a: {  	[tilespmem:s16+$0xFFFFF830] =	vst v16  }
0x6b: {  	v16 =	vld [tilespmem:s17+$0x40];
	_ =	sdelay $0x4  }
0x6c: {  	[tilespmem:s16+$0xFFFFF840] =	vst v16  }
0x6d: {  	v16 =	vld [tilespmem:s17+$0x50];
	_ =	sdelay $0x4  }
0x6e: {  	[tilespmem:s16+$0xFFFFF850] =	vst v16  }
0x6f: {  	v16 =	vld [tilespmem:s17+$0x60];
	_ =	sdelay $0x4  }
0x70: {  	[tilespmem:s16+$0xFFFFF860] =	vst v16  }
0x71: {  	v16 =	vld [tilespmem:s17+$0x70];
	_ =	sdelay $0x4  }
0x72: {  	[tilespmem:s16+$0xFFFFF870] =	vst v16  }
0x73: {  	v16 =	vld [tilespmem:s17+$0x80];
	_ =	sdelay $0x4  }
0x74: {  	[tilespmem:s16+$0xFFFFFC00] =	vst v16  }
0x75: {  	v16 =	vld [tilespmem:s17+$0x90];
	_ =	sdelay $0x4  }
0x76: {  	[tilespmem:s16+$0xFFFFFC10] =	vst v16  }
0x77: {  	v16 =	vld [tilespmem:s17+$0xA0];
	_ =	sdelay $0x4  }
0x78: {  	[tilespmem:s16+$0xFFFFFC20] =	vst v16  }
0x79: {  	v16 =	vld [tilespmem:s17+$0xB0];
	_ =	sdelay $0x4  }
0x7a: {  	[tilespmem:s16+$0xFFFFFC30] =	vst v16  }
0x7b: {  	v16 =	vld [tilespmem:s17+$0xC0];
	_ =	sdelay $0x4  }
0x7c: {  	[tilespmem:s16+$0xFFFFFC40] =	vst v16  }
0x7d: {  	v16 =	vld [tilespmem:s17+$0xD0];
	_ =	sdelay $0x4  }
0x7e: {  	[tilespmem:s16+$0xFFFFFC50] =	vst v16  }
0x7f: {  	v16 =	vld [tilespmem:s17+$0xE0];
	_ =	sdelay $0x4  }
0x80: {  	[tilespmem:s16+$0xFFFFFC60] =	vst v16  }
0x81: {  	v16 =	vld [tilespmem:s17+$0xF0];
	[tilespmem:s16+$0x0] =	vst v7  }
0x82: {  	[tilespmem:s16+$0x10] =	vst v8  }
0x83: {  	[tilespmem:s16+$0x20] =	vst v9  }
0x84: {  	[tilespmem:s16+$0x30] =	vst v10  }
0x85: {  	[tilespmem:s16+$0x40] =	vst v11  }
0x86: {  	[tilespmem:s16+$0xFFFFFC70] =	vst v16  }
0x87: {  	[tilespmem:s16+$0x50] =	vst v0  }
0x88: {  	[tilespmem:s16+$0x60] =	vst v1  }
0x89: {  	[tilespmem:s16+$0x70] =	vst v2  }
0x8a: {  	[tilespmem:s16+$0x400] =	vst v3  }
0x8b: {  	[tilespmem:s16+$0x410] =	vst v4  }
0x8c: {  	[tilespmem:s16+$0x420] =	vst v5  }
.Ltmp0:
0x8d: {  	[tilespmem:s16+$0x430] =	vst v6;
	(pc) =	sbr.rel @p0 .LBB2_2-.Ltmp0, $4  }
0x8e: {  	[tilespmem:s16+$0x440] =	vst v12  }
0x8f: {  	[tilespmem:s16+$0x450] =	vst v13  }
0x90: {  	[tilespmem:s16+$0x460] =	vst v14  }
0x91: {  	s17 =	sshra.s32 s18, $0x2;
	s18 =	sadd.s32 $0x400, s18;
	[tilespmem:s16+$0x470] =	vst v15  }
0x92: {  	v16 =	vld [tilespmem:s17+$0x0];
	_ =	sdelay $0x3  }
0x93: {  	s16 =	sadd.s32 $0x80, s16  }
0x94: {  	[tilespmem:s16+$0xFFFFF800] =	vst v16  }
0x95: {  	v16 =	vld [tilespmem:s17+$0x10];
	_ =	sdelay $0x4  }
0x96: {  	[tilespmem:s16+$0xFFFFF810] =	vst v16  }
0x97: {  	v16 =	vld [tilespmem:s17+$0x20];
	_ =	sdelay $0x4  }
0x98: {  	[tilespmem:s16+$0xFFFFF820] =	vst v16  }
0x99: {  	v16 =	vld [tilespmem:s17+$0x30];
	_ =	sdelay $0x4  }
0x9a: {  	[tilespmem:s16+$0xFFFFF830] =	vst v16  }
0x9b: {  	v16 =	vld [tilespmem:s17+$0x40];
	_ =	sdelay $0x4  }
0x9c: {  	[tilespmem:s16+$0xFFFFF840] =	vst v16  }
0x9d: {  	v16 =	vld [tilespmem:s17+$0x50];
	_ =	sdelay $0x4  }
0x9e: {  	[tilespmem:s16+$0xFFFFF850] =	vst v16  }
0x9f: {  	v16 =	vld [tilespmem:s17+$0x60];
	_ =	sdelay $0x4  }
0xa0: {  	[tilespmem:s16+$0xFFFFF860] =	vst v16  }
0xa1: {  	v16 =	vld [tilespmem:s17+$0x70];
	_ =	sdelay $0x4  }
0xa2: {  	[tilespmem:s16+$0xFFFFF870] =	vst v16  }
0xa3: {  	v16 =	vld [tilespmem:s17+$0x80];
	_ =	sdelay $0x4  }
0xa4: {  	[tilespmem:s16+$0xFFFFFC00] =	vst v16  }
0xa5: {  	v16 =	vld [tilespmem:s17+$0x90];
	_ =	sdelay $0x4  }
0xa6: {  	[tilespmem:s16+$0xFFFFFC10] =	vst v16  }
0xa7: {  	v16 =	vld [tilespmem:s17+$0xA0];
	_ =	sdelay $0x4  }
0xa8: {  	[tilespmem:s16+$0xFFFFFC20] =	vst v16  }
0xa9: {  	v16 =	vld [tilespmem:s17+$0xB0];
	_ =	sdelay $0x4  }
0xaa: {  	[tilespmem:s16+$0xFFFFFC30] =	vst v16  }
0xab: {  	v16 =	vld [tilespmem:s17+$0xC0];
	_ =	sdelay $0x4  }
0xac: {  	[tilespmem:s16+$0xFFFFFC40] =	vst v16  }
0xad: {  	v16 =	vld [tilespmem:s17+$0xD0];
	_ =	sdelay $0x4  }
0xae: {  	[tilespmem:s16+$0xFFFFFC50] =	vst v16  }
0xaf: {  	v16 =	vld [tilespmem:s17+$0xE0];
	_ =	sdelay $0x4  }
0xb0: {  	[tilespmem:s16+$0xFFFFFC60] =	vst v16  }
0xb1: {  	v16 =	vld [tilespmem:s17+$0xF0];
	[tilespmem:s16+$0x0] =	vst v7  }
0xb2: {  	[tilespmem:s16+$0x10] =	vst v8  }
0xb3: {  	[tilespmem:s16+$0x20] =	vst v9  }
0xb4: {  	[tilespmem:s16+$0x30] =	vst v10  }
0xb5: {  	[tilespmem:s16+$0x40] =	vst v11  }
0xb6: {  	[tilespmem:s16+$0x50] =	vst v0  }
0xb7: {  	[tilespmem:s16+$0x60] =	vst v1  }
0xb8: {  	[tilespmem:s16+$0x70] =	vst v2  }
0xb9: {  	[tilespmem:s16+$0x400] =	vst v3  }
0xba: {  	[tilespmem:s16+$0x410] =	vst v4  }
0xbb: {  	[tilespmem:s16+$0x420] =	vst v5  }
0xbc: {  	[tilespmem:s16+$0x430] =	vst v6  }
0xbd: {  	[tilespmem:s16+$0x440] =	vst v12  }
0xbe: {  	[tilespmem:s16+$0x450] =	vst v13  }
0xbf: {  	[tilespmem:s16+$0x460] =	vst v14  }
0xc0: {  	[tilespmem:s16+$0x470] =	vst v15  }
0xc1: {  	[tilespmem:s16+$0xFFFFFC70] =	vst v16;
	s16 =	simm.s32 $0x0  }
0xc2: {  	[hbm4b:s4+s16] =	stream.linear.scatter [tilespmem:s10], [sflag:$0x1], $0x1000, $0x38;
	[tilespmem:$0x6100] =	vst v63  }
0xc3: {  	s18 =	rddreg [dreg:$0x5]  }
0xc4: {  	[hbm4b:s18+s16] =	stream.linear.scatter [tilespmem:s10], [sflag:$0x1], $0x1000, $0x38;
	[tilespmem:$0x6100] =	vst v63  }
0xc5: {  	s18 =	rddreg [dreg:$0x6]  }
0xc6: {  	[hbm4b:s18+s16] =	stream.linear.scatter [tilespmem:s10], [sflag:$0x1], $0x1000, $0x38;
	[tilespmem:$0x6100] =	vst v63  }
0xc7: {  	s18 =	rddreg [dreg:$0x7]  }
0xc8: {  	[hbm4b:s18+s16] =	stream.linear.scatter [tilespmem:s10], [sflag:$0x1], $0x1000, $0x38;
	[tilespmem:$0x6100] =	vst v63  }
0xc9: {  	s18 =	rddreg [dreg:$0x8]  }
0xca: {  	[hbm4b:s18+s16] =	stream.linear.scatter [tilespmem:s10], [sflag:$0x1], $0x1000, $0x38;
	[tilespmem:$0x6100] =	vst v63  }
0xcb: {  	s18 =	rddreg [dreg:$0x9]  }
0xcc: {  	[hbm4b:s18+s16] =	stream.linear.scatter [tilespmem:s10], [sflag:$0x1], $0x1000, $0x38;
	[tilespmem:$0x6100] =	vst v63  }
0xcd: {  	s18 =	rddreg [dreg:$0xa]  }
0xce: {  	[hbm4b:s18+s16] =	stream.linear.scatter [tilespmem:s10], [sflag:$0x1], $0x1000, $0x38;
	[tilespmem:$0x6100] =	vst v63  }
0xcf: {  	s18 =	rddreg [dreg:$0xb]  }
0xd0: {  	[hbm4b:s18+s16] =	stream.linear.scatter [tilespmem:s10], [sflag:$0x1], $0x1000, $0x38;
	[tilespmem:$0x6100] =	vst v63  }
0xd1: {  	s18 =	simm.s32 $0x0  }
0xd2: {  	v16 =	vld [tilespmem:s18+$0x800];
	_ =	sdelay $0x3  }
0xd3: {  	s16 =	simm.s32 $0x3D70  }
0xd4: {  	[tilespmem:s16+$0xFFFFF390] =	vst v16  }
0xd5: {  	v16 =	vld [tilespmem:s18+$0x810];
	_ =	sdelay $0x4  }
0xd6: {  	[tilespmem:s16+$0xFFFFF3A0] =	vst v16  }
0xd7: {  	v16 =	vld [tilespmem:s18+$0x820];
	_ =	sdelay $0x4  }
0xd8: {  	[tilespmem:s16+$0xFFFFF3B0] =	vst v16  }
0xd9: {  	v16 =	vld [tilespmem:s18+$0x830];
	_ =	sdelay $0x4  }
0xda: {  	[tilespmem:s16+$0xFFFFF3C0] =	vst v16  }
0xdb: {  	v16 =	vld [tilespmem:s18+$0x840];
	_ =	sdelay $0x4  }
0xdc: {  	[tilespmem:s16+$0xFFFFF3D0] =	vst v16  }
0xdd: {  	v16 =	vld [tilespmem:s18+$0x850];
	_ =	sdelay $0x4  }
0xde: {  	[tilespmem:s16+$0xFFFFF3E0] =	vst v16  }
0xdf: {  	v16 =	vld [tilespmem:s18+$0x860];
	_ =	sdelay $0x4  }
0xe0: {  	[tilespmem:s16+$0xFFFFF3F0] =	vst v16  }
0xe1: {  	v16 =	vld [tilespmem:s18+$0x870];
	_ =	sdelay $0x4  }
0xe2: {  	[tilespmem:s16+$0xFFFFF400] =	vst v16  }
0xe3: {  	v16 =	vld [tilespmem:s18+$0x880];
	_ =	sdelay $0x4  }
0xe4: {  	[tilespmem:s16+$0xFFFFF790] =	vst v16  }
0xe5: {  	v16 =	vld [tilespmem:s18+$0x890];
	_ =	sdelay $0x4  }
0xe6: {  	[tilespmem:s16+$0xFFFFF7A0] =	vst v16  }
0xe7: {  	v16 =	vld [tilespmem:s18+$0x8A0];
	_ =	sdelay $0x4  }
0xe8: {  	[tilespmem:s16+$0xFFFFF7B0] =	vst v16  }
0xe9: {  	v16 =	vld [tilespmem:s18+$0x8B0];
	_ =	sdelay $0x4  }
0xea: {  	[tilespmem:s16+$0xFFFFF7C0] =	vst v16  }
0xeb: {  	v16 =	vld [tilespmem:s18+$0x8C0];
	_ =	sdelay $0x4  }
0xec: {  	[tilespmem:s16+$0xFFFFF7D0] =	vst v16  }
0xed: {  	v16 =	vld [tilespmem:s18+$0x8D0];
	_ =	sdelay $0x4  }
0xee: {  	[tilespmem:s16+$0xFFFFF7E0] =	vst v16  }
0xef: {  	v16 =	vld [tilespmem:s18+$0x8E0];
	_ =	sdelay $0x4  }
0xf0: {  	[tilespmem:s16+$0xFFFFF7F0] =	vst v16  }
0xf1: {  	v16 =	vld [tilespmem:s18+$0x8F0];
	[tilespmem:s16+$0xFFFFFB90] =	vst v7  }
0xf2: {  	[tilespmem:s16+$0xFFFFFBA0] =	vst v8  }
0xf3: {  	[tilespmem:s16+$0xFFFFFBB0] =	vst v9  }
0xf4: {  	[tilespmem:s16+$0xFFFFFBC0] =	vst v10  }
0xf5: {  	[tilespmem:s16+$0xFFFFFBD0] =	vst v11  }
0xf6: {  	[tilespmem:s16+$0xFFFFFBE0] =	vst v0  }
0xf7: {  	[tilespmem:s16+$0xFFFFFBF0] =	vst v1  }
0xf8: {  	[tilespmem:s16+$0xFFFFFC00] =	vst v2  }
0xf9: {  	[tilespmem:s16+$0xFFFFFF90] =	vst v3  }
0xfa: {  	[tilespmem:s16+$0xFFFFFFA0] =	vst v4  }
0xfb: {  	[tilespmem:s16+$0xFFFFFFB0] =	vst v5  }
0xfc: {  	[tilespmem:s16+$0xFFFFFFC0] =	vst v6  }
0xfd: {  	[tilespmem:s16+$0xFFFFFFD0] =	vst v12  }
0xfe: {  	[tilespmem:s16+$0xFFFFFFE0] =	vst v13  }
0xff: {  	[tilespmem:s16+$0xFFFFFFF0] =	vst v14  }
0x100: {  	[tilespmem:s16+$0x0] =	vst v15  }
0x101: {  	s17 =	simm.s32 $0x100;
	s18 =	simm.s32 $0x800;
	[tilespmem:s16+$0xFFFFF800] =	vst v16  }
.LBB2_4:
0x102: {  	p0 =	sne.s32 s18, $0x1C00;
	v16 =	vld [tilespmem:s17+$0x800];
	_ =	sdelay $0x3  }
0x103: {  	s16 =	sadd.s32 $0x80, s16  }
0x104: {  	[tilespmem:s16+$0xFFFFF390] =	vst v16  }
0x105: {  	v16 =	vld [tilespmem:s17+$0x810];
	_ =	sdelay $0x4  }
0x106: {  	[tilespmem:s16+$0xFFFFF3A0] =	vst v16  }
0x107: {  	v16 =	vld [tilespmem:s17+$0x820];
	_ =	sdelay $0x4  }
0x108: {  	[tilespmem:s16+$0xFFFFF3B0] =	vst v16  }
0x109: {  	v16 =	vld [tilespmem:s17+$0x830];
	_ =	sdelay $0x4  }
0x10a: {  	[tilespmem:s16+$0xFFFFF3C0] =	vst v16  }
0x10b: {  	v16 =	vld [tilespmem:s17+$0x840];
	_ =	sdelay $0x4  }
0x10c: {  	[tilespmem:s16+$0xFFFFF3D0] =	vst v16  }
0x10d: {  	v16 =	vld [tilespmem:s17+$0x850];
	_ =	sdelay $0x4  }
0x10e: {  	[tilespmem:s16+$0xFFFFF3E0] =	vst v16  }
0x10f: {  	v16 =	vld [tilespmem:s17+$0x860];
	_ =	sdelay $0x4  }
0x110: {  	[tilespmem:s16+$0xFFFFF3F0] =	vst v16  }
0x111: {  	v16 =	vld [tilespmem:s17+$0x870];
	_ =	sdelay $0x4  }
0x112: {  	[tilespmem:s16+$0xFFFFF400] =	vst v16  }
0x113: {  	v16 =	vld [tilespmem:s17+$0x880];
	_ =	sdelay $0x4  }
0x114: {  	[tilespmem:s16+$0xFFFFF790] =	vst v16  }
0x115: {  	v16 =	vld [tilespmem:s17+$0x890];
	_ =	sdelay $0x4  }
0x116: {  	[tilespmem:s16+$0xFFFFF7A0] =	vst v16  }
0x117: {  	v16 =	vld [tilespmem:s17+$0x8A0];
	_ =	sdelay $0x4  }
0x118: {  	[tilespmem:s16+$0xFFFFF7B0] =	vst v16  }
0x119: {  	v16 =	vld [tilespmem:s17+$0x8B0];
	_ =	sdelay $0x4  }
0x11a: {  	[tilespmem:s16+$0xFFFFF7C0] =	vst v16  }
0x11b: {  	v16 =	vld [tilespmem:s17+$0x8C0];
	_ =	sdelay $0x4  }
0x11c: {  	[tilespmem:s16+$0xFFFFF7D0] =	vst v16  }
0x11d: {  	v16 =	vld [tilespmem:s17+$0x8D0];
	_ =	sdelay $0x4  }
0x11e: {  	[tilespmem:s16+$0xFFFFF7E0] =	vst v16  }
0x11f: {  	v16 =	vld [tilespmem:s17+$0x8E0];
	_ =	sdelay $0x4  }
0x120: {  	[tilespmem:s16+$0xFFFFF7F0] =	vst v16  }
0x121: {  	v16 =	vld [tilespmem:s17+$0x8F0];
	[tilespmem:s16+$0xFFFFFB90] =	vst v7  }
0x122: {  	[tilespmem:s16+$0xFFFFFBA0] =	vst v8  }
0x123: {  	[tilespmem:s16+$0xFFFFFBB0] =	vst v9  }
0x124: {  	[tilespmem:s16+$0xFFFFFBC0] =	vst v10  }
0x125: {  	[tilespmem:s16+$0xFFFFFBD0] =	vst v11  }
0x126: {  	[tilespmem:s16+$0xFFFFF800] =	vst v16  }
0x127: {  	[tilespmem:s16+$0xFFFFFBE0] =	vst v0  }
0x128: {  	[tilespmem:s16+$0xFFFFFBF0] =	vst v1  }
0x129: {  	[tilespmem:s16+$0xFFFFFC00] =	vst v2  }
0x12a: {  	[tilespmem:s16+$0xFFFFFF90] =	vst v3  }
0x12b: {  	[tilespmem:s16+$0xFFFFFFA0] =	vst v4  }
0x12c: {  	[tilespmem:s16+$0xFFFFFFB0] =	vst v5  }
.Ltmp1:
0x12d: {  	[tilespmem:s16+$0xFFFFFFC0] =	vst v6;
	(pc) =	sbr.rel @p0 .LBB2_4-.Ltmp1, $4  }
0x12e: {  	[tilespmem:s16+$0xFFFFFFD0] =	vst v12  }
0x12f: {  	[tilespmem:s16+$0xFFFFFFE0] =	vst v13  }
0x130: {  	[tilespmem:s16+$0xFFFFFFF0] =	vst v14  }
0x131: {  	s17 =	sshra.s32 s18, $0x2;
	s18 =	sadd.s32 $0x400, s18;
	[tilespmem:s16+$0x0] =	vst v15  }
0x132: {  	v16 =	vld [tilespmem:s17+$0x800];
	_ =	sdelay $0x3  }
0x133: {  	s16 =	sadd.s32 $0x80, s16  }
0x134: {  	[tilespmem:s16+$0xFFFFF390] =	vst v16  }
0x135: {  	v16 =	vld [tilespmem:s17+$0x810];
	_ =	sdelay $0x4  }
0x136: {  	[tilespmem:s16+$0xFFFFF3A0] =	vst v16  }
0x137: {  	v16 =	vld [tilespmem:s17+$0x820];
	_ =	sdelay $0x4  }
0x138: {  	[tilespmem:s16+$0xFFFFF3B0] =	vst v16  }
0x139: {  	v16 =	vld [tilespmem:s17+$0x830];
	_ =	sdelay $0x4  }
0x13a: {  	[tilespmem:s16+$0xFFFFF3C0] =	vst v16  }
0x13b: {  	v16 =	vld [tilespmem:s17+$0x840];
	_ =	sdelay $0x4  }
0x13c: {  	[tilespmem:s16+$0xFFFFF3D0] =	vst v16  }
0x13d: {  	v16 =	vld [tilespmem:s17+$0x850];
	_ =	sdelay $0x4  }
0x13e: {  	[tilespmem:s16+$0xFFFFF3E0] =	vst v16  }
0x13f: {  	v16 =	vld [tilespmem:s17+$0x860];
	_ =	sdelay $0x4  }
0x140: {  	[tilespmem:s16+$0xFFFFF3F0] =	vst v16  }
0x141: {  	v16 =	vld [tilespmem:s17+$0x870];
	_ =	sdelay $0x4  }
0x142: {  	[tilespmem:s16+$0xFFFFF400] =	vst v16  }
0x143: {  	v16 =	vld [tilespmem:s17+$0x880];
	_ =	sdelay $0x4  }
0x144: {  	[tilespmem:s16+$0xFFFFF790] =	vst v16  }
0x145: {  	v16 =	vld [tilespmem:s17+$0x890];
	_ =	sdelay $0x4  }
0x146: {  	[tilespmem:s16+$0xFFFFF7A0] =	vst v16  }
0x147: {  	v16 =	vld [tilespmem:s17+$0x8A0];
	_ =	sdelay $0x4  }
0x148: {  	[tilespmem:s16+$0xFFFFF7B0] =	vst v16  }
0x149: {  	v16 =	vld [tilespmem:s17+$0x8B0];
	_ =	sdelay $0x4  }
0x14a: {  	[tilespmem:s16+$0xFFFFF7C0] =	vst v16  }
0x14b: {  	v16 =	vld [tilespmem:s17+$0x8C0];
	_ =	sdelay $0x4  }
0x14c: {  	[tilespmem:s16+$0xFFFFF7D0] =	vst v16  }
0x14d: {  	v16 =	vld [tilespmem:s17+$0x8D0];
	_ =	sdelay $0x4  }
0x14e: {  	[tilespmem:s16+$0xFFFFF7E0] =	vst v16  }
0x14f: {  	v16 =	vld [tilespmem:s17+$0x8E0];
	_ =	sdelay $0x4  }
0x150: {  	[tilespmem:s16+$0xFFFFF7F0] =	vst v16  }
0x151: {  	v16 =	vld [tilespmem:s17+$0x8F0];
	[tilespmem:s16+$0xFFFFFB90] =	vst v7  }
0x152: {  	[tilespmem:s16+$0xFFFFFBA0] =	vst v8  }
0x153: {  	[tilespmem:s16+$0xFFFFFBB0] =	vst v9  }
0x154: {  	[tilespmem:s16+$0xFFFFFBC0] =	vst v10  }
0x155: {  	[tilespmem:s16+$0xFFFFFBD0] =	vst v11  }
0x156: {  	[tilespmem:s16+$0xFFFFFBE0] =	vst v0  }
0x157: {  	[tilespmem:s16+$0xFFFFFBF0] =	vst v1  }
0x158: {  	[tilespmem:s16+$0xFFFFFC00] =	vst v2  }
0x159: {  	[tilespmem:s16+$0xFFFFFF90] =	vst v3  }
0x15a: {  	[tilespmem:s16+$0xFFFFFFA0] =	vst v4  }
0x15b: {  	[tilespmem:s16+$0xFFFFFFB0] =	vst v5  }
0x15c: {  	[tilespmem:s16+$0xFFFFFFC0] =	vst v6  }
0x15d: {  	[tilespmem:s16+$0xFFFFFFD0] =	vst v12  }
0x15e: {  	[tilespmem:s16+$0xFFFFFFE0] =	vst v13  }
0x15f: {  	[tilespmem:s16+$0xFFFFFFF0] =	vst v14  }
0x160: {  	[tilespmem:s16+$0x0] =	vst v15  }
0x161: {  	s18 =	rddreg [dreg:$0xc];
	[tilespmem:s16+$0xFFFFF800] =	vst v16;
	s16 =	simm.s32 $0x0  }
0x162: {  	[hbm4b:s18+s16] =	stream.linear.scatter [tilespmem:s11], [sflag:$0x1], $0x1000, $0x38;
	[tilespmem:$0x6100] =	vst v63  }
0x163: {  	s18 =	rddreg [dreg:$0xd]  }
0x164: {  	[hbm4b:s18+s16] =	stream.linear.scatter [tilespmem:s11], [sflag:$0x1], $0x1000, $0x38;
	[tilespmem:$0x6100] =	vst v63  }
0x165: {  	s18 =	rddreg [dreg:$0xe]  }
0x166: {  	[hbm4b:s18+s16] =	stream.linear.scatter [tilespmem:s11], [sflag:$0x1], $0x1000, $0x38;
	[tilespmem:$0x6100] =	vst v63  }
0x167: {  	s18 =	rddreg [dreg:$0xf]  }
0x168: {  	[hbm4b:s18+s16] =	stream.linear.scatter [tilespmem:s11], [sflag:$0x1], $0x1000, $0x38;
	[tilespmem:$0x6100] =	vst v63  }
0x169: {  	s18 =	rddreg [dreg:$0x10]  }
0x16a: {  	[hbm4b:s18+s16] =	stream.linear.scatter [tilespmem:s11], [sflag:$0x1], $0x1000, $0x38;
	[tilespmem:$0x6100] =	vst v63  }
0x16b: {  	s18 =	rddreg [dreg:$0x11]  }
0x16c: {  	[hbm4b:s18+s16] =	stream.linear.scatter [tilespmem:s11], [sflag:$0x1], $0x1000, $0x38;
	[tilespmem:$0x6100] =	vst v63  }
0x16d: {  	_ = 	snop  }
0x16e: {  	[hbm4b:s19+s16] =	stream.linear.scatter [tilespmem:s11], [sflag:$0x1], $0x1000, $0x38;
	[tilespmem:$0x6100] =	vst v63  }
0x16f: {  	s18 =	simm.s32 $0x0  }
0x170: {  	[hbm4b:s20+s16] =	stream.linear.scatter [tilespmem:s11], [sflag:$0x1], $0x1000, $0x38;
	[tilespmem:$0x6100] =	vst v63  }
0x171: {  	v16 =	vld [tilespmem:s18+$0x1000];
	_ =	sdelay $0x3  }
0x172: {  	s16 =	simm.s32 $0x4D70  }
0x173: {  	[tilespmem:s16+$0xFFFFF390] =	vst v16  }
0x174: {  	v16 =	vld [tilespmem:s18+$0x1010];
	_ =	sdelay $0x4  }
0x175: {  	[tilespmem:s16+$0xFFFFF3A0] =	vst v16  }
0x176: {  	v16 =	vld [tilespmem:s18+$0x1020];
	_ =	sdelay $0x4  }
0x177: {  	[tilespmem:s16+$0xFFFFF3B0] =	vst v16  }
0x178: {  	v16 =	vld [tilespmem:s18+$0x1030];
	_ =	sdelay $0x4  }
0x179: {  	[tilespmem:s16+$0xFFFFF3C0] =	vst v16  }
0x17a: {  	v16 =	vld [tilespmem:s18+$0x1040];
	_ =	sdelay $0x4  }
0x17b: {  	[tilespmem:s16+$0xFFFFF3D0] =	vst v16  }
0x17c: {  	v16 =	vld [tilespmem:s18+$0x1050];
	_ =	sdelay $0x4  }
0x17d: {  	[tilespmem:s16+$0xFFFFF3E0] =	vst v16  }
0x17e: {  	v16 =	vld [tilespmem:s18+$0x1060];
	_ =	sdelay $0x4  }
0x17f: {  	[tilespmem:s16+$0xFFFFF3F0] =	vst v16  }
0x180: {  	v16 =	vld [tilespmem:s18+$0x1070];
	_ =	sdelay $0x4  }
0x181: {  	[tilespmem:s16+$0xFFFFF400] =	vst v16  }
0x182: {  	v16 =	vld [tilespmem:s18+$0x1080];
	_ =	sdelay $0x4  }
0x183: {  	[tilespmem:s16+$0xFFFFF790] =	vst v16  }
0x184: {  	v16 =	vld [tilespmem:s18+$0x1090];
	_ =	sdelay $0x4  }
0x185: {  	[tilespmem:s16+$0xFFFFF7A0] =	vst v16  }
0x186: {  	v16 =	vld [tilespmem:s18+$0x10A0];
	_ =	sdelay $0x4  }
0x187: {  	[tilespmem:s16+$0xFFFFF7B0] =	vst v16  }
0x188: {  	v16 =	vld [tilespmem:s18+$0x10B0];
	_ =	sdelay $0x4  }
0x189: {  	[tilespmem:s16+$0xFFFFF7C0] =	vst v16  }
0x18a: {  	v16 =	vld [tilespmem:s18+$0x10C0];
	_ =	sdelay $0x4  }
0x18b: {  	[tilespmem:s16+$0xFFFFF7D0] =	vst v16  }
0x18c: {  	v16 =	vld [tilespmem:s18+$0x10D0];
	_ =	sdelay $0x4  }
0x18d: {  	[tilespmem:s16+$0xFFFFF7E0] =	vst v16  }
0x18e: {  	v16 =	vld [tilespmem:s18+$0x10E0];
	_ =	sdelay $0x4  }
0x18f: {  	[tilespmem:s16+$0xFFFFF7F0] =	vst v16  }
0x190: {  	v16 =	vld [tilespmem:s18+$0x10F0];
	[tilespmem:s16+$0xFFFFFB90] =	vst v7  }
0x191: {  	[tilespmem:s16+$0xFFFFFBA0] =	vst v8  }
0x192: {  	[tilespmem:s16+$0xFFFFFBB0] =	vst v9  }
0x193: {  	[tilespmem:s16+$0xFFFFFBC0] =	vst v10  }
0x194: {  	[tilespmem:s16+$0xFFFFFBD0] =	vst v11  }
0x195: {  	[tilespmem:s16+$0xFFFFFBE0] =	vst v0  }
0x196: {  	[tilespmem:s16+$0xFFFFFBF0] =	vst v1  }
0x197: {  	[tilespmem:s16+$0xFFFFFC00] =	vst v2  }
0x198: {  	[tilespmem:s16+$0xFFFFFF90] =	vst v3  }
0x199: {  	[tilespmem:s16+$0xFFFFFFA0] =	vst v4  }
0x19a: {  	[tilespmem:s16+$0xFFFFFFB0] =	vst v5  }
0x19b: {  	[tilespmem:s16+$0xFFFFFFC0] =	vst v6  }
0x19c: {  	[tilespmem:s16+$0xFFFFFFD0] =	vst v12  }
0x19d: {  	[tilespmem:s16+$0xFFFFFFE0] =	vst v13  }
0x19e: {  	[tilespmem:s16+$0xFFFFFFF0] =	vst v14  }
0x19f: {  	[tilespmem:s16+$0x0] =	vst v15  }
0x1a0: {  	s17 =	simm.s32 $0x100;
	s18 =	simm.s32 $0x800;
	[tilespmem:s16+$0xFFFFF800] =	vst v16  }
.LBB2_6:
0x1a1: {  	p0 =	sne.s32 s18, $0x1C00;
	v16 =	vld [tilespmem:s17+$0x1000];
	_ =	sdelay $0x3  }
0x1a2: {  	s16 =	sadd.s32 $0x80, s16  }
0x1a3: {  	[tilespmem:s16+$0xFFFFF390] =	vst v16  }
0x1a4: {  	v16 =	vld [tilespmem:s17+$0x1010];
	_ =	sdelay $0x4  }
0x1a5: {  	[tilespmem:s16+$0xFFFFF3A0] =	vst v16  }
0x1a6: {  	v16 =	vld [tilespmem:s17+$0x1020];
	_ =	sdelay $0x4  }
0x1a7: {  	[tilespmem:s16+$0xFFFFF3B0] =	vst v16  }
0x1a8: {  	v16 =	vld [tilespmem:s17+$0x1030];
	_ =	sdelay $0x4  }
0x1a9: {  	[tilespmem:s16+$0xFFFFF3C0] =	vst v16  }
0x1aa: {  	v16 =	vld [tilespmem:s17+$0x1040];
	_ =	sdelay $0x4  }
0x1ab: {  	[tilespmem:s16+$0xFFFFF3D0] =	vst v16  }
0x1ac: {  	v16 =	vld [tilespmem:s17+$0x1050];
	_ =	sdelay $0x4  }
0x1ad: {  	[tilespmem:s16+$0xFFFFF3E0] =	vst v16  }
0x1ae: {  	v16 =	vld [tilespmem:s17+$0x1060];
	_ =	sdelay $0x4  }
0x1af: {  	[tilespmem:s16+$0xFFFFF3F0] =	vst v16  }
0x1b0: {  	v16 =	vld [tilespmem:s17+$0x1070];
	_ =	sdelay $0x4  }
0x1b1: {  	[tilespmem:s16+$0xFFFFF400] =	vst v16  }
0x1b2: {  	v16 =	vld [tilespmem:s17+$0x1080];
	_ =	sdelay $0x4  }
0x1b3: {  	[tilespmem:s16+$0xFFFFF790] =	vst v16  }
0x1b4: {  	v16 =	vld [tilespmem:s17+$0x1090];
	_ =	sdelay $0x4  }
0x1b5: {  	[tilespmem:s16+$0xFFFFF7A0] =	vst v16  }
0x1b6: {  	v16 =	vld [tilespmem:s17+$0x10A0];
	_ =	sdelay $0x4  }
0x1b7: {  	[tilespmem:s16+$0xFFFFF7B0] =	vst v16  }
0x1b8: {  	v16 =	vld [tilespmem:s17+$0x10B0];
	_ =	sdelay $0x4  }
0x1b9: {  	[tilespmem:s16+$0xFFFFF7C0] =	vst v16  }
0x1ba: {  	v16 =	vld [tilespmem:s17+$0x10C0];
	_ =	sdelay $0x4  }
0x1bb: {  	[tilespmem:s16+$0xFFFFF7D0] =	vst v16  }
0x1bc: {  	v16 =	vld [tilespmem:s17+$0x10D0];
	_ =	sdelay $0x4  }
0x1bd: {  	[tilespmem:s16+$0xFFFFF7E0] =	vst v16  }
0x1be: {  	v16 =	vld [tilespmem:s17+$0x10E0];
	_ =	sdelay $0x4  }
0x1bf: {  	[tilespmem:s16+$0xFFFFF7F0] =	vst v16  }
0x1c0: {  	v16 =	vld [tilespmem:s17+$0x10F0];
	[tilespmem:s16+$0xFFFFFB90] =	vst v7  }
0x1c1: {  	[tilespmem:s16+$0xFFFFFBA0] =	vst v8  }
0x1c2: {  	[tilespmem:s16+$0xFFFFFBB0] =	vst v9  }
0x1c3: {  	[tilespmem:s16+$0xFFFFFBC0] =	vst v10  }
0x1c4: {  	[tilespmem:s16+$0xFFFFFBD0] =	vst v11  }
0x1c5: {  	[tilespmem:s16+$0xFFFFF800] =	vst v16  }
0x1c6: {  	[tilespmem:s16+$0xFFFFFBE0] =	vst v0  }
0x1c7: {  	[tilespmem:s16+$0xFFFFFBF0] =	vst v1  }
0x1c8: {  	[tilespmem:s16+$0xFFFFFC00] =	vst v2  }
0x1c9: {  	[tilespmem:s16+$0xFFFFFF90] =	vst v3  }
0x1ca: {  	[tilespmem:s16+$0xFFFFFFA0] =	vst v4  }
0x1cb: {  	[tilespmem:s16+$0xFFFFFFB0] =	vst v5  }
.Ltmp2:
0x1cc: {  	[tilespmem:s16+$0xFFFFFFC0] =	vst v6;
	(pc) =	sbr.rel @p0 .LBB2_6-.Ltmp2, $4  }
0x1cd: {  	[tilespmem:s16+$0xFFFFFFD0] =	vst v12  }
0x1ce: {  	[tilespmem:s16+$0xFFFFFFE0] =	vst v13  }
0x1cf: {  	[tilespmem:s16+$0xFFFFFFF0] =	vst v14  }
0x1d0: {  	s17 =	sshra.s32 s18, $0x2;
	s18 =	sadd.s32 $0x400, s18;
	[tilespmem:s16+$0x0] =	vst v15  }
0x1d1: {  	v16 =	vld [tilespmem:s17+$0x1000];
	_ =	sdelay $0x3  }
0x1d2: {  	s16 =	sadd.s32 $0x80, s16  }
0x1d3: {  	[tilespmem:s16+$0xFFFFF390] =	vst v16  }
0x1d4: {  	v16 =	vld [tilespmem:s17+$0x1010];
	_ =	sdelay $0x4  }
0x1d5: {  	[tilespmem:s16+$0xFFFFF3A0] =	vst v16  }
0x1d6: {  	v16 =	vld [tilespmem:s17+$0x1020];
	_ =	sdelay $0x4  }
0x1d7: {  	[tilespmem:s16+$0xFFFFF3B0] =	vst v16  }
0x1d8: {  	v16 =	vld [tilespmem:s17+$0x1030];
	_ =	sdelay $0x4  }
0x1d9: {  	[tilespmem:s16+$0xFFFFF3C0] =	vst v16  }
0x1da: {  	v16 =	vld [tilespmem:s17+$0x1040];
	_ =	sdelay $0x4  }
0x1db: {  	[tilespmem:s16+$0xFFFFF3D0] =	vst v16  }
0x1dc: {  	v16 =	vld [tilespmem:s17+$0x1050];
	_ =	sdelay $0x4  }
0x1dd: {  	[tilespmem:s16+$0xFFFFF3E0] =	vst v16  }
0x1de: {  	v16 =	vld [tilespmem:s17+$0x1060];
	_ =	sdelay $0x4  }
0x1df: {  	[tilespmem:s16+$0xFFFFF3F0] =	vst v16  }
0x1e0: {  	v16 =	vld [tilespmem:s17+$0x1070];
	_ =	sdelay $0x4  }
0x1e1: {  	[tilespmem:s16+$0xFFFFF400] =	vst v16  }
0x1e2: {  	v16 =	vld [tilespmem:s17+$0x1080];
	_ =	sdelay $0x4  }
0x1e3: {  	[tilespmem:s16+$0xFFFFF790] =	vst v16  }
0x1e4: {  	v16 =	vld [tilespmem:s17+$0x1090];
	_ =	sdelay $0x4  }
0x1e5: {  	[tilespmem:s16+$0xFFFFF7A0] =	vst v16  }
0x1e6: {  	v16 =	vld [tilespmem:s17+$0x10A0];
	_ =	sdelay $0x4  }
0x1e7: {  	[tilespmem:s16+$0xFFFFF7B0] =	vst v16  }
0x1e8: {  	v16 =	vld [tilespmem:s17+$0x10B0];
	_ =	sdelay $0x4  }
0x1e9: {  	[tilespmem:s16+$0xFFFFF7C0] =	vst v16  }
0x1ea: {  	v16 =	vld [tilespmem:s17+$0x10C0];
	_ =	sdelay $0x4  }
0x1eb: {  	[tilespmem:s16+$0xFFFFF7D0] =	vst v16  }
0x1ec: {  	v16 =	vld [tilespmem:s17+$0x10D0];
	_ =	sdelay $0x4  }
0x1ed: {  	[tilespmem:s16+$0xFFFFF7E0] =	vst v16  }
0x1ee: {  	v16 =	vld [tilespmem:s17+$0x10E0];
	_ =	sdelay $0x4  }
0x1ef: {  	[tilespmem:s16+$0xFFFFF7F0] =	vst v16  }
0x1f0: {  	v16 =	vld [tilespmem:s17+$0x10F0];
	[tilespmem:s16+$0xFFFFFB90] =	vst v7  }
0x1f1: {  	[tilespmem:s16+$0xFFFFFBA0] =	vst v8  }
0x1f2: {  	[tilespmem:s16+$0xFFFFFBB0] =	vst v9  }
0x1f3: {  	[tilespmem:s16+$0xFFFFFBC0] =	vst v10  }
0x1f4: {  	[tilespmem:s16+$0xFFFFFBD0] =	vst v11  }
0x1f5: {  	[tilespmem:s16+$0xFFFFFBE0] =	vst v0  }
0x1f6: {  	[tilespmem:s16+$0xFFFFFBF0] =	vst v1  }
0x1f7: {  	[tilespmem:s16+$0xFFFFFC00] =	vst v2  }
0x1f8: {  	[tilespmem:s16+$0xFFFFFF90] =	vst v3  }
0x1f9: {  	[tilespmem:s16+$0xFFFFFFA0] =	vst v4  }
0x1fa: {  	[tilespmem:s16+$0xFFFFFFB0] =	vst v5  }
0x1fb: {  	[tilespmem:s16+$0xFFFFFFC0] =	vst v6  }
0x1fc: {  	[tilespmem:s16+$0xFFFFFFD0] =	vst v12  }
0x1fd: {  	[tilespmem:s16+$0xFFFFFFE0] =	vst v13  }
0x1fe: {  	[tilespmem:s16+$0xFFFFFFF0] =	vst v14  }
0x1ff: {  	[tilespmem:s16+$0x0] =	vst v15  }
0x200: {  	s17 =	simm.s32 $0x0;
	[tilespmem:s16+$0xFFFFF800] =	vst v16  }
0x201: {  	[hbm4b:s21+s17] =	stream.linear.scatter [tilespmem:s12], [sflag:$0x1], $0x1000, $0x38;
	[tilespmem:$0x6100] =	vst v63  }
0x202: {  	_ = 	snop  }
0x203: {  	[hbm4b:s22+s17] =	stream.linear.scatter [tilespmem:s12], [sflag:$0x1], $0x1000, $0x38;
	[tilespmem:$0x6100] =	vst v63  }
0x204: {  	_ = 	snop  }
0x205: {  	[hbm4b:s23+s17] =	stream.linear.scatter [tilespmem:s12], [sflag:$0x1], $0x1000, $0x38;
	[tilespmem:$0x6100] =	vst v63  }
0x206: {  	_ = 	snop  }
0x207: {  	[hbm4b:s24+s17] =	stream.linear.scatter [tilespmem:s12], [sflag:$0x1], $0x1000, $0x38;
	[tilespmem:$0x6100] =	vst v63  }
0x208: {  	_ = 	snop  }
0x209: {  	[hbm4b:s26+s17] =	stream.linear.scatter [tilespmem:s12], [sflag:$0x1], $0x1000, $0x38;
	[tilespmem:$0x6100] =	vst v63  }
0x20a: {  	_ = 	snop  }
0x20b: {  	[hbm4b:s28+s17] =	stream.linear.scatter [tilespmem:s12], [sflag:$0x1], $0x1000, $0x38;
	[tilespmem:$0x6100] =	vst v63  }
0x20c: {  	_ = 	snop  }
0x20d: {  	[hbm4b:s29+s17] =	stream.linear.scatter [tilespmem:s12], [sflag:$0x1], $0x1000, $0x38;
	[tilespmem:$0x6100] =	vst v63  }
0x20e: {  	s18 =	simm.s32 $0x0  }
0x20f: {  	[hbm4b:s30+s17] =	stream.linear.scatter [tilespmem:s12], [sflag:$0x1], $0x1000, $0x38;
	[tilespmem:$0x6100] =	vst v63  }
0x210: {  	v16 =	vld [tilespmem:s18+$0x1800];
	_ =	sdelay $0x3  }
0x211: {  	s16 =	simm.s32 $0x5D70  }
0x212: {  	[tilespmem:s16+$0xFFFFF390] =	vst v16  }
0x213: {  	v16 =	vld [tilespmem:s18+$0x1810];
	_ =	sdelay $0x4  }
0x214: {  	[tilespmem:s16+$0xFFFFF3A0] =	vst v16  }
0x215: {  	v16 =	vld [tilespmem:s18+$0x1820];
	_ =	sdelay $0x4  }
0x216: {  	[tilespmem:s16+$0xFFFFF3B0] =	vst v16  }
0x217: {  	v16 =	vld [tilespmem:s18+$0x1830];
	_ =	sdelay $0x4  }
0x218: {  	[tilespmem:s16+$0xFFFFF3C0] =	vst v16  }
0x219: {  	v16 =	vld [tilespmem:s18+$0x1840];
	_ =	sdelay $0x4  }
0x21a: {  	[tilespmem:s16+$0xFFFFF3D0] =	vst v16  }
0x21b: {  	v16 =	vld [tilespmem:s18+$0x1850];
	_ =	sdelay $0x4  }
0x21c: {  	[tilespmem:s16+$0xFFFFF3E0] =	vst v16  }
0x21d: {  	v16 =	vld [tilespmem:s18+$0x1860];
	_ =	sdelay $0x4  }
0x21e: {  	[tilespmem:s16+$0xFFFFF3F0] =	vst v16  }
0x21f: {  	v16 =	vld [tilespmem:s18+$0x1870];
	_ =	sdelay $0x4  }
0x220: {  	[tilespmem:s16+$0xFFFFF400] =	vst v16  }
0x221: {  	v16 =	vld [tilespmem:s18+$0x1880];
	_ =	sdelay $0x4  }
0x222: {  	[tilespmem:s16+$0xFFFFF790] =	vst v16  }
0x223: {  	v16 =	vld [tilespmem:s18+$0x1890];
	_ =	sdelay $0x4  }
0x224: {  	[tilespmem:s16+$0xFFFFF7A0] =	vst v16  }
0x225: {  	v16 =	vld [tilespmem:s18+$0x18A0];
	_ =	sdelay $0x4  }
0x226: {  	[tilespmem:s16+$0xFFFFF7B0] =	vst v16  }
0x227: {  	v16 =	vld [tilespmem:s18+$0x18B0];
	_ =	sdelay $0x4  }
0x228: {  	[tilespmem:s16+$0xFFFFF7C0] =	vst v16  }
0x229: {  	v16 =	vld [tilespmem:s18+$0x18C0];
	_ =	sdelay $0x4  }
0x22a: {  	[tilespmem:s16+$0xFFFFF7D0] =	vst v16  }
0x22b: {  	v16 =	vld [tilespmem:s18+$0x18D0];
	_ =	sdelay $0x4  }
0x22c: {  	[tilespmem:s16+$0xFFFFF7E0] =	vst v16  }
0x22d: {  	v16 =	vld [tilespmem:s18+$0x18E0];
	_ =	sdelay $0x4  }
0x22e: {  	[tilespmem:s16+$0xFFFFF7F0] =	vst v16  }
0x22f: {  	v16 =	vld [tilespmem:s18+$0x18F0];
	[tilespmem:s16+$0xFFFFFB90] =	vst v7  }
0x230: {  	[tilespmem:s16+$0xFFFFFBA0] =	vst v8  }
0x231: {  	[tilespmem:s16+$0xFFFFFBB0] =	vst v9  }
0x232: {  	[tilespmem:s16+$0xFFFFFBC0] =	vst v10  }
0x233: {  	[tilespmem:s16+$0xFFFFFBD0] =	vst v11  }
0x234: {  	[tilespmem:s16+$0xFFFFFBE0] =	vst v0  }
0x235: {  	[tilespmem:s16+$0xFFFFFBF0] =	vst v1  }
0x236: {  	[tilespmem:s16+$0xFFFFFC00] =	vst v2  }
0x237: {  	[tilespmem:s16+$0xFFFFFF90] =	vst v3  }
0x238: {  	[tilespmem:s16+$0xFFFFFFA0] =	vst v4  }
0x239: {  	[tilespmem:s16+$0xFFFFFFB0] =	vst v5  }
0x23a: {  	[tilespmem:s16+$0xFFFFFFC0] =	vst v6  }
0x23b: {  	[tilespmem:s16+$0xFFFFFFD0] =	vst v12  }
0x23c: {  	[tilespmem:s16+$0xFFFFFFE0] =	vst v13  }
0x23d: {  	[tilespmem:s16+$0xFFFFFFF0] =	vst v14  }
0x23e: {  	[tilespmem:s16+$0x0] =	vst v15  }
0x23f: {  	s17 =	simm.s32 $0x100;
	s18 =	simm.s32 $0x800;
	[tilespmem:s16+$0xFFFFF800] =	vst v16  }
.LBB2_8:
0x240: {  	p0 =	sne.s32 s18, $0x1C00;
	v16 =	vld [tilespmem:s17+$0x1800];
	_ =	sdelay $0x3  }
0x241: {  	s16 =	sadd.s32 $0x80, s16  }
0x242: {  	[tilespmem:s16+$0xFFFFF390] =	vst v16  }
0x243: {  	v16 =	vld [tilespmem:s17+$0x1810];
	_ =	sdelay $0x4  }
0x244: {  	[tilespmem:s16+$0xFFFFF3A0] =	vst v16  }
0x245: {  	v16 =	vld [tilespmem:s17+$0x1820];
	_ =	sdelay $0x4  }
0x246: {  	[tilespmem:s16+$0xFFFFF3B0] =	vst v16  }
0x247: {  	v16 =	vld [tilespmem:s17+$0x1830];
	_ =	sdelay $0x4  }
0x248: {  	[tilespmem:s16+$0xFFFFF3C0] =	vst v16  }
0x249: {  	v16 =	vld [tilespmem:s17+$0x1840];
	_ =	sdelay $0x4  }
0x24a: {  	[tilespmem:s16+$0xFFFFF3D0] =	vst v16  }
0x24b: {  	v16 =	vld [tilespmem:s17+$0x1850];
	_ =	sdelay $0x4  }
0x24c: {  	[tilespmem:s16+$0xFFFFF3E0] =	vst v16  }
0x24d: {  	v16 =	vld [tilespmem:s17+$0x1860];
	_ =	sdelay $0x4  }
0x24e: {  	[tilespmem:s16+$0xFFFFF3F0] =	vst v16  }
0x24f: {  	v16 =	vld [tilespmem:s17+$0x1870];
	_ =	sdelay $0x4  }
0x250: {  	[tilespmem:s16+$0xFFFFF400] =	vst v16  }
0x251: {  	v16 =	vld [tilespmem:s17+$0x1880];
	_ =	sdelay $0x4  }
0x252: {  	[tilespmem:s16+$0xFFFFF790] =	vst v16  }
0x253: {  	v16 =	vld [tilespmem:s17+$0x1890];
	_ =	sdelay $0x4  }
0x254: {  	[tilespmem:s16+$0xFFFFF7A0] =	vst v16  }
0x255: {  	v16 =	vld [tilespmem:s17+$0x18A0];
	_ =	sdelay $0x4  }
0x256: {  	[tilespmem:s16+$0xFFFFF7B0] =	vst v16  }
0x257: {  	v16 =	vld [tilespmem:s17+$0x18B0];
	_ =	sdelay $0x4  }
0x258: {  	[tilespmem:s16+$0xFFFFF7C0] =	vst v16  }
0x259: {  	v16 =	vld [tilespmem:s17+$0x18C0];
	_ =	sdelay $0x4  }
0x25a: {  	[tilespmem:s16+$0xFFFFF7D0] =	vst v16  }
0x25b: {  	v16 =	vld [tilespmem:s17+$0x18D0];
	_ =	sdelay $0x4  }
0x25c: {  	[tilespmem:s16+$0xFFFFF7E0] =	vst v16  }
0x25d: {  	v16 =	vld [tilespmem:s17+$0x18E0];
	_ =	sdelay $0x4  }
0x25e: {  	[tilespmem:s16+$0xFFFFF7F0] =	vst v16  }
0x25f: {  	v16 =	vld [tilespmem:s17+$0x18F0];
	[tilespmem:s16+$0xFFFFFB90] =	vst v7  }
0x260: {  	[tilespmem:s16+$0xFFFFFBA0] =	vst v8  }
0x261: {  	[tilespmem:s16+$0xFFFFFBB0] =	vst v9  }
0x262: {  	[tilespmem:s16+$0xFFFFFBC0] =	vst v10  }
0x263: {  	[tilespmem:s16+$0xFFFFFBD0] =	vst v11  }
0x264: {  	[tilespmem:s16+$0xFFFFF800] =	vst v16  }
0x265: {  	[tilespmem:s16+$0xFFFFFBE0] =	vst v0  }
0x266: {  	[tilespmem:s16+$0xFFFFFBF0] =	vst v1  }
0x267: {  	[tilespmem:s16+$0xFFFFFC00] =	vst v2  }
0x268: {  	[tilespmem:s16+$0xFFFFFF90] =	vst v3  }
0x269: {  	[tilespmem:s16+$0xFFFFFFA0] =	vst v4  }
0x26a: {  	[tilespmem:s16+$0xFFFFFFB0] =	vst v5  }
.Ltmp3:
0x26b: {  	[tilespmem:s16+$0xFFFFFFC0] =	vst v6;
	(pc) =	sbr.rel @p0 .LBB2_8-.Ltmp3, $4  }
0x26c: {  	[tilespmem:s16+$0xFFFFFFD0] =	vst v12  }
0x26d: {  	[tilespmem:s16+$0xFFFFFFE0] =	vst v13  }
0x26e: {  	[tilespmem:s16+$0xFFFFFFF0] =	vst v14  }
0x26f: {  	s17 =	sshra.s32 s18, $0x2;
	s18 =	sadd.s32 $0x400, s18;
	[tilespmem:s16+$0x0] =	vst v15  }
0x270: {  	v16 =	vld [tilespmem:s17+$0x1800];
	_ =	sdelay $0x3  }
0x271: {  	s16 =	sadd.s32 $0x80, s16  }
0x272: {  	[tilespmem:s16+$0xFFFFF390] =	vst v16  }
0x273: {  	v16 =	vld [tilespmem:s17+$0x1810];
	_ =	sdelay $0x4  }
0x274: {  	[tilespmem:s16+$0xFFFFF3A0] =	vst v16  }
0x275: {  	v16 =	vld [tilespmem:s17+$0x1820];
	_ =	sdelay $0x4  }
0x276: {  	[tilespmem:s16+$0xFFFFF3B0] =	vst v16  }
0x277: {  	v16 =	vld [tilespmem:s17+$0x1830];
	_ =	sdelay $0x4  }
0x278: {  	[tilespmem:s16+$0xFFFFF3C0] =	vst v16  }
0x279: {  	v16 =	vld [tilespmem:s17+$0x1840];
	_ =	sdelay $0x4  }
0x27a: {  	[tilespmem:s16+$0xFFFFF3D0] =	vst v16  }
0x27b: {  	v16 =	vld [tilespmem:s17+$0x1850];
	_ =	sdelay $0x4  }
0x27c: {  	[tilespmem:s16+$0xFFFFF3E0] =	vst v16  }
0x27d: {  	v16 =	vld [tilespmem:s17+$0x1860];
	_ =	sdelay $0x4  }
0x27e: {  	[tilespmem:s16+$0xFFFFF3F0] =	vst v16  }
0x27f: {  	v16 =	vld [tilespmem:s17+$0x1870];
	_ =	sdelay $0x4  }
0x280: {  	[tilespmem:s16+$0xFFFFF400] =	vst v16  }
0x281: {  	v16 =	vld [tilespmem:s17+$0x1880];
	_ =	sdelay $0x4  }
0x282: {  	[tilespmem:s16+$0xFFFFF790] =	vst v16  }
0x283: {  	v16 =	vld [tilespmem:s17+$0x1890];
	_ =	sdelay $0x4  }
0x284: {  	[tilespmem:s16+$0xFFFFF7A0] =	vst v16  }
0x285: {  	v16 =	vld [tilespmem:s17+$0x18A0];
	_ =	sdelay $0x4  }
0x286: {  	[tilespmem:s16+$0xFFFFF7B0] =	vst v16  }
0x287: {  	v16 =	vld [tilespmem:s17+$0x18B0];
	_ =	sdelay $0x4  }
0x288: {  	[tilespmem:s16+$0xFFFFF7C0] =	vst v16  }
0x289: {  	v16 =	vld [tilespmem:s17+$0x18C0];
	_ =	sdelay $0x4  }
0x28a: {  	[tilespmem:s16+$0xFFFFF7D0] =	vst v16  }
0x28b: {  	v16 =	vld [tilespmem:s17+$0x18D0];
	_ =	sdelay $0x4  }
0x28c: {  	[tilespmem:s16+$0xFFFFF7E0] =	vst v16  }
0x28d: {  	v16 =	vld [tilespmem:s17+$0x18E0];
	_ =	sdelay $0x4  }
0x28e: {  	[tilespmem:s16+$0xFFFFF7F0] =	vst v16  }
0x28f: {  	v16 =	vld [tilespmem:s17+$0x18F0];
	[tilespmem:s16+$0xFFFFFB90] =	vst v7  }
0x290: {  	[tilespmem:s16+$0xFFFFFBA0] =	vst v8  }
0x291: {  	[tilespmem:s16+$0xFFFFFBB0] =	vst v9  }
0x292: {  	[tilespmem:s16+$0xFFFFFBC0] =	vst v10  }
0x293: {  	[tilespmem:s16+$0xFFFFFBD0] =	vst v11  }
0x294: {  	[tilespmem:s16+$0xFFFFFBE0] =	vst v0  }
0x295: {  	[tilespmem:s16+$0xFFFFFBF0] =	vst v1  }
0x296: {  	[tilespmem:s16+$0xFFFFFC00] =	vst v2  }
0x297: {  	[tilespmem:s16+$0xFFFFFF90] =	vst v3  }
0x298: {  	[tilespmem:s16+$0xFFFFFFA0] =	vst v4  }
0x299: {  	[tilespmem:s16+$0xFFFFFFB0] =	vst v5  }
0x29a: {  	[tilespmem:s16+$0xFFFFFFC0] =	vst v6  }
0x29b: {  	[tilespmem:s16+$0xFFFFFFD0] =	vst v12  }
0x29c: {  	[tilespmem:s16+$0xFFFFFFE0] =	vst v13  }
0x29d: {  	[tilespmem:s16+$0xFFFFFFF0] =	vst v14  }
0x29e: {  	[tilespmem:s16+$0x0] =	vst v15  }
0x29f: {  	[tilespmem:s16+$0xFFFFF800] =	vst v16  }
0x2a0: {  	[hbm4b:s31+s2] =	stream.linear.scatter [tilespmem:s13], [sflag:$0x1], $0x1000, $0x38;
	[tilespmem:$0x6100] =	vst v63  }
0x2a1: {  	_ = 	snop  }
0x2a2: {  	[hbm4b:s0+s2] =	stream.linear.scatter [tilespmem:s13], [sflag:$0x1], $0x1000, $0x38;
	[tilespmem:$0x6100] =	vst v63  }
0x2a3: {  	_ = 	snop  }
0x2a4: {  	[hbm4b:s1+s2] =	stream.linear.scatter [tilespmem:s13], [sflag:$0x1], $0x1000, $0x38;
	[tilespmem:$0x6100] =	vst v63  }
0x2a5: {  	_ = 	snop  }
0x2a6: {  	[hbm4b:s3+s2] =	stream.linear.scatter [tilespmem:s13], [sflag:$0x1], $0x1000, $0x38;
	[tilespmem:$0x6100] =	vst v63  }
0x2a7: {  	_ = 	snop  }
0x2a8: {  	[hbm4b:s5+s2] =	stream.linear.scatter [tilespmem:s13], [sflag:$0x1], $0x1000, $0x38;
	[tilespmem:$0x6100] =	vst v63  }
0x2a9: {  	_ = 	snop  }
0x2aa: {  	[hbm4b:s6+s2] =	stream.linear.scatter [tilespmem:s13], [sflag:$0x1], $0x1000, $0x38;
	[tilespmem:$0x6100] =	vst v63  }
0x2ab: {  	_ = 	snop  }
0x2ac: {  	[hbm4b:s7+s2] =	stream.linear.scatter [tilespmem:s13], [sflag:$0x1], $0x1000, $0x38;
	[tilespmem:$0x6100] =	vst v63  }
0x2ad: {  	_ = 	snop  }
0x2ae: {  	[hbm4b:s8+s2] =	stream.linear.scatter [tilespmem:s13], [sflag:$0x1], $0x1000, $0x38;
	[tilespmem:$0x6100] =	vst v63  }
0x2af: {  	_ =	swait.ge [sflag:s14], $0x1000  }
0x2b0: {  	[sflag:s14] =	ssyncset.done $0x0  }
0x2b1: {  	[sflag:s14] =	ssyncadd.s32 $0xFFFFF000  }
0x2b2: {  	_ =	swait.ge [sflag:s14], $0x1000  }
0x2b3: {  	[sflag:s14] =	ssyncset.done $0x0  }
0x2b4: {  	[sflag:s14] =	ssyncadd.s32 $0xFFFFF000  }
0x2b5: {  	_ =	swait.ge [sflag:s14], $0x1000  }
0x2b6: {  	[sflag:s14] =	ssyncset.done $0x0  }
0x2b7: {  	[sflag:s14] =	ssyncadd.s32 $0xFFFFF000  }
0x2b8: {  	_ =	swait.ge [sflag:s14], $0x1000  }
0x2b9: {  	[sflag:s14] =	ssyncset.done $0x0  }
0x2ba: {  	[sflag:s14] =	ssyncadd.s32 $0xFFFFF000  }
0x2bb: {  	_ =	swait.ge [sflag:s14], $0x1000  }
0x2bc: {  	[sflag:s14] =	ssyncset.done $0x0  }
0x2bd: {  	[sflag:s14] =	ssyncadd.s32 $0xFFFFF000  }
0x2be: {  	_ =	swait.ge [sflag:s14], $0x1000  }
0x2bf: {  	[sflag:s14] =	ssyncset.done $0x0  }
0x2c0: {  	[sflag:s14] =	ssyncadd.s32 $0xFFFFF000  }
0x2c1: {  	_ =	swait.ge [sflag:s14], $0x1000  }
0x2c2: {  	[sflag:s14] =	ssyncset.done $0x0  }
0x2c3: {  	[sflag:s14] =	ssyncadd.s32 $0xFFFFF000  }
0x2c4: {  	_ =	swait.ge [sflag:s14], $0x1000  }
0x2c5: {  	[sflag:s14] =	ssyncset.done $0x0  }
0x2c6: {  	[sflag:s14] =	ssyncadd.s32 $0xFFFFF000  }
0x2c7: {  	_ =	swait.ge [sflag:s14], $0x1000  }
0x2c8: {  	[sflag:s14] =	ssyncset.done $0x0  }
0x2c9: {  	[sflag:s14] =	ssyncadd.s32 $0xFFFFF000  }
0x2ca: {  	_ =	swait.ge [sflag:s14], $0x1000  }
0x2cb: {  	[sflag:s14] =	ssyncset.done $0x0  }
0x2cc: {  	[sflag:s14] =	ssyncadd.s32 $0xFFFFF000  }
0x2cd: {  	_ =	swait.ge [sflag:s14], $0x1000  }
0x2ce: {  	[sflag:s14] =	ssyncset.done $0x0  }
0x2cf: {  	[sflag:s14] =	ssyncadd.s32 $0xFFFFF000  }
0x2d0: {  	_ =	swait.ge [sflag:s14], $0x1000  }
0x2d1: {  	[sflag:s14] =	ssyncset.done $0x0  }
0x2d2: {  	[sflag:s14] =	ssyncadd.s32 $0xFFFFF000  }
0x2d3: {  	_ =	swait.ge [sflag:s14], $0x1000  }
0x2d4: {  	[sflag:s14] =	ssyncset.done $0x0  }
0x2d5: {  	[sflag:s14] =	ssyncadd.s32 $0xFFFFF000  }
0x2d6: {  	_ =	swait.ge [sflag:s14], $0x1000  }
0x2d7: {  	[sflag:s14] =	ssyncset.done $0x0  }
0x2d8: {  	[sflag:s14] =	ssyncadd.s32 $0xFFFFF000  }
0x2d9: {  	_ =	swait.ge [sflag:s14], $0x1000  }
0x2da: {  	[sflag:s14] =	ssyncset.done $0x0  }
0x2db: {  	[sflag:s14] =	ssyncadd.s32 $0xFFFFF000  }
0x2dc: {  	_ =	swait.ge [sflag:s14], $0x1000  }
0x2dd: {  	[sflag:s14] =	ssyncset.done $0x0  }
0x2de: {  	[sflag:s14] =	ssyncadd.s32 $0xFFFFF000  }
0x2df: {  	_ =	swait.ge [sflag:s14], $0x1000  }
0x2e0: {  	[sflag:s14] =	ssyncset.done $0x0  }
0x2e1: {  	[sflag:s14] =	ssyncadd.s32 $0xFFFFF000  }
0x2e2: {  	_ =	swait.ge [sflag:s14], $0x1000  }
0x2e3: {  	[sflag:s14] =	ssyncset.done $0x0  }
0x2e4: {  	[sflag:s14] =	ssyncadd.s32 $0xFFFFF000  }
0x2e5: {  	_ =	swait.ge [sflag:s14], $0x1000  }
0x2e6: {  	[sflag:s14] =	ssyncset.done $0x0  }
0x2e7: {  	[sflag:s14] =	ssyncadd.s32 $0xFFFFF000  }
0x2e8: {  	_ =	swait.ge [sflag:s14], $0x1000  }
0x2e9: {  	[sflag:s14] =	ssyncset.done $0x0  }
0x2ea: {  	[sflag:s14] =	ssyncadd.s32 $0xFFFFF000  }
0x2eb: {  	_ =	swait.ge [sflag:s14], $0x1000  }
0x2ec: {  	[sflag:s14] =	ssyncset.done $0x0  }
0x2ed: {  	[sflag:s14] =	ssyncadd.s32 $0xFFFFF000  }
0x2ee: {  	_ =	swait.ge [sflag:s14], $0x1000  }
0x2ef: {  	[sflag:s14] =	ssyncset.done $0x0  }
0x2f0: {  	[sflag:s14] =	ssyncadd.s32 $0xFFFFF000  }
0x2f1: {  	_ =	swait.ge [sflag:s14], $0x1000  }
0x2f2: {  	[sflag:s14] =	ssyncset.done $0x0  }
0x2f3: {  	[sflag:s14] =	ssyncadd.s32 $0xFFFFF000  }
0x2f4: {  	_ =	swait.ge [sflag:s14], $0x1000  }
0x2f5: {  	[sflag:s14] =	ssyncset.done $0x0  }
0x2f6: {  	[sflag:s14] =	ssyncadd.s32 $0xFFFFF000  }
0x2f7: {  	_ =	swait.ge [sflag:s14], $0x1000  }
0x2f8: {  	[sflag:s14] =	ssyncset.done $0x0  }
0x2f9: {  	[sflag:s14] =	ssyncadd.s32 $0xFFFFF000  }
0x2fa: {  	_ =	swait.ge [sflag:s14], $0x1000  }
0x2fb: {  	[sflag:s14] =	ssyncset.done $0x0  }
0x2fc: {  	[sflag:s14] =	ssyncadd.s32 $0xFFFFF000  }
0x2fd: {  	_ =	swait.ge [sflag:s14], $0x1000  }
0x2fe: {  	[sflag:s14] =	ssyncset.done $0x0  }
0x2ff: {  	[sflag:s14] =	ssyncadd.s32 $0xFFFFF000  }
0x300: {  	_ =	swait.ge [sflag:s14], $0x1000  }
0x301: {  	[sflag:s14] =	ssyncset.done $0x0  }
0x302: {  	[sflag:s14] =	ssyncadd.s32 $0xFFFFF000  }
0x303: {  	_ =	swait.ge [sflag:s14], $0x1000  }
0x304: {  	[sflag:s14] =	ssyncset.done $0x0  }
0x305: {  	[sflag:s14] =	ssyncadd.s32 $0xFFFFF000  }
0x306: {  	_ =	swait.ge [sflag:s14], $0x1000  }
0x307: {  	[sflag:s14] =	ssyncset.done $0x0  }
0x308: {  	s15 =	sadd.s32 $0x1, s15;
	[sflag:s14] =	ssyncadd.s32 $0xFFFFF000  }
0x309: {  	p0 =	sne.s32 s15, s25;
	_ =	swait.ge [sflag:s14], $0x1000  }
.Ltmp4:
0x30a: {  	[sflag:s14] =	ssyncset.done $0x0;
	(pc) =	sbr.rel @p0 .LBB2_1-.Ltmp4, $4  }
0x30b: {  	[sflag:s14] =	ssyncadd.s32 $0xFFFFF000  }
0x30c: {  	_ =	swait.ge [sflag:s14], $0x1000  }
0x30d: {  	[sflag:s14] =	ssyncset.done $0x0  }
0x30e: {  	[sflag:s14] =	ssyncadd.s32 $0xFFFFF000  }
0x30f: {  	_ =	sfence.sel $0x180000  }
0x310: {  	[bflag:$0x0] =	sbarrier.arrive $0xFFFF  }
0x311: {  	_ =	strace $0x90000047  }
0x312: {  	s0 =	stileid.u32;
	[bflag:$0x2] =	sbarrier.arrive $0xFFFF  }
0x313: {  	p0 =	sne.s32 s0, $0x0;
	s0 =	rddreg [dreg:$0x2]  }
0x314: {  	s0 =	sadd.s32 @!p0 $0x100000, s0  }
0x315: {  	[sflag:s0] =	ssyncadd.tile.s32 @!p0 $0x1;
	_ =	shalt  }
.Lfunc_end2:
_tile_overlayer_lowered:
.L_overlay_start_2:
0x316: {  	(tag) =	ssettag $0x2  }
0x317: {  	s0 =	rddreg [dreg:$0x0];
	s2 =	stileid.u32  }
0x318: {  	s1 =	rddreg [dreg:$0x1];
	p0 =	sne.s32 s2, $0x0  }
0x319: {  	s3 =	rddreg [dreg:$0x2];
	[bflag:$0x3] =	sbarrier.arrive $0xFFFF;
	s2 =	simm.s32 @!p0 $0x1C02  }
0x31a: {  	[timem:s3], [sflag:s2] =	dma.local @!p0 [hbm:s0], s1  }
0x31b: {  	s0 =	simm.s32 @!p0 $0x2  }
0x31c: {  	_ =	swait.ge @!p0 [sflag:s0], s1  }
0x31d: {  	s1 =	ssub.s32 @!p0 $0x0, s1;
	[sflag:s0] =	ssyncset.done @!p0 $0x0  }
0x31e: {  	[sflag:s0] =	ssyncadd.s32 @!p0 s1  }
0x31f: {  	[bflag:$0x3] =	sbarrier.arrive $0xFFFF  }
0x320: {  	_ =	shalt  }

</sc_bundles>
